<compile_context>
chip_gen: v7x
topology: tpu7x:2x2x1
jax: 0.10.2.dev20260603
libtpu: 0.0.44.dev20260713+nightly
codegen_flags: <defaults>
</compile_context>

<pallas_src>
import functools

import jax
import jax.numpy as jnp
from jax import lax
from jax.experimental import pallas as pl
from jax.experimental.pallas import tpu as pltpu
from jax.experimental.pallas import tpu_sc as plsc

N = 10000
E = 320000
D = 128
NE = 4
NSTEPS = 3
G = 128
NCLS = 10

NC = 2
NS = 16
CE = 100
CH = E // (NC * NS * CE)
NSTAGE = 2
CHH = CH // NSTAGE
ACCN = N
RPT = 624

_DN = (((1,), (1,)), ((), ()))
_PREC = jax.lax.Precision.DEFAULT

NB = 5
BN = N // NB


def _matmul(x, w):
    return jax.lax.dot_general(x, w, _DN, precision=_PREC,
                               preferred_element_type=jnp.float32)


def _gru(a, h, wih, whh, bih, bhh):
    gi = _matmul(a, wih) + bih
    gh = _matmul(h, whh) + bhh
    r = jax.nn.sigmoid(gi[:, :D] + gh[:, :D])
    z = jax.nn.sigmoid(gi[:, D:2 * D] + gh[:, D:2 * D])
    n = jnp.tanh(gi[:, 2 * D:] + r * gh[:, 2 * D:])
    return (1.0 - z) * n + z * h


def _mm_body(h_ref, w_ref, b_ref, m_ref):
    h = h_ref[...]
    for e in range(NE):
        m_ref[e] = _matmul(h, w_ref[e]) + b_ref[e][None, :]


_mm_call = pl.pallas_call(
    _mm_body,
    grid=(NB,),
    in_specs=[
        pl.BlockSpec((BN, D), lambda i: (i, 0)),
        pl.BlockSpec((NE, D, D), lambda i: (0, 0, 0)),
        pl.BlockSpec((NE, D), lambda i: (0, 0)),
    ],
    out_specs=pl.BlockSpec((NE, BN, D), lambda i: (0, i, 0)),
    out_shape=jax.ShapeDtypeStruct((NE, N, D), jnp.float32),
)


def _gru_body(ap_ref, h_ref, wih_ref, whh_ref, bih_ref, bhh_ref, w_ref, b_ref,
              h_out, m_out, *, relu, emit_m):
    a = ap_ref[0] + ap_ref[1]
    hn = _gru(a, h_ref[...], wih_ref[...], whh_ref[...], bih_ref[...],
              bhh_ref[...])
    if relu:
        hn = jnp.maximum(hn, 0.0)
    h_out[...] = hn
    if emit_m:
        for e in range(NE):
            m_out[e] = _matmul(hn, w_ref[e]) + b_ref[e][None, :]


def _make_gru_call(relu, emit_m):
    out_shape = [jax.ShapeDtypeStruct((N, D), jnp.float32)]
    out_specs = [pl.BlockSpec((BN, D), lambda i: (i, 0))]
    if emit_m:
        out_shape.append(jax.ShapeDtypeStruct((NE, N, D), jnp.float32))
        out_specs.append(pl.BlockSpec((NE, BN, D), lambda i: (0, i, 0)))

    def body(ap, h, wih, whh, bih, bhh, w, b, h_out, *maybe_m):
        _gru_body(ap, h, wih, whh, bih, bhh, w, b, h_out,
                  maybe_m[0] if emit_m else None, relu=relu, emit_m=emit_m)

    return pl.pallas_call(
        body,
        grid=(NB,),
        in_specs=[
            pl.BlockSpec((NC, BN, D), lambda i: (0, i, 0)),
            pl.BlockSpec((BN, D), lambda i: (i, 0)),
            pl.BlockSpec((3 * D, D), lambda i: (0, 0)),
            pl.BlockSpec((3 * D, D), lambda i: (0, 0)),
            pl.BlockSpec((1, 3 * D), lambda i: (0, 0)),
            pl.BlockSpec((1, 3 * D), lambda i: (0, 0)),
            pl.BlockSpec((NE, D, D), lambda i: (0, 0, 0)),
            pl.BlockSpec((NE, D), lambda i: (0, 0)),
        ],
        out_specs=out_specs,
        out_shape=out_shape,
    )


_gru_m_call = _make_gru_call(relu=False, emit_m=True)
_gru_m_relu_call = _make_gru_call(relu=True, emit_m=True)
_gru_last_call = _make_gru_call(relu=True, emit_m=False)


def _edge_body(m_hbm, g_hbm, d_hbm, z_hbm, out_hbm, gv, dv, rows, acc, sem,
               zsem):
    c = lax.axis_index("c")
    s = lax.axis_index("s")
    wid = c * NS + s
    tail0 = NS * RPT
    rows0, rows1 = rows
    sem0, sem1 = sem
    zero = pltpu.async_copy(z_hbm.at[pl.ds(s * RPT, RPT)],
                            acc.at[pl.ds(s * RPT, RPT)], zsem)
    pltpu.sync_copy(g_hbm.at[wid, 0], gv)
    pltpu.sync_copy(d_hbm.at[wid, 0], dv)
    pltpu.async_copy(m_hbm.at[gv.at[0]], rows0, sem0)
    zero.wait()

    @pl.when(s == NS - 1)
    def _():
        pltpu.sync_copy(z_hbm.at[pl.ds(tail0, ACCN - tail0)],
                        acc.at[pl.ds(tail0, ACCN - tail0)])

    plsc.subcore_barrier()

    for stage in range(NSTAGE):
        if stage > 0:
            pltpu.sync_copy(g_hbm.at[wid, stage], gv)
            pltpu.sync_copy(d_hbm.at[wid, stage], dv)
            pltpu.async_copy(m_hbm.at[gv.at[0]], rows0, sem0)

        def chunk(i, carry):
            j = 2 * i
            pltpu.async_copy(m_hbm.at[gv.at[j + 1]], rows1, sem1)
            pltpu.make_async_copy(m_hbm.at[gv.at[j]], rows0, sem0).wait()
            pltpu.sync_copy(rows0, acc.at[dv.at[j]], add=True)

            @pl.when(j + 2 < CHH)
            def _():
                pltpu.async_copy(m_hbm.at[gv.at[j + 2]], rows0, sem0)

            pltpu.make_async_copy(m_hbm.at[gv.at[j + 1]], rows1, sem1).wait()
            pltpu.sync_copy(rows1, acc.at[dv.at[j + 1]], add=True)
            return carry

        lax.fori_loop(0, CHH // 2, chunk, 0)
    plsc.subcore_barrier()
    pltpu.sync_copy(acc.at[pl.ds(s * RPT, RPT)],
                    out_hbm.at[c, pl.ds(s * RPT, RPT)])

    @pl.when(s == NS - 1)
    def _():
        pltpu.sync_copy(acc.at[pl.ds(tail0, N - tail0)],
                        out_hbm.at[c, pl.ds(tail0, N - tail0)])


_edge_call = functools.partial(
    pl.kernel,
    out_type=jax.ShapeDtypeStruct((NC, N, D), jnp.float32),
    mesh=plsc.VectorSubcoreMesh(core_axis_name="c", subcore_axis_name="s"),
    scratch_types=[
        pltpu.VMEM((CHH, CE), jnp.int32),
        pltpu.VMEM((CHH, CE), jnp.int32),
        (pltpu.VMEM((CE, D), jnp.float32), pltpu.VMEM((CE, D), jnp.float32)),
        pltpu.VMEM_SHARED((ACCN, D), jnp.float32),
        (pltpu.SemaphoreType.DMA, pltpu.SemaphoreType.DMA),
        pltpu.SemaphoreType.DMA,
    ],
)(_edge_body)


def _pool_body(h_ref, gid_ref, gw_ref, gb_ref, fw_ref, fb_ref, out_ref):
    h = h_ref[...]
    gate = jnp.sum(h * gw_ref[...], axis=1, keepdims=True) + gb_ref[0, 0]
    onehot_b = gid_ref[...] == jax.lax.broadcasted_iota(jnp.int32, (1, G), 1)
    one = onehot_b.astype(jnp.float32)
    gmax = jnp.max(jnp.where(onehot_b, gate, -1e30), axis=0, keepdims=True)
    ge = jnp.exp(gate - jnp.sum(one * gmax, axis=1, keepdims=True))
    denom = jnp.sum(one * ge, axis=0, keepdims=True)
    denom_n = jnp.sum(one * denom, axis=1, keepdims=True)
    wh = (ge / jnp.maximum(denom_n, 1e-12)) * h
    hg = jax.lax.dot_general(one, wh, (((0,), (0,)), ((), ())),
                             precision=_PREC,
                             preferred_element_type=jnp.float32)
    out_ref[...] = _matmul(hg, fw_ref[...]) + fb_ref[...]


_pool_call = pl.pallas_call(
    _pool_body,
    in_specs=[
        pl.BlockSpec((N, D), lambda: (0, 0)),
        pl.BlockSpec((N, 1), lambda: (0, 0)),
        pl.BlockSpec((1, D), lambda: (0, 0)),
        pl.BlockSpec((1, 1), lambda: (0, 0)),
        pl.BlockSpec((NCLS, D), lambda: (0, 0)),
        pl.BlockSpec((1, NCLS), lambda: (0, 0)),
    ],
    out_specs=pl.BlockSpec((G, NCLS), lambda: (0, 0)),
    out_shape=jax.ShapeDtypeStruct((G, NCLS), jnp.float32),
)


def kernel(feat, edge_index, etypes, graph_ids, W1, b1, gru1_wih, gru1_whh,
           gru1_bih, gru1_bhh, W2, b2, gru2_wih, gru2_whh, gru2_bih, gru2_bhh,
           gate_w, gate_b, fc_w, fc_b):
    src = edge_index[0].astype(jnp.int32)
    dst = edge_index[1].astype(jnp.int32)
    nw = NC * NS
    gidx = (etypes.astype(jnp.int32) * N + src).reshape(nw, NSTAGE, CHH, CE)
    didx = dst.reshape(nw, NSTAGE, CHH, CE)
    zeros = jnp.zeros((ACCN, D), jnp.float32)
    gid2 = graph_ids.astype(jnp.int32).reshape(N, 1)
    bih1 = gru1_bih.reshape(1, 3 * D)
    bhh1 = gru1_bhh.reshape(1, 3 * D)
    bih2 = gru2_bih.reshape(1, 3 * D)
    bhh2 = gru2_bhh.reshape(1, 3 * D)
    gb2 = gate_b.reshape(1, 1)
    fb2 = fc_b.reshape(1, NCLS)

    h = feat
    m = _mm_call(h, W1, b1)
    for layer in range(2):
        wih, whh, bih, bhh = ((gru1_wih, gru1_whh, bih1, bhh1) if layer == 0
                              else (gru2_wih, gru2_whh, bih2, bhh2))
        for step in range(NSTEPS):
            ap = _edge_call(m.reshape(NE * N, D), gidx, didx, zeros)
            last = layer == 1 and step == NSTEPS - 1
            boundary = layer == 0 and step == NSTEPS - 1
            if last:
                (h,) = _gru_last_call(ap, h, wih, whh, bih, bhh, W2, b2)
            elif boundary:
                h, m = _gru_m_relu_call(ap, h, wih, whh, bih, bhh, W2, b2)
            else:
                Wc, bc = (W1, b1) if layer == 0 else (W2, b2)
                h, m = _gru_m_call(ap, h, wih, whh, bih, bhh, Wc, bc)
    return _pool_call(h, gid2, gate_w, gb2, fc_w, fb2)

# --- scband reference (transcript-rebuilt; emitter-appended) ---
"""Pipeline reference for scband-graph-cls-ggnn-52621939310628 (READ-ONLY COPY).

The authoritative reference and input builder live on the scoring server;
editing this copy changes nothing except your own understanding.
"""

import jax, jax.numpy as jnp
import numpy as np

N_NODES = 10000
N_EDGES = 320000
D = 128
N_ETYPES = 4
N_STEPS = 3
NUM_GRAPHS = 128
NUM_CLS = 10


def setup_inputs(seed: int = 0):
    key = jax.random.key(seed)
    ks = jax.random.split(key, 16)
    s = 0.05
    inp = {}
    inp['feat'] = jax.random.normal(ks[0], (N_NODES, D), dtype=jnp.float32)
    inp['edge_index'] = jax.random.randint(ks[1], (2, N_EDGES), 0, N_NODES)
    inp['etypes'] = jax.random.randint(ks[2], (N_EDGES,), 0, N_ETYPES)
    inp['graph_ids'] = jnp.sort(jax.random.randint(ks[3], (N_NODES,), 0, NUM_GRAPHS))
    inp['W1'] = jax.random.normal(ks[4], (N_ETYPES, D, D), dtype=jnp.float32) * s
    inp['b1'] = jnp.zeros((N_ETYPES, D), dtype=jnp.float32)
    inp['gru1_wih'] = jax.random.normal(ks[5], (3 * D, D), dtype=jnp.float32) * s
    inp['gru1_whh'] = jax.random.normal(ks[6], (3 * D, D), dtype=jnp.float32) * s
    inp['gru1_bih'] = jnp.zeros((3 * D,), dtype=jnp.float32)
    inp['gru1_bhh'] = jnp.zeros((3 * D,), dtype=jnp.float32)
    inp['W2'] = jax.random.normal(ks[7], (N_ETYPES, D, D), dtype=jnp.float32) * s
    inp['b2'] = jnp.zeros((N_ETYPES, D), dtype=jnp.float32)
    inp['gru2_wih'] = jax.random.normal(ks[8], (3 * D, D), dtype=jnp.float32) * s
    inp['gru2_whh'] = jax.random.normal(ks[9], (3 * D, D), dtype=jnp.float32) * s
    inp['gru2_bih'] = jnp.zeros((3 * D,), dtype=jnp.float32)
    inp['gru2_bhh'] = jnp.zeros((3 * D,), dtype=jnp.float32)
    inp['gate_w'] = jax.random.normal(ks[10], (1, D), dtype=jnp.float32) * s
    inp['gate_b'] = jnp.zeros((1,), dtype=jnp.float32)
    inp['fc_w'] = jax.random.normal(ks[11], (NUM_CLS, D), dtype=jnp.float32) * s
    inp['fc_b'] = jnp.zeros((NUM_CLS,), dtype=jnp.float32)
    return inp


def _gru_cell(a, h, wih, whh, bih, bhh):
    gi = a @ wih.T + bih
    gh = h @ whh.T + bhh
    i_r, i_z, i_n = jnp.split(gi, 3, axis=1)
    h_r, h_z, h_n = jnp.split(gh, 3, axis=1)
    r = jax.nn.sigmoid(i_r + h_r)
    z = jax.nn.sigmoid(i_z + h_z)
    n = jnp.tanh(i_n + r * h_n)
    return (1.0 - z) * n + z * h


def _ggc(h, src, dst, etypes, W, b, wih, whh, bih, bhh):
    for _ in range(N_STEPS):
        m = jnp.einsum('nd,eod->eno', h, W) + b[:, None, :]
        msg = m[etypes, src]
        a = jax.ops.segment_sum(msg, dst, num_segments=N_NODES)
        h = _gru_cell(a, h, wih, whh, bih, bhh)
    return h


def reference(feat, edge_index, etypes, graph_ids, W1, b1, gru1_wih, gru1_whh, gru1_bih, gru1_bhh, W2, b2, gru2_wih, gru2_whh, gru2_bih, gru2_bhh, gate_w, gate_b, fc_w, fc_b):
    src = edge_index[0]
    dst = edge_index[1]
    h = jax.nn.relu(_ggc(feat, src, dst, etypes, W1, b1, gru1_wih, gru1_whh, gru1_bih, gru1_bhh))
    h = jax.nn.relu(_ggc(h, src, dst, etypes, W2, b2, gru2_wih, gru2_whh, gru2_bih, gru2_bhh))
    gate = h @ gate_w.T + gate_b
    gmax = jax.ops.segment_max(gate, graph_ids, num_segments=NUM_GRAPHS)
    gate = jnp.exp(gate - gmax[graph_ids])
    denom = jax.ops.segment_sum(gate, graph_ids, num_segments=NUM_GRAPHS)
    gate = gate / jnp.maximum(denom[graph_ids], 1e-12)
    hg = jax.ops.segment_sum(gate * h, graph_ids, num_segments=NUM_GRAPHS)
    return hg @ fc_w.T + fc_b

if __name__ == "__main__":
    import jax
    _d = setup_inputs()
    print(jax.jit(kernel)(*tuple(_d.values())))

</pallas_src>

<mosaic_0001>
#map = affine_map<(d0, d1) -> (0, 0)>
#map1 = affine_map<(d0, d1) -> (0, 0, 0, 0)>
#map2 = affine_map<(d0, d1) -> (0, 0, 0)>
module attributes {stable_mosaic.version = 14 : i64} {
  func.func @_edge_body(%arg0: i32, %arg1: i32, %arg2: memref<40000x128xf32, #tpu.memory_space<hbm>>, %arg3: memref<32x2x50x100xi32, #tpu.memory_space<hbm>>, %arg4: memref<32x2x50x100xi32, #tpu.memory_space<hbm>>, %arg5: memref<10000x128xf32, #tpu.memory_space<hbm>>, %arg6: memref<2x10000x128xf32, #tpu.memory_space<hbm>>, %arg7: memref<50x100xi32, #tpu.memory_space<vmem>>, %arg8: memref<50x100xi32, #tpu.memory_space<vmem>>, %arg9: memref<100x128xf32, #tpu.memory_space<vmem>>, %arg10: memref<100x128xf32, #tpu.memory_space<vmem>>, %arg11: memref<10000x128xf32, #tpu.memory_space<vmem_shared>>, %arg12: memref<!tpu.dma_semaphore, #tpu.memory_space<semaphore_mem>>, %arg13: memref<!tpu.dma_semaphore, #tpu.memory_space<semaphore_mem>>, %arg14: memref<!tpu.dma_semaphore, #tpu.memory_space<semaphore_mem>>) attributes {dimension_semantics = [#tpu.dimension_semantics<core_parallel>, #tpu.dimension_semantics<subcore_parallel>], iteration_bounds = array<i64: 2, 16>, scalar_prefetch = 0 : i64, scratch_operands = 8 : i64, tpu.core_type = #tpu.core_type<sc_vector_subcore>, window_params = [{transform_indices = #map}, {transform_indices = #map1}, {transform_indices = #map1}, {transform_indices = #map}, {transform_indices = #map2}]} {
    %mul3A = arith.constant 16 : i32
    %mul3A_0 = arith.muli %arg0, %mul3A : i32
    %add3A = arith.addi %mul3A_0, %arg1 : i32
    %mul3A_1 = arith.constant 624 : i32
    %mul3A_2 = arith.muli %arg1, %mul3A_1 : i32
    %mul3A_3 = arith.constant 624 : i32
    %mul3A_4 = arith.muli %arg1, %mul3A_3 : i32
    %dma_start3A = arith.constant 0 : i32
    %dma_start3A_5 = tpu.memref_slice %arg11[%mul3A_4, %dma_start3A] : memref<10000x128xf32, #tpu.memory_space<vmem_shared>> -> memref<624x128xf32, #tpu.memory_space<vmem_shared>>
    %dma_start3A_6 = arith.constant 0 : i32
    %dma_start3A_7 = tpu.memref_slice %arg5[%mul3A_2, %dma_start3A_6] : memref<10000x128xf32, #tpu.memory_space<hbm>> -> memref<624x128xf32, #tpu.memory_space<hbm>>
    tpu.enqueue_dma source(%dma_start3A_7 : memref<624x128xf32, #tpu.memory_space<hbm>>) target(%dma_start3A_5 : memref<624x128xf32, #tpu.memory_space<vmem_shared>>) target_semaphore(%arg14 : memref<!tpu.dma_semaphore, #tpu.memory_space<semaphore_mem>>)
    %run_scoped3A = arith.constant 0 : i32
    "tpu.region"() ({
      %run_scoped3A_51 = tpu.sem_alloc : memref<!tpu.dma_semaphore, #tpu.memory_space<semaphore_mem>>
      %dma_start3A_52 = arith.constant 0 : i32
      %dma_start3A_53 = arith.constant 0 : i32
      %dma_start3A_54 = tpu.memref_slice %arg3[%add3A, %run_scoped3A, %dma_start3A_52, %dma_start3A_53] : memref<32x2x50x100xi32, #tpu.memory_space<hbm>> -> memref<1x1x50x100xi32, #tpu.memory_space<hbm>>
      %dma_start3A_55 = tpu.memref_squeeze %dma_start3A_54 : memref<1x1x50x100xi32, #tpu.memory_space<hbm>> -> memref<50x100xi32, #tpu.memory_space<hbm>>
      %dma_start3A_56 = arith.constant 0 : i32
      %dma_start3A_57 = arith.constant 0 : i32
      %dma_start3A_58 = tpu.memref_slice %arg3[%add3A, %run_scoped3A, %dma_start3A_56, %dma_start3A_57] : memref<32x2x50x100xi32, #tpu.memory_space<hbm>> -> memref<1x1x50x100xi32, #tpu.memory_space<hbm>>
      %dma_start3A_59 = tpu.memref_squeeze %dma_start3A_58 : memref<1x1x50x100xi32, #tpu.memory_space<hbm>> -> memref<50x100xi32, #tpu.memory_space<hbm>>
      tpu.enqueue_dma source(%dma_start3A_59 : memref<50x100xi32, #tpu.memory_space<hbm>>) target(%arg7 : memref<50x100xi32, #tpu.memory_space<vmem>>) target_semaphore(%run_scoped3A_51 : memref<!tpu.dma_semaphore, #tpu.memory_space<semaphore_mem>>)
      %dma_wait3A_60 = arith.constant 0 : i32
      %dma_wait3A_61 = arith.constant 0 : i32
      %dma_wait3A_62 = tpu.memref_slice %arg3[%add3A, %run_scoped3A, %dma_wait3A_60, %dma_wait3A_61] : memref<32x2x50x100xi32, #tpu.memory_space<hbm>> -> memref<1x1x50x100xi32, #tpu.memory_space<hbm>>
      %dma_wait3A_63 = tpu.memref_squeeze %dma_wait3A_62 : memref<1x1x50x100xi32, #tpu.memory_space<hbm>> -> memref<50x100xi32, #tpu.memory_space<hbm>>
      %dma_wait3A_64 = arith.constant 0 : i32
      %dma_wait3A_65 = arith.constant 0 : i32
      %dma_wait3A_66 = tpu.memref_slice %arg3[%add3A, %run_scoped3A, %dma_wait3A_64, %dma_wait3A_65] : memref<32x2x50x100xi32, #tpu.memory_space<hbm>> -> memref<1x1x50x100xi32, #tpu.memory_space<hbm>>
      %dma_wait3A_67 = tpu.memref_squeeze %dma_wait3A_66 : memref<1x1x50x100xi32, #tpu.memory_space<hbm>> -> memref<50x100xi32, #tpu.memory_space<hbm>>
      tpu.wait_dma2 semaphore(%run_scoped3A_51 : memref<!tpu.dma_semaphore, #tpu.memory_space<semaphore_mem>>) src(%dma_wait3A_67 : memref<50x100xi32, #tpu.memory_space<hbm>>) dst(%arg7 : memref<50x100xi32, #tpu.memory_space<vmem>>)
      tpu.yield
    }) : () -> ()
    %run_scoped3A_8 = arith.constant 0 : i32
    "tpu.region"() ({
      %run_scoped3A_51 = tpu.sem_alloc : memref<!tpu.dma_semaphore, #tpu.memory_space<semaphore_mem>>
      %dma_start3A_52 = arith.constant 0 : i32
      %dma_start3A_53 = arith.constant 0 : i32
      %dma_start3A_54 = tpu.memref_slice %arg4[%add3A, %run_scoped3A_8, %dma_start3A_52, %dma_start3A_53] : memref<32x2x50x100xi32, #tpu.memory_space<hbm>> -> memref<1x1x50x100xi32, #tpu.memory_space<hbm>>
      %dma_start3A_55 = tpu.memref_squeeze %dma_start3A_54 : memref<1x1x50x100xi32, #tpu.memory_space<hbm>> -> memref<50x100xi32, #tpu.memory_space<hbm>>
      %dma_start3A_56 = arith.constant 0 : i32
      %dma_start3A_57 = arith.constant 0 : i32
      %dma_start3A_58 = tpu.memref_slice %arg4[%add3A, %run_scoped3A_8, %dma_start3A_56, %dma_start3A_57] : memref<32x2x50x100xi32, #tpu.memory_space<hbm>> -> memref<1x1x50x100xi32, #tpu.memory_space<hbm>>
      %dma_start3A_59 = tpu.memref_squeeze %dma_start3A_58 : memref<1x1x50x100xi32, #tpu.memory_space<hbm>> -> memref<50x100xi32, #tpu.memory_space<hbm>>
      tpu.enqueue_dma source(%dma_start3A_59 : memref<50x100xi32, #tpu.memory_space<hbm>>) target(%arg8 : memref<50x100xi32, #tpu.memory_space<vmem>>) target_semaphore(%run_scoped3A_51 : memref<!tpu.dma_semaphore, #tpu.memory_space<semaphore_mem>>)
      %dma_wait3A_60 = arith.constant 0 : i32
      %dma_wait3A_61 = arith.constant 0 : i32
      %dma_wait3A_62 = tpu.memref_slice %arg4[%add3A, %run_scoped3A_8, %dma_wait3A_60, %dma_wait3A_61] : memref<32x2x50x100xi32, #tpu.memory_space<hbm>> -> memref<1x1x50x100xi32, #tpu.memory_space<hbm>>
      %dma_wait3A_63 = tpu.memref_squeeze %dma_wait3A_62 : memref<1x1x50x100xi32, #tpu.memory_space<hbm>> -> memref<50x100xi32, #tpu.memory_space<hbm>>
      %dma_wait3A_64 = arith.constant 0 : i32
      %dma_wait3A_65 = arith.constant 0 : i32
      %dma_wait3A_66 = tpu.memref_slice %arg4[%add3A, %run_scoped3A_8, %dma_wait3A_64, %dma_wait3A_65] : memref<32x2x50x100xi32, #tpu.memory_space<hbm>> -> memref<1x1x50x100xi32, #tpu.memory_space<hbm>>
      %dma_wait3A_67 = tpu.memref_squeeze %dma_wait3A_66 : memref<1x1x50x100xi32, #tpu.memory_space<hbm>> -> memref<50x100xi32, #tpu.memory_space<hbm>>
      tpu.wait_dma2 semaphore(%run_scoped3A_51 : memref<!tpu.dma_semaphore, #tpu.memory_space<semaphore_mem>>) src(%dma_wait3A_67 : memref<50x100xi32, #tpu.memory_space<hbm>>) dst(%arg8 : memref<50x100xi32, #tpu.memory_space<vmem>>)
      tpu.yield
    }) : () -> ()
    %dma_start3A_9 = arith.constant 0 : i32
    %dma_start3A_10 = arith.constant 0 : i32
    %dma_start3A_11 = tpu.memref_slice %arg7[%dma_start3A_9, %dma_start3A_10] : memref<50x100xi32, #tpu.memory_space<vmem>> -> memref<1x100xi32, #tpu.memory_space<vmem>>
    %dma_start3A_12 = tpu.memref_squeeze %dma_start3A_11 : memref<1x100xi32, #tpu.memory_space<vmem>> -> memref<100xi32, #tpu.memory_space<vmem>>
    %dma_start3A_13 = arith.constant 0 : i32
    %dma_start3A_14 = arith.constant 0 : i32
    %dma_start3A_15 = tpu.memref_slice %arg2[%dma_start3A_13, %dma_start3A_14] : memref<40000x128xf32, #tpu.memory_space<hbm>> -> memref<40000x128xf32, #tpu.memory_space<hbm>>
    tpu.enqueue_indirect_dma source(%dma_start3A_15 : memref<40000x128xf32, #tpu.memory_space<hbm>>) target(%arg9 : memref<100x128xf32, #tpu.memory_space<vmem>>) offsets(%dma_start3A_12 : memref<100xi32, #tpu.memory_space<vmem>>) semaphore(%arg12 : memref<!tpu.dma_semaphore, #tpu.memory_space<semaphore_mem>>)
    %dma_wait3A = arith.constant 0 : i32
    %dma_wait3A_16 = tpu.memref_slice %arg11[%mul3A_4, %dma_wait3A] : memref<10000x128xf32, #tpu.memory_space<vmem_shared>> -> memref<624x128xf32, #tpu.memory_space<vmem_shared>>
    %dma_wait3A_17 = arith.constant 0 : i32
    %dma_wait3A_18 = tpu.memref_slice %arg5[%mul3A_2, %dma_wait3A_17] : memref<10000x128xf32, #tpu.memory_space<hbm>> -> memref<624x128xf32, #tpu.memory_space<hbm>>
    tpu.wait_dma2 semaphore(%arg14 : memref<!tpu.dma_semaphore, #tpu.memory_space<semaphore_mem>>) src(%dma_wait3A_18 : memref<624x128xf32, #tpu.memory_space<hbm>>) dst(%dma_wait3A_16 : memref<624x128xf32, #tpu.memory_space<vmem_shared>>)
    %eq3A = arith.constant 15 : i32
    %eq3A_19 = arith.cmpi eq, %arg1, %eq3A : i32
    %convert_element_type3A = arith.extui %eq3A_19 : i1 to i32
    %cond3A = arith.constant 0 : i32
    %cond3A_20 = arith.cmpi ne, %convert_element_type3A, %cond3A : i32
    scf.if %cond3A_20 {
      "tpu.region"() ({
        %run_scoped3A_51 = tpu.sem_alloc : memref<!tpu.dma_semaphore, #tpu.memory_space<semaphore_mem>>
        %dma_start3A_52 = arith.constant 9984 : i32
        %dma_start3A_53 = arith.constant 0 : i32
        %dma_start3A_54 = tpu.memref_slice %arg11[%dma_start3A_52, %dma_start3A_53] : memref<10000x128xf32, #tpu.memory_space<vmem_shared>> -> memref<16x128xf32, #tpu.memory_space<vmem_shared>>
        %dma_start3A_55 = arith.constant 9984 : i32
        %dma_start3A_56 = arith.constant 0 : i32
        %dma_start3A_57 = tpu.memref_slice %arg5[%dma_start3A_55, %dma_start3A_56] : memref<10000x128xf32, #tpu.memory_space<hbm>> -> memref<16x128xf32, #tpu.memory_space<hbm>>
        tpu.enqueue_dma source(%dma_start3A_57 : memref<16x128xf32, #tpu.memory_space<hbm>>) target(%dma_start3A_54 : memref<16x128xf32, #tpu.memory_space<vmem_shared>>) target_semaphore(%run_scoped3A_51 : memref<!tpu.dma_semaphore, #tpu.memory_space<semaphore_mem>>)
        %dma_wait3A_58 = arith.constant 9984 : i32
        %dma_wait3A_59 = arith.constant 0 : i32
        %dma_wait3A_60 = tpu.memref_slice %arg11[%dma_wait3A_58, %dma_wait3A_59] : memref<10000x128xf32, #tpu.memory_space<vmem_shared>> -> memref<16x128xf32, #tpu.memory_space<vmem_shared>>
        %dma_wait3A_61 = arith.constant 9984 : i32
        %dma_wait3A_62 = arith.constant 0 : i32
        %dma_wait3A_63 = tpu.memref_slice %arg5[%dma_wait3A_61, %dma_wait3A_62] : memref<10000x128xf32, #tpu.memory_space<hbm>> -> memref<16x128xf32, #tpu.memory_space<hbm>>
        tpu.wait_dma2 semaphore(%run_scoped3A_51 : memref<!tpu.dma_semaphore, #tpu.memory_space<semaphore_mem>>) src(%dma_wait3A_63 : memref<16x128xf32, #tpu.memory_space<hbm>>) dst(%dma_wait3A_60 : memref<16x128xf32, #tpu.memory_space<vmem_shared>>)
        tpu.yield
      }) : () -> ()
    } else {
    }
    %barrier3A = arith.constant 0 : index
    tpu.barrier barrier_id(%barrier3A)
    %scan3A = arith.constant 0 : i32
    %scan3A_21 = arith.constant 0 : i32
    %scan3A_22 = arith.constant 25 : i32
    %scan3A_23 = arith.addi %scan3A_21, %scan3A_22 : i32
    %scan3A_24 = arith.constant 1 : i32
    scf.for %scan3A_51 = %scan3A_21 to %scan3A_23 step %scan3A_24  : i32 {
      %mul3A_52 = arith.constant 2 : i32
      %mul3A_53 = arith.muli %mul3A_52, %scan3A_51 : i32
      %add3A_54 = arith.constant 1 : i32
      %add3A_55 = arith.addi %mul3A_53, %add3A_54 : i32
      %dma_start3A_56 = arith.constant 0 : i32
      %dma_start3A_57 = tpu.memref_slice %arg7[%add3A_55, %dma_start3A_56] : memref<50x100xi32, #tpu.memory_space<vmem>> -> memref<1x100xi32, #tpu.memory_space<vmem>>
      %dma_start3A_58 = tpu.memref_squeeze %dma_start3A_57 : memref<1x100xi32, #tpu.memory_space<vmem>> -> memref<100xi32, #tpu.memory_space<vmem>>
      %dma_start3A_59 = arith.constant 0 : i32
      %dma_start3A_60 = arith.constant 0 : i32
      %dma_start3A_61 = tpu.memref_slice %arg2[%dma_start3A_59, %dma_start3A_60] : memref<40000x128xf32, #tpu.memory_space<hbm>> -> memref<40000x128xf32, #tpu.memory_space<hbm>>
      tpu.enqueue_indirect_dma source(%dma_start3A_61 : memref<40000x128xf32, #tpu.memory_space<hbm>>) target(%arg10 : memref<100x128xf32, #tpu.memory_space<vmem>>) offsets(%dma_start3A_58 : memref<100xi32, #tpu.memory_space<vmem>>) semaphore(%arg13 : memref<!tpu.dma_semaphore, #tpu.memory_space<semaphore_mem>>)
      %dma_wait3A_62 = arith.constant 0 : i32
      %dma_wait3A_63 = tpu.memref_slice %arg7[%mul3A_53, %dma_wait3A_62] : memref<50x100xi32, #tpu.memory_space<vmem>> -> memref<1x100xi32, #tpu.memory_space<vmem>>
      %dma_wait3A_64 = tpu.memref_squeeze %dma_wait3A_63 : memref<1x100xi32, #tpu.memory_space<vmem>> -> memref<100xi32, #tpu.memory_space<vmem>>
      %dma_wait3A_65 = arith.constant 0 : i32
      %dma_wait3A_66 = arith.constant 0 : i32
      %dma_wait3A_67 = tpu.memref_slice %arg2[%dma_wait3A_65, %dma_wait3A_66] : memref<40000x128xf32, #tpu.memory_space<hbm>> -> memref<40000x128xf32, #tpu.memory_space<hbm>>
      tpu.wait_indirect_dma semaphore(%arg12 : memref<!tpu.dma_semaphore, #tpu.memory_space<semaphore_mem>>) src(%dma_wait3A_67 : memref<40000x128xf32, #tpu.memory_space<hbm>>) dst(%arg9 : memref<100x128xf32, #tpu.memory_space<vmem>>)
      "tpu.region"() ({
        %run_scoped3A_84 = tpu.sem_alloc : memref<!tpu.dma_semaphore, #tpu.memory_space<semaphore_mem>>
        %dma_start3A_85 = arith.constant 0 : i32
        %dma_start3A_86 = tpu.memref_slice %arg8[%mul3A_53, %dma_start3A_85] : memref<50x100xi32, #tpu.memory_space<vmem>> -> memref<1x100xi32, #tpu.memory_space<vmem>>
        %dma_start3A_87 = tpu.memref_squeeze %dma_start3A_86 : memref<1x100xi32, #tpu.memory_space<vmem>> -> memref<100xi32, #tpu.memory_space<vmem>>
        %dma_start3A_88 = arith.constant 0 : i32
        %dma_start3A_89 = arith.constant 0 : i32
        %dma_start3A_90 = tpu.memref_slice %arg11[%dma_start3A_88, %dma_start3A_89] : memref<10000x128xf32, #tpu.memory_space<vmem_shared>> -> memref<10000x128xf32, #tpu.memory_space<vmem_shared>>
        tpu.enqueue_indirect_dma source(%arg9 : memref<100x128xf32, #tpu.memory_space<vmem>>) target(%dma_start3A_90 : memref<10000x128xf32, #tpu.memory_space<vmem_shared>>) offsets(%dma_start3A_87 : memref<100xi32, #tpu.memory_space<vmem>>) semaphore(%run_scoped3A_84 : memref<!tpu.dma_semaphore, #tpu.memory_space<semaphore_mem>>) {add = true}
        %dma_wait3A_91 = arith.constant 0 : i32
        %dma_wait3A_92 = tpu.memref_slice %arg8[%mul3A_53, %dma_wait3A_91] : memref<50x100xi32, #tpu.memory_space<vmem>> -> memref<1x100xi32, #tpu.memory_space<vmem>>
        %dma_wait3A_93 = tpu.memref_squeeze %dma_wait3A_92 : memref<1x100xi32, #tpu.memory_space<vmem>> -> memref<100xi32, #tpu.memory_space<vmem>>
        %dma_wait3A_94 = arith.constant 0 : i32
        %dma_wait3A_95 = arith.constant 0 : i32
        %dma_wait3A_96 = tpu.memref_slice %arg11[%dma_wait3A_94, %dma_wait3A_95] : memref<10000x128xf32, #tpu.memory_space<vmem_shared>> -> memref<10000x128xf32, #tpu.memory_space<vmem_shared>>
        tpu.wait_indirect_dma semaphore(%run_scoped3A_84 : memref<!tpu.dma_semaphore, #tpu.memory_space<semaphore_mem>>) src(%arg9 : memref<100x128xf32, #tpu.memory_space<vmem>>) dst(%dma_wait3A_96 : memref<10000x128xf32, #tpu.memory_space<vmem_shared>>)
        tpu.yield
      }) : () -> ()
      %add3A_68 = arith.constant 2 : i32
      %add3A_69 = arith.addi %mul3A_53, %add3A_68 : i32
      %lt3A = arith.constant 50 : i32
      %lt3A_70 = arith.cmpi slt, %add3A_69, %lt3A : i32
      %convert_element_type3A_71 = arith.extui %lt3A_70 : i1 to i32
      %cond3A_72 = arith.constant 0 : i32
      %cond3A_73 = arith.cmpi ne, %convert_element_type3A_71, %cond3A_72 : i32
      scf.if %cond3A_73 {
        %add3A_84 = arith.constant 2 : i32
        %add3A_85 = arith.addi %mul3A_53, %add3A_84 : i32
        %dma_start3A_86 = arith.constant 0 : i32
        %dma_start3A_87 = tpu.memref_slice %arg7[%add3A_85, %dma_start3A_86] : memref<50x100xi32, #tpu.memory_space<vmem>> -> memref<1x100xi32, #tpu.memory_space<vmem>>
        %dma_start3A_88 = tpu.memref_squeeze %dma_start3A_87 : memref<1x100xi32, #tpu.memory_space<vmem>> -> memref<100xi32, #tpu.memory_space<vmem>>
        %dma_start3A_89 = arith.constant 0 : i32
        %dma_start3A_90 = arith.constant 0 : i32
        %dma_start3A_91 = tpu.memref_slice %arg2[%dma_start3A_89, %dma_start3A_90] : memref<40000x128xf32, #tpu.memory_space<hbm>> -> memref<40000x128xf32, #tpu.memory_space<hbm>>
        tpu.enqueue_indirect_dma source(%dma_start3A_91 : memref<40000x128xf32, #tpu.memory_space<hbm>>) target(%arg9 : memref<100x128xf32, #tpu.memory_space<vmem>>) offsets(%dma_start3A_88 : memref<100xi32, #tpu.memory_space<vmem>>) semaphore(%arg12 : memref<!tpu.dma_semaphore, #tpu.memory_space<semaphore_mem>>)
      } else {
      }
      %add3A_74 = arith.constant 1 : i32
      %add3A_75 = arith.addi %mul3A_53, %add3A_74 : i32
      %dma_wait3A_76 = arith.constant 0 : i32
      %dma_wait3A_77 = tpu.memref_slice %arg7[%add3A_75, %dma_wait3A_76] : memref<50x100xi32, #tpu.memory_space<vmem>> -> memref<1x100xi32, #tpu.memory_space<vmem>>
      %dma_wait3A_78 = tpu.memref_squeeze %dma_wait3A_77 : memref<1x100xi32, #tpu.memory_space<vmem>> -> memref<100xi32, #tpu.memory_space<vmem>>
      %dma_wait3A_79 = arith.constant 0 : i32
      %dma_wait3A_80 = arith.constant 0 : i32
      %dma_wait3A_81 = tpu.memref_slice %arg2[%dma_wait3A_79, %dma_wait3A_80] : memref<40000x128xf32, #tpu.memory_space<hbm>> -> memref<40000x128xf32, #tpu.memory_space<hbm>>
      tpu.wait_indirect_dma semaphore(%arg13 : memref<!tpu.dma_semaphore, #tpu.memory_space<semaphore_mem>>) src(%dma_wait3A_81 : memref<40000x128xf32, #tpu.memory_space<hbm>>) dst(%arg10 : memref<100x128xf32, #tpu.memory_space<vmem>>)
      %add3A_82 = arith.constant 1 : i32
      %add3A_83 = arith.addi %mul3A_53, %add3A_82 : i32
      "tpu.region"() ({
        %run_scoped3A_84 = tpu.sem_alloc : memref<!tpu.dma_semaphore, #tpu.memory_space<semaphore_mem>>
        %dma_start3A_85 = arith.constant 0 : i32
        %dma_start3A_86 = tpu.memref_slice %arg8[%add3A_83, %dma_start3A_85] : memref<50x100xi32, #tpu.memory_space<vmem>> -> memref<1x100xi32, #tpu.memory_space<vmem>>
        %dma_start3A_87 = tpu.memref_squeeze %dma_start3A_86 : memref<1x100xi32, #tpu.memory_space<vmem>> -> memref<100xi32, #tpu.memory_space<vmem>>
        %dma_start3A_88 = arith.constant 0 : i32
        %dma_start3A_89 = arith.constant 0 : i32
        %dma_start3A_90 = tpu.memref_slice %arg11[%dma_start3A_88, %dma_start3A_89] : memref<10000x128xf32, #tpu.memory_space<vmem_shared>> -> memref<10000x128xf32, #tpu.memory_space<vmem_shared>>
        tpu.enqueue_indirect_dma source(%arg10 : memref<100x128xf32, #tpu.memory_space<vmem>>) target(%dma_start3A_90 : memref<10000x128xf32, #tpu.memory_space<vmem_shared>>) offsets(%dma_start3A_87 : memref<100xi32, #tpu.memory_space<vmem>>) semaphore(%run_scoped3A_84 : memref<!tpu.dma_semaphore, #tpu.memory_space<semaphore_mem>>) {add = true}
        %dma_wait3A_91 = arith.constant 0 : i32
        %dma_wait3A_92 = tpu.memref_slice %arg8[%add3A_83, %dma_wait3A_91] : memref<50x100xi32, #tpu.memory_space<vmem>> -> memref<1x100xi32, #tpu.memory_space<vmem>>
        %dma_wait3A_93 = tpu.memref_squeeze %dma_wait3A_92 : memref<1x100xi32, #tpu.memory_space<vmem>> -> memref<100xi32, #tpu.memory_space<vmem>>
        %dma_wait3A_94 = arith.constant 0 : i32
        %dma_wait3A_95 = arith.constant 0 : i32
        %dma_wait3A_96 = tpu.memref_slice %arg11[%dma_wait3A_94, %dma_wait3A_95] : memref<10000x128xf32, #tpu.memory_space<vmem_shared>> -> memref<10000x128xf32, #tpu.memory_space<vmem_shared>>
        tpu.wait_indirect_dma semaphore(%run_scoped3A_84 : memref<!tpu.dma_semaphore, #tpu.memory_space<semaphore_mem>>) src(%arg10 : memref<100x128xf32, #tpu.memory_space<vmem>>) dst(%dma_wait3A_96 : memref<10000x128xf32, #tpu.memory_space<vmem_shared>>)
        tpu.yield
      }) : () -> ()
    }
    %scan3A_25 = arith.constant 25 : i32
    %run_scoped3A_26 = arith.constant 1 : i32
    "tpu.region"() ({
      %run_scoped3A_51 = tpu.sem_alloc : memref<!tpu.dma_semaphore, #tpu.memory_space<semaphore_mem>>
      %dma_start3A_52 = arith.constant 0 : i32
      %dma_start3A_53 = arith.constant 0 : i32
      %dma_start3A_54 = tpu.memref_slice %arg3[%add3A, %run_scoped3A_26, %dma_start3A_52, %dma_start3A_53] : memref<32x2x50x100xi32, #tpu.memory_space<hbm>> -> memref<1x1x50x100xi32, #tpu.memory_space<hbm>>
      %dma_start3A_55 = tpu.memref_squeeze %dma_start3A_54 : memref<1x1x50x100xi32, #tpu.memory_space<hbm>> -> memref<50x100xi32, #tpu.memory_space<hbm>>
      %dma_start3A_56 = arith.constant 0 : i32
      %dma_start3A_57 = arith.constant 0 : i32
      %dma_start3A_58 = tpu.memref_slice %arg3[%add3A, %run_scoped3A_26, %dma_start3A_56, %dma_start3A_57] : memref<32x2x50x100xi32, #tpu.memory_space<hbm>> -> memref<1x1x50x100xi32, #tpu.memory_space<hbm>>
      %dma_start3A_59 = tpu.memref_squeeze %dma_start3A_58 : memref<1x1x50x100xi32, #tpu.memory_space<hbm>> -> memref<50x100xi32, #tpu.memory_space<hbm>>
      tpu.enqueue_dma source(%dma_start3A_59 : memref<50x100xi32, #tpu.memory_space<hbm>>) target(%arg7 : memref<50x100xi32, #tpu.memory_space<vmem>>) target_semaphore(%run_scoped3A_51 : memref<!tpu.dma_semaphore, #tpu.memory_space<semaphore_mem>>)
      %dma_wait3A_60 = arith.constant 0 : i32
      %dma_wait3A_61 = arith.constant 0 : i32
      %dma_wait3A_62 = tpu.memref_slice %arg3[%add3A, %run_scoped3A_26, %dma_wait3A_60, %dma_wait3A_61] : memref<32x2x50x100xi32, #tpu.memory_space<hbm>> -> memref<1x1x50x100xi32, #tpu.memory_space<hbm>>
      %dma_wait3A_63 = tpu.memref_squeeze %dma_wait3A_62 : memref<1x1x50x100xi32, #tpu.memory_space<hbm>> -> memref<50x100xi32, #tpu.memory_space<hbm>>
      %dma_wait3A_64 = arith.constant 0 : i32
      %dma_wait3A_65 = arith.constant 0 : i32
      %dma_wait3A_66 = tpu.memref_slice %arg3[%add3A, %run_scoped3A_26, %dma_wait3A_64, %dma_wait3A_65] : memref<32x2x50x100xi32, #tpu.memory_space<hbm>> -> memref<1x1x50x100xi32, #tpu.memory_space<hbm>>
      %dma_wait3A_67 = tpu.memref_squeeze %dma_wait3A_66 : memref<1x1x50x100xi32, #tpu.memory_space<hbm>> -> memref<50x100xi32, #tpu.memory_space<hbm>>
      tpu.wait_dma2 semaphore(%run_scoped3A_51 : memref<!tpu.dma_semaphore, #tpu.memory_space<semaphore_mem>>) src(%dma_wait3A_67 : memref<50x100xi32, #tpu.memory_space<hbm>>) dst(%arg7 : memref<50x100xi32, #tpu.memory_space<vmem>>)
      tpu.yield
    }) : () -> ()
    %run_scoped3A_27 = arith.constant 1 : i32
    "tpu.region"() ({
      %run_scoped3A_51 = tpu.sem_alloc : memref<!tpu.dma_semaphore, #tpu.memory_space<semaphore_mem>>
      %dma_start3A_52 = arith.constant 0 : i32
      %dma_start3A_53 = arith.constant 0 : i32
      %dma_start3A_54 = tpu.memref_slice %arg4[%add3A, %run_scoped3A_27, %dma_start3A_52, %dma_start3A_53] : memref<32x2x50x100xi32, #tpu.memory_space<hbm>> -> memref<1x1x50x100xi32, #tpu.memory_space<hbm>>
      %dma_start3A_55 = tpu.memref_squeeze %dma_start3A_54 : memref<1x1x50x100xi32, #tpu.memory_space<hbm>> -> memref<50x100xi32, #tpu.memory_space<hbm>>
      %dma_start3A_56 = arith.constant 0 : i32
      %dma_start3A_57 = arith.constant 0 : i32
      %dma_start3A_58 = tpu.memref_slice %arg4[%add3A, %run_scoped3A_27, %dma_start3A_56, %dma_start3A_57] : memref<32x2x50x100xi32, #tpu.memory_space<hbm>> -> memref<1x1x50x100xi32, #tpu.memory_space<hbm>>
      %dma_start3A_59 = tpu.memref_squeeze %dma_start3A_58 : memref<1x1x50x100xi32, #tpu.memory_space<hbm>> -> memref<50x100xi32, #tpu.memory_space<hbm>>
      tpu.enqueue_dma source(%dma_start3A_59 : memref<50x100xi32, #tpu.memory_space<hbm>>) target(%arg8 : memref<50x100xi32, #tpu.memory_space<vmem>>) target_semaphore(%run_scoped3A_51 : memref<!tpu.dma_semaphore, #tpu.memory_space<semaphore_mem>>)
      %dma_wait3A_60 = arith.constant 0 : i32
      %dma_wait3A_61 = arith.constant 0 : i32
      %dma_wait3A_62 = tpu.memref_slice %arg4[%add3A, %run_scoped3A_27, %dma_wait3A_60, %dma_wait3A_61] : memref<32x2x50x100xi32, #tpu.memory_space<hbm>> -> memref<1x1x50x100xi32, #tpu.memory_space<hbm>>
      %dma_wait3A_63 = tpu.memref_squeeze %dma_wait3A_62 : memref<1x1x50x100xi32, #tpu.memory_space<hbm>> -> memref<50x100xi32, #tpu.memory_space<hbm>>
      %dma_wait3A_64 = arith.constant 0 : i32
      %dma_wait3A_65 = arith.constant 0 : i32
      %dma_wait3A_66 = tpu.memref_slice %arg4[%add3A, %run_scoped3A_27, %dma_wait3A_64, %dma_wait3A_65] : memref<32x2x50x100xi32, #tpu.memory_space<hbm>> -> memref<1x1x50x100xi32, #tpu.memory_space<hbm>>
      %dma_wait3A_67 = tpu.memref_squeeze %dma_wait3A_66 : memref<1x1x50x100xi32, #tpu.memory_space<hbm>> -> memref<50x100xi32, #tpu.memory_space<hbm>>
      tpu.wait_dma2 semaphore(%run_scoped3A_51 : memref<!tpu.dma_semaphore, #tpu.memory_space<semaphore_mem>>) src(%dma_wait3A_67 : memref<50x100xi32, #tpu.memory_space<hbm>>) dst(%arg8 : memref<50x100xi32, #tpu.memory_space<vmem>>)
      tpu.yield
    }) : () -> ()
    %dma_start3A_28 = arith.constant 0 : i32
    %dma_start3A_29 = arith.constant 0 : i32
    %dma_start3A_30 = tpu.memref_slice %arg7[%dma_start3A_28, %dma_start3A_29] : memref<50x100xi32, #tpu.memory_space<vmem>> -> memref<1x100xi32, #tpu.memory_space<vmem>>
    %dma_start3A_31 = tpu.memref_squeeze %dma_start3A_30 : memref<1x100xi32, #tpu.memory_space<vmem>> -> memref<100xi32, #tpu.memory_space<vmem>>
    %dma_start3A_32 = arith.constant 0 : i32
    %dma_start3A_33 = arith.constant 0 : i32
    %dma_start3A_34 = tpu.memref_slice %arg2[%dma_start3A_32, %dma_start3A_33] : memref<40000x128xf32, #tpu.memory_space<hbm>> -> memref<40000x128xf32, #tpu.memory_space<hbm>>
    tpu.enqueue_indirect_dma source(%dma_start3A_34 : memref<40000x128xf32, #tpu.memory_space<hbm>>) target(%arg9 : memref<100x128xf32, #tpu.memory_space<vmem>>) offsets(%dma_start3A_31 : memref<100xi32, #tpu.memory_space<vmem>>) semaphore(%arg12 : memref<!tpu.dma_semaphore, #tpu.memory_space<semaphore_mem>>)
    %scan3A_35 = arith.constant 0 : i32
    %scan3A_36 = arith.constant 0 : i32
    %scan3A_37 = arith.constant 25 : i32
    %scan3A_38 = arith.addi %scan3A_36, %scan3A_37 : i32
    %scan3A_39 = arith.constant 1 : i32
    scf.for %scan3A_51 = %scan3A_36 to %scan3A_38 step %scan3A_39  : i32 {
      %mul3A_52 = arith.constant 2 : i32
      %mul3A_53 = arith.muli %mul3A_52, %scan3A_51 : i32
      %add3A_54 = arith.constant 1 : i32
      %add3A_55 = arith.addi %mul3A_53, %add3A_54 : i32
      %dma_start3A_56 = arith.constant 0 : i32
      %dma_start3A_57 = tpu.memref_slice %arg7[%add3A_55, %dma_start3A_56] : memref<50x100xi32, #tpu.memory_space<vmem>> -> memref<1x100xi32, #tpu.memory_space<vmem>>
      %dma_start3A_58 = tpu.memref_squeeze %dma_start3A_57 : memref<1x100xi32, #tpu.memory_space<vmem>> -> memref<100xi32, #tpu.memory_space<vmem>>
      %dma_start3A_59 = arith.constant 0 : i32
      %dma_start3A_60 = arith.constant 0 : i32
      %dma_start3A_61 = tpu.memref_slice %arg2[%dma_start3A_59, %dma_start3A_60] : memref<40000x128xf32, #tpu.memory_space<hbm>> -> memref<40000x128xf32, #tpu.memory_space<hbm>>
      tpu.enqueue_indirect_dma source(%dma_start3A_61 : memref<40000x128xf32, #tpu.memory_space<hbm>>) target(%arg10 : memref<100x128xf32, #tpu.memory_space<vmem>>) offsets(%dma_start3A_58 : memref<100xi32, #tpu.memory_space<vmem>>) semaphore(%arg13 : memref<!tpu.dma_semaphore, #tpu.memory_space<semaphore_mem>>)
      %dma_wait3A_62 = arith.constant 0 : i32
      %dma_wait3A_63 = tpu.memref_slice %arg7[%mul3A_53, %dma_wait3A_62] : memref<50x100xi32, #tpu.memory_space<vmem>> -> memref<1x100xi32, #tpu.memory_space<vmem>>
      %dma_wait3A_64 = tpu.memref_squeeze %dma_wait3A_63 : memref<1x100xi32, #tpu.memory_space<vmem>> -> memref<100xi32, #tpu.memory_space<vmem>>
      %dma_wait3A_65 = arith.constant 0 : i32
      %dma_wait3A_66 = arith.constant 0 : i32
      %dma_wait3A_67 = tpu.memref_slice %arg2[%dma_wait3A_65, %dma_wait3A_66] : memref<40000x128xf32, #tpu.memory_space<hbm>> -> memref<40000x128xf32, #tpu.memory_space<hbm>>
      tpu.wait_indirect_dma semaphore(%arg12 : memref<!tpu.dma_semaphore, #tpu.memory_space<semaphore_mem>>) src(%dma_wait3A_67 : memref<40000x128xf32, #tpu.memory_space<hbm>>) dst(%arg9 : memref<100x128xf32, #tpu.memory_space<vmem>>)
      "tpu.region"() ({
        %run_scoped3A_84 = tpu.sem_alloc : memref<!tpu.dma_semaphore, #tpu.memory_space<semaphore_mem>>
        %dma_start3A_85 = arith.constant 0 : i32
        %dma_start3A_86 = tpu.memref_slice %arg8[%mul3A_53, %dma_start3A_85] : memref<50x100xi32, #tpu.memory_space<vmem>> -> memref<1x100xi32, #tpu.memory_space<vmem>>
        %dma_start3A_87 = tpu.memref_squeeze %dma_start3A_86 : memref<1x100xi32, #tpu.memory_space<vmem>> -> memref<100xi32, #tpu.memory_space<vmem>>
        %dma_start3A_88 = arith.constant 0 : i32
        %dma_start3A_89 = arith.constant 0 : i32
        %dma_start3A_90 = tpu.memref_slice %arg11[%dma_start3A_88, %dma_start3A_89] : memref<10000x128xf32, #tpu.memory_space<vmem_shared>> -> memref<10000x128xf32, #tpu.memory_space<vmem_shared>>
        tpu.enqueue_indirect_dma source(%arg9 : memref<100x128xf32, #tpu.memory_space<vmem>>) target(%dma_start3A_90 : memref<10000x128xf32, #tpu.memory_space<vmem_shared>>) offsets(%dma_start3A_87 : memref<100xi32, #tpu.memory_space<vmem>>) semaphore(%run_scoped3A_84 : memref<!tpu.dma_semaphore, #tpu.memory_space<semaphore_mem>>) {add = true}
        %dma_wait3A_91 = arith.constant 0 : i32
        %dma_wait3A_92 = tpu.memref_slice %arg8[%mul3A_53, %dma_wait3A_91] : memref<50x100xi32, #tpu.memory_space<vmem>> -> memref<1x100xi32, #tpu.memory_space<vmem>>
        %dma_wait3A_93 = tpu.memref_squeeze %dma_wait3A_92 : memref<1x100xi32, #tpu.memory_space<vmem>> -> memref<100xi32, #tpu.memory_space<vmem>>
        %dma_wait3A_94 = arith.constant 0 : i32
        %dma_wait3A_95 = arith.constant 0 : i32
        %dma_wait3A_96 = tpu.memref_slice %arg11[%dma_wait3A_94, %dma_wait3A_95] : memref<10000x128xf32, #tpu.memory_space<vmem_shared>> -> memref<10000x128xf32, #tpu.memory_space<vmem_shared>>
        tpu.wait_indirect_dma semaphore(%run_scoped3A_84 : memref<!tpu.dma_semaphore, #tpu.memory_space<semaphore_mem>>) src(%arg9 : memref<100x128xf32, #tpu.memory_space<vmem>>) dst(%dma_wait3A_96 : memref<10000x128xf32, #tpu.memory_space<vmem_shared>>)
        tpu.yield
      }) : () -> ()
      %add3A_68 = arith.constant 2 : i32
      %add3A_69 = arith.addi %mul3A_53, %add3A_68 : i32
      %lt3A = arith.constant 50 : i32
      %lt3A_70 = arith.cmpi slt, %add3A_69, %lt3A : i32
      %convert_element_type3A_71 = arith.extui %lt3A_70 : i1 to i32
      %cond3A_72 = arith.constant 0 : i32
      %cond3A_73 = arith.cmpi ne, %convert_element_type3A_71, %cond3A_72 : i32
      scf.if %cond3A_73 {
        %add3A_84 = arith.constant 2 : i32
        %add3A_85 = arith.addi %mul3A_53, %add3A_84 : i32
        %dma_start3A_86 = arith.constant 0 : i32
        %dma_start3A_87 = tpu.memref_slice %arg7[%add3A_85, %dma_start3A_86] : memref<50x100xi32, #tpu.memory_space<vmem>> -> memref<1x100xi32, #tpu.memory_space<vmem>>
        %dma_start3A_88 = tpu.memref_squeeze %dma_start3A_87 : memref<1x100xi32, #tpu.memory_space<vmem>> -> memref<100xi32, #tpu.memory_space<vmem>>
        %dma_start3A_89 = arith.constant 0 : i32
        %dma_start3A_90 = arith.constant 0 : i32
        %dma_start3A_91 = tpu.memref_slice %arg2[%dma_start3A_89, %dma_start3A_90] : memref<40000x128xf32, #tpu.memory_space<hbm>> -> memref<40000x128xf32, #tpu.memory_space<hbm>>
        tpu.enqueue_indirect_dma source(%dma_start3A_91 : memref<40000x128xf32, #tpu.memory_space<hbm>>) target(%arg9 : memref<100x128xf32, #tpu.memory_space<vmem>>) offsets(%dma_start3A_88 : memref<100xi32, #tpu.memory_space<vmem>>) semaphore(%arg12 : memref<!tpu.dma_semaphore, #tpu.memory_space<semaphore_mem>>)
      } else {
      }
      %add3A_74 = arith.constant 1 : i32
      %add3A_75 = arith.addi %mul3A_53, %add3A_74 : i32
      %dma_wait3A_76 = arith.constant 0 : i32
      %dma_wait3A_77 = tpu.memref_slice %arg7[%add3A_75, %dma_wait3A_76] : memref<50x100xi32, #tpu.memory_space<vmem>> -> memref<1x100xi32, #tpu.memory_space<vmem>>
      %dma_wait3A_78 = tpu.memref_squeeze %dma_wait3A_77 : memref<1x100xi32, #tpu.memory_space<vmem>> -> memref<100xi32, #tpu.memory_space<vmem>>
      %dma_wait3A_79 = arith.constant 0 : i32
      %dma_wait3A_80 = arith.constant 0 : i32
      %dma_wait3A_81 = tpu.memref_slice %arg2[%dma_wait3A_79, %dma_wait3A_80] : memref<40000x128xf32, #tpu.memory_space<hbm>> -> memref<40000x128xf32, #tpu.memory_space<hbm>>
      tpu.wait_indirect_dma semaphore(%arg13 : memref<!tpu.dma_semaphore, #tpu.memory_space<semaphore_mem>>) src(%dma_wait3A_81 : memref<40000x128xf32, #tpu.memory_space<hbm>>) dst(%arg10 : memref<100x128xf32, #tpu.memory_space<vmem>>)
      %add3A_82 = arith.constant 1 : i32
      %add3A_83 = arith.addi %mul3A_53, %add3A_82 : i32
      "tpu.region"() ({
        %run_scoped3A_84 = tpu.sem_alloc : memref<!tpu.dma_semaphore, #tpu.memory_space<semaphore_mem>>
        %dma_start3A_85 = arith.constant 0 : i32
        %dma_start3A_86 = tpu.memref_slice %arg8[%add3A_83, %dma_start3A_85] : memref<50x100xi32, #tpu.memory_space<vmem>> -> memref<1x100xi32, #tpu.memory_space<vmem>>
        %dma_start3A_87 = tpu.memref_squeeze %dma_start3A_86 : memref<1x100xi32, #tpu.memory_space<vmem>> -> memref<100xi32, #tpu.memory_space<vmem>>
        %dma_start3A_88 = arith.constant 0 : i32
        %dma_start3A_89 = arith.constant 0 : i32
        %dma_start3A_90 = tpu.memref_slice %arg11[%dma_start3A_88, %dma_start3A_89] : memref<10000x128xf32, #tpu.memory_space<vmem_shared>> -> memref<10000x128xf32, #tpu.memory_space<vmem_shared>>
        tpu.enqueue_indirect_dma source(%arg10 : memref<100x128xf32, #tpu.memory_space<vmem>>) target(%dma_start3A_90 : memref<10000x128xf32, #tpu.memory_space<vmem_shared>>) offsets(%dma_start3A_87 : memref<100xi32, #tpu.memory_space<vmem>>) semaphore(%run_scoped3A_84 : memref<!tpu.dma_semaphore, #tpu.memory_space<semaphore_mem>>) {add = true}
        %dma_wait3A_91 = arith.constant 0 : i32
        %dma_wait3A_92 = tpu.memref_slice %arg8[%add3A_83, %dma_wait3A_91] : memref<50x100xi32, #tpu.memory_space<vmem>> -> memref<1x100xi32, #tpu.memory_space<vmem>>
        %dma_wait3A_93 = tpu.memref_squeeze %dma_wait3A_92 : memref<1x100xi32, #tpu.memory_space<vmem>> -> memref<100xi32, #tpu.memory_space<vmem>>
        %dma_wait3A_94 = arith.constant 0 : i32
        %dma_wait3A_95 = arith.constant 0 : i32
        %dma_wait3A_96 = tpu.memref_slice %arg11[%dma_wait3A_94, %dma_wait3A_95] : memref<10000x128xf32, #tpu.memory_space<vmem_shared>> -> memref<10000x128xf32, #tpu.memory_space<vmem_shared>>
        tpu.wait_indirect_dma semaphore(%run_scoped3A_84 : memref<!tpu.dma_semaphore, #tpu.memory_space<semaphore_mem>>) src(%arg10 : memref<100x128xf32, #tpu.memory_space<vmem>>) dst(%dma_wait3A_96 : memref<10000x128xf32, #tpu.memory_space<vmem_shared>>)
        tpu.yield
      }) : () -> ()
    }
    %scan3A_40 = arith.constant 25 : i32
    %barrier3A_41 = arith.constant 0 : index
    tpu.barrier barrier_id(%barrier3A_41)
    %mul3A_42 = arith.constant 624 : i32
    %mul3A_43 = arith.muli %arg1, %mul3A_42 : i32
    %mul3A_44 = arith.constant 624 : i32
    %mul3A_45 = arith.muli %arg1, %mul3A_44 : i32
    "tpu.region"() ({
      %run_scoped3A_51 = tpu.sem_alloc : memref<!tpu.dma_semaphore, #tpu.memory_space<semaphore_mem>>
      %dma_start3A_52 = arith.constant 0 : i32
      %dma_start3A_53 = tpu.memref_slice %arg6[%arg0, %mul3A_45, %dma_start3A_52] : memref<2x10000x128xf32, #tpu.memory_space<hbm>> -> memref<1x624x128xf32, #tpu.memory_space<hbm>>
      %dma_start3A_54 = tpu.memref_squeeze %dma_start3A_53 : memref<1x624x128xf32, #tpu.memory_space<hbm>> -> memref<624x128xf32, #tpu.memory_space<hbm>>
      %dma_start3A_55 = arith.constant 0 : i32
      %dma_start3A_56 = tpu.memref_slice %arg11[%mul3A_43, %dma_start3A_55] : memref<10000x128xf32, #tpu.memory_space<vmem_shared>> -> memref<624x128xf32, #tpu.memory_space<vmem_shared>>
      tpu.enqueue_dma source(%dma_start3A_56 : memref<624x128xf32, #tpu.memory_space<vmem_shared>>) target(%dma_start3A_54 : memref<624x128xf32, #tpu.memory_space<hbm>>) target_semaphore(%run_scoped3A_51 : memref<!tpu.dma_semaphore, #tpu.memory_space<semaphore_mem>>)
      %dma_wait3A_57 = arith.constant 0 : i32
      %dma_wait3A_58 = tpu.memref_slice %arg6[%arg0, %mul3A_45, %dma_wait3A_57] : memref<2x10000x128xf32, #tpu.memory_space<hbm>> -> memref<1x624x128xf32, #tpu.memory_space<hbm>>
      %dma_wait3A_59 = tpu.memref_squeeze %dma_wait3A_58 : memref<1x624x128xf32, #tpu.memory_space<hbm>> -> memref<624x128xf32, #tpu.memory_space<hbm>>
      %dma_wait3A_60 = arith.constant 0 : i32
      %dma_wait3A_61 = tpu.memref_slice %arg11[%mul3A_43, %dma_wait3A_60] : memref<10000x128xf32, #tpu.memory_space<vmem_shared>> -> memref<624x128xf32, #tpu.memory_space<vmem_shared>>
      tpu.wait_dma2 semaphore(%run_scoped3A_51 : memref<!tpu.dma_semaphore, #tpu.memory_space<semaphore_mem>>) src(%dma_wait3A_61 : memref<624x128xf32, #tpu.memory_space<vmem_shared>>) dst(%dma_wait3A_59 : memref<624x128xf32, #tpu.memory_space<hbm>>)
      tpu.yield
    }) : () -> ()
    %eq3A_46 = arith.constant 15 : i32
    %eq3A_47 = arith.cmpi eq, %arg1, %eq3A_46 : i32
    %convert_element_type3A_48 = arith.extui %eq3A_47 : i1 to i32
    %cond3A_49 = arith.constant 0 : i32
    %cond3A_50 = arith.cmpi ne, %convert_element_type3A_48, %cond3A_49 : i32
    scf.if %cond3A_50 {
      "tpu.region"() ({
        %run_scoped3A_51 = tpu.sem_alloc : memref<!tpu.dma_semaphore, #tpu.memory_space<semaphore_mem>>
        %dma_start3A_52 = arith.constant 9984 : i32
        %dma_start3A_53 = arith.constant 0 : i32
        %dma_start3A_54 = tpu.memref_slice %arg6[%arg0, %dma_start3A_52, %dma_start3A_53] : memref<2x10000x128xf32, #tpu.memory_space<hbm>> -> memref<1x16x128xf32, #tpu.memory_space<hbm>>
        %dma_start3A_55 = tpu.memref_squeeze %dma_start3A_54 : memref<1x16x128xf32, #tpu.memory_space<hbm>> -> memref<16x128xf32, #tpu.memory_space<hbm>>
        %dma_start3A_56 = arith.constant 9984 : i32
        %dma_start3A_57 = arith.constant 0 : i32
        %dma_start3A_58 = tpu.memref_slice %arg11[%dma_start3A_56, %dma_start3A_57] : memref<10000x128xf32, #tpu.memory_space<vmem_shared>> -> memref<16x128xf32, #tpu.memory_space<vmem_shared>>
        tpu.enqueue_dma source(%dma_start3A_58 : memref<16x128xf32, #tpu.memory_space<vmem_shared>>) target(%dma_start3A_55 : memref<16x128xf32, #tpu.memory_space<hbm>>) target_semaphore(%run_scoped3A_51 : memref<!tpu.dma_semaphore, #tpu.memory_space<semaphore_mem>>)
        %dma_wait3A_59 = arith.constant 9984 : i32
        %dma_wait3A_60 = arith.constant 0 : i32
        %dma_wait3A_61 = tpu.memref_slice %arg6[%arg0, %dma_wait3A_59, %dma_wait3A_60] : memref<2x10000x128xf32, #tpu.memory_space<hbm>> -> memref<1x16x128xf32, #tpu.memory_space<hbm>>
        %dma_wait3A_62 = tpu.memref_squeeze %dma_wait3A_61 : memref<1x16x128xf32, #tpu.memory_space<hbm>> -> memref<16x128xf32, #tpu.memory_space<hbm>>
        %dma_wait3A_63 = arith.constant 9984 : i32
        %dma_wait3A_64 = arith.constant 0 : i32
        %dma_wait3A_65 = tpu.memref_slice %arg11[%dma_wait3A_63, %dma_wait3A_64] : memref<10000x128xf32, #tpu.memory_space<vmem_shared>> -> memref<16x128xf32, #tpu.memory_space<vmem_shared>>
        tpu.wait_dma2 semaphore(%run_scoped3A_51 : memref<!tpu.dma_semaphore, #tpu.memory_space<semaphore_mem>>) src(%dma_wait3A_65 : memref<16x128xf32, #tpu.memory_space<vmem_shared>>) dst(%dma_wait3A_62 : memref<16x128xf32, #tpu.memory_space<hbm>>)
        tpu.yield
      }) : () -> ()
    } else {
    }
    return
  }
}

#map = affine_map<(d0, d1) -> (0, 0)>
#map1 = affine_map<(d0, d1) -> (0, 0, 0, 0)>
#map2 = affine_map<(d0, d1) -> (0, 0, 0)>
module attributes {stable_mosaic.version = 14 : i64} {
  func.func @_edge_body(%arg0: i32, %arg1: i32, %arg2: memref<40000x128xf32, #tpu.memory_space<hbm>>, %arg3: memref<32x2x50x100xi32, #tpu.memory_space<hbm>>, %arg4: memref<32x2x50x100xi32, #tpu.memory_space<hbm>>, %arg5: memref<10000x128xf32, #tpu.memory_space<hbm>>, %arg6: memref<2x10000x128xf32, #tpu.memory_space<hbm>>, %arg7: memref<50x100xi32, #tpu.memory_space<vmem>>, %arg8: memref<50x100xi32, #tpu.memory_space<vmem>>, %arg9: memref<100x128xf32, #tpu.memory_space<vmem>>, %arg10: memref<100x128xf32, #tpu.memory_space<vmem>>, %arg11: memref<10000x128xf32, #tpu.memory_space<vmem_shared>>, %arg12: memref<!tpu.dma_semaphore, #tpu.memory_space<semaphore_mem>>, %arg13: memref<!tpu.dma_semaphore, #tpu.memory_space<semaphore_mem>>, %arg14: memref<!tpu.dma_semaphore, #tpu.memory_space<semaphore_mem>>) attributes {dimension_semantics = [#tpu.dimension_semantics<core_parallel>, #tpu.dimension_semantics<subcore_parallel>], iteration_bounds = array<i64: 2, 16>, scalar_prefetch = 0 : i64, scratch_operands = 8 : i64, tpu.core_type = #tpu.core_type<sc_vector_subcore>, window_params = [{transform_indices = #map}, {transform_indices = #map1}, {transform_indices = #map1}, {transform_indices = #map}, {transform_indices = #map2}]} {
    %mul3A = arith.constant 16 : i32
    %mul3A_0 = arith.muli %arg0, %mul3A : i32
    %add3A = arith.addi %mul3A_0, %arg1 : i32
    %mul3A_1 = arith.constant 624 : i32
    %mul3A_2 = arith.muli %arg1, %mul3A_1 : i32
    %mul3A_3 = arith.constant 624 : i32
    %mul3A_4 = arith.muli %arg1, %mul3A_3 : i32
    %dma_start3A = arith.constant 0 : i32
    %dma_start3A_5 = tpu.memref_slice %arg11[%mul3A_4, %dma_start3A] : memref<10000x128xf32, #tpu.memory_space<vmem_shared>> -> memref<624x128xf32, #tpu.memory_space<vmem_shared>>
    %dma_start3A_6 = arith.constant 0 : i32
    %dma_start3A_7 = tpu.memref_slice %arg5[%mul3A_2, %dma_start3A_6] : memref<10000x128xf32, #tpu.memory_space<hbm>> -> memref<624x128xf32, #tpu.memory_space<hbm>>
    tpu.enqueue_dma source(%dma_start3A_7 : memref<624x128xf32, #tpu.memory_space<hbm>>) target(%dma_start3A_5 : memref<624x128xf32, #tpu.memory_space<vmem_shared>>) target_semaphore(%arg14 : memref<!tpu.dma_semaphore, #tpu.memory_space<semaphore_mem>>)
    %run_scoped3A = arith.constant 0 : i32
    "tpu.region"() ({
      %run_scoped3A_51 = tpu.sem_alloc : memref<!tpu.dma_semaphore, #tpu.memory_space<semaphore_mem>>
      %dma_start3A_52 = arith.constant 0 : i32
      %dma_start3A_53 = arith.constant 0 : i32
      %dma_start3A_54 = tpu.memref_slice %arg3[%add3A, %run_scoped3A, %dma_start3A_52, %dma_start3A_53] : memref<32x2x50x100xi32, #tpu.memory_space<hbm>> -> memref<1x1x50x100xi32, #tpu.memory_space<hbm>>
      %dma_start3A_55 = tpu.memref_squeeze %dma_start3A_54 : memref<1x1x50x100xi32, #tpu.memory_space<hbm>> -> memref<50x100xi32, #tpu.memory_space<hbm>>
      %dma_start3A_56 = arith.constant 0 : i32
      %dma_start3A_57 = arith.constant 0 : i32
      %dma_start3A_58 = tpu.memref_slice %arg3[%add3A, %run_scoped3A, %dma_start3A_56, %dma_start3A_57] : memref<32x2x50x100xi32, #tpu.memory_space<hbm>> -> memref<1x1x50x100xi32, #tpu.memory_space<hbm>>
      %dma_start3A_59 = tpu.memref_squeeze %dma_start3A_58 : memref<1x1x50x100xi32, #tpu.memory_space<hbm>> -> memref<50x100xi32, #tpu.memory_space<hbm>>
      tpu.enqueue_dma source(%dma_start3A_59 : memref<50x100xi32, #tpu.memory_space<hbm>>) target(%arg7 : memref<50x100xi32, #tpu.memory_space<vmem>>) target_semaphore(%run_scoped3A_51 : memref<!tpu.dma_semaphore, #tpu.memory_space<semaphore_mem>>)
      %dma_wait3A_60 = arith.constant 0 : i32
      %dma_wait3A_61 = arith.constant 0 : i32
      %dma_wait3A_62 = tpu.memref_slice %arg3[%add3A, %run_scoped3A, %dma_wait3A_60, %dma_wait3A_61] : memref<32x2x50x100xi32, #tpu.memory_space<hbm>> -> memref<1x1x50x100xi32, #tpu.memory_space<hbm>>
      %dma_wait3A_63 = tpu.memref_squeeze %dma_wait3A_62 : memref<1x1x50x100xi32, #tpu.memory_space<hbm>> -> memref<50x100xi32, #tpu.memory_space<hbm>>
      %dma_wait3A_64 = arith.constant 0 : i32
      %dma_wait3A_65 = arith.constant 0 : i32
      %dma_wait3A_66 = tpu.memref_slice %arg3[%add3A, %run_scoped3A, %dma_wait3A_64, %dma_wait3A_65] : memref<32x2x50x100xi32, #tpu.memory_space<hbm>> -> memref<1x1x50x100xi32, #tpu.memory_space<hbm>>
      %dma_wait3A_67 = tpu.memref_squeeze %dma_wait3A_66 : memref<1x1x50x100xi32, #tpu.memory_space<hbm>> -> memref<50x100xi32, #tpu.memory_space<hbm>>
      tpu.wait_dma2 semaphore(%run_scoped3A_51 : memref<!tpu.dma_semaphore, #tpu.memory_space<semaphore_mem>>) src(%dma_wait3A_67 : memref<50x100xi32, #tpu.memory_space<hbm>>) dst(%arg7 : memref<50x100xi32, #tpu.memory_space<vmem>>)
      tpu.yield
    }) : () -> ()
    %run_scoped3A_8 = arith.constant 0 : i32
    "tpu.region"() ({
      %run_scoped3A_51 = tpu.sem_alloc : memref<!tpu.dma_semaphore, #tpu.memory_space<semaphore_mem>>
      %dma_start3A_52 = arith.constant 0 : i32
      %dma_start3A_53 = arith.constant 0 : i32
      %dma_start3A_54 = tpu.memref_slice %arg4[%add3A, %run_scoped3A_8, %dma_start3A_52, %dma_start3A_53] : memref<32x2x50x100xi32, #tpu.memory_space<hbm>> -> memref<1x1x50x100xi32, #tpu.memory_space<hbm>>
      %dma_start3A_55 = tpu.memref_squeeze %dma_start3A_54 : memref<1x1x50x100xi32, #tpu.memory_space<hbm>> -> memref<50x100xi32, #tpu.memory_space<hbm>>
      %dma_start3A_56 = arith.constant 0 : i32
      %dma_start3A_57 = arith.constant 0 : i32
      %dma_start3A_58 = tpu.memref_slice %arg4[%add3A, %run_scoped3A_8, %dma_start3A_56, %dma_start3A_57] : memref<32x2x50x100xi32, #tpu.memory_space<hbm>> -> memref<1x1x50x100xi32, #tpu.memory_space<hbm>>
      %dma_start3A_59 = tpu.memref_squeeze %dma_start3A_58 : memref<1x1x50x100xi32, #tpu.memory_space<hbm>> -> memref<50x100xi32, #tpu.memory_space<hbm>>
      tpu.enqueue_dma source(%dma_start3A_59 : memref<50x100xi32, #tpu.memory_space<hbm>>) target(%arg8 : memref<50x100xi32, #tpu.memory_space<vmem>>) target_semaphore(%run_scoped3A_51 : memref<!tpu.dma_semaphore, #tpu.memory_space<semaphore_mem>>)
      %dma_wait3A_60 = arith.constant 0 : i32
      %dma_wait3A_61 = arith.constant 0 : i32
      %dma_wait3A_62 = tpu.memref_slice %arg4[%add3A, %run_scoped3A_8, %dma_wait3A_60, %dma_wait3A_61] : memref<32x2x50x100xi32, #tpu.memory_space<hbm>> -> memref<1x1x50x100xi32, #tpu.memory_space<hbm>>
      %dma_wait3A_63 = tpu.memref_squeeze %dma_wait3A_62 : memref<1x1x50x100xi32, #tpu.memory_space<hbm>> -> memref<50x100xi32, #tpu.memory_space<hbm>>
      %dma_wait3A_64 = arith.constant 0 : i32
      %dma_wait3A_65 = arith.constant 0 : i32
      %dma_wait3A_66 = tpu.memref_slice %arg4[%add3A, %run_scoped3A_8, %dma_wait3A_64, %dma_wait3A_65] : memref<32x2x50x100xi32, #tpu.memory_space<hbm>> -> memref<1x1x50x100xi32, #tpu.memory_space<hbm>>
      %dma_wait3A_67 = tpu.memref_squeeze %dma_wait3A_66 : memref<1x1x50x100xi32, #tpu.memory_space<hbm>> -> memref<50x100xi32, #tpu.memory_space<hbm>>
      tpu.wait_dma2 semaphore(%run_scoped3A_51 : memref<!tpu.dma_semaphore, #tpu.memory_space<semaphore_mem>>) src(%dma_wait3A_67 : memref<50x100xi32, #tpu.memory_space<hbm>>) dst(%arg8 : memref<50x100xi32, #tpu.memory_space<vmem>>)
      tpu.yield
    }) : () -> ()
    %dma_start3A_9 = arith.constant 0 : i32
    %dma_start3A_10 = arith.constant 0 : i32
    %dma_start3A_11 = tpu.memref_slice %arg7[%dma_start3A_9, %dma_start3A_10] : memref<50x100xi32, #tpu.memory_space<vmem>> -> memref<1x100xi32, #tpu.memory_space<vmem>>
    %dma_start3A_12 = tpu.memref_squeeze %dma_start3A_11 : memref<1x100xi32, #tpu.memory_space<vmem>> -> memref<100xi32, #tpu.memory_space<vmem>>
    %dma_start3A_13 = arith.constant 0 : i32
    %dma_start3A_14 = arith.constant 0 : i32
    %dma_start3A_15 = tpu.memref_slice %arg2[%dma_start3A_13, %dma_start3A_14] : memref<40000x128xf32, #tpu.memory_space<hbm>> -> memref<40000x128xf32, #tpu.memory_space<hbm>>
    tpu.enqueue_indirect_dma source(%dma_start3A_15 : memref<40000x128xf32, #tpu.memory_space<hbm>>) target(%arg9 : memref<100x128xf32, #tpu.memory_space<vmem>>) offsets(%dma_start3A_12 : memref<100xi32, #tpu.memory_space<vmem>>) semaphore(%arg12 : memref<!tpu.dma_semaphore, #tpu.memory_space<semaphore_mem>>)
    %dma_wait3A = arith.constant 0 : i32
    %dma_wait3A_16 = tpu.memref_slice %arg11[%mul3A_4, %dma_wait3A] : memref<10000x128xf32, #tpu.memory_space<vmem_shared>> -> memref<624x128xf32, #tpu.memory_space<vmem_shared>>
    %dma_wait3A_17 = arith.constant 0 : i32
    %dma_wait3A_18 = tpu.memref_slice %arg5[%mul3A_2, %dma_wait3A_17] : memref<10000x128xf32, #tpu.memory_space<hbm>> -> memref<624x128xf32, #tpu.memory_space<hbm>>
    tpu.wait_dma2 semaphore(%arg14 : memref<!tpu.dma_semaphore, #tpu.memory_space<semaphore_mem>>) src(%dma_wait3A_18 : memref<624x128xf32, #tpu.memory_space<hbm>>) dst(%dma_wait3A_16 : memref<624x128xf32, #tpu.memory_space<vmem_shared>>)
    %eq3A = arith.constant 15 : i32
    %eq3A_19 = arith.cmpi eq, %arg1, %eq3A : i32
    %convert_element_type3A = arith.extui %eq3A_19 : i1 to i32
    %cond3A = arith.constant 0 : i32
    %cond3A_20 = arith.cmpi ne, %convert_element_type3A, %cond3A : i32
    scf.if %cond3A_20 {
      "tpu.region"() ({
        %run_scoped3A_51 = tpu.sem_alloc : memref<!tpu.dma_semaphore, #tpu.memory_space<semaphore_mem>>
        %dma_start3A_52 = arith.constant 9984 : i32
        %dma_start3A_53 = arith.constant 0 : i32
        %dma_start3A_54 = tpu.memref_slice %arg11[%dma_start3A_52, %dma_start3A_53] : memref<10000x128xf32, #tpu.memory_space<vmem_shared>> -> memref<16x128xf32, #tpu.memory_space<vmem_shared>>
        %dma_start3A_55 = arith.constant 9984 : i32
        %dma_start3A_56 = arith.constant 0 : i32
        %dma_start3A_57 = tpu.memref_slice %arg5[%dma_start3A_55, %dma_start3A_56] : memref<10000x128xf32, #tpu.memory_space<hbm>> -> memref<16x128xf32, #tpu.memory_space<hbm>>
        tpu.enqueue_dma source(%dma_start3A_57 : memref<16x128xf32, #tpu.memory_space<hbm>>) target(%dma_start3A_54 : memref<16x128xf32, #tpu.memory_space<vmem_shared>>) target_semaphore(%run_scoped3A_51 : memref<!tpu.dma_semaphore, #tpu.memory_space<semaphore_mem>>)
        %dma_wait3A_58 = arith.constant 9984 : i32
        %dma_wait3A_59 = arith.constant 0 : i32
        %dma_wait3A_60 = tpu.memref_slice %arg11[%dma_wait3A_58, %dma_wait3A_59] : memref<10000x128xf32, #tpu.memory_space<vmem_shared>> -> memref<16x128xf32, #tpu.memory_space<vmem_shared>>
        %dma_wait3A_61 = arith.constant 9984 : i32
        %dma_wait3A_62 = arith.constant 0 : i32
        %dma_wait3A_63 = tpu.memref_slice %arg5[%dma_wait3A_61, %dma_wait3A_62] : memref<10000x128xf32, #tpu.memory_space<hbm>> -> memref<16x128xf32, #tpu.memory_space<hbm>>
        tpu.wait_dma2 semaphore(%run_scoped3A_51 : memref<!tpu.dma_semaphore, #tpu.memory_space<semaphore_mem>>) src(%dma_wait3A_63 : memref<16x128xf32, #tpu.memory_space<hbm>>) dst(%dma_wait3A_60 : memref<16x128xf32, #tpu.memory_space<vmem_shared>>)
        tpu.yield
      }) : () -> ()
    } else {
    }
    %barrier3A = arith.constant 0 : index
    tpu.barrier barrier_id(%barrier3A)
    %scan3A = arith.constant 0 : i32
    %scan3A_21 = arith.constant 0 : i32
    %scan3A_22 = arith.constant 25 : i32
    %scan3A_23 = arith.addi %scan3A_21, %scan3A_22 : i32
    %scan3A_24 = arith.constant 1 : i32
    scf.for %scan3A_51 = %scan3A_21 to %scan3A_23 step %scan3A_24  : i32 {
      %mul3A_52 = arith.constant 2 : i32
      %mul3A_53 = arith.muli %mul3A_52, %scan3A_51 : i32
      %add3A_54 = arith.constant 1 : i32
      %add3A_55 = arith.addi %mul3A_53, %add3A_54 : i32
      %dma_start3A_56 = arith.constant 0 : i32
      %dma_start3A_57 = tpu.memref_slice %arg7[%add3A_55, %dma_start3A_56] : memref<50x100xi32, #tpu.memory_space<vmem>> -> memref<1x100xi32, #tpu.memory_space<vmem>>
      %dma_start3A_58 = tpu.memref_squeeze %dma_start3A_57 : memref<1x100xi32, #tpu.memory_space<vmem>> -> memref<100xi32, #tpu.memory_space<vmem>>
      %dma_start3A_59 = arith.constant 0 : i32
      %dma_start3A_60 = arith.constant 0 : i32
      %dma_start3A_61 = tpu.memref_slice %arg2[%dma_start3A_59, %dma_start3A_60] : memref<40000x128xf32, #tpu.memory_space<hbm>> -> memref<40000x128xf32, #tpu.memory_space<hbm>>
      tpu.enqueue_indirect_dma source(%dma_start3A_61 : memref<40000x128xf32, #tpu.memory_space<hbm>>) target(%arg10 : memref<100x128xf32, #tpu.memory_space<vmem>>) offsets(%dma_start3A_58 : memref<100xi32, #tpu.memory_space<vmem>>) semaphore(%arg13 : memref<!tpu.dma_semaphore, #tpu.memory_space<semaphore_mem>>)
      %dma_wait3A_62 = arith.constant 0 : i32
      %dma_wait3A_63 = tpu.memref_slice %arg7[%mul3A_53, %dma_wait3A_62] : memref<50x100xi32, #tpu.memory_space<vmem>> -> memref<1x100xi32, #tpu.memory_space<vmem>>
      %dma_wait3A_64 = tpu.memref_squeeze %dma_wait3A_63 : memref<1x100xi32, #tpu.memory_space<vmem>> -> memref<100xi32, #tpu.memory_space<vmem>>
      %dma_wait3A_65 = arith.constant 0 : i32
      %dma_wait3A_66 = arith.constant 0 : i32
      %dma_wait3A_67 = tpu.memref_slice %arg2[%dma_wait3A_65, %dma_wait3A_66] : memref<40000x128xf32, #tpu.memory_space<hbm>> -> memref<40000x128xf32, #tpu.memory_space<hbm>>
      tpu.wait_indirect_dma semaphore(%arg12 : memref<!tpu.dma_semaphore, #tpu.memory_space<semaphore_mem>>) src(%dma_wait3A_67 : memref<40000x128xf32, #tpu.memory_space<hbm>>) dst(%arg9 : memref<100x128xf32, #tpu.memory_space<vmem>>)
      "tpu.region"() ({
        %run_scoped3A_84 = tpu.sem_alloc : memref<!tpu.dma_semaphore, #tpu.memory_space<semaphore_mem>>
        %dma_start3A_85 = arith.constant 0 : i32
        %dma_start3A_86 = tpu.memref_slice %arg8[%mul3A_53, %dma_start3A_85] : memref<50x100xi32, #tpu.memory_space<vmem>> -> memref<1x100xi32, #tpu.memory_space<vmem>>
        %dma_start3A_87 = tpu.memref_squeeze %dma_start3A_86 : memref<1x100xi32, #tpu.memory_space<vmem>> -> memref<100xi32, #tpu.memory_space<vmem>>
        %dma_start3A_88 = arith.constant 0 : i32
        %dma_start3A_89 = arith.constant 0 : i32
        %dma_start3A_90 = tpu.memref_slice %arg11[%dma_start3A_88, %dma_start3A_89] : memref<10000x128xf32, #tpu.memory_space<vmem_shared>> -> memref<10000x128xf32, #tpu.memory_space<vmem_shared>>
        tpu.enqueue_indirect_dma source(%arg9 : memref<100x128xf32, #tpu.memory_space<vmem>>) target(%dma_start3A_90 : memref<10000x128xf32, #tpu.memory_space<vmem_shared>>) offsets(%dma_start3A_87 : memref<100xi32, #tpu.memory_space<vmem>>) semaphore(%run_scoped3A_84 : memref<!tpu.dma_semaphore, #tpu.memory_space<semaphore_mem>>) {add = true}
        %dma_wait3A_91 = arith.constant 0 : i32
        %dma_wait3A_92 = tpu.memref_slice %arg8[%mul3A_53, %dma_wait3A_91] : memref<50x100xi32, #tpu.memory_space<vmem>> -> memref<1x100xi32, #tpu.memory_space<vmem>>
        %dma_wait3A_93 = tpu.memref_squeeze %dma_wait3A_92 : memref<1x100xi32, #tpu.memory_space<vmem>> -> memref<100xi32, #tpu.memory_space<vmem>>
        %dma_wait3A_94 = arith.constant 0 : i32
        %dma_wait3A_95 = arith.constant 0 : i32
        %dma_wait3A_96 = tpu.memref_slice %arg11[%dma_wait3A_94, %dma_wait3A_95] : memref<10000x128xf32, #tpu.memory_space<vmem_shared>> -> memref<10000x128xf32, #tpu.memory_space<vmem_shared>>
        tpu.wait_indirect_dma semaphore(%run_scoped3A_84 : memref<!tpu.dma_semaphore, #tpu.memory_space<semaphore_mem>>) src(%arg9 : memref<100x128xf32, #tpu.memory_space<vmem>>) dst(%dma_wait3A_96 : memref<10000x128xf32, #tpu.memory_space<vmem_shared>>)
        tpu.yield
      }) : () -> ()
      %add3A_68 = arith.constant 2 : i32
      %add3A_69 = arith.addi %mul3A_53, %add3A_68 : i32
      %lt3A = arith.constant 50 : i32
      %lt3A_70 = arith.cmpi slt, %add3A_69, %lt3A : i32
      %convert_element_type3A_71 = arith.extui %lt3A_70 : i1 to i32
      %cond3A_72 = arith.constant 0 : i32
      %cond3A_73 = arith.cmpi ne, %convert_element_type3A_71, %cond3A_72 : i32
      scf.if %cond3A_73 {
        %add3A_84 = arith.constant 2 : i32
        %add3A_85 = arith.addi %mul3A_53, %add3A_84 : i32
        %dma_start3A_86 = arith.constant 0 : i32
        %dma_start3A_87 = tpu.memref_slice %arg7[%add3A_85, %dma_start3A_86] : memref<50x100xi32, #tpu.memory_space<vmem>> -> memref<1x100xi32, #tpu.memory_space<vmem>>
        %dma_start3A_88 = tpu.memref_squeeze %dma_start3A_87 : memref<1x100xi32, #tpu.memory_space<vmem>> -> memref<100xi32, #tpu.memory_space<vmem>>
        %dma_start3A_89 = arith.constant 0 : i32
        %dma_start3A_90 = arith.constant 0 : i32
        %dma_start3A_91 = tpu.memref_slice %arg2[%dma_start3A_89, %dma_start3A_90] : memref<40000x128xf32, #tpu.memory_space<hbm>> -> memref<40000x128xf32, #tpu.memory_space<hbm>>
        tpu.enqueue_indirect_dma source(%dma_start3A_91 : memref<40000x128xf32, #tpu.memory_space<hbm>>) target(%arg9 : memref<100x128xf32, #tpu.memory_space<vmem>>) offsets(%dma_start3A_88 : memref<100xi32, #tpu.memory_space<vmem>>) semaphore(%arg12 : memref<!tpu.dma_semaphore, #tpu.memory_space<semaphore_mem>>)
      } else {
      }
      %add3A_74 = arith.constant 1 : i32
      %add3A_75 = arith.addi %mul3A_53, %add3A_74 : i32
      %dma_wait3A_76 = arith.constant 0 : i32
      %dma_wait3A_77 = tpu.memref_slice %arg7[%add3A_75, %dma_wait3A_76] : memref<50x100xi32, #tpu.memory_space<vmem>> -> memref<1x100xi32, #tpu.memory_space<vmem>>
      %dma_wait3A_78 = tpu.memref_squeeze %dma_wait3A_77 : memref<1x100xi32, #tpu.memory_space<vmem>> -> memref<100xi32, #tpu.memory_space<vmem>>
      %dma_wait3A_79 = arith.constant 0 : i32
      %dma_wait3A_80 = arith.constant 0 : i32
      %dma_wait3A_81 = tpu.memref_slice %arg2[%dma_wait3A_79, %dma_wait3A_80] : memref<40000x128xf32, #tpu.memory_space<hbm>> -> memref<40000x128xf32, #tpu.memory_space<hbm>>
      tpu.wait_indirect_dma semaphore(%arg13 : memref<!tpu.dma_semaphore, #tpu.memory_space<semaphore_mem>>) src(%dma_wait3A_81 : memref<40000x128xf32, #tpu.memory_space<hbm>>) dst(%arg10 : memref<100x128xf32, #tpu.memory_space<vmem>>)
      %add3A_82 = arith.constant 1 : i32
      %add3A_83 = arith.addi %mul3A_53, %add3A_82 : i32
      "tpu.region"() ({
        %run_scoped3A_84 = tpu.sem_alloc : memref<!tpu.dma_semaphore, #tpu.memory_space<semaphore_mem>>
        %dma_start3A_85 = arith.constant 0 : i32
        %dma_start3A_86 = tpu.memref_slice %arg8[%add3A_83, %dma_start3A_85] : memref<50x100xi32, #tpu.memory_space<vmem>> -> memref<1x100xi32, #tpu.memory_space<vmem>>
        %dma_start3A_87 = tpu.memref_squeeze %dma_start3A_86 : memref<1x100xi32, #tpu.memory_space<vmem>> -> memref<100xi32, #tpu.memory_space<vmem>>
        %dma_start3A_88 = arith.constant 0 : i32
        %dma_start3A_89 = arith.constant 0 : i32
        %dma_start3A_90 = tpu.memref_slice %arg11[%dma_start3A_88, %dma_start3A_89] : memref<10000x128xf32, #tpu.memory_space<vmem_shared>> -> memref<10000x128xf32, #tpu.memory_space<vmem_shared>>
        tpu.enqueue_indirect_dma source(%arg10 : memref<100x128xf32, #tpu.memory_space<vmem>>) target(%dma_start3A_90 : memref<10000x128xf32, #tpu.memory_space<vmem_shared>>) offsets(%dma_start3A_87 : memref<100xi32, #tpu.memory_space<vmem>>) semaphore(%run_scoped3A_84 : memref<!tpu.dma_semaphore, #tpu.memory_space<semaphore_mem>>) {add = true}
        %dma_wait3A_91 = arith.constant 0 : i32
        %dma_wait3A_92 = tpu.memref_slice %arg8[%add3A_83, %dma_wait3A_91] : memref<50x100xi32, #tpu.memory_space<vmem>> -> memref<1x100xi32, #tpu.memory_space<vmem>>
        %dma_wait3A_93 = tpu.memref_squeeze %dma_wait3A_92 : memref<1x100xi32, #tpu.memory_space<vmem>> -> memref<100xi32, #tpu.memory_space<vmem>>
        %dma_wait3A_94 = arith.constant 0 : i32
        %dma_wait3A_95 = arith.constant 0 : i32
        %dma_wait3A_96 = tpu.memref_slice %arg11[%dma_wait3A_94, %dma_wait3A_95] : memref<10000x128xf32, #tpu.memory_space<vmem_shared>> -> memref<10000x128xf32, #tpu.memory_space<vmem_shared>>
        tpu.wait_indirect_dma semaphore(%run_scoped3A_84 : memref<!tpu.dma_semaphore, #tpu.memory_space<semaphore_mem>>) src(%arg10 : memref<100x128xf32, #tpu.memory_space<vmem>>) dst(%dma_wait3A_96 : memref<10000x128xf32, #tpu.memory_space<vmem_shared>>)
        tpu.yield
      }) : () -> ()
    }
    %scan3A_25 = arith.constant 25 : i32
    %run_scoped3A_26 = arith.constant 1 : i32
    "tpu.region"() ({
      %run_scoped3A_51 = tpu.sem_alloc : memref<!tpu.dma_semaphore, #tpu.memory_space<semaphore_mem>>
      %dma_start3A_52 = arith.constant 0 : i32
      %dma_start3A_53 = arith.constant 0 : i32
      %dma_start3A_54 = tpu.memref_slice %arg3[%add3A, %run_scoped3A_26, %dma_start3A_52, %dma_start3A_53] : memref<32x2x50x100xi32, #tpu.memory_space<hbm>> -> memref<1x1x50x100xi32, #tpu.memory_space<hbm>>
      %dma_start3A_55 = tpu.memref_squeeze %dma_start3A_54 : memref<1x1x50x100xi32, #tpu.memory_space<hbm>> -> memref<50x100xi32, #tpu.memory_space<hbm>>
      %dma_start3A_56 = arith.constant 0 : i32
      %dma_start3A_57 = arith.constant 0 : i32
      %dma_start3A_58 = tpu.memref_slice %arg3[%add3A, %run_scoped3A_26, %dma_start3A_56, %dma_start3A_57] : memref<32x2x50x100xi32, #tpu.memory_space<hbm>> -> memref<1x1x50x100xi32, #tpu.memory_space<hbm>>
      %dma_start3A_59 = tpu.memref_squeeze %dma_start3A_58 : memref<1x1x50x100xi32, #tpu.memory_space<hbm>> -> memref<50x100xi32, #tpu.memory_space<hbm>>
      tpu.enqueue_dma source(%dma_start3A_59 : memref<50x100xi32, #tpu.memory_space<hbm>>) target(%arg7 : memref<50x100xi32, #tpu.memory_space<vmem>>) target_semaphore(%run_scoped3A_51 : memref<!tpu.dma_semaphore, #tpu.memory_space<semaphore_mem>>)
      %dma_wait3A_60 = arith.constant 0 : i32
      %dma_wait3A_61 = arith.constant 0 : i32
      %dma_wait3A_62 = tpu.memref_slice %arg3[%add3A, %run_scoped3A_26, %dma_wait3A_60, %dma_wait3A_61] : memref<32x2x50x100xi32, #tpu.memory_space<hbm>> -> memref<1x1x50x100xi32, #tpu.memory_space<hbm>>
      %dma_wait3A_63 = tpu.memref_squeeze %dma_wait3A_62 : memref<1x1x50x100xi32, #tpu.memory_space<hbm>> -> memref<50x100xi32, #tpu.memory_space<hbm>>
      %dma_wait3A_64 = arith.constant 0 : i32
      %dma_wait3A_65 = arith.constant 0 : i32
      %dma_wait3A_66 = tpu.memref_slice %arg3[%add3A, %run_scoped3A_26, %dma_wait3A_64, %dma_wait3A_65] : memref<32x2x50x100xi32, #tpu.memory_space<hbm>> -> memref<1x1x50x100xi32, #tpu.memory_space<hbm>>
      %dma_wait3A_67 = tpu.memref_squeeze %dma_wait3A_66 : memref<1x1x50x100xi32, #tpu.memory_space<hbm>> -> memref<50x100xi32, #tpu.memory_space<hbm>>
      tpu.wait_dma2 semaphore(%run_scoped3A_51 : memref<!tpu.dma_semaphore, #tpu.memory_space<semaphore_mem>>) src(%dma_wait3A_67 : memref<50x100xi32, #tpu.memory_space<hbm>>) dst(%arg7 : memref<50x100xi32, #tpu.memory_space<vmem>>)
      tpu.yield
    }) : () -> ()
    %run_scoped3A_27 = arith.constant 1 : i32
    "tpu.region"() ({
      %run_scoped3A_51 = tpu.sem_alloc : memref<!tpu.dma_semaphore, #tpu.memory_space<semaphore_mem>>
      %dma_start3A_52 = arith.constant 0 : i32
      %dma_start3A_53 = arith.constant 0 : i32
      %dma_start3A_54 = tpu.memref_slice %arg4[%add3A, %run_scoped3A_27, %dma_start3A_52, %dma_start3A_53] : memref<32x2x50x100xi32, #tpu.memory_space<hbm>> -> memref<1x1x50x100xi32, #tpu.memory_space<hbm>>
      %dma_start3A_55 = tpu.memref_squeeze %dma_start3A_54 : memref<1x1x50x100xi32, #tpu.memory_space<hbm>> -> memref<50x100xi32, #tpu.memory_space<hbm>>
      %dma_start3A_56 = arith.constant 0 : i32
      %dma_start3A_57 = arith.constant 0 : i32
      %dma_start3A_58 = tpu.memref_slice %arg4[%add3A, %run_scoped3A_27, %dma_start3A_56, %dma_start3A_57] : memref<32x2x50x100xi32, #tpu.memory_space<hbm>> -> memref<1x1x50x100xi32, #tpu.memory_space<hbm>>
      %dma_start3A_59 = tpu.memref_squeeze %dma_start3A_58 : memref<1x1x50x100xi32, #tpu.memory_space<hbm>> -> memref<50x100xi32, #tpu.memory_space<hbm>>
      tpu.enqueue_dma source(%dma_start3A_59 : memref<50x100xi32, #tpu.memory_space<hbm>>) target(%arg8 : memref<50x100xi32, #tpu.memory_space<vmem>>) target_semaphore(%run_scoped3A_51 : memref<!tpu.dma_semaphore, #tpu.memory_space<semaphore_mem>>)
      %dma_wait3A_60 = arith.constant 0 : i32
      %dma_wait3A_61 = arith.constant 0 : i32
      %dma_wait3A_62 = tpu.memref_slice %arg4[%add3A, %run_scoped3A_27, %dma_wait3A_60, %dma_wait3A_61] : memref<32x2x50x100xi32, #tpu.memory_space<hbm>> -> memref<1x1x50x100xi32, #tpu.memory_space<hbm>>
      %dma_wait3A_63 = tpu.memref_squeeze %dma_wait3A_62 : memref<1x1x50x100xi32, #tpu.memory_space<hbm>> -> memref<50x100xi32, #tpu.memory_space<hbm>>
      %dma_wait3A_64 = arith.constant 0 : i32
      %dma_wait3A_65 = arith.constant 0 : i32
      %dma_wait3A_66 = tpu.memref_slice %arg4[%add3A, %run_scoped3A_27, %dma_wait3A_64, %dma_wait3A_65] : memref<32x2x50x100xi32, #tpu.memory_space<hbm>> -> memref<1x1x50x100xi32, #tpu.memory_space<hbm>>
      %dma_wait3A_67 = tpu.memref_squeeze %dma_wait3A_66 : memref<1x1x50x100xi32, #tpu.memory_space<hbm>> -> memref<50x100xi32, #tpu.memory_space<hbm>>
      tpu.wait_dma2 semaphore(%run_scoped3A_51 : memref<!tpu.dma_semaphore, #tpu.memory_space<semaphore_mem>>) src(%dma_wait3A_67 : memref<50x100xi32, #tpu.memory_space<hbm>>) dst(%arg8 : memref<50x100xi32, #tpu.memory_space<vmem>>)
      tpu.yield
    }) : () -> ()
    %dma_start3A_28 = arith.constant 0 : i32
    %dma_start3A_29 = arith.constant 0 : i32
    %dma_start3A_30 = tpu.memref_slice %arg7[%dma_start3A_28, %dma_start3A_29] : memref<50x100xi32, #tpu.memory_space<vmem>> -> memref<1x100xi32, #tpu.memory_space<vmem>>
    %dma_start3A_31 = tpu.memref_squeeze %dma_start3A_30 : memref<1x100xi32, #tpu.memory_space<vmem>> -> memref<100xi32, #tpu.memory_space<vmem>>
    %dma_start3A_32 = arith.constant 0 : i32
    %dma_start3A_33 = arith.constant 0 : i32
    %dma_start3A_34 = tpu.memref_slice %arg2[%dma_start3A_32, %dma_start3A_33] : memref<40000x128xf32, #tpu.memory_space<hbm>> -> memref<40000x128xf32, #tpu.memory_space<hbm>>
    tpu.enqueue_indirect_dma source(%dma_start3A_34 : memref<40000x128xf32, #tpu.memory_space<hbm>>) target(%arg9 : memref<100x128xf32, #tpu.memory_space<vmem>>) offsets(%dma_start3A_31 : memref<100xi32, #tpu.memory_space<vmem>>) semaphore(%arg12 : memref<!tpu.dma_semaphore, #tpu.memory_space<semaphore_mem>>)
    %scan3A_35 = arith.constant 0 : i32
    %scan3A_36 = arith.constant 0 : i32
    %scan3A_37 = arith.constant 25 : i32
    %scan3A_38 = arith.addi %scan3A_36, %scan3A_37 : i32
    %scan3A_39 = arith.constant 1 : i32
    scf.for %scan3A_51 = %scan3A_36 to %scan3A_38 step %scan3A_39  : i32 {
      %mul3A_52 = arith.constant 2 : i32
      %mul3A_53 = arith.muli %mul3A_52, %scan3A_51 : i32
      %add3A_54 = arith.constant 1 : i32
      %add3A_55 = arith.addi %mul3A_53, %add3A_54 : i32
      %dma_start3A_56 = arith.constant 0 : i32
      %dma_start3A_57 = tpu.memref_slice %arg7[%add3A_55, %dma_start3A_56] : memref<50x100xi32, #tpu.memory_space<vmem>> -> memref<1x100xi32, #tpu.memory_space<vmem>>
      %dma_start3A_58 = tpu.memref_squeeze %dma_start3A_57 : memref<1x100xi32, #tpu.memory_space<vmem>> -> memref<100xi32, #tpu.memory_space<vmem>>
      %dma_start3A_59 = arith.constant 0 : i32
      %dma_start3A_60 = arith.constant 0 : i32
      %dma_start3A_61 = tpu.memref_slice %arg2[%dma_start3A_59, %dma_start3A_60] : memref<40000x128xf32, #tpu.memory_space<hbm>> -> memref<40000x128xf32, #tpu.memory_space<hbm>>
      tpu.enqueue_indirect_dma source(%dma_start3A_61 : memref<40000x128xf32, #tpu.memory_space<hbm>>) target(%arg10 : memref<100x128xf32, #tpu.memory_space<vmem>>) offsets(%dma_start3A_58 : memref<100xi32, #tpu.memory_space<vmem>>) semaphore(%arg13 : memref<!tpu.dma_semaphore, #tpu.memory_space<semaphore_mem>>)
      %dma_wait3A_62 = arith.constant 0 : i32
      %dma_wait3A_63 = tpu.memref_slice %arg7[%mul3A_53, %dma_wait3A_62] : memref<50x100xi32, #tpu.memory_space<vmem>> -> memref<1x100xi32, #tpu.memory_space<vmem>>
      %dma_wait3A_64 = tpu.memref_squeeze %dma_wait3A_63 : memref<1x100xi32, #tpu.memory_space<vmem>> -> memref<100xi32, #tpu.memory_space<vmem>>
      %dma_wait3A_65 = arith.constant 0 : i32
      %dma_wait3A_66 = arith.constant 0 : i32
      %dma_wait3A_67 = tpu.memref_slice %arg2[%dma_wait3A_65, %dma_wait3A_66] : memref<40000x128xf32, #tpu.memory_space<hbm>> -> memref<40000x128xf32, #tpu.memory_space<hbm>>
      tpu.wait_indirect_dma semaphore(%arg12 : memref<!tpu.dma_semaphore, #tpu.memory_space<semaphore_mem>>) src(%dma_wait3A_67 : memref<40000x128xf32, #tpu.memory_space<hbm>>) dst(%arg9 : memref<100x128xf32, #tpu.memory_space<vmem>>)
      "tpu.region"() ({
        %run_scoped3A_84 = tpu.sem_alloc : memref<!tpu.dma_semaphore, #tpu.memory_space<semaphore_mem>>
        %dma_start3A_85 = arith.constant 0 : i32
        %dma_start3A_86 = tpu.memref_slice %arg8[%mul3A_53, %dma_start3A_85] : memref<50x100xi32, #tpu.memory_space<vmem>> -> memref<1x100xi32, #tpu.memory_space<vmem>>
        %dma_start3A_87 = tpu.memref_squeeze %dma_start3A_86 : memref<1x100xi32, #tpu.memory_space<vmem>> -> memref<100xi32, #tpu.memory_space<vmem>>
        %dma_start3A_88 = arith.constant 0 : i32
        %dma_start3A_89 = arith.constant 0 : i32
        %dma_start3A_90 = tpu.memref_slice %arg11[%dma_start3A_88, %dma_start3A_89] : memref<10000x128xf32, #tpu.memory_space<vmem_shared>> -> memref<10000x128xf32, #tpu.memory_space<vmem_shared>>
        tpu.enqueue_indirect_dma source(%arg9 : memref<100x128xf32, #tpu.memory_space<vmem>>) target(%dma_start3A_90 : memref<10000x128xf32, #tpu.memory_space<vmem_shared>>) offsets(%dma_start3A_87 : memref<100xi32, #tpu.memory_space<vmem>>) semaphore(%run_scoped3A_84 : memref<!tpu.dma_semaphore, #tpu.memory_space<semaphore_mem>>) {add = true}
        %dma_wait3A_91 = arith.constant 0 : i32
        %dma_wait3A_92 = tpu.memref_slice %arg8[%mul3A_53, %dma_wait3A_91] : memref<50x100xi32, #tpu.memory_space<vmem>> -> memref<1x100xi32, #tpu.memory_space<vmem>>
        %dma_wait3A_93 = tpu.memref_squeeze %dma_wait3A_92 : memref<1x100xi32, #tpu.memory_space<vmem>> -> memref<100xi32, #tpu.memory_space<vmem>>
        %dma_wait3A_94 = arith.constant 0 : i32
        %dma_wait3A_95 = arith.constant 0 : i32
        %dma_wait3A_96 = tpu.memref_slice %arg11[%dma_wait3A_94, %dma_wait3A_95] : memref<10000x128xf32, #tpu.memory_space<vmem_shared>> -> memref<10000x128xf32, #tpu.memory_space<vmem_shared>>
        tpu.wait_indirect_dma semaphore(%run_scoped3A_84 : memref<!tpu.dma_semaphore, #tpu.memory_space<semaphore_mem>>) src(%arg9 : memref<100x128xf32, #tpu.memory_space<vmem>>) dst(%dma_wait3A_96 : memref<10000x128xf32, #tpu.memory_space<vmem_shared>>)
        tpu.yield
      }) : () -> ()
      %add3A_68 = arith.constant 2 : i32
      %add3A_69 = arith.addi %mul3A_53, %add3A_68 : i32
      %lt3A = arith.constant 50 : i32
      %lt3A_70 = arith.cmpi slt, %add3A_69, %lt3A : i32
      %convert_element_type3A_71 = arith.extui %lt3A_70 : i1 to i32
      %cond3A_72 = arith.constant 0 : i32
      %cond3A_73 = arith.cmpi ne, %convert_element_type3A_71, %cond3A_72 : i32
      scf.if %cond3A_73 {
        %add3A_84 = arith.constant 2 : i32
        %add3A_85 = arith.addi %mul3A_53, %add3A_84 : i32
        %dma_start3A_86 = arith.constant 0 : i32
        %dma_start3A_87 = tpu.memref_slice %arg7[%add3A_85, %dma_start3A_86] : memref<50x100xi32, #tpu.memory_space<vmem>> -> memref<1x100xi32, #tpu.memory_space<vmem>>
        %dma_start3A_88 = tpu.memref_squeeze %dma_start3A_87 : memref<1x100xi32, #tpu.memory_space<vmem>> -> memref<100xi32, #tpu.memory_space<vmem>>
        %dma_start3A_89 = arith.constant 0 : i32
        %dma_start3A_90 = arith.constant 0 : i32
        %dma_start3A_91 = tpu.memref_slice %arg2[%dma_start3A_89, %dma_start3A_90] : memref<40000x128xf32, #tpu.memory_space<hbm>> -> memref<40000x128xf32, #tpu.memory_space<hbm>>
        tpu.enqueue_indirect_dma source(%dma_start3A_91 : memref<40000x128xf32, #tpu.memory_space<hbm>>) target(%arg9 : memref<100x128xf32, #tpu.memory_space<vmem>>) offsets(%dma_start3A_88 : memref<100xi32, #tpu.memory_space<vmem>>) semaphore(%arg12 : memref<!tpu.dma_semaphore, #tpu.memory_space<semaphore_mem>>)
      } else {
      }
      %add3A_74 = arith.constant 1 : i32
      %add3A_75 = arith.addi %mul3A_53, %add3A_74 : i32
      %dma_wait3A_76 = arith.constant 0 : i32
      %dma_wait3A_77 = tpu.memref_slice %arg7[%add3A_75, %dma_wait3A_76] : memref<50x100xi32, #tpu.memory_space<vmem>> -> memref<1x100xi32, #tpu.memory_space<vmem>>
      %dma_wait3A_78 = tpu.memref_squeeze %dma_wait3A_77 : memref<1x100xi32, #tpu.memory_space<vmem>> -> memref<100xi32, #tpu.memory_space<vmem>>
      %dma_wait3A_79 = arith.constant 0 : i32
      %dma_wait3A_80 = arith.constant 0 : i32
      %dma_wait3A_81 = tpu.memref_slice %arg2[%dma_wait3A_79, %dma_wait3A_80] : memref<40000x128xf32, #tpu.memory_space<hbm>> -> memref<40000x128xf32, #tpu.memory_space<hbm>>
      tpu.wait_indirect_dma semaphore(%arg13 : memref<!tpu.dma_semaphore, #tpu.memory_space<semaphore_mem>>) src(%dma_wait3A_81 : memref<40000x128xf32, #tpu.memory_space<hbm>>) dst(%arg10 : memref<100x128xf32, #tpu.memory_space<vmem>>)
      %add3A_82 = arith.constant 1 : i32
      %add3A_83 = arith.addi %mul3A_53, %add3A_82 : i32
      "tpu.region"() ({
        %run_scoped3A_84 = tpu.sem_alloc : memref<!tpu.dma_semaphore, #tpu.memory_space<semaphore_mem>>
        %dma_start3A_85 = arith.constant 0 : i32
        %dma_start3A_86 = tpu.memref_slice %arg8[%add3A_83, %dma_start3A_85] : memref<50x100xi32, #tpu.memory_space<vmem>> -> memref<1x100xi32, #tpu.memory_space<vmem>>
        %dma_start3A_87 = tpu.memref_squeeze %dma_start3A_86 : memref<1x100xi32, #tpu.memory_space<vmem>> -> memref<100xi32, #tpu.memory_space<vmem>>
        %dma_start3A_88 = arith.constant 0 : i32
        %dma_start3A_89 = arith.constant 0 : i32
        %dma_start3A_90 = tpu.memref_slice %arg11[%dma_start3A_88, %dma_start3A_89] : memref<10000x128xf32, #tpu.memory_space<vmem_shared>> -> memref<10000x128xf32, #tpu.memory_space<vmem_shared>>
        tpu.enqueue_indirect_dma source(%arg10 : memref<100x128xf32, #tpu.memory_space<vmem>>) target(%dma_start3A_90 : memref<10000x128xf32, #tpu.memory_space<vmem_shared>>) offsets(%dma_start3A_87 : memref<100xi32, #tpu.memory_space<vmem>>) semaphore(%run_scoped3A_84 : memref<!tpu.dma_semaphore, #tpu.memory_space<semaphore_mem>>) {add = true}
        %dma_wait3A_91 = arith.constant 0 : i32
        %dma_wait3A_92 = tpu.memref_slice %arg8[%add3A_83, %dma_wait3A_91] : memref<50x100xi32, #tpu.memory_space<vmem>> -> memref<1x100xi32, #tpu.memory_space<vmem>>
        %dma_wait3A_93 = tpu.memref_squeeze %dma_wait3A_92 : memref<1x100xi32, #tpu.memory_space<vmem>> -> memref<100xi32, #tpu.memory_space<vmem>>
        %dma_wait3A_94 = arith.constant 0 : i32
        %dma_wait3A_95 = arith.constant 0 : i32
        %dma_wait3A_96 = tpu.memref_slice %arg11[%dma_wait3A_94, %dma_wait3A_95] : memref<10000x128xf32, #tpu.memory_space<vmem_shared>> -> memref<10000x128xf32, #tpu.memory_space<vmem_shared>>
        tpu.wait_indirect_dma semaphore(%run_scoped3A_84 : memref<!tpu.dma_semaphore, #tpu.memory_space<semaphore_mem>>) src(%arg10 : memref<100x128xf32, #tpu.memory_space<vmem>>) dst(%dma_wait3A_96 : memref<10000x128xf32, #tpu.memory_space<vmem_shared>>)
        tpu.yield
      }) : () -> ()
    }
    %scan3A_40 = arith.constant 25 : i32
    %barrier3A_41 = arith.constant 0 : index
    tpu.barrier barrier_id(%barrier3A_41)
    %mul3A_42 = arith.constant 624 : i32
    %mul3A_43 = arith.muli %arg1, %mul3A_42 : i32
    %mul3A_44 = arith.constant 624 : i32
    %mul3A_45 = arith.muli %arg1, %mul3A_44 : i32
    "tpu.region"() ({
      %run_scoped3A_51 = tpu.sem_alloc : memref<!tpu.dma_semaphore, #tpu.memory_space<semaphore_mem>>
      %dma_start3A_52 = arith.constant 0 : i32
      %dma_start3A_53 = tpu.memref_slice %arg6[%arg0, %mul3A_45, %dma_start3A_52] : memref<2x10000x128xf32, #tpu.memory_space<hbm>> -> memref<1x624x128xf32, #tpu.memory_space<hbm>>
      %dma_start3A_54 = tpu.memref_squeeze %dma_start3A_53 : memref<1x624x128xf32, #tpu.memory_space<hbm>> -> memref<624x128xf32, #tpu.memory_space<hbm>>
      %dma_start3A_55 = arith.constant 0 : i32
      %dma_start3A_56 = tpu.memref_slice %arg11[%mul3A_43, %dma_start3A_55] : memref<10000x128xf32, #tpu.memory_space<vmem_shared>> -> memref<624x128xf32, #tpu.memory_space<vmem_shared>>
      tpu.enqueue_dma source(%dma_start3A_56 : memref<624x128xf32, #tpu.memory_space<vmem_shared>>) target(%dma_start3A_54 : memref<624x128xf32, #tpu.memory_space<hbm>>) target_semaphore(%run_scoped3A_51 : memref<!tpu.dma_semaphore, #tpu.memory_space<semaphore_mem>>)
      %dma_wait3A_57 = arith.constant 0 : i32
      %dma_wait3A_58 = tpu.memref_slice %arg6[%arg0, %mul3A_45, %dma_wait3A_57] : memref<2x10000x128xf32, #tpu.memory_space<hbm>> -> memref<1x624x128xf32, #tpu.memory_space<hbm>>
      %dma_wait3A_59 = tpu.memref_squeeze %dma_wait3A_58 : memref<1x624x128xf32, #tpu.memory_space<hbm>> -> memref<624x128xf32, #tpu.memory_space<hbm>>
      %dma_wait3A_60 = arith.constant 0 : i32
      %dma_wait3A_61 = tpu.memref_slice %arg11[%mul3A_43, %dma_wait3A_60] : memref<10000x128xf32, #tpu.memory_space<vmem_shared>> -> memref<624x128xf32, #tpu.memory_space<vmem_shared>>
      tpu.wait_dma2 semaphore(%run_scoped3A_51 : memref<!tpu.dma_semaphore, #tpu.memory_space<semaphore_mem>>) src(%dma_wait3A_61 : memref<624x128xf32, #tpu.memory_space<vmem_shared>>) dst(%dma_wait3A_59 : memref<624x128xf32, #tpu.memory_space<hbm>>)
      tpu.yield
    }) : () -> ()
    %eq3A_46 = arith.constant 15 : i32
    %eq3A_47 = arith.cmpi eq, %arg1, %eq3A_46 : i32
    %convert_element_type3A_48 = arith.extui %eq3A_47 : i1 to i32
    %cond3A_49 = arith.constant 0 : i32
    %cond3A_50 = arith.cmpi ne, %convert_element_type3A_48, %cond3A_49 : i32
    scf.if %cond3A_50 {
      "tpu.region"() ({
        %run_scoped3A_51 = tpu.sem_alloc : memref<!tpu.dma_semaphore, #tpu.memory_space<semaphore_mem>>
        %dma_start3A_52 = arith.constant 9984 : i32
        %dma_start3A_53 = arith.constant 0 : i32
        %dma_start3A_54 = tpu.memref_slice %arg6[%arg0, %dma_start3A_52, %dma_start3A_53] : memref<2x10000x128xf32, #tpu.memory_space<hbm>> -> memref<1x16x128xf32, #tpu.memory_space<hbm>>
        %dma_start3A_55 = tpu.memref_squeeze %dma_start3A_54 : memref<1x16x128xf32, #tpu.memory_space<hbm>> -> memref<16x128xf32, #tpu.memory_space<hbm>>
        %dma_start3A_56 = arith.constant 9984 : i32
        %dma_start3A_57 = arith.constant 0 : i32
        %dma_start3A_58 = tpu.memref_slice %arg11[%dma_start3A_56, %dma_start3A_57] : memref<10000x128xf32, #tpu.memory_space<vmem_shared>> -> memref<16x128xf32, #tpu.memory_space<vmem_shared>>
        tpu.enqueue_dma source(%dma_start3A_58 : memref<16x128xf32, #tpu.memory_space<vmem_shared>>) target(%dma_start3A_55 : memref<16x128xf32, #tpu.memory_space<hbm>>) target_semaphore(%run_scoped3A_51 : memref<!tpu.dma_semaphore, #tpu.memory_space<semaphore_mem>>)
        %dma_wait3A_59 = arith.constant 9984 : i32
        %dma_wait3A_60 = arith.constant 0 : i32
        %dma_wait3A_61 = tpu.memref_slice %arg6[%arg0, %dma_wait3A_59, %dma_wait3A_60] : memref<2x10000x128xf32, #tpu.memory_space<hbm>> -> memref<1x16x128xf32, #tpu.memory_space<hbm>>
        %dma_wait3A_62 = tpu.memref_squeeze %dma_wait3A_61 : memref<1x16x128xf32, #tpu.memory_space<hbm>> -> memref<16x128xf32, #tpu.memory_space<hbm>>
        %dma_wait3A_63 = arith.constant 9984 : i32
        %dma_wait3A_64 = arith.constant 0 : i32
        %dma_wait3A_65 = tpu.memref_slice %arg11[%dma_wait3A_63, %dma_wait3A_64] : memref<10000x128xf32, #tpu.memory_space<vmem_shared>> -> memref<16x128xf32, #tpu.memory_space<vmem_shared>>
        tpu.wait_dma2 semaphore(%run_scoped3A_51 : memref<!tpu.dma_semaphore, #tpu.memory_space<semaphore_mem>>) src(%dma_wait3A_65 : memref<16x128xf32, #tpu.memory_space<vmem_shared>>) dst(%dma_wait3A_62 : memref<16x128xf32, #tpu.memory_space<hbm>>)
        tpu.yield
      }) : () -> ()
    } else {
    }
    return
  }
}

#map = affine_map<(d0, d1) -> (0, 0)>
#map1 = affine_map<(d0, d1) -> (0, 0, 0, 0)>
#map2 = affine_map<(d0, d1) -> (0, 0, 0)>
module attributes {stable_mosaic.version = 14 : i64} {
  func.func @_edge_body(%arg0: i32, %arg1: i32, %arg2: memref<40000x128xf32, #tpu.memory_space<hbm>>, %arg3: memref<32x2x50x100xi32, #tpu.memory_space<hbm>>, %arg4: memref<32x2x50x100xi32, #tpu.memory_space<hbm>>, %arg5: memref<10000x128xf32, #tpu.memory_space<hbm>>, %arg6: memref<2x10000x128xf32, #tpu.memory_space<hbm>>, %arg7: memref<50x100xi32, #tpu.memory_space<vmem>>, %arg8: memref<50x100xi32, #tpu.memory_space<vmem>>, %arg9: memref<100x128xf32, #tpu.memory_space<vmem>>, %arg10: memref<100x128xf32, #tpu.memory_space<vmem>>, %arg11: memref<10000x128xf32, #tpu.memory_space<vmem_shared>>, %arg12: memref<!tpu.dma_semaphore, #tpu.memory_space<semaphore_mem>>, %arg13: memref<!tpu.dma_semaphore, #tpu.memory_space<semaphore_mem>>, %arg14: memref<!tpu.dma_semaphore, #tpu.memory_space<semaphore_mem>>) attributes {dimension_semantics = [#tpu.dimension_semantics<core_parallel>, #tpu.dimension_semantics<subcore_parallel>], iteration_bounds = array<i64: 2, 16>, scalar_prefetch = 0 : i64, scratch_operands = 8 : i64, tpu.core_type = #tpu.core_type<sc_vector_subcore>, window_params = [{transform_indices = #map}, {transform_indices = #map1}, {transform_indices = #map1}, {transform_indices = #map}, {transform_indices = #map2}]} {
    %mul3A = arith.constant 16 : i32
    %mul3A_0 = arith.muli %arg0, %mul3A : i32
    %add3A = arith.addi %mul3A_0, %arg1 : i32
    %mul3A_1 = arith.constant 624 : i32
    %mul3A_2 = arith.muli %arg1, %mul3A_1 : i32
    %mul3A_3 = arith.constant 624 : i32
    %mul3A_4 = arith.muli %arg1, %mul3A_3 : i32
    %dma_start3A = arith.constant 0 : i32
    %dma_start3A_5 = tpu.memref_slice %arg11[%mul3A_4, %dma_start3A] : memref<10000x128xf32, #tpu.memory_space<vmem_shared>> -> memref<624x128xf32, #tpu.memory_space<vmem_shared>>
    %dma_start3A_6 = arith.constant 0 : i32
    %dma_start3A_7 = tpu.memref_slice %arg5[%mul3A_2, %dma_start3A_6] : memref<10000x128xf32, #tpu.memory_space<hbm>> -> memref<624x128xf32, #tpu.memory_space<hbm>>
    tpu.enqueue_dma source(%dma_start3A_7 : memref<624x128xf32, #tpu.memory_space<hbm>>) target(%dma_start3A_5 : memref<624x128xf32, #tpu.memory_space<vmem_shared>>) target_semaphore(%arg14 : memref<!tpu.dma_semaphore, #tpu.memory_space<semaphore_mem>>)
    %run_scoped3A = arith.constant 0 : i32
    "tpu.region"() ({
      %run_scoped3A_51 = tpu.sem_alloc : memref<!tpu.dma_semaphore, #tpu.memory_space<semaphore_mem>>
      %dma_start3A_52 = arith.constant 0 : i32
      %dma_start3A_53 = arith.constant 0 : i32
      %dma_start3A_54 = tpu.memref_slice %arg3[%add3A, %run_scoped3A, %dma_start3A_52, %dma_start3A_53] : memref<32x2x50x100xi32, #tpu.memory_space<hbm>> -> memref<1x1x50x100xi32, #tpu.memory_space<hbm>>
      %dma_start3A_55 = tpu.memref_squeeze %dma_start3A_54 : memref<1x1x50x100xi32, #tpu.memory_space<hbm>> -> memref<50x100xi32, #tpu.memory_space<hbm>>
      %dma_start3A_56 = arith.constant 0 : i32
      %dma_start3A_57 = arith.constant 0 : i32
      %dma_start3A_58 = tpu.memref_slice %arg3[%add3A, %run_scoped3A, %dma_start3A_56, %dma_start3A_57] : memref<32x2x50x100xi32, #tpu.memory_space<hbm>> -> memref<1x1x50x100xi32, #tpu.memory_space<hbm>>
      %dma_start3A_59 = tpu.memref_squeeze %dma_start3A_58 : memref<1x1x50x100xi32, #tpu.memory_space<hbm>> -> memref<50x100xi32, #tpu.memory_space<hbm>>
      tpu.enqueue_dma source(%dma_start3A_59 : memref<50x100xi32, #tpu.memory_space<hbm>>) target(%arg7 : memref<50x100xi32, #tpu.memory_space<vmem>>) target_semaphore(%run_scoped3A_51 : memref<!tpu.dma_semaphore, #tpu.memory_space<semaphore_mem>>)
      %dma_wait3A_60 = arith.constant 0 : i32
      %dma_wait3A_61 = arith.constant 0 : i32
      %dma_wait3A_62 = tpu.memref_slice %arg3[%add3A, %run_scoped3A, %dma_wait3A_60, %dma_wait3A_61] : memref<32x2x50x100xi32, #tpu.memory_space<hbm>> -> memref<1x1x50x100xi32, #tpu.memory_space<hbm>>
      %dma_wait3A_63 = tpu.memref_squeeze %dma_wait3A_62 : memref<1x1x50x100xi32, #tpu.memory_space<hbm>> -> memref<50x100xi32, #tpu.memory_space<hbm>>
      %dma_wait3A_64 = arith.constant 0 : i32
      %dma_wait3A_65 = arith.constant 0 : i32
      %dma_wait3A_66 = tpu.memref_slice %arg3[%add3A, %run_scoped3A, %dma_wait3A_64, %dma_wait3A_65] : memref<32x2x50x100xi32, #tpu.memory_space<hbm>> -> memref<1x1x50x100xi32, #tpu.memory_space<hbm>>
      %dma_wait3A_67 = tpu.memref_squeeze %dma_wait3A_66 : memref<1x1x50x100xi32, #tpu.memory_space<hbm>> -> memref<50x100xi32, #tpu.memory_space<hbm>>
      tpu.wait_dma2 semaphore(%run_scoped3A_51 : memref<!tpu.dma_semaphore, #tpu.memory_space<semaphore_mem>>) src(%dma_wait3A_67 : memref<50x100xi32, #tpu.memory_space<hbm>>) dst(%arg7 : memref<50x100xi32, #tpu.memory_space<vmem>>)
      tpu.yield
    }) : () -> ()
    %run_scoped3A_8 = arith.constant 0 : i32
    "tpu.region"() ({
      %run_scoped3A_51 = tpu.sem_alloc : memref<!tpu.dma_semaphore, #tpu.memory_space<semaphore_mem>>
      %dma_start3A_52 = arith.constant 0 : i32
      %dma_start3A_53 = arith.constant 0 : i32
      %dma_start3A_54 = tpu.memref_slice %arg4[%add3A, %run_scoped3A_8, %dma_start3A_52, %dma_start3A_53] : memref<32x2x50x100xi32, #tpu.memory_space<hbm>> -> memref<1x1x50x100xi32, #tpu.memory_space<hbm>>
      %dma_start3A_55 = tpu.memref_squeeze %dma_start3A_54 : memref<1x1x50x100xi32, #tpu.memory_space<hbm>> -> memref<50x100xi32, #tpu.memory_space<hbm>>
      %dma_start3A_56 = arith.constant 0 : i32
      %dma_start3A_57 = arith.constant 0 : i32
      %dma_start3A_58 = tpu.memref_slice %arg4[%add3A, %run_scoped3A_8, %dma_start3A_56, %dma_start3A_57] : memref<32x2x50x100xi32, #tpu.memory_space<hbm>> -> memref<1x1x50x100xi32, #tpu.memory_space<hbm>>
      %dma_start3A_59 = tpu.memref_squeeze %dma_start3A_58 : memref<1x1x50x100xi32, #tpu.memory_space<hbm>> -> memref<50x100xi32, #tpu.memory_space<hbm>>
      tpu.enqueue_dma source(%dma_start3A_59 : memref<50x100xi32, #tpu.memory_space<hbm>>) target(%arg8 : memref<50x100xi32, #tpu.memory_space<vmem>>) target_semaphore(%run_scoped3A_51 : memref<!tpu.dma_semaphore, #tpu.memory_space<semaphore_mem>>)
      %dma_wait3A_60 = arith.constant 0 : i32
      %dma_wait3A_61 = arith.constant 0 : i32
      %dma_wait3A_62 = tpu.memref_slice %arg4[%add3A, %run_scoped3A_8, %dma_wait3A_60, %dma_wait3A_61] : memref<32x2x50x100xi32, #tpu.memory_space<hbm>> -> memref<1x1x50x100xi32, #tpu.memory_space<hbm>>
      %dma_wait3A_63 = tpu.memref_squeeze %dma_wait3A_62 : memref<1x1x50x100xi32, #tpu.memory_space<hbm>> -> memref<50x100xi32, #tpu.memory_space<hbm>>
      %dma_wait3A_64 = arith.constant 0 : i32
      %dma_wait3A_65 = arith.constant 0 : i32
      %dma_wait3A_66 = tpu.memref_slice %arg4[%add3A, %run_scoped3A_8, %dma_wait3A_64, %dma_wait3A_65] : memref<32x2x50x100xi32, #tpu.memory_space<hbm>> -> memref<1x1x50x100xi32, #tpu.memory_space<hbm>>
      %dma_wait3A_67 = tpu.memref_squeeze %dma_wait3A_66 : memref<1x1x50x100xi32, #tpu.memory_space<hbm>> -> memref<50x100xi32, #tpu.memory_space<hbm>>
      tpu.wait_dma2 semaphore(%run_scoped3A_51 : memref<!tpu.dma_semaphore, #tpu.memory_space<semaphore_mem>>) src(%dma_wait3A_67 : memref<50x100xi32, #tpu.memory_space<hbm>>) dst(%arg8 : memref<50x100xi32, #tpu.memory_space<vmem>>)
      tpu.yield
    }) : () -> ()
    %dma_start3A_9 = arith.constant 0 : i32
    %dma_start3A_10 = arith.constant 0 : i32
    %dma_start3A_11 = tpu.memref_slice %arg7[%dma_start3A_9, %dma_start3A_10] : memref<50x100xi32, #tpu.memory_space<vmem>> -> memref<1x100xi32, #tpu.memory_space<vmem>>
    %dma_start3A_12 = tpu.memref_squeeze %dma_start3A_11 : memref<1x100xi32, #tpu.memory_space<vmem>> -> memref<100xi32, #tpu.memory_space<vmem>>
    %dma_start3A_13 = arith.constant 0 : i32
    %dma_start3A_14 = arith.constant 0 : i32
    %dma_start3A_15 = tpu.memref_slice %arg2[%dma_start3A_13, %dma_start3A_14] : memref<40000x128xf32, #tpu.memory_space<hbm>> -> memref<40000x128xf32, #tpu.memory_space<hbm>>
    tpu.enqueue_indirect_dma source(%dma_start3A_15 : memref<40000x128xf32, #tpu.memory_space<hbm>>) target(%arg9 : memref<100x128xf32, #tpu.memory_space<vmem>>) offsets(%dma_start3A_12 : memref<100xi32, #tpu.memory_space<vmem>>) semaphore(%arg12 : memref<!tpu.dma_semaphore, #tpu.memory_space<semaphore_mem>>)
    %dma_wait3A = arith.constant 0 : i32
    %dma_wait3A_16 = tpu.memref_slice %arg11[%mul3A_4, %dma_wait3A] : memref<10000x128xf32, #tpu.memory_space<vmem_shared>> -> memref<624x128xf32, #tpu.memory_space<vmem_shared>>
    %dma_wait3A_17 = arith.constant 0 : i32
    %dma_wait3A_18 = tpu.memref_slice %arg5[%mul3A_2, %dma_wait3A_17] : memref<10000x128xf32, #tpu.memory_space<hbm>> -> memref<624x128xf32, #tpu.memory_space<hbm>>
    tpu.wait_dma2 semaphore(%arg14 : memref<!tpu.dma_semaphore, #tpu.memory_space<semaphore_mem>>) src(%dma_wait3A_18 : memref<624x128xf32, #tpu.memory_space<hbm>>) dst(%dma_wait3A_16 : memref<624x128xf32, #tpu.memory_space<vmem_shared>>)
    %eq3A = arith.constant 15 : i32
    %eq3A_19 = arith.cmpi eq, %arg1, %eq3A : i32
    %convert_element_type3A = arith.extui %eq3A_19 : i1 to i32
    %cond3A = arith.constant 0 : i32
    %cond3A_20 = arith.cmpi ne, %convert_element_type3A, %cond3A : i32
    scf.if %cond3A_20 {
      "tpu.region"() ({
        %run_scoped3A_51 = tpu.sem_alloc : memref<!tpu.dma_semaphore, #tpu.memory_space<semaphore_mem>>
        %dma_start3A_52 = arith.constant 9984 : i32
        %dma_start3A_53 = arith.constant 0 : i32
        %dma_start3A_54 = tpu.memref_slice %arg11[%dma_start3A_52, %dma_start3A_53] : memref<10000x128xf32, #tpu.memory_space<vmem_shared>> -> memref<16x128xf32, #tpu.memory_space<vmem_shared>>
        %dma_start3A_55 = arith.constant 9984 : i32
        %dma_start3A_56 = arith.constant 0 : i32
        %dma_start3A_57 = tpu.memref_slice %arg5[%dma_start3A_55, %dma_start3A_56] : memref<10000x128xf32, #tpu.memory_space<hbm>> -> memref<16x128xf32, #tpu.memory_space<hbm>>
        tpu.enqueue_dma source(%dma_start3A_57 : memref<16x128xf32, #tpu.memory_space<hbm>>) target(%dma_start3A_54 : memref<16x128xf32, #tpu.memory_space<vmem_shared>>) target_semaphore(%run_scoped3A_51 : memref<!tpu.dma_semaphore, #tpu.memory_space<semaphore_mem>>)
        %dma_wait3A_58 = arith.constant 9984 : i32
        %dma_wait3A_59 = arith.constant 0 : i32
        %dma_wait3A_60 = tpu.memref_slice %arg11[%dma_wait3A_58, %dma_wait3A_59] : memref<10000x128xf32, #tpu.memory_space<vmem_shared>> -> memref<16x128xf32, #tpu.memory_space<vmem_shared>>
        %dma_wait3A_61 = arith.constant 9984 : i32
        %dma_wait3A_62 = arith.constant 0 : i32
        %dma_wait3A_63 = tpu.memref_slice %arg5[%dma_wait3A_61, %dma_wait3A_62] : memref<10000x128xf32, #tpu.memory_space<hbm>> -> memref<16x128xf32, #tpu.memory_space<hbm>>
        tpu.wait_dma2 semaphore(%run_scoped3A_51 : memref<!tpu.dma_semaphore, #tpu.memory_space<semaphore_mem>>) src(%dma_wait3A_63 : memref<16x128xf32, #tpu.memory_space<hbm>>) dst(%dma_wait3A_60 : memref<16x128xf32, #tpu.memory_space<vmem_shared>>)
        tpu.yield
      }) : () -> ()
    } else {
    }
    %barrier3A = arith.constant 0 : index
    tpu.barrier barrier_id(%barrier3A)
    %scan3A = arith.constant 0 : i32
    %scan3A_21 = arith.constant 0 : i32
    %scan3A_22 = arith.constant 25 : i32
    %scan3A_23 = arith.addi %scan3A_21, %scan3A_22 : i32
    %scan3A_24 = arith.constant 1 : i32
    scf.for %scan3A_51 = %scan3A_21 to %scan3A_23 step %scan3A_24  : i32 {
      %mul3A_52 = arith.constant 2 : i32
      %mul3A_53 = arith.muli %mul3A_52, %scan3A_51 : i32
      %add3A_54 = arith.constant 1 : i32
      %add3A_55 = arith.addi %mul3A_53, %add3A_54 : i32
      %dma_start3A_56 = arith.constant 0 : i32
      %dma_start3A_57 = tpu.memref_slice %arg7[%add3A_55, %dma_start3A_56] : memref<50x100xi32, #tpu.memory_space<vmem>> -> memref<1x100xi32, #tpu.memory_space<vmem>>
      %dma_start3A_58 = tpu.memref_squeeze %dma_start3A_57 : memref<1x100xi32, #tpu.memory_space<vmem>> -> memref<100xi32, #tpu.memory_space<vmem>>
      %dma_start3A_59 = arith.constant 0 : i32
      %dma_start3A_60 = arith.constant 0 : i32
      %dma_start3A_61 = tpu.memref_slice %arg2[%dma_start3A_59, %dma_start3A_60] : memref<40000x128xf32, #tpu.memory_space<hbm>> -> memref<40000x128xf32, #tpu.memory_space<hbm>>
      tpu.enqueue_indirect_dma source(%dma_start3A_61 : memref<40000x128xf32, #tpu.memory_space<hbm>>) target(%arg10 : memref<100x128xf32, #tpu.memory_space<vmem>>) offsets(%dma_start3A_58 : memref<100xi32, #tpu.memory_space<vmem>>) semaphore(%arg13 : memref<!tpu.dma_semaphore, #tpu.memory_space<semaphore_mem>>)
      %dma_wait3A_62 = arith.constant 0 : i32
      %dma_wait3A_63 = tpu.memref_slice %arg7[%mul3A_53, %dma_wait3A_62] : memref<50x100xi32, #tpu.memory_space<vmem>> -> memref<1x100xi32, #tpu.memory_space<vmem>>
      %dma_wait3A_64 = tpu.memref_squeeze %dma_wait3A_63 : memref<1x100xi32, #tpu.memory_space<vmem>> -> memref<100xi32, #tpu.memory_space<vmem>>
      %dma_wait3A_65 = arith.constant 0 : i32
      %dma_wait3A_66 = arith.constant 0 : i32
      %dma_wait3A_67 = tpu.memref_slice %arg2[%dma_wait3A_65, %dma_wait3A_66] : memref<40000x128xf32, #tpu.memory_space<hbm>> -> memref<40000x128xf32, #tpu.memory_space<hbm>>
      tpu.wait_indirect_dma semaphore(%arg12 : memref<!tpu.dma_semaphore, #tpu.memory_space<semaphore_mem>>) src(%dma_wait3A_67 : memref<40000x128xf32, #tpu.memory_space<hbm>>) dst(%arg9 : memref<100x128xf32, #tpu.memory_space<vmem>>)
      "tpu.region"() ({
        %run_scoped3A_84 = tpu.sem_alloc : memref<!tpu.dma_semaphore, #tpu.memory_space<semaphore_mem>>
        %dma_start3A_85 = arith.constant 0 : i32
        %dma_start3A_86 = tpu.memref_slice %arg8[%mul3A_53, %dma_start3A_85] : memref<50x100xi32, #tpu.memory_space<vmem>> -> memref<1x100xi32, #tpu.memory_space<vmem>>
        %dma_start3A_87 = tpu.memref_squeeze %dma_start3A_86 : memref<1x100xi32, #tpu.memory_space<vmem>> -> memref<100xi32, #tpu.memory_space<vmem>>
        %dma_start3A_88 = arith.constant 0 : i32
        %dma_start3A_89 = arith.constant 0 : i32
        %dma_start3A_90 = tpu.memref_slice %arg11[%dma_start3A_88, %dma_start3A_89] : memref<10000x128xf32, #tpu.memory_space<vmem_shared>> -> memref<10000x128xf32, #tpu.memory_space<vmem_shared>>
        tpu.enqueue_indirect_dma source(%arg9 : memref<100x128xf32, #tpu.memory_space<vmem>>) target(%dma_start3A_90 : memref<10000x128xf32, #tpu.memory_space<vmem_shared>>) offsets(%dma_start3A_87 : memref<100xi32, #tpu.memory_space<vmem>>) semaphore(%run_scoped3A_84 : memref<!tpu.dma_semaphore, #tpu.memory_space<semaphore_mem>>) {add = true}
        %dma_wait3A_91 = arith.constant 0 : i32
        %dma_wait3A_92 = tpu.memref_slice %arg8[%mul3A_53, %dma_wait3A_91] : memref<50x100xi32, #tpu.memory_space<vmem>> -> memref<1x100xi32, #tpu.memory_space<vmem>>
        %dma_wait3A_93 = tpu.memref_squeeze %dma_wait3A_92 : memref<1x100xi32, #tpu.memory_space<vmem>> -> memref<100xi32, #tpu.memory_space<vmem>>
        %dma_wait3A_94 = arith.constant 0 : i32
        %dma_wait3A_95 = arith.constant 0 : i32
        %dma_wait3A_96 = tpu.memref_slice %arg11[%dma_wait3A_94, %dma_wait3A_95] : memref<10000x128xf32, #tpu.memory_space<vmem_shared>> -> memref<10000x128xf32, #tpu.memory_space<vmem_shared>>
        tpu.wait_indirect_dma semaphore(%run_scoped3A_84 : memref<!tpu.dma_semaphore, #tpu.memory_space<semaphore_mem>>) src(%arg9 : memref<100x128xf32, #tpu.memory_space<vmem>>) dst(%dma_wait3A_96 : memref<10000x128xf32, #tpu.memory_space<vmem_shared>>)
        tpu.yield
      }) : () -> ()
      %add3A_68 = arith.constant 2 : i32
      %add3A_69 = arith.addi %mul3A_53, %add3A_68 : i32
      %lt3A = arith.constant 50 : i32
      %lt3A_70 = arith.cmpi slt, %add3A_69, %lt3A : i32
      %convert_element_type3A_71 = arith.extui %lt3A_70 : i1 to i32
      %cond3A_72 = arith.constant 0 : i32
      %cond3A_73 = arith.cmpi ne, %convert_element_type3A_71, %cond3A_72 : i32
      scf.if %cond3A_73 {
        %add3A_84 = arith.constant 2 : i32
        %add3A_85 = arith.addi %mul3A_53, %add3A_84 : i32
        %dma_start3A_86 = arith.constant 0 : i32
        %dma_start3A_87 = tpu.memref_slice %arg7[%add3A_85, %dma_start3A_86] : memref<50x100xi32, #tpu.memory_space<vmem>> -> memref<1x100xi32, #tpu.memory_space<vmem>>
        %dma_start3A_88 = tpu.memref_squeeze %dma_start3A_87 : memref<1x100xi32, #tpu.memory_space<vmem>> -> memref<100xi32, #tpu.memory_space<vmem>>
        %dma_start3A_89 = arith.constant 0 : i32
        %dma_start3A_90 = arith.constant 0 : i32
        %dma_start3A_91 = tpu.memref_slice %arg2[%dma_start3A_89, %dma_start3A_90] : memref<40000x128xf32, #tpu.memory_space<hbm>> -> memref<40000x128xf32, #tpu.memory_space<hbm>>
        tpu.enqueue_indirect_dma source(%dma_start3A_91 : memref<40000x128xf32, #tpu.memory_space<hbm>>) target(%arg9 : memref<100x128xf32, #tpu.memory_space<vmem>>) offsets(%dma_start3A_88 : memref<100xi32, #tpu.memory_space<vmem>>) semaphore(%arg12 : memref<!tpu.dma_semaphore, #tpu.memory_space<semaphore_mem>>)
      } else {
      }
      %add3A_74 = arith.constant 1 : i32
      %add3A_75 = arith.addi %mul3A_53, %add3A_74 : i32
      %dma_wait3A_76 = arith.constant 0 : i32
      %dma_wait3A_77 = tpu.memref_slice %arg7[%add3A_75, %dma_wait3A_76] : memref<50x100xi32, #tpu.memory_space<vmem>> -> memref<1x100xi32, #tpu.memory_space<vmem>>
      %dma_wait3A_78 = tpu.memref_squeeze %dma_wait3A_77 : memref<1x100xi32, #tpu.memory_space<vmem>> -> memref<100xi32, #tpu.memory_space<vmem>>
      %dma_wait3A_79 = arith.constant 0 : i32
      %dma_wait3A_80 = arith.constant 0 : i32
      %dma_wait3A_81 = tpu.memref_slice %arg2[%dma_wait3A_79, %dma_wait3A_80] : memref<40000x128xf32, #tpu.memory_space<hbm>> -> memref<40000x128xf32, #tpu.memory_space<hbm>>
      tpu.wait_indirect_dma semaphore(%arg13 : memref<!tpu.dma_semaphore, #tpu.memory_space<semaphore_mem>>) src(%dma_wait3A_81 : memref<40000x128xf32, #tpu.memory_space<hbm>>) dst(%arg10 : memref<100x128xf32, #tpu.memory_space<vmem>>)
      %add3A_82 = arith.constant 1 : i32
      %add3A_83 = arith.addi %mul3A_53, %add3A_82 : i32
      "tpu.region"() ({
        %run_scoped3A_84 = tpu.sem_alloc : memref<!tpu.dma_semaphore, #tpu.memory_space<semaphore_mem>>
        %dma_start3A_85 = arith.constant 0 : i32
        %dma_start3A_86 = tpu.memref_slice %arg8[%add3A_83, %dma_start3A_85] : memref<50x100xi32, #tpu.memory_space<vmem>> -> memref<1x100xi32, #tpu.memory_space<vmem>>
        %dma_start3A_87 = tpu.memref_squeeze %dma_start3A_86 : memref<1x100xi32, #tpu.memory_space<vmem>> -> memref<100xi32, #tpu.memory_space<vmem>>
        %dma_start3A_88 = arith.constant 0 : i32
        %dma_start3A_89 = arith.constant 0 : i32
        %dma_start3A_90 = tpu.memref_slice %arg11[%dma_start3A_88, %dma_start3A_89] : memref<10000x128xf32, #tpu.memory_space<vmem_shared>> -> memref<10000x128xf32, #tpu.memory_space<vmem_shared>>
        tpu.enqueue_indirect_dma source(%arg10 : memref<100x128xf32, #tpu.memory_space<vmem>>) target(%dma_start3A_90 : memref<10000x128xf32, #tpu.memory_space<vmem_shared>>) offsets(%dma_start3A_87 : memref<100xi32, #tpu.memory_space<vmem>>) semaphore(%run_scoped3A_84 : memref<!tpu.dma_semaphore, #tpu.memory_space<semaphore_mem>>) {add = true}
        %dma_wait3A_91 = arith.constant 0 : i32
        %dma_wait3A_92 = tpu.memref_slice %arg8[%add3A_83, %dma_wait3A_91] : memref<50x100xi32, #tpu.memory_space<vmem>> -> memref<1x100xi32, #tpu.memory_space<vmem>>
        %dma_wait3A_93 = tpu.memref_squeeze %dma_wait3A_92 : memref<1x100xi32, #tpu.memory_space<vmem>> -> memref<100xi32, #tpu.memory_space<vmem>>
        %dma_wait3A_94 = arith.constant 0 : i32
        %dma_wait3A_95 = arith.constant 0 : i32
        %dma_wait3A_96 = tpu.memref_slice %arg11[%dma_wait3A_94, %dma_wait3A_95] : memref<10000x128xf32, #tpu.memory_space<vmem_shared>> -> memref<10000x128xf32, #tpu.memory_space<vmem_shared>>
        tpu.wait_indirect_dma semaphore(%run_scoped3A_84 : memref<!tpu.dma_semaphore, #tpu.memory_space<semaphore_mem>>) src(%arg10 : memref<100x128xf32, #tpu.memory_space<vmem>>) dst(%dma_wait3A_96 : memref<10000x128xf32, #tpu.memory_space<vmem_shared>>)
        tpu.yield
      }) : () -> ()
    }
    %scan3A_25 = arith.constant 25 : i32
    %run_scoped3A_26 = arith.constant 1 : i32
    "tpu.region"() ({
      %run_scoped3A_51 = tpu.sem_alloc : memref<!tpu.dma_semaphore, #tpu.memory_space<semaphore_mem>>
      %dma_start3A_52 = arith.constant 0 : i32
      %dma_start3A_53 = arith.constant 0 : i32
      %dma_start3A_54 = tpu.memref_slice %arg3[%add3A, %run_scoped3A_26, %dma_start3A_52, %dma_start3A_53] : memref<32x2x50x100xi32, #tpu.memory_space<hbm>> -> memref<1x1x50x100xi32, #tpu.memory_space<hbm>>
      %dma_start3A_55 = tpu.memref_squeeze %dma_start3A_54 : memref<1x1x50x100xi32, #tpu.memory_space<hbm>> -> memref<50x100xi32, #tpu.memory_space<hbm>>
      %dma_start3A_56 = arith.constant 0 : i32
      %dma_start3A_57 = arith.constant 0 : i32
      %dma_start3A_58 = tpu.memref_slice %arg3[%add3A, %run_scoped3A_26, %dma_start3A_56, %dma_start3A_57] : memref<32x2x50x100xi32, #tpu.memory_space<hbm>> -> memref<1x1x50x100xi32, #tpu.memory_space<hbm>>
      %dma_start3A_59 = tpu.memref_squeeze %dma_start3A_58 : memref<1x1x50x100xi32, #tpu.memory_space<hbm>> -> memref<50x100xi32, #tpu.memory_space<hbm>>
      tpu.enqueue_dma source(%dma_start3A_59 : memref<50x100xi32, #tpu.memory_space<hbm>>) target(%arg7 : memref<50x100xi32, #tpu.memory_space<vmem>>) target_semaphore(%run_scoped3A_51 : memref<!tpu.dma_semaphore, #tpu.memory_space<semaphore_mem>>)
      %dma_wait3A_60 = arith.constant 0 : i32
      %dma_wait3A_61 = arith.constant 0 : i32
      %dma_wait3A_62 = tpu.memref_slice %arg3[%add3A, %run_scoped3A_26, %dma_wait3A_60, %dma_wait3A_61] : memref<32x2x50x100xi32, #tpu.memory_space<hbm>> -> memref<1x1x50x100xi32, #tpu.memory_space<hbm>>
      %dma_wait3A_63 = tpu.memref_squeeze %dma_wait3A_62 : memref<1x1x50x100xi32, #tpu.memory_space<hbm>> -> memref<50x100xi32, #tpu.memory_space<hbm>>
      %dma_wait3A_64 = arith.constant 0 : i32
      %dma_wait3A_65 = arith.constant 0 : i32
      %dma_wait3A_66 = tpu.memref_slice %arg3[%add3A, %run_scoped3A_26, %dma_wait3A_64, %dma_wait3A_65] : memref<32x2x50x100xi32, #tpu.memory_space<hbm>> -> memref<1x1x50x100xi32, #tpu.memory_space<hbm>>
      %dma_wait3A_67 = tpu.memref_squeeze %dma_wait3A_66 : memref<1x1x50x100xi32, #tpu.memory_space<hbm>> -> memref<50x100xi32, #tpu.memory_space<hbm>>
      tpu.wait_dma2 semaphore(%run_scoped3A_51 : memref<!tpu.dma_semaphore, #tpu.memory_space<semaphore_mem>>) src(%dma_wait3A_67 : memref<50x100xi32, #tpu.memory_space<hbm>>) dst(%arg7 : memref<50x100xi32, #tpu.memory_space<vmem>>)
      tpu.yield
    }) : () -> ()
    %run_scoped3A_27 = arith.constant 1 : i32
    "tpu.region"() ({
      %run_scoped3A_51 = tpu.sem_alloc : memref<!tpu.dma_semaphore, #tpu.memory_space<semaphore_mem>>
      %dma_start3A_52 = arith.constant 0 : i32
      %dma_start3A_53 = arith.constant 0 : i32
      %dma_start3A_54 = tpu.memref_slice %arg4[%add3A, %run_scoped3A_27, %dma_start3A_52, %dma_start3A_53] : memref<32x2x50x100xi32, #tpu.memory_space<hbm>> -> memref<1x1x50x100xi32, #tpu.memory_space<hbm>>
      %dma_start3A_55 = tpu.memref_squeeze %dma_start3A_54 : memref<1x1x50x100xi32, #tpu.memory_space<hbm>> -> memref<50x100xi32, #tpu.memory_space<hbm>>
      %dma_start3A_56 = arith.constant 0 : i32
      %dma_start3A_57 = arith.constant 0 : i32
      %dma_start3A_58 = tpu.memref_slice %arg4[%add3A, %run_scoped3A_27, %dma_start3A_56, %dma_start3A_57] : memref<32x2x50x100xi32, #tpu.memory_space<hbm>> -> memref<1x1x50x100xi32, #tpu.memory_space<hbm>>
      %dma_start3A_59 = tpu.memref_squeeze %dma_start3A_58 : memref<1x1x50x100xi32, #tpu.memory_space<hbm>> -> memref<50x100xi32, #tpu.memory_space<hbm>>
      tpu.enqueue_dma source(%dma_start3A_59 : memref<50x100xi32, #tpu.memory_space<hbm>>) target(%arg8 : memref<50x100xi32, #tpu.memory_space<vmem>>) target_semaphore(%run_scoped3A_51 : memref<!tpu.dma_semaphore, #tpu.memory_space<semaphore_mem>>)
      %dma_wait3A_60 = arith.constant 0 : i32
      %dma_wait3A_61 = arith.constant 0 : i32
      %dma_wait3A_62 = tpu.memref_slice %arg4[%add3A, %run_scoped3A_27, %dma_wait3A_60, %dma_wait3A_61] : memref<32x2x50x100xi32, #tpu.memory_space<hbm>> -> memref<1x1x50x100xi32, #tpu.memory_space<hbm>>
      %dma_wait3A_63 = tpu.memref_squeeze %dma_wait3A_62 : memref<1x1x50x100xi32, #tpu.memory_space<hbm>> -> memref<50x100xi32, #tpu.memory_space<hbm>>
      %dma_wait3A_64 = arith.constant 0 : i32
      %dma_wait3A_65 = arith.constant 0 : i32
      %dma_wait3A_66 = tpu.memref_slice %arg4[%add3A, %run_scoped3A_27, %dma_wait3A_64, %dma_wait3A_65] : memref<32x2x50x100xi32, #tpu.memory_space<hbm>> -> memref<1x1x50x100xi32, #tpu.memory_space<hbm>>
      %dma_wait3A_67 = tpu.memref_squeeze %dma_wait3A_66 : memref<1x1x50x100xi32, #tpu.memory_space<hbm>> -> memref<50x100xi32, #tpu.memory_space<hbm>>
      tpu.wait_dma2 semaphore(%run_scoped3A_51 : memref<!tpu.dma_semaphore, #tpu.memory_space<semaphore_mem>>) src(%dma_wait3A_67 : memref<50x100xi32, #tpu.memory_space<hbm>>) dst(%arg8 : memref<50x100xi32, #tpu.memory_space<vmem>>)
      tpu.yield
    }) : () -> ()
    %dma_start3A_28 = arith.constant 0 : i32
    %dma_start3A_29 = arith.constant 0 : i32
    %dma_start3A_30 = tpu.memref_slice %arg7[%dma_start3A_28, %dma_start3A_29] : memref<50x100xi32, #tpu.memory_space<vmem>> -> memref<1x100xi32, #tpu.memory_space<vmem>>
    %dma_start3A_31 = tpu.memref_squeeze %dma_start3A_30 : memref<1x100xi32, #tpu.memory_space<vmem>> -> memref<100xi32, #tpu.memory_space<vmem>>
    %dma_start3A_32 = arith.constant 0 : i32
    %dma_start3A_33 = arith.constant 0 : i32
    %dma_start3A_34 = tpu.memref_slice %arg2[%dma_start3A_32, %dma_start3A_33] : memref<40000x128xf32, #tpu.memory_space<hbm>> -> memref<40000x128xf32, #tpu.memory_space<hbm>>
    tpu.enqueue_indirect_dma source(%dma_start3A_34 : memref<40000x128xf32, #tpu.memory_space<hbm>>) target(%arg9 : memref<100x128xf32, #tpu.memory_space<vmem>>) offsets(%dma_start3A_31 : memref<100xi32, #tpu.memory_space<vmem>>) semaphore(%arg12 : memref<!tpu.dma_semaphore, #tpu.memory_space<semaphore_mem>>)
    %scan3A_35 = arith.constant 0 : i32
    %scan3A_36 = arith.constant 0 : i32
    %scan3A_37 = arith.constant 25 : i32
    %scan3A_38 = arith.addi %scan3A_36, %scan3A_37 : i32
    %scan3A_39 = arith.constant 1 : i32
    scf.for %scan3A_51 = %scan3A_36 to %scan3A_38 step %scan3A_39  : i32 {
      %mul3A_52 = arith.constant 2 : i32
      %mul3A_53 = arith.muli %mul3A_52, %scan3A_51 : i32
      %add3A_54 = arith.constant 1 : i32
      %add3A_55 = arith.addi %mul3A_53, %add3A_54 : i32
      %dma_start3A_56 = arith.constant 0 : i32
      %dma_start3A_57 = tpu.memref_slice %arg7[%add3A_55, %dma_start3A_56] : memref<50x100xi32, #tpu.memory_space<vmem>> -> memref<1x100xi32, #tpu.memory_space<vmem>>
      %dma_start3A_58 = tpu.memref_squeeze %dma_start3A_57 : memref<1x100xi32, #tpu.memory_space<vmem>> -> memref<100xi32, #tpu.memory_space<vmem>>
      %dma_start3A_59 = arith.constant 0 : i32
      %dma_start3A_60 = arith.constant 0 : i32
      %dma_start3A_61 = tpu.memref_slice %arg2[%dma_start3A_59, %dma_start3A_60] : memref<40000x128xf32, #tpu.memory_space<hbm>> -> memref<40000x128xf32, #tpu.memory_space<hbm>>
      tpu.enqueue_indirect_dma source(%dma_start3A_61 : memref<40000x128xf32, #tpu.memory_space<hbm>>) target(%arg10 : memref<100x128xf32, #tpu.memory_space<vmem>>) offsets(%dma_start3A_58 : memref<100xi32, #tpu.memory_space<vmem>>) semaphore(%arg13 : memref<!tpu.dma_semaphore, #tpu.memory_space<semaphore_mem>>)
      %dma_wait3A_62 = arith.constant 0 : i32
      %dma_wait3A_63 = tpu.memref_slice %arg7[%mul3A_53, %dma_wait3A_62] : memref<50x100xi32, #tpu.memory_space<vmem>> -> memref<1x100xi32, #tpu.memory_space<vmem>>
      %dma_wait3A_64 = tpu.memref_squeeze %dma_wait3A_63 : memref<1x100xi32, #tpu.memory_space<vmem>> -> memref<100xi32, #tpu.memory_space<vmem>>
      %dma_wait3A_65 = arith.constant 0 : i32
      %dma_wait3A_66 = arith.constant 0 : i32
      %dma_wait3A_67 = tpu.memref_slice %arg2[%dma_wait3A_65, %dma_wait3A_66] : memref<40000x128xf32, #tpu.memory_space<hbm>> -> memref<40000x128xf32, #tpu.memory_space<hbm>>
      tpu.wait_indirect_dma semaphore(%arg12 : memref<!tpu.dma_semaphore, #tpu.memory_space<semaphore_mem>>) src(%dma_wait3A_67 : memref<40000x128xf32, #tpu.memory_space<hbm>>) dst(%arg9 : memref<100x128xf32, #tpu.memory_space<vmem>>)
      "tpu.region"() ({
        %run_scoped3A_84 = tpu.sem_alloc : memref<!tpu.dma_semaphore, #tpu.memory_space<semaphore_mem>>
        %dma_start3A_85 = arith.constant 0 : i32
        %dma_start3A_86 = tpu.memref_slice %arg8[%mul3A_53, %dma_start3A_85] : memref<50x100xi32, #tpu.memory_space<vmem>> -> memref<1x100xi32, #tpu.memory_space<vmem>>
        %dma_start3A_87 = tpu.memref_squeeze %dma_start3A_86 : memref<1x100xi32, #tpu.memory_space<vmem>> -> memref<100xi32, #tpu.memory_space<vmem>>
        %dma_start3A_88 = arith.constant 0 : i32
        %dma_start3A_89 = arith.constant 0 : i32
        %dma_start3A_90 = tpu.memref_slice %arg11[%dma_start3A_88, %dma_start3A_89] : memref<10000x128xf32, #tpu.memory_space<vmem_shared>> -> memref<10000x128xf32, #tpu.memory_space<vmem_shared>>
        tpu.enqueue_indirect_dma source(%arg9 : memref<100x128xf32, #tpu.memory_space<vmem>>) target(%dma_start3A_90 : memref<10000x128xf32, #tpu.memory_space<vmem_shared>>) offsets(%dma_start3A_87 : memref<100xi32, #tpu.memory_space<vmem>>) semaphore(%run_scoped3A_84 : memref<!tpu.dma_semaphore, #tpu.memory_space<semaphore_mem>>) {add = true}
        %dma_wait3A_91 = arith.constant 0 : i32
        %dma_wait3A_92 = tpu.memref_slice %arg8[%mul3A_53, %dma_wait3A_91] : memref<50x100xi32, #tpu.memory_space<vmem>> -> memref<1x100xi32, #tpu.memory_space<vmem>>
        %dma_wait3A_93 = tpu.memref_squeeze %dma_wait3A_92 : memref<1x100xi32, #tpu.memory_space<vmem>> -> memref<100xi32, #tpu.memory_space<vmem>>
        %dma_wait3A_94 = arith.constant 0 : i32
        %dma_wait3A_95 = arith.constant 0 : i32
        %dma_wait3A_96 = tpu.memref_slice %arg11[%dma_wait3A_94, %dma_wait3A_95] : memref<10000x128xf32, #tpu.memory_space<vmem_shared>> -> memref<10000x128xf32, #tpu.memory_space<vmem_shared>>
        tpu.wait_indirect_dma semaphore(%run_scoped3A_84 : memref<!tpu.dma_semaphore, #tpu.memory_space<semaphore_mem>>) src(%arg9 : memref<100x128xf32, #tpu.memory_space<vmem>>) dst(%dma_wait3A_96 : memref<10000x128xf32, #tpu.memory_space<vmem_shared>>)
        tpu.yield
      }) : () -> ()
      %add3A_68 = arith.constant 2 : i32
      %add3A_69 = arith.addi %mul3A_53, %add3A_68 : i32
      %lt3A = arith.constant 50 : i32
      %lt3A_70 = arith.cmpi slt, %add3A_69, %lt3A : i32
      %convert_element_type3A_71 = arith.extui %lt3A_70 : i1 to i32
      %cond3A_72 = arith.constant 0 : i32
      %cond3A_73 = arith.cmpi ne, %convert_element_type3A_71, %cond3A_72 : i32
      scf.if %cond3A_73 {
        %add3A_84 = arith.constant 2 : i32
        %add3A_85 = arith.addi %mul3A_53, %add3A_84 : i32
        %dma_start3A_86 = arith.constant 0 : i32
        %dma_start3A_87 = tpu.memref_slice %arg7[%add3A_85, %dma_start3A_86] : memref<50x100xi32, #tpu.memory_space<vmem>> -> memref<1x100xi32, #tpu.memory_space<vmem>>
        %dma_start3A_88 = tpu.memref_squeeze %dma_start3A_87 : memref<1x100xi32, #tpu.memory_space<vmem>> -> memref<100xi32, #tpu.memory_space<vmem>>
        %dma_start3A_89 = arith.constant 0 : i32
        %dma_start3A_90 = arith.constant 0 : i32
        %dma_start3A_91 = tpu.memref_slice %arg2[%dma_start3A_89, %dma_start3A_90] : memref<40000x128xf32, #tpu.memory_space<hbm>> -> memref<40000x128xf32, #tpu.memory_space<hbm>>
        tpu.enqueue_indirect_dma source(%dma_start3A_91 : memref<40000x128xf32, #tpu.memory_space<hbm>>) target(%arg9 : memref<100x128xf32, #tpu.memory_space<vmem>>) offsets(%dma_start3A_88 : memref<100xi32, #tpu.memory_space<vmem>>) semaphore(%arg12 : memref<!tpu.dma_semaphore, #tpu.memory_space<semaphore_mem>>)
      } else {
      }
      %add3A_74 = arith.constant 1 : i32
      %add3A_75 = arith.addi %mul3A_53, %add3A_74 : i32
      %dma_wait3A_76 = arith.constant 0 : i32
      %dma_wait3A_77 = tpu.memref_slice %arg7[%add3A_75, %dma_wait3A_76] : memref<50x100xi32, #tpu.memory_space<vmem>> -> memref<1x100xi32, #tpu.memory_space<vmem>>
      %dma_wait3A_78 = tpu.memref_squeeze %dma_wait3A_77 : memref<1x100xi32, #tpu.memory_space<vmem>> -> memref<100xi32, #tpu.memory_space<vmem>>
      %dma_wait3A_79 = arith.constant 0 : i32
      %dma_wait3A_80 = arith.constant 0 : i32
      %dma_wait3A_81 = tpu.memref_slice %arg2[%dma_wait3A_79, %dma_wait3A_80] : memref<40000x128xf32, #tpu.memory_space<hbm>> -> memref<40000x128xf32, #tpu.memory_space<hbm>>
      tpu.wait_indirect_dma semaphore(%arg13 : memref<!tpu.dma_semaphore, #tpu.memory_space<semaphore_mem>>) src(%dma_wait3A_81 : memref<40000x128xf32, #tpu.memory_space<hbm>>) dst(%arg10 : memref<100x128xf32, #tpu.memory_space<vmem>>)
      %add3A_82 = arith.constant 1 : i32
      %add3A_83 = arith.addi %mul3A_53, %add3A_82 : i32
      "tpu.region"() ({
        %run_scoped3A_84 = tpu.sem_alloc : memref<!tpu.dma_semaphore, #tpu.memory_space<semaphore_mem>>
        %dma_start3A_85 = arith.constant 0 : i32
        %dma_start3A_86 = tpu.memref_slice %arg8[%add3A_83, %dma_start3A_85] : memref<50x100xi32, #tpu.memory_space<vmem>> -> memref<1x100xi32, #tpu.memory_space<vmem>>
        %dma_start3A_87 = tpu.memref_squeeze %dma_start3A_86 : memref<1x100xi32, #tpu.memory_space<vmem>> -> memref<100xi32, #tpu.memory_space<vmem>>
        %dma_start3A_88 = arith.constant 0 : i32
        %dma_start3A_89 = arith.constant 0 : i32
        %dma_start3A_90 = tpu.memref_slice %arg11[%dma_start3A_88, %dma_start3A_89] : memref<10000x128xf32, #tpu.memory_space<vmem_shared>> -> memref<10000x128xf32, #tpu.memory_space<vmem_shared>>
        tpu.enqueue_indirect_dma source(%arg10 : memref<100x128xf32, #tpu.memory_space<vmem>>) target(%dma_start3A_90 : memref<10000x128xf32, #tpu.memory_space<vmem_shared>>) offsets(%dma_start3A_87 : memref<100xi32, #tpu.memory_space<vmem>>) semaphore(%run_scoped3A_84 : memref<!tpu.dma_semaphore, #tpu.memory_space<semaphore_mem>>) {add = true}
        %dma_wait3A_91 = arith.constant 0 : i32
        %dma_wait3A_92 = tpu.memref_slice %arg8[%add3A_83, %dma_wait3A_91] : memref<50x100xi32, #tpu.memory_space<vmem>> -> memref<1x100xi32, #tpu.memory_space<vmem>>
        %dma_wait3A_93 = tpu.memref_squeeze %dma_wait3A_92 : memref<1x100xi32, #tpu.memory_space<vmem>> -> memref<100xi32, #tpu.memory_space<vmem>>
        %dma_wait3A_94 = arith.constant 0 : i32
        %dma_wait3A_95 = arith.constant 0 : i32
        %dma_wait3A_96 = tpu.memref_slice %arg11[%dma_wait3A_94, %dma_wait3A_95] : memref<10000x128xf32, #tpu.memory_space<vmem_shared>> -> memref<10000x128xf32, #tpu.memory_space<vmem_shared>>
        tpu.wait_indirect_dma semaphore(%run_scoped3A_84 : memref<!tpu.dma_semaphore, #tpu.memory_space<semaphore_mem>>) src(%arg10 : memref<100x128xf32, #tpu.memory_space<vmem>>) dst(%dma_wait3A_96 : memref<10000x128xf32, #tpu.memory_space<vmem_shared>>)
        tpu.yield
      }) : () -> ()
    }
    %scan3A_40 = arith.constant 25 : i32
    %barrier3A_41 = arith.constant 0 : index
    tpu.barrier barrier_id(%barrier3A_41)
    %mul3A_42 = arith.constant 624 : i32
    %mul3A_43 = arith.muli %arg1, %mul3A_42 : i32
    %mul3A_44 = arith.constant 624 : i32
    %mul3A_45 = arith.muli %arg1, %mul3A_44 : i32
    "tpu.region"() ({
      %run_scoped3A_51 = tpu.sem_alloc : memref<!tpu.dma_semaphore, #tpu.memory_space<semaphore_mem>>
      %dma_start3A_52 = arith.constant 0 : i32
      %dma_start3A_53 = tpu.memref_slice %arg6[%arg0, %mul3A_45, %dma_start3A_52] : memref<2x10000x128xf32, #tpu.memory_space<hbm>> -> memref<1x624x128xf32, #tpu.memory_space<hbm>>
      %dma_start3A_54 = tpu.memref_squeeze %dma_start3A_53 : memref<1x624x128xf32, #tpu.memory_space<hbm>> -> memref<624x128xf32, #tpu.memory_space<hbm>>
      %dma_start3A_55 = arith.constant 0 : i32
      %dma_start3A_56 = tpu.memref_slice %arg11[%mul3A_43, %dma_start3A_55] : memref<10000x128xf32, #tpu.memory_space<vmem_shared>> -> memref<624x128xf32, #tpu.memory_space<vmem_shared>>
      tpu.enqueue_dma source(%dma_start3A_56 : memref<624x128xf32, #tpu.memory_space<vmem_shared>>) target(%dma_start3A_54 : memref<624x128xf32, #tpu.memory_space<hbm>>) target_semaphore(%run_scoped3A_51 : memref<!tpu.dma_semaphore, #tpu.memory_space<semaphore_mem>>)
      %dma_wait3A_57 = arith.constant 0 : i32
      %dma_wait3A_58 = tpu.memref_slice %arg6[%arg0, %mul3A_45, %dma_wait3A_57] : memref<2x10000x128xf32, #tpu.memory_space<hbm>> -> memref<1x624x128xf32, #tpu.memory_space<hbm>>
      %dma_wait3A_59 = tpu.memref_squeeze %dma_wait3A_58 : memref<1x624x128xf32, #tpu.memory_space<hbm>> -> memref<624x128xf32, #tpu.memory_space<hbm>>
      %dma_wait3A_60 = arith.constant 0 : i32
      %dma_wait3A_61 = tpu.memref_slice %arg11[%mul3A_43, %dma_wait3A_60] : memref<10000x128xf32, #tpu.memory_space<vmem_shared>> -> memref<624x128xf32, #tpu.memory_space<vmem_shared>>
      tpu.wait_dma2 semaphore(%run_scoped3A_51 : memref<!tpu.dma_semaphore, #tpu.memory_space<semaphore_mem>>) src(%dma_wait3A_61 : memref<624x128xf32, #tpu.memory_space<vmem_shared>>) dst(%dma_wait3A_59 : memref<624x128xf32, #tpu.memory_space<hbm>>)
      tpu.yield
    }) : () -> ()
    %eq3A_46 = arith.constant 15 : i32
    %eq3A_47 = arith.cmpi eq, %arg1, %eq3A_46 : i32
    %convert_element_type3A_48 = arith.extui %eq3A_47 : i1 to i32
    %cond3A_49 = arith.constant 0 : i32
    %cond3A_50 = arith.cmpi ne, %convert_element_type3A_48, %cond3A_49 : i32
    scf.if %cond3A_50 {
      "tpu.region"() ({
        %run_scoped3A_51 = tpu.sem_alloc : memref<!tpu.dma_semaphore, #tpu.memory_space<semaphore_mem>>
        %dma_start3A_52 = arith.constant 9984 : i32
        %dma_start3A_53 = arith.constant 0 : i32
        %dma_start3A_54 = tpu.memref_slice %arg6[%arg0, %dma_start3A_52, %dma_start3A_53] : memref<2x10000x128xf32, #tpu.memory_space<hbm>> -> memref<1x16x128xf32, #tpu.memory_space<hbm>>
        %dma_start3A_55 = tpu.memref_squeeze %dma_start3A_54 : memref<1x16x128xf32, #tpu.memory_space<hbm>> -> memref<16x128xf32, #tpu.memory_space<hbm>>
        %dma_start3A_56 = arith.constant 9984 : i32
        %dma_start3A_57 = arith.constant 0 : i32
        %dma_start3A_58 = tpu.memref_slice %arg11[%dma_start3A_56, %dma_start3A_57] : memref<10000x128xf32, #tpu.memory_space<vmem_shared>> -> memref<16x128xf32, #tpu.memory_space<vmem_shared>>
        tpu.enqueue_dma source(%dma_start3A_58 : memref<16x128xf32, #tpu.memory_space<vmem_shared>>) target(%dma_start3A_55 : memref<16x128xf32, #tpu.memory_space<hbm>>) target_semaphore(%run_scoped3A_51 : memref<!tpu.dma_semaphore, #tpu.memory_space<semaphore_mem>>)
        %dma_wait3A_59 = arith.constant 9984 : i32
        %dma_wait3A_60 = arith.constant 0 : i32
        %dma_wait3A_61 = tpu.memref_slice %arg6[%arg0, %dma_wait3A_59, %dma_wait3A_60] : memref<2x10000x128xf32, #tpu.memory_space<hbm>> -> memref<1x16x128xf32, #tpu.memory_space<hbm>>
        %dma_wait3A_62 = tpu.memref_squeeze %dma_wait3A_61 : memref<1x16x128xf32, #tpu.memory_space<hbm>> -> memref<16x128xf32, #tpu.memory_space<hbm>>
        %dma_wait3A_63 = arith.constant 9984 : i32
        %dma_wait3A_64 = arith.constant 0 : i32
        %dma_wait3A_65 = tpu.memref_slice %arg11[%dma_wait3A_63, %dma_wait3A_64] : memref<10000x128xf32, #tpu.memory_space<vmem_shared>> -> memref<16x128xf32, #tpu.memory_space<vmem_shared>>
        tpu.wait_dma2 semaphore(%run_scoped3A_51 : memref<!tpu.dma_semaphore, #tpu.memory_space<semaphore_mem>>) src(%dma_wait3A_65 : memref<16x128xf32, #tpu.memory_space<vmem_shared>>) dst(%dma_wait3A_62 : memref<16x128xf32, #tpu.memory_space<hbm>>)
        tpu.yield
      }) : () -> ()
    } else {
    }
    return
  }
}

#map = affine_map<(d0, d1) -> (0, 0)>
#map1 = affine_map<(d0, d1) -> (0, 0, 0, 0)>
#map2 = affine_map<(d0, d1) -> (0, 0, 0)>
module attributes {stable_mosaic.version = 14 : i64} {
  func.func @_edge_body(%arg0: i32, %arg1: i32, %arg2: memref<40000x128xf32, #tpu.memory_space<hbm>>, %arg3: memref<32x2x50x100xi32, #tpu.memory_space<hbm>>, %arg4: memref<32x2x50x100xi32, #tpu.memory_space<hbm>>, %arg5: memref<10000x128xf32, #tpu.memory_space<hbm>>, %arg6: memref<2x10000x128xf32, #tpu.memory_space<hbm>>, %arg7: memref<50x100xi32, #tpu.memory_space<vmem>>, %arg8: memref<50x100xi32, #tpu.memory_space<vmem>>, %arg9: memref<100x128xf32, #tpu.memory_space<vmem>>, %arg10: memref<100x128xf32, #tpu.memory_space<vmem>>, %arg11: memref<10000x128xf32, #tpu.memory_space<vmem_shared>>, %arg12: memref<!tpu.dma_semaphore, #tpu.memory_space<semaphore_mem>>, %arg13: memref<!tpu.dma_semaphore, #tpu.memory_space<semaphore_mem>>, %arg14: memref<!tpu.dma_semaphore, #tpu.memory_space<semaphore_mem>>) attributes {dimension_semantics = [#tpu.dimension_semantics<core_parallel>, #tpu.dimension_semantics<subcore_parallel>], iteration_bounds = array<i64: 2, 16>, scalar_prefetch = 0 : i64, scratch_operands = 8 : i64, tpu.core_type = #tpu.core_type<sc_vector_subcore>, window_params = [{transform_indices = #map}, {transform_indices = #map1}, {transform_indices = #map1}, {transform_indices = #map}, {transform_indices = #map2}]} {
    %mul3A = arith.constant 16 : i32
    %mul3A_0 = arith.muli %arg0, %mul3A : i32
    %add3A = arith.addi %mul3A_0, %arg1 : i32
    %mul3A_1 = arith.constant 624 : i32
    %mul3A_2 = arith.muli %arg1, %mul3A_1 : i32
    %mul3A_3 = arith.constant 624 : i32
    %mul3A_4 = arith.muli %arg1, %mul3A_3 : i32
    %dma_start3A = arith.constant 0 : i32
    %dma_start3A_5 = tpu.memref_slice %arg11[%mul3A_4, %dma_start3A] : memref<10000x128xf32, #tpu.memory_space<vmem_shared>> -> memref<624x128xf32, #tpu.memory_space<vmem_shared>>
    %dma_start3A_6 = arith.constant 0 : i32
    %dma_start3A_7 = tpu.memref_slice %arg5[%mul3A_2, %dma_start3A_6] : memref<10000x128xf32, #tpu.memory_space<hbm>> -> memref<624x128xf32, #tpu.memory_space<hbm>>
    tpu.enqueue_dma source(%dma_start3A_7 : memref<624x128xf32, #tpu.memory_space<hbm>>) target(%dma_start3A_5 : memref<624x128xf32, #tpu.memory_space<vmem_shared>>) target_semaphore(%arg14 : memref<!tpu.dma_semaphore, #tpu.memory_space<semaphore_mem>>)
    %run_scoped3A = arith.constant 0 : i32
    "tpu.region"() ({
      %run_scoped3A_51 = tpu.sem_alloc : memref<!tpu.dma_semaphore, #tpu.memory_space<semaphore_mem>>
      %dma_start3A_52 = arith.constant 0 : i32
      %dma_start3A_53 = arith.constant 0 : i32
      %dma_start3A_54 = tpu.memref_slice %arg3[%add3A, %run_scoped3A, %dma_start3A_52, %dma_start3A_53] : memref<32x2x50x100xi32, #tpu.memory_space<hbm>> -> memref<1x1x50x100xi32, #tpu.memory_space<hbm>>
      %dma_start3A_55 = tpu.memref_squeeze %dma_start3A_54 : memref<1x1x50x100xi32, #tpu.memory_space<hbm>> -> memref<50x100xi32, #tpu.memory_space<hbm>>
      %dma_start3A_56 = arith.constant 0 : i32
      %dma_start3A_57 = arith.constant 0 : i32
      %dma_start3A_58 = tpu.memref_slice %arg3[%add3A, %run_scoped3A, %dma_start3A_56, %dma_start3A_57] : memref<32x2x50x100xi32, #tpu.memory_space<hbm>> -> memref<1x1x50x100xi32, #tpu.memory_space<hbm>>
      %dma_start3A_59 = tpu.memref_squeeze %dma_start3A_58 : memref<1x1x50x100xi32, #tpu.memory_space<hbm>> -> memref<50x100xi32, #tpu.memory_space<hbm>>
      tpu.enqueue_dma source(%dma_start3A_59 : memref<50x100xi32, #tpu.memory_space<hbm>>) target(%arg7 : memref<50x100xi32, #tpu.memory_space<vmem>>) target_semaphore(%run_scoped3A_51 : memref<!tpu.dma_semaphore, #tpu.memory_space<semaphore_mem>>)
      %dma_wait3A_60 = arith.constant 0 : i32
      %dma_wait3A_61 = arith.constant 0 : i32
      %dma_wait3A_62 = tpu.memref_slice %arg3[%add3A, %run_scoped3A, %dma_wait3A_60, %dma_wait3A_61] : memref<32x2x50x100xi32, #tpu.memory_space<hbm>> -> memref<1x1x50x100xi32, #tpu.memory_space<hbm>>
      %dma_wait3A_63 = tpu.memref_squeeze %dma_wait3A_62 : memref<1x1x50x100xi32, #tpu.memory_space<hbm>> -> memref<50x100xi32, #tpu.memory_space<hbm>>
      %dma_wait3A_64 = arith.constant 0 : i32
      %dma_wait3A_65 = arith.constant 0 : i32
      %dma_wait3A_66 = tpu.memref_slice %arg3[%add3A, %run_scoped3A, %dma_wait3A_64, %dma_wait3A_65] : memref<32x2x50x100xi32, #tpu.memory_space<hbm>> -> memref<1x1x50x100xi32, #tpu.memory_space<hbm>>
      %dma_wait3A_67 = tpu.memref_squeeze %dma_wait3A_66 : memref<1x1x50x100xi32, #tpu.memory_space<hbm>> -> memref<50x100xi32, #tpu.memory_space<hbm>>
      tpu.wait_dma2 semaphore(%run_scoped3A_51 : memref<!tpu.dma_semaphore, #tpu.memory_space<semaphore_mem>>) src(%dma_wait3A_67 : memref<50x100xi32, #tpu.memory_space<hbm>>) dst(%arg7 : memref<50x100xi32, #tpu.memory_space<vmem>>)
      tpu.yield
    }) : () -> ()
    %run_scoped3A_8 = arith.constant 0 : i32
    "tpu.region"() ({
      %run_scoped3A_51 = tpu.sem_alloc : memref<!tpu.dma_semaphore, #tpu.memory_space<semaphore_mem>>
      %dma_start3A_52 = arith.constant 0 : i32
      %dma_start3A_53 = arith.constant 0 : i32
      %dma_start3A_54 = tpu.memref_slice %arg4[%add3A, %run_scoped3A_8, %dma_start3A_52, %dma_start3A_53] : memref<32x2x50x100xi32, #tpu.memory_space<hbm>> -> memref<1x1x50x100xi32, #tpu.memory_space<hbm>>
      %dma_start3A_55 = tpu.memref_squeeze %dma_start3A_54 : memref<1x1x50x100xi32, #tpu.memory_space<hbm>> -> memref<50x100xi32, #tpu.memory_space<hbm>>
      %dma_start3A_56 = arith.constant 0 : i32
      %dma_start3A_57 = arith.constant 0 : i32
      %dma_start3A_58 = tpu.memref_slice %arg4[%add3A, %run_scoped3A_8, %dma_start3A_56, %dma_start3A_57] : memref<32x2x50x100xi32, #tpu.memory_space<hbm>> -> memref<1x1x50x100xi32, #tpu.memory_space<hbm>>
      %dma_start3A_59 = tpu.memref_squeeze %dma_start3A_58 : memref<1x1x50x100xi32, #tpu.memory_space<hbm>> -> memref<50x100xi32, #tpu.memory_space<hbm>>
      tpu.enqueue_dma source(%dma_start3A_59 : memref<50x100xi32, #tpu.memory_space<hbm>>) target(%arg8 : memref<50x100xi32, #tpu.memory_space<vmem>>) target_semaphore(%run_scoped3A_51 : memref<!tpu.dma_semaphore, #tpu.memory_space<semaphore_mem>>)
      %dma_wait3A_60 = arith.constant 0 : i32
      %dma_wait3A_61 = arith.constant 0 : i32
      %dma_wait3A_62 = tpu.memref_slice %arg4[%add3A, %run_scoped3A_8, %dma_wait3A_60, %dma_wait3A_61] : memref<32x2x50x100xi32, #tpu.memory_space<hbm>> -> memref<1x1x50x100xi32, #tpu.memory_space<hbm>>
      %dma_wait3A_63 = tpu.memref_squeeze %dma_wait3A_62 : memref<1x1x50x100xi32, #tpu.memory_space<hbm>> -> memref<50x100xi32, #tpu.memory_space<hbm>>
      %dma_wait3A_64 = arith.constant 0 : i32
      %dma_wait3A_65 = arith.constant 0 : i32
      %dma_wait3A_66 = tpu.memref_slice %arg4[%add3A, %run_scoped3A_8, %dma_wait3A_64, %dma_wait3A_65] : memref<32x2x50x100xi32, #tpu.memory_space<hbm>> -> memref<1x1x50x100xi32, #tpu.memory_space<hbm>>
      %dma_wait3A_67 = tpu.memref_squeeze %dma_wait3A_66 : memref<1x1x50x100xi32, #tpu.memory_space<hbm>> -> memref<50x100xi32, #tpu.memory_space<hbm>>
      tpu.wait_dma2 semaphore(%run_scoped3A_51 : memref<!tpu.dma_semaphore, #tpu.memory_space<semaphore_mem>>) src(%dma_wait3A_67 : memref<50x100xi32, #tpu.memory_space<hbm>>) dst(%arg8 : memref<50x100xi32, #tpu.memory_space<vmem>>)
      tpu.yield
    }) : () -> ()
    %dma_start3A_9 = arith.constant 0 : i32
    %dma_start3A_10 = arith.constant 0 : i32
    %dma_start3A_11 = tpu.memref_slice %arg7[%dma_start3A_9, %dma_start3A_10] : memref<50x100xi32, #tpu.memory_space<vmem>> -> memref<1x100xi32, #tpu.memory_space<vmem>>
    %dma_start3A_12 = tpu.memref_squeeze %dma_start3A_11 : memref<1x100xi32, #tpu.memory_space<vmem>> -> memref<100xi32, #tpu.memory_space<vmem>>
    %dma_start3A_13 = arith.constant 0 : i32
    %dma_start3A_14 = arith.constant 0 : i32
    %dma_start3A_15 = tpu.memref_slice %arg2[%dma_start3A_13, %dma_start3A_14] : memref<40000x128xf32, #tpu.memory_space<hbm>> -> memref<40000x128xf32, #tpu.memory_space<hbm>>
    tpu.enqueue_indirect_dma source(%dma_start3A_15 : memref<40000x128xf32, #tpu.memory_space<hbm>>) target(%arg9 : memref<100x128xf32, #tpu.memory_space<vmem>>) offsets(%dma_start3A_12 : memref<100xi32, #tpu.memory_space<vmem>>) semaphore(%arg12 : memref<!tpu.dma_semaphore, #tpu.memory_space<semaphore_mem>>)
    %dma_wait3A = arith.constant 0 : i32
    %dma_wait3A_16 = tpu.memref_slice %arg11[%mul3A_4, %dma_wait3A] : memref<10000x128xf32, #tpu.memory_space<vmem_shared>> -> memref<624x128xf32, #tpu.memory_space<vmem_shared>>
    %dma_wait3A_17 = arith.constant 0 : i32
    %dma_wait3A_18 = tpu.memref_slice %arg5[%mul3A_2, %dma_wait3A_17] : memref<10000x128xf32, #tpu.memory_space<hbm>> -> memref<624x128xf32, #tpu.memory_space<hbm>>
    tpu.wait_dma2 semaphore(%arg14 : memref<!tpu.dma_semaphore, #tpu.memory_space<semaphore_mem>>) src(%dma_wait3A_18 : memref<624x128xf32, #tpu.memory_space<hbm>>) dst(%dma_wait3A_16 : memref<624x128xf32, #tpu.memory_space<vmem_shared>>)
    %eq3A = arith.constant 15 : i32
    %eq3A_19 = arith.cmpi eq, %arg1, %eq3A : i32
    %convert_element_type3A = arith.extui %eq3A_19 : i1 to i32
    %cond3A = arith.constant 0 : i32
    %cond3A_20 = arith.cmpi ne, %convert_element_type3A, %cond3A : i32
    scf.if %cond3A_20 {
      "tpu.region"() ({
        %run_scoped3A_51 = tpu.sem_alloc : memref<!tpu.dma_semaphore, #tpu.memory_space<semaphore_mem>>
        %dma_start3A_52 = arith.constant 9984 : i32
        %dma_start3A_53 = arith.constant 0 : i32
        %dma_start3A_54 = tpu.memref_slice %arg11[%dma_start3A_52, %dma_start3A_53] : memref<10000x128xf32, #tpu.memory_space<vmem_shared>> -> memref<16x128xf32, #tpu.memory_space<vmem_shared>>
        %dma_start3A_55 = arith.constant 9984 : i32
        %dma_start3A_56 = arith.constant 0 : i32
        %dma_start3A_57 = tpu.memref_slice %arg5[%dma_start3A_55, %dma_start3A_56] : memref<10000x128xf32, #tpu.memory_space<hbm>> -> memref<16x128xf32, #tpu.memory_space<hbm>>
        tpu.enqueue_dma source(%dma_start3A_57 : memref<16x128xf32, #tpu.memory_space<hbm>>) target(%dma_start3A_54 : memref<16x128xf32, #tpu.memory_space<vmem_shared>>) target_semaphore(%run_scoped3A_51 : memref<!tpu.dma_semaphore, #tpu.memory_space<semaphore_mem>>)
        %dma_wait3A_58 = arith.constant 9984 : i32
        %dma_wait3A_59 = arith.constant 0 : i32
        %dma_wait3A_60 = tpu.memref_slice %arg11[%dma_wait3A_58, %dma_wait3A_59] : memref<10000x128xf32, #tpu.memory_space<vmem_shared>> -> memref<16x128xf32, #tpu.memory_space<vmem_shared>>
        %dma_wait3A_61 = arith.constant 9984 : i32
        %dma_wait3A_62 = arith.constant 0 : i32
        %dma_wait3A_63 = tpu.memref_slice %arg5[%dma_wait3A_61, %dma_wait3A_62] : memref<10000x128xf32, #tpu.memory_space<hbm>> -> memref<16x128xf32, #tpu.memory_space<hbm>>
        tpu.wait_dma2 semaphore(%run_scoped3A_51 : memref<!tpu.dma_semaphore, #tpu.memory_space<semaphore_mem>>) src(%dma_wait3A_63 : memref<16x128xf32, #tpu.memory_space<hbm>>) dst(%dma_wait3A_60 : memref<16x128xf32, #tpu.memory_space<vmem_shared>>)
        tpu.yield
      }) : () -> ()
    } else {
    }
    %barrier3A = arith.constant 0 : index
    tpu.barrier barrier_id(%barrier3A)
    %scan3A = arith.constant 0 : i32
    %scan3A_21 = arith.constant 0 : i32
    %scan3A_22 = arith.constant 25 : i32
    %scan3A_23 = arith.addi %scan3A_21, %scan3A_22 : i32
    %scan3A_24 = arith.constant 1 : i32
    scf.for %scan3A_51 = %scan3A_21 to %scan3A_23 step %scan3A_24  : i32 {
      %mul3A_52 = arith.constant 2 : i32
      %mul3A_53 = arith.muli %mul3A_52, %scan3A_51 : i32
      %add3A_54 = arith.constant 1 : i32
      %add3A_55 = arith.addi %mul3A_53, %add3A_54 : i32
      %dma_start3A_56 = arith.constant 0 : i32
      %dma_start3A_57 = tpu.memref_slice %arg7[%add3A_55, %dma_start3A_56] : memref<50x100xi32, #tpu.memory_space<vmem>> -> memref<1x100xi32, #tpu.memory_space<vmem>>
      %dma_start3A_58 = tpu.memref_squeeze %dma_start3A_57 : memref<1x100xi32, #tpu.memory_space<vmem>> -> memref<100xi32, #tpu.memory_space<vmem>>
      %dma_start3A_59 = arith.constant 0 : i32
      %dma_start3A_60 = arith.constant 0 : i32
      %dma_start3A_61 = tpu.memref_slice %arg2[%dma_start3A_59, %dma_start3A_60] : memref<40000x128xf32, #tpu.memory_space<hbm>> -> memref<40000x128xf32, #tpu.memory_space<hbm>>
      tpu.enqueue_indirect_dma source(%dma_start3A_61 : memref<40000x128xf32, #tpu.memory_space<hbm>>) target(%arg10 : memref<100x128xf32, #tpu.memory_space<vmem>>) offsets(%dma_start3A_58 : memref<100xi32, #tpu.memory_space<vmem>>) semaphore(%arg13 : memref<!tpu.dma_semaphore, #tpu.memory_space<semaphore_mem>>)
      %dma_wait3A_62 = arith.constant 0 : i32
      %dma_wait3A_63 = tpu.memref_slice %arg7[%mul3A_53, %dma_wait3A_62] : memref<50x100xi32, #tpu.memory_space<vmem>> -> memref<1x100xi32, #tpu.memory_space<vmem>>
      %dma_wait3A_64 = tpu.memref_squeeze %dma_wait3A_63 : memref<1x100xi32, #tpu.memory_space<vmem>> -> memref<100xi32, #tpu.memory_space<vmem>>
      %dma_wait3A_65 = arith.constant 0 : i32
      %dma_wait3A_66 = arith.constant 0 : i32
      %dma_wait3A_67 = tpu.memref_slice %arg2[%dma_wait3A_65, %dma_wait3A_66] : memref<40000x128xf32, #tpu.memory_space<hbm>> -> memref<40000x128xf32, #tpu.memory_space<hbm>>
      tpu.wait_indirect_dma semaphore(%arg12 : memref<!tpu.dma_semaphore, #tpu.memory_space<semaphore_mem>>) src(%dma_wait3A_67 : memref<40000x128xf32, #tpu.memory_space<hbm>>) dst(%arg9 : memref<100x128xf32, #tpu.memory_space<vmem>>)
      "tpu.region"() ({
        %run_scoped3A_84 = tpu.sem_alloc : memref<!tpu.dma_semaphore, #tpu.memory_space<semaphore_mem>>
        %dma_start3A_85 = arith.constant 0 : i32
        %dma_start3A_86 = tpu.memref_slice %arg8[%mul3A_53, %dma_start3A_85] : memref<50x100xi32, #tpu.memory_space<vmem>> -> memref<1x100xi32, #tpu.memory_space<vmem>>
        %dma_start3A_87 = tpu.memref_squeeze %dma_start3A_86 : memref<1x100xi32, #tpu.memory_space<vmem>> -> memref<100xi32, #tpu.memory_space<vmem>>
        %dma_start3A_88 = arith.constant 0 : i32
        %dma_start3A_89 = arith.constant 0 : i32
        %dma_start3A_90 = tpu.memref_slice %arg11[%dma_start3A_88, %dma_start3A_89] : memref<10000x128xf32, #tpu.memory_space<vmem_shared>> -> memref<10000x128xf32, #tpu.memory_space<vmem_shared>>
        tpu.enqueue_indirect_dma source(%arg9 : memref<100x128xf32, #tpu.memory_space<vmem>>) target(%dma_start3A_90 : memref<10000x128xf32, #tpu.memory_space<vmem_shared>>) offsets(%dma_start3A_87 : memref<100xi32, #tpu.memory_space<vmem>>) semaphore(%run_scoped3A_84 : memref<!tpu.dma_semaphore, #tpu.memory_space<semaphore_mem>>) {add = true}
        %dma_wait3A_91 = arith.constant 0 : i32
        %dma_wait3A_92 = tpu.memref_slice %arg8[%mul3A_53, %dma_wait3A_91] : memref<50x100xi32, #tpu.memory_space<vmem>> -> memref<1x100xi32, #tpu.memory_space<vmem>>
        %dma_wait3A_93 = tpu.memref_squeeze %dma_wait3A_92 : memref<1x100xi32, #tpu.memory_space<vmem>> -> memref<100xi32, #tpu.memory_space<vmem>>
        %dma_wait3A_94 = arith.constant 0 : i32
        %dma_wait3A_95 = arith.constant 0 : i32
        %dma_wait3A_96 = tpu.memref_slice %arg11[%dma_wait3A_94, %dma_wait3A_95] : memref<10000x128xf32, #tpu.memory_space<vmem_shared>> -> memref<10000x128xf32, #tpu.memory_space<vmem_shared>>
        tpu.wait_indirect_dma semaphore(%run_scoped3A_84 : memref<!tpu.dma_semaphore, #tpu.memory_space<semaphore_mem>>) src(%arg9 : memref<100x128xf32, #tpu.memory_space<vmem>>) dst(%dma_wait3A_96 : memref<10000x128xf32, #tpu.memory_space<vmem_shared>>)
        tpu.yield
      }) : () -> ()
      %add3A_68 = arith.constant 2 : i32
      %add3A_69 = arith.addi %mul3A_53, %add3A_68 : i32
      %lt3A = arith.constant 50 : i32
      %lt3A_70 = arith.cmpi slt, %add3A_69, %lt3A : i32
      %convert_element_type3A_71 = arith.extui %lt3A_70 : i1 to i32
      %cond3A_72 = arith.constant 0 : i32
      %cond3A_73 = arith.cmpi ne, %convert_element_type3A_71, %cond3A_72 : i32
      scf.if %cond3A_73 {
        %add3A_84 = arith.constant 2 : i32
        %add3A_85 = arith.addi %mul3A_53, %add3A_84 : i32
        %dma_start3A_86 = arith.constant 0 : i32
        %dma_start3A_87 = tpu.memref_slice %arg7[%add3A_85, %dma_start3A_86] : memref<50x100xi32, #tpu.memory_space<vmem>> -> memref<1x100xi32, #tpu.memory_space<vmem>>
        %dma_start3A_88 = tpu.memref_squeeze %dma_start3A_87 : memref<1x100xi32, #tpu.memory_space<vmem>> -> memref<100xi32, #tpu.memory_space<vmem>>
        %dma_start3A_89 = arith.constant 0 : i32
        %dma_start3A_90 = arith.constant 0 : i32
        %dma_start3A_91 = tpu.memref_slice %arg2[%dma_start3A_89, %dma_start3A_90] : memref<40000x128xf32, #tpu.memory_space<hbm>> -> memref<40000x128xf32, #tpu.memory_space<hbm>>
        tpu.enqueue_indirect_dma source(%dma_start3A_91 : memref<40000x128xf32, #tpu.memory_space<hbm>>) target(%arg9 : memref<100x128xf32, #tpu.memory_space<vmem>>) offsets(%dma_start3A_88 : memref<100xi32, #tpu.memory_space<vmem>>) semaphore(%arg12 : memref<!tpu.dma_semaphore, #tpu.memory_space<semaphore_mem>>)
      } else {
      }
      %add3A_74 = arith.constant 1 : i32
      %add3A_75 = arith.addi %mul3A_53, %add3A_74 : i32
      %dma_wait3A_76 = arith.constant 0 : i32
      %dma_wait3A_77 = tpu.memref_slice %arg7[%add3A_75, %dma_wait3A_76] : memref<50x100xi32, #tpu.memory_space<vmem>> -> memref<1x100xi32, #tpu.memory_space<vmem>>
      %dma_wait3A_78 = tpu.memref_squeeze %dma_wait3A_77 : memref<1x100xi32, #tpu.memory_space<vmem>> -> memref<100xi32, #tpu.memory_space<vmem>>
      %dma_wait3A_79 = arith.constant 0 : i32
      %dma_wait3A_80 = arith.constant 0 : i32
      %dma_wait3A_81 = tpu.memref_slice %arg2[%dma_wait3A_79, %dma_wait3A_80] : memref<40000x128xf32, #tpu.memory_space<hbm>> -> memref<40000x128xf32, #tpu.memory_space<hbm>>
      tpu.wait_indirect_dma semaphore(%arg13 : memref<!tpu.dma_semaphore, #tpu.memory_space<semaphore_mem>>) src(%dma_wait3A_81 : memref<40000x128xf32, #tpu.memory_space<hbm>>) dst(%arg10 : memref<100x128xf32, #tpu.memory_space<vmem>>)
      %add3A_82 = arith.constant 1 : i32
      %add3A_83 = arith.addi %mul3A_53, %add3A_82 : i32
      "tpu.region"() ({
        %run_scoped3A_84 = tpu.sem_alloc : memref<!tpu.dma_semaphore, #tpu.memory_space<semaphore_mem>>
        %dma_start3A_85 = arith.constant 0 : i32
        %dma_start3A_86 = tpu.memref_slice %arg8[%add3A_83, %dma_start3A_85] : memref<50x100xi32, #tpu.memory_space<vmem>> -> memref<1x100xi32, #tpu.memory_space<vmem>>
        %dma_start3A_87 = tpu.memref_squeeze %dma_start3A_86 : memref<1x100xi32, #tpu.memory_space<vmem>> -> memref<100xi32, #tpu.memory_space<vmem>>
        %dma_start3A_88 = arith.constant 0 : i32
        %dma_start3A_89 = arith.constant 0 : i32
        %dma_start3A_90 = tpu.memref_slice %arg11[%dma_start3A_88, %dma_start3A_89] : memref<10000x128xf32, #tpu.memory_space<vmem_shared>> -> memref<10000x128xf32, #tpu.memory_space<vmem_shared>>
        tpu.enqueue_indirect_dma source(%arg10 : memref<100x128xf32, #tpu.memory_space<vmem>>) target(%dma_start3A_90 : memref<10000x128xf32, #tpu.memory_space<vmem_shared>>) offsets(%dma_start3A_87 : memref<100xi32, #tpu.memory_space<vmem>>) semaphore(%run_scoped3A_84 : memref<!tpu.dma_semaphore, #tpu.memory_space<semaphore_mem>>) {add = true}
        %dma_wait3A_91 = arith.constant 0 : i32
        %dma_wait3A_92 = tpu.memref_slice %arg8[%add3A_83, %dma_wait3A_91] : memref<50x100xi32, #tpu.memory_space<vmem>> -> memref<1x100xi32, #tpu.memory_space<vmem>>
        %dma_wait3A_93 = tpu.memref_squeeze %dma_wait3A_92 : memref<1x100xi32, #tpu.memory_space<vmem>> -> memref<100xi32, #tpu.memory_space<vmem>>
        %dma_wait3A_94 = arith.constant 0 : i32
        %dma_wait3A_95 = arith.constant 0 : i32
        %dma_wait3A_96 = tpu.memref_slice %arg11[%dma_wait3A_94, %dma_wait3A_95] : memref<10000x128xf32, #tpu.memory_space<vmem_shared>> -> memref<10000x128xf32, #tpu.memory_space<vmem_shared>>
        tpu.wait_indirect_dma semaphore(%run_scoped3A_84 : memref<!tpu.dma_semaphore, #tpu.memory_space<semaphore_mem>>) src(%arg10 : memref<100x128xf32, #tpu.memory_space<vmem>>) dst(%dma_wait3A_96 : memref<10000x128xf32, #tpu.memory_space<vmem_shared>>)
        tpu.yield
      }) : () -> ()
    }
    %scan3A_25 = arith.constant 25 : i32
    %run_scoped3A_26 = arith.constant 1 : i32
    "tpu.region"() ({
      %run_scoped3A_51 = tpu.sem_alloc : memref<!tpu.dma_semaphore, #tpu.memory_space<semaphore_mem>>
      %dma_start3A_52 = arith.constant 0 : i32
      %dma_start3A_53 = arith.constant 0 : i32
      %dma_start3A_54 = tpu.memref_slice %arg3[%add3A, %run_scoped3A_26, %dma_start3A_52, %dma_start3A_53] : memref<32x2x50x100xi32, #tpu.memory_space<hbm>> -> memref<1x1x50x100xi32, #tpu.memory_space<hbm>>
      %dma_start3A_55 = tpu.memref_squeeze %dma_start3A_54 : memref<1x1x50x100xi32, #tpu.memory_space<hbm>> -> memref<50x100xi32, #tpu.memory_space<hbm>>
      %dma_start3A_56 = arith.constant 0 : i32
      %dma_start3A_57 = arith.constant 0 : i32
      %dma_start3A_58 = tpu.memref_slice %arg3[%add3A, %run_scoped3A_26, %dma_start3A_56, %dma_start3A_57] : memref<32x2x50x100xi32, #tpu.memory_space<hbm>> -> memref<1x1x50x100xi32, #tpu.memory_space<hbm>>
      %dma_start3A_59 = tpu.memref_squeeze %dma_start3A_58 : memref<1x1x50x100xi32, #tpu.memory_space<hbm>> -> memref<50x100xi32, #tpu.memory_space<hbm>>
      tpu.enqueue_dma source(%dma_start3A_59 : memref<50x100xi32, #tpu.memory_space<hbm>>) target(%arg7 : memref<50x100xi32, #tpu.memory_space<vmem>>) target_semaphore(%run_scoped3A_51 : memref<!tpu.dma_semaphore, #tpu.memory_space<semaphore_mem>>)
      %dma_wait3A_60 = arith.constant 0 : i32
      %dma_wait3A_61 = arith.constant 0 : i32
      %dma_wait3A_62 = tpu.memref_slice %arg3[%add3A, %run_scoped3A_26, %dma_wait3A_60, %dma_wait3A_61] : memref<32x2x50x100xi32, #tpu.memory_space<hbm>> -> memref<1x1x50x100xi32, #tpu.memory_space<hbm>>
      %dma_wait3A_63 = tpu.memref_squeeze %dma_wait3A_62 : memref<1x1x50x100xi32, #tpu.memory_space<hbm>> -> memref<50x100xi32, #tpu.memory_space<hbm>>
      %dma_wait3A_64 = arith.constant 0 : i32
      %dma_wait3A_65 = arith.constant 0 : i32
      %dma_wait3A_66 = tpu.memref_slice %arg3[%add3A, %run_scoped3A_26, %dma_wait3A_64, %dma_wait3A_65] : memref<32x2x50x100xi32, #tpu.memory_space<hbm>> -> memref<1x1x50x100xi32, #tpu.memory_space<hbm>>
      %dma_wait3A_67 = tpu.memref_squeeze %dma_wait3A_66 : memref<1x1x50x100xi32, #tpu.memory_space<hbm>> -> memref<50x100xi32, #tpu.memory_space<hbm>>
      tpu.wait_dma2 semaphore(%run_scoped3A_51 : memref<!tpu.dma_semaphore, #tpu.memory_space<semaphore_mem>>) src(%dma_wait3A_67 : memref<50x100xi32, #tpu.memory_space<hbm>>) dst(%arg7 : memref<50x100xi32, #tpu.memory_space<vmem>>)
      tpu.yield
    }) : () -> ()
    %run_scoped3A_27 = arith.constant 1 : i32
    "tpu.region"() ({
      %run_scoped3A_51 = tpu.sem_alloc : memref<!tpu.dma_semaphore, #tpu.memory_space<semaphore_mem>>
      %dma_start3A_52 = arith.constant 0 : i32
      %dma_start3A_53 = arith.constant 0 : i32
      %dma_start3A_54 = tpu.memref_slice %arg4[%add3A, %run_scoped3A_27, %dma_start3A_52, %dma_start3A_53] : memref<32x2x50x100xi32, #tpu.memory_space<hbm>> -> memref<1x1x50x100xi32, #tpu.memory_space<hbm>>
      %dma_start3A_55 = tpu.memref_squeeze %dma_start3A_54 : memref<1x1x50x100xi32, #tpu.memory_space<hbm>> -> memref<50x100xi32, #tpu.memory_space<hbm>>
      %dma_start3A_56 = arith.constant 0 : i32
      %dma_start3A_57 = arith.constant 0 : i32
      %dma_start3A_58 = tpu.memref_slice %arg4[%add3A, %run_scoped3A_27, %dma_start3A_56, %dma_start3A_57] : memref<32x2x50x100xi32, #tpu.memory_space<hbm>> -> memref<1x1x50x100xi32, #tpu.memory_space<hbm>>
      %dma_start3A_59 = tpu.memref_squeeze %dma_start3A_58 : memref<1x1x50x100xi32, #tpu.memory_space<hbm>> -> memref<50x100xi32, #tpu.memory_space<hbm>>
      tpu.enqueue_dma source(%dma_start3A_59 : memref<50x100xi32, #tpu.memory_space<hbm>>) target(%arg8 : memref<50x100xi32, #tpu.memory_space<vmem>>) target_semaphore(%run_scoped3A_51 : memref<!tpu.dma_semaphore, #tpu.memory_space<semaphore_mem>>)
      %dma_wait3A_60 = arith.constant 0 : i32
      %dma_wait3A_61 = arith.constant 0 : i32
      %dma_wait3A_62 = tpu.memref_slice %arg4[%add3A, %run_scoped3A_27, %dma_wait3A_60, %dma_wait3A_61] : memref<32x2x50x100xi32, #tpu.memory_space<hbm>> -> memref<1x1x50x100xi32, #tpu.memory_space<hbm>>
      %dma_wait3A_63 = tpu.memref_squeeze %dma_wait3A_62 : memref<1x1x50x100xi32, #tpu.memory_space<hbm>> -> memref<50x100xi32, #tpu.memory_space<hbm>>
      %dma_wait3A_64 = arith.constant 0 : i32
      %dma_wait3A_65 = arith.constant 0 : i32
      %dma_wait3A_66 = tpu.memref_slice %arg4[%add3A, %run_scoped3A_27, %dma_wait3A_64, %dma_wait3A_65] : memref<32x2x50x100xi32, #tpu.memory_space<hbm>> -> memref<1x1x50x100xi32, #tpu.memory_space<hbm>>
      %dma_wait3A_67 = tpu.memref_squeeze %dma_wait3A_66 : memref<1x1x50x100xi32, #tpu.memory_space<hbm>> -> memref<50x100xi32, #tpu.memory_space<hbm>>
      tpu.wait_dma2 semaphore(%run_scoped3A_51 : memref<!tpu.dma_semaphore, #tpu.memory_space<semaphore_mem>>) src(%dma_wait3A_67 : memref<50x100xi32, #tpu.memory_space<hbm>>) dst(%arg8 : memref<50x100xi32, #tpu.memory_space<vmem>>)
      tpu.yield
    }) : () -> ()
    %dma_start3A_28 = arith.constant 0 : i32
    %dma_start3A_29 = arith.constant 0 : i32
    %dma_start3A_30 = tpu.memref_slice %arg7[%dma_start3A_28, %dma_start3A_29] : memref<50x100xi32, #tpu.memory_space<vmem>> -> memref<1x100xi32, #tpu.memory_space<vmem>>
    %dma_start3A_31 = tpu.memref_squeeze %dma_start3A_30 : memref<1x100xi32, #tpu.memory_space<vmem>> -> memref<100xi32, #tpu.memory_space<vmem>>
    %dma_start3A_32 = arith.constant 0 : i32
    %dma_start3A_33 = arith.constant 0 : i32
    %dma_start3A_34 = tpu.memref_slice %arg2[%dma_start3A_32, %dma_start3A_33] : memref<40000x128xf32, #tpu.memory_space<hbm>> -> memref<40000x128xf32, #tpu.memory_space<hbm>>
    tpu.enqueue_indirect_dma source(%dma_start3A_34 : memref<40000x128xf32, #tpu.memory_space<hbm>>) target(%arg9 : memref<100x128xf32, #tpu.memory_space<vmem>>) offsets(%dma_start3A_31 : memref<100xi32, #tpu.memory_space<vmem>>) semaphore(%arg12 : memref<!tpu.dma_semaphore, #tpu.memory_space<semaphore_mem>>)
    %scan3A_35 = arith.constant 0 : i32
    %scan3A_36 = arith.constant 0 : i32
    %scan3A_37 = arith.constant 25 : i32
    %scan3A_38 = arith.addi %scan3A_36, %scan3A_37 : i32
    %scan3A_39 = arith.constant 1 : i32
    scf.for %scan3A_51 = %scan3A_36 to %scan3A_38 step %scan3A_39  : i32 {
      %mul3A_52 = arith.constant 2 : i32
      %mul3A_53 = arith.muli %mul3A_52, %scan3A_51 : i32
      %add3A_54 = arith.constant 1 : i32
      %add3A_55 = arith.addi %mul3A_53, %add3A_54 : i32
      %dma_start3A_56 = arith.constant 0 : i32
      %dma_start3A_57 = tpu.memref_slice %arg7[%add3A_55, %dma_start3A_56] : memref<50x100xi32, #tpu.memory_space<vmem>> -> memref<1x100xi32, #tpu.memory_space<vmem>>
      %dma_start3A_58 = tpu.memref_squeeze %dma_start3A_57 : memref<1x100xi32, #tpu.memory_space<vmem>> -> memref<100xi32, #tpu.memory_space<vmem>>
      %dma_start3A_59 = arith.constant 0 : i32
      %dma_start3A_60 = arith.constant 0 : i32
      %dma_start3A_61 = tpu.memref_slice %arg2[%dma_start3A_59, %dma_start3A_60] : memref<40000x128xf32, #tpu.memory_space<hbm>> -> memref<40000x128xf32, #tpu.memory_space<hbm>>
      tpu.enqueue_indirect_dma source(%dma_start3A_61 : memref<40000x128xf32, #tpu.memory_space<hbm>>) target(%arg10 : memref<100x128xf32, #tpu.memory_space<vmem>>) offsets(%dma_start3A_58 : memref<100xi32, #tpu.memory_space<vmem>>) semaphore(%arg13 : memref<!tpu.dma_semaphore, #tpu.memory_space<semaphore_mem>>)
      %dma_wait3A_62 = arith.constant 0 : i32
      %dma_wait3A_63 = tpu.memref_slice %arg7[%mul3A_53, %dma_wait3A_62] : memref<50x100xi32, #tpu.memory_space<vmem>> -> memref<1x100xi32, #tpu.memory_space<vmem>>
      %dma_wait3A_64 = tpu.memref_squeeze %dma_wait3A_63 : memref<1x100xi32, #tpu.memory_space<vmem>> -> memref<100xi32, #tpu.memory_space<vmem>>
      %dma_wait3A_65 = arith.constant 0 : i32
      %dma_wait3A_66 = arith.constant 0 : i32
      %dma_wait3A_67 = tpu.memref_slice %arg2[%dma_wait3A_65, %dma_wait3A_66] : memref<40000x128xf32, #tpu.memory_space<hbm>> -> memref<40000x128xf32, #tpu.memory_space<hbm>>
      tpu.wait_indirect_dma semaphore(%arg12 : memref<!tpu.dma_semaphore, #tpu.memory_space<semaphore_mem>>) src(%dma_wait3A_67 : memref<40000x128xf32, #tpu.memory_space<hbm>>) dst(%arg9 : memref<100x128xf32, #tpu.memory_space<vmem>>)
      "tpu.region"() ({
        %run_scoped3A_84 = tpu.sem_alloc : memref<!tpu.dma_semaphore, #tpu.memory_space<semaphore_mem>>
        %dma_start3A_85 = arith.constant 0 : i32
        %dma_start3A_86 = tpu.memref_slice %arg8[%mul3A_53, %dma_start3A_85] : memref<50x100xi32, #tpu.memory_space<vmem>> -> memref<1x100xi32, #tpu.memory_space<vmem>>
        %dma_start3A_87 = tpu.memref_squeeze %dma_start3A_86 : memref<1x100xi32, #tpu.memory_space<vmem>> -> memref<100xi32, #tpu.memory_space<vmem>>
        %dma_start3A_88 = arith.constant 0 : i32
        %dma_start3A_89 = arith.constant 0 : i32
        %dma_start3A_90 = tpu.memref_slice %arg11[%dma_start3A_88, %dma_start3A_89] : memref<10000x128xf32, #tpu.memory_space<vmem_shared>> -> memref<10000x128xf32, #tpu.memory_space<vmem_shared>>
        tpu.enqueue_indirect_dma source(%arg9 : memref<100x128xf32, #tpu.memory_space<vmem>>) target(%dma_start3A_90 : memref<10000x128xf32, #tpu.memory_space<vmem_shared>>) offsets(%dma_start3A_87 : memref<100xi32, #tpu.memory_space<vmem>>) semaphore(%run_scoped3A_84 : memref<!tpu.dma_semaphore, #tpu.memory_space<semaphore_mem>>) {add = true}
        %dma_wait3A_91 = arith.constant 0 : i32
        %dma_wait3A_92 = tpu.memref_slice %arg8[%mul3A_53, %dma_wait3A_91] : memref<50x100xi32, #tpu.memory_space<vmem>> -> memref<1x100xi32, #tpu.memory_space<vmem>>
        %dma_wait3A_93 = tpu.memref_squeeze %dma_wait3A_92 : memref<1x100xi32, #tpu.memory_space<vmem>> -> memref<100xi32, #tpu.memory_space<vmem>>
        %dma_wait3A_94 = arith.constant 0 : i32
        %dma_wait3A_95 = arith.constant 0 : i32
        %dma_wait3A_96 = tpu.memref_slice %arg11[%dma_wait3A_94, %dma_wait3A_95] : memref<10000x128xf32, #tpu.memory_space<vmem_shared>> -> memref<10000x128xf32, #tpu.memory_space<vmem_shared>>
        tpu.wait_indirect_dma semaphore(%run_scoped3A_84 : memref<!tpu.dma_semaphore, #tpu.memory_space<semaphore_mem>>) src(%arg9 : memref<100x128xf32, #tpu.memory_space<vmem>>) dst(%dma_wait3A_96 : memref<10000x128xf32, #tpu.memory_space<vmem_shared>>)
        tpu.yield
      }) : () -> ()
      %add3A_68 = arith.constant 2 : i32
      %add3A_69 = arith.addi %mul3A_53, %add3A_68 : i32
      %lt3A = arith.constant 50 : i32
      %lt3A_70 = arith.cmpi slt, %add3A_69, %lt3A : i32
      %convert_element_type3A_71 = arith.extui %lt3A_70 : i1 to i32
      %cond3A_72 = arith.constant 0 : i32
      %cond3A_73 = arith.cmpi ne, %convert_element_type3A_71, %cond3A_72 : i32
      scf.if %cond3A_73 {
        %add3A_84 = arith.constant 2 : i32
        %add3A_85 = arith.addi %mul3A_53, %add3A_84 : i32
        %dma_start3A_86 = arith.constant 0 : i32
        %dma_start3A_87 = tpu.memref_slice %arg7[%add3A_85, %dma_start3A_86] : memref<50x100xi32, #tpu.memory_space<vmem>> -> memref<1x100xi32, #tpu.memory_space<vmem>>
        %dma_start3A_88 = tpu.memref_squeeze %dma_start3A_87 : memref<1x100xi32, #tpu.memory_space<vmem>> -> memref<100xi32, #tpu.memory_space<vmem>>
        %dma_start3A_89 = arith.constant 0 : i32
        %dma_start3A_90 = arith.constant 0 : i32
        %dma_start3A_91 = tpu.memref_slice %arg2[%dma_start3A_89, %dma_start3A_90] : memref<40000x128xf32, #tpu.memory_space<hbm>> -> memref<40000x128xf32, #tpu.memory_space<hbm>>
        tpu.enqueue_indirect_dma source(%dma_start3A_91 : memref<40000x128xf32, #tpu.memory_space<hbm>>) target(%arg9 : memref<100x128xf32, #tpu.memory_space<vmem>>) offsets(%dma_start3A_88 : memref<100xi32, #tpu.memory_space<vmem>>) semaphore(%arg12 : memref<!tpu.dma_semaphore, #tpu.memory_space<semaphore_mem>>)
      } else {
      }
      %add3A_74 = arith.constant 1 : i32
      %add3A_75 = arith.addi %mul3A_53, %add3A_74 : i32
      %dma_wait3A_76 = arith.constant 0 : i32
      %dma_wait3A_77 = tpu.memref_slice %arg7[%add3A_75, %dma_wait3A_76] : memref<50x100xi32, #tpu.memory_space<vmem>> -> memref<1x100xi32, #tpu.memory_space<vmem>>
      %dma_wait3A_78 = tpu.memref_squeeze %dma_wait3A_77 : memref<1x100xi32, #tpu.memory_space<vmem>> -> memref<100xi32, #tpu.memory_space<vmem>>
      %dma_wait3A_79 = arith.constant 0 : i32
      %dma_wait3A_80 = arith.constant 0 : i32
      %dma_wait3A_81 = tpu.memref_slice %arg2[%dma_wait3A_79, %dma_wait3A_80] : memref<40000x128xf32, #tpu.memory_space<hbm>> -> memref<40000x128xf32, #tpu.memory_space<hbm>>
      tpu.wait_indirect_dma semaphore(%arg13 : memref<!tpu.dma_semaphore, #tpu.memory_space<semaphore_mem>>) src(%dma_wait3A_81 : memref<40000x128xf32, #tpu.memory_space<hbm>>) dst(%arg10 : memref<100x128xf32, #tpu.memory_space<vmem>>)
      %add3A_82 = arith.constant 1 : i32
      %add3A_83 = arith.addi %mul3A_53, %add3A_82 : i32
      "tpu.region"() ({
        %run_scoped3A_84 = tpu.sem_alloc : memref<!tpu.dma_semaphore, #tpu.memory_space<semaphore_mem>>
        %dma_start3A_85 = arith.constant 0 : i32
        %dma_start3A_86 = tpu.memref_slice %arg8[%add3A_83, %dma_start3A_85] : memref<50x100xi32, #tpu.memory_space<vmem>> -> memref<1x100xi32, #tpu.memory_space<vmem>>
        %dma_start3A_87 = tpu.memref_squeeze %dma_start3A_86 : memref<1x100xi32, #tpu.memory_space<vmem>> -> memref<100xi32, #tpu.memory_space<vmem>>
        %dma_start3A_88 = arith.constant 0 : i32
        %dma_start3A_89 = arith.constant 0 : i32
        %dma_start3A_90 = tpu.memref_slice %arg11[%dma_start3A_88, %dma_start3A_89] : memref<10000x128xf32, #tpu.memory_space<vmem_shared>> -> memref<10000x128xf32, #tpu.memory_space<vmem_shared>>
        tpu.enqueue_indirect_dma source(%arg10 : memref<100x128xf32, #tpu.memory_space<vmem>>) target(%dma_start3A_90 : memref<10000x128xf32, #tpu.memory_space<vmem_shared>>) offsets(%dma_start3A_87 : memref<100xi32, #tpu.memory_space<vmem>>) semaphore(%run_scoped3A_84 : memref<!tpu.dma_semaphore, #tpu.memory_space<semaphore_mem>>) {add = true}
        %dma_wait3A_91 = arith.constant 0 : i32
        %dma_wait3A_92 = tpu.memref_slice %arg8[%add3A_83, %dma_wait3A_91] : memref<50x100xi32, #tpu.memory_space<vmem>> -> memref<1x100xi32, #tpu.memory_space<vmem>>
        %dma_wait3A_93 = tpu.memref_squeeze %dma_wait3A_92 : memref<1x100xi32, #tpu.memory_space<vmem>> -> memref<100xi32, #tpu.memory_space<vmem>>
        %dma_wait3A_94 = arith.constant 0 : i32
        %dma_wait3A_95 = arith.constant 0 : i32
        %dma_wait3A_96 = tpu.memref_slice %arg11[%dma_wait3A_94, %dma_wait3A_95] : memref<10000x128xf32, #tpu.memory_space<vmem_shared>> -> memref<10000x128xf32, #tpu.memory_space<vmem_shared>>
        tpu.wait_indirect_dma semaphore(%run_scoped3A_84 : memref<!tpu.dma_semaphore, #tpu.memory_space<semaphore_mem>>) src(%arg10 : memref<100x128xf32, #tpu.memory_space<vmem>>) dst(%dma_wait3A_96 : memref<10000x128xf32, #tpu.memory_space<vmem_shared>>)
        tpu.yield
      }) : () -> ()
    }
    %scan3A_40 = arith.constant 25 : i32
    %barrier3A_41 = arith.constant 0 : index
    tpu.barrier barrier_id(%barrier3A_41)
    %mul3A_42 = arith.constant 624 : i32
    %mul3A_43 = arith.muli %arg1, %mul3A_42 : i32
    %mul3A_44 = arith.constant 624 : i32
    %mul3A_45 = arith.muli %arg1, %mul3A_44 : i32
    "tpu.region"() ({
      %run_scoped3A_51 = tpu.sem_alloc : memref<!tpu.dma_semaphore, #tpu.memory_space<semaphore_mem>>
      %dma_start3A_52 = arith.constant 0 : i32
      %dma_start3A_53 = tpu.memref_slice %arg6[%arg0, %mul3A_45, %dma_start3A_52] : memref<2x10000x128xf32, #tpu.memory_space<hbm>> -> memref<1x624x128xf32, #tpu.memory_space<hbm>>
      %dma_start3A_54 = tpu.memref_squeeze %dma_start3A_53 : memref<1x624x128xf32, #tpu.memory_space<hbm>> -> memref<624x128xf32, #tpu.memory_space<hbm>>
      %dma_start3A_55 = arith.constant 0 : i32
      %dma_start3A_56 = tpu.memref_slice %arg11[%mul3A_43, %dma_start3A_55] : memref<10000x128xf32, #tpu.memory_space<vmem_shared>> -> memref<624x128xf32, #tpu.memory_space<vmem_shared>>
      tpu.enqueue_dma source(%dma_start3A_56 : memref<624x128xf32, #tpu.memory_space<vmem_shared>>) target(%dma_start3A_54 : memref<624x128xf32, #tpu.memory_space<hbm>>) target_semaphore(%run_scoped3A_51 : memref<!tpu.dma_semaphore, #tpu.memory_space<semaphore_mem>>)
      %dma_wait3A_57 = arith.constant 0 : i32
      %dma_wait3A_58 = tpu.memref_slice %arg6[%arg0, %mul3A_45, %dma_wait3A_57] : memref<2x10000x128xf32, #tpu.memory_space<hbm>> -> memref<1x624x128xf32, #tpu.memory_space<hbm>>
      %dma_wait3A_59 = tpu.memref_squeeze %dma_wait3A_58 : memref<1x624x128xf32, #tpu.memory_space<hbm>> -> memref<624x128xf32, #tpu.memory_space<hbm>>
      %dma_wait3A_60 = arith.constant 0 : i32
      %dma_wait3A_61 = tpu.memref_slice %arg11[%mul3A_43, %dma_wait3A_60] : memref<10000x128xf32, #tpu.memory_space<vmem_shared>> -> memref<624x128xf32, #tpu.memory_space<vmem_shared>>
      tpu.wait_dma2 semaphore(%run_scoped3A_51 : memref<!tpu.dma_semaphore, #tpu.memory_space<semaphore_mem>>) src(%dma_wait3A_61 : memref<624x128xf32, #tpu.memory_space<vmem_shared>>) dst(%dma_wait3A_59 : memref<624x128xf32, #tpu.memory_space<hbm>>)
      tpu.yield
    }) : () -> ()
    %eq3A_46 = arith.constant 15 : i32
    %eq3A_47 = arith.cmpi eq, %arg1, %eq3A_46 : i32
    %convert_element_type3A_48 = arith.extui %eq3A_47 : i1 to i32
    %cond3A_49 = arith.constant 0 : i32
    %cond3A_50 = arith.cmpi ne, %convert_element_type3A_48, %cond3A_49 : i32
    scf.if %cond3A_50 {
      "tpu.region"() ({
        %run_scoped3A_51 = tpu.sem_alloc : memref<!tpu.dma_semaphore, #tpu.memory_space<semaphore_mem>>
        %dma_start3A_52 = arith.constant 9984 : i32
        %dma_start3A_53 = arith.constant 0 : i32
        %dma_start3A_54 = tpu.memref_slice %arg6[%arg0, %dma_start3A_52, %dma_start3A_53] : memref<2x10000x128xf32, #tpu.memory_space<hbm>> -> memref<1x16x128xf32, #tpu.memory_space<hbm>>
        %dma_start3A_55 = tpu.memref_squeeze %dma_start3A_54 : memref<1x16x128xf32, #tpu.memory_space<hbm>> -> memref<16x128xf32, #tpu.memory_space<hbm>>
        %dma_start3A_56 = arith.constant 9984 : i32
        %dma_start3A_57 = arith.constant 0 : i32
        %dma_start3A_58 = tpu.memref_slice %arg11[%dma_start3A_56, %dma_start3A_57] : memref<10000x128xf32, #tpu.memory_space<vmem_shared>> -> memref<16x128xf32, #tpu.memory_space<vmem_shared>>
        tpu.enqueue_dma source(%dma_start3A_58 : memref<16x128xf32, #tpu.memory_space<vmem_shared>>) target(%dma_start3A_55 : memref<16x128xf32, #tpu.memory_space<hbm>>) target_semaphore(%run_scoped3A_51 : memref<!tpu.dma_semaphore, #tpu.memory_space<semaphore_mem>>)
        %dma_wait3A_59 = arith.constant 9984 : i32
        %dma_wait3A_60 = arith.constant 0 : i32
        %dma_wait3A_61 = tpu.memref_slice %arg6[%arg0, %dma_wait3A_59, %dma_wait3A_60] : memref<2x10000x128xf32, #tpu.memory_space<hbm>> -> memref<1x16x128xf32, #tpu.memory_space<hbm>>
        %dma_wait3A_62 = tpu.memref_squeeze %dma_wait3A_61 : memref<1x16x128xf32, #tpu.memory_space<hbm>> -> memref<16x128xf32, #tpu.memory_space<hbm>>
        %dma_wait3A_63 = arith.constant 9984 : i32
        %dma_wait3A_64 = arith.constant 0 : i32
        %dma_wait3A_65 = tpu.memref_slice %arg11[%dma_wait3A_63, %dma_wait3A_64] : memref<10000x128xf32, #tpu.memory_space<vmem_shared>> -> memref<16x128xf32, #tpu.memory_space<vmem_shared>>
        tpu.wait_dma2 semaphore(%run_scoped3A_51 : memref<!tpu.dma_semaphore, #tpu.memory_space<semaphore_mem>>) src(%dma_wait3A_65 : memref<16x128xf32, #tpu.memory_space<vmem_shared>>) dst(%dma_wait3A_62 : memref<16x128xf32, #tpu.memory_space<hbm>>)
        tpu.yield
      }) : () -> ()
    } else {
    }
    return
  }
}

#map = affine_map<(d0, d1) -> (0, 0)>
#map1 = affine_map<(d0, d1) -> (0, 0, 0, 0)>
#map2 = affine_map<(d0, d1) -> (0, 0, 0)>
module attributes {stable_mosaic.version = 14 : i64} {
  func.func @_edge_body(%arg0: i32, %arg1: i32, %arg2: memref<40000x128xf32, #tpu.memory_space<hbm>>, %arg3: memref<32x2x50x100xi32, #tpu.memory_space<hbm>>, %arg4: memref<32x2x50x100xi32, #tpu.memory_space<hbm>>, %arg5: memref<10000x128xf32, #tpu.memory_space<hbm>>, %arg6: memref<2x10000x128xf32, #tpu.memory_space<hbm>>, %arg7: memref<50x100xi32, #tpu.memory_space<vmem>>, %arg8: memref<50x100xi32, #tpu.memory_space<vmem>>, %arg9: memref<100x128xf32, #tpu.memory_space<vmem>>, %arg10: memref<100x128xf32, #tpu.memory_space<vmem>>, %arg11: memref<10000x128xf32, #tpu.memory_space<vmem_shared>>, %arg12: memref<!tpu.dma_semaphore, #tpu.memory_space<semaphore_mem>>, %arg13: memref<!tpu.dma_semaphore, #tpu.memory_space<semaphore_mem>>, %arg14: memref<!tpu.dma_semaphore, #tpu.memory_space<semaphore_mem>>) attributes {dimension_semantics = [#tpu.dimension_semantics<core_parallel>, #tpu.dimension_semantics<subcore_parallel>], iteration_bounds = array<i64: 2, 16>, scalar_prefetch = 0 : i64, scratch_operands = 8 : i64, tpu.core_type = #tpu.core_type<sc_vector_subcore>, window_params = [{transform_indices = #map}, {transform_indices = #map1}, {transform_indices = #map1}, {transform_indices = #map}, {transform_indices = #map2}]} {
    %mul3A = arith.constant 16 : i32
    %mul3A_0 = arith.muli %arg0, %mul3A : i32
    %add3A = arith.addi %mul3A_0, %arg1 : i32
    %mul3A_1 = arith.constant 624 : i32
    %mul3A_2 = arith.muli %arg1, %mul3A_1 : i32
    %mul3A_3 = arith.constant 624 : i32
    %mul3A_4 = arith.muli %arg1, %mul3A_3 : i32
    %dma_start3A = arith.constant 0 : i32
    %dma_start3A_5 = tpu.memref_slice %arg11[%mul3A_4, %dma_start3A] : memref<10000x128xf32, #tpu.memory_space<vmem_shared>> -> memref<624x128xf32, #tpu.memory_space<vmem_shared>>
    %dma_start3A_6 = arith.constant 0 : i32
    %dma_start3A_7 = tpu.memref_slice %arg5[%mul3A_2, %dma_start3A_6] : memref<10000x128xf32, #tpu.memory_space<hbm>> -> memref<624x128xf32, #tpu.memory_space<hbm>>
    tpu.enqueue_dma source(%dma_start3A_7 : memref<624x128xf32, #tpu.memory_space<hbm>>) target(%dma_start3A_5 : memref<624x128xf32, #tpu.memory_space<vmem_shared>>) target_semaphore(%arg14 : memref<!tpu.dma_semaphore, #tpu.memory_space<semaphore_mem>>)
    %run_scoped3A = arith.constant 0 : i32
    "tpu.region"() ({
      %run_scoped3A_51 = tpu.sem_alloc : memref<!tpu.dma_semaphore, #tpu.memory_space<semaphore_mem>>
      %dma_start3A_52 = arith.constant 0 : i32
      %dma_start3A_53 = arith.constant 0 : i32
      %dma_start3A_54 = tpu.memref_slice %arg3[%add3A, %run_scoped3A, %dma_start3A_52, %dma_start3A_53] : memref<32x2x50x100xi32, #tpu.memory_space<hbm>> -> memref<1x1x50x100xi32, #tpu.memory_space<hbm>>
      %dma_start3A_55 = tpu.memref_squeeze %dma_start3A_54 : memref<1x1x50x100xi32, #tpu.memory_space<hbm>> -> memref<50x100xi32, #tpu.memory_space<hbm>>
      %dma_start3A_56 = arith.constant 0 : i32
      %dma_start3A_57 = arith.constant 0 : i32
      %dma_start3A_58 = tpu.memref_slice %arg3[%add3A, %run_scoped3A, %dma_start3A_56, %dma_start3A_57] : memref<32x2x50x100xi32, #tpu.memory_space<hbm>> -> memref<1x1x50x100xi32, #tpu.memory_space<hbm>>
      %dma_start3A_59 = tpu.memref_squeeze %dma_start3A_58 : memref<1x1x50x100xi32, #tpu.memory_space<hbm>> -> memref<50x100xi32, #tpu.memory_space<hbm>>
      tpu.enqueue_dma source(%dma_start3A_59 : memref<50x100xi32, #tpu.memory_space<hbm>>) target(%arg7 : memref<50x100xi32, #tpu.memory_space<vmem>>) target_semaphore(%run_scoped3A_51 : memref<!tpu.dma_semaphore, #tpu.memory_space<semaphore_mem>>)
      %dma_wait3A_60 = arith.constant 0 : i32
      %dma_wait3A_61 = arith.constant 0 : i32
      %dma_wait3A_62 = tpu.memref_slice %arg3[%add3A, %run_scoped3A, %dma_wait3A_60, %dma_wait3A_61] : memref<32x2x50x100xi32, #tpu.memory_space<hbm>> -> memref<1x1x50x100xi32, #tpu.memory_space<hbm>>
      %dma_wait3A_63 = tpu.memref_squeeze %dma_wait3A_62 : memref<1x1x50x100xi32, #tpu.memory_space<hbm>> -> memref<50x100xi32, #tpu.memory_space<hbm>>
      %dma_wait3A_64 = arith.constant 0 : i32
      %dma_wait3A_65 = arith.constant 0 : i32
      %dma_wait3A_66 = tpu.memref_slice %arg3[%add3A, %run_scoped3A, %dma_wait3A_64, %dma_wait3A_65] : memref<32x2x50x100xi32, #tpu.memory_space<hbm>> -> memref<1x1x50x100xi32, #tpu.memory_space<hbm>>
      %dma_wait3A_67 = tpu.memref_squeeze %dma_wait3A_66 : memref<1x1x50x100xi32, #tpu.memory_space<hbm>> -> memref<50x100xi32, #tpu.memory_space<hbm>>
      tpu.wait_dma2 semaphore(%run_scoped3A_51 : memref<!tpu.dma_semaphore, #tpu.memory_space<semaphore_mem>>) src(%dma_wait3A_67 : memref<50x100xi32, #tpu.memory_space<hbm>>) dst(%arg7 : memref<50x100xi32, #tpu.memory_space<vmem>>)
      tpu.yield
    }) : () -> ()
    %run_scoped3A_8 = arith.constant 0 : i32
    "tpu.region"() ({
      %run_scoped3A_51 = tpu.sem_alloc : memref<!tpu.dma_semaphore, #tpu.memory_space<semaphore_mem>>
      %dma_start3A_52 = arith.constant 0 : i32
      %dma_start3A_53 = arith.constant 0 : i32
      %dma_start3A_54 = tpu.memref_slice %arg4[%add3A, %run_scoped3A_8, %dma_start3A_52, %dma_start3A_53] : memref<32x2x50x100xi32, #tpu.memory_space<hbm>> -> memref<1x1x50x100xi32, #tpu.memory_space<hbm>>
      %dma_start3A_55 = tpu.memref_squeeze %dma_start3A_54 : memref<1x1x50x100xi32, #tpu.memory_space<hbm>> -> memref<50x100xi32, #tpu.memory_space<hbm>>
      %dma_start3A_56 = arith.constant 0 : i32
      %dma_start3A_57 = arith.constant 0 : i32
      %dma_start3A_58 = tpu.memref_slice %arg4[%add3A, %run_scoped3A_8, %dma_start3A_56, %dma_start3A_57] : memref<32x2x50x100xi32, #tpu.memory_space<hbm>> -> memref<1x1x50x100xi32, #tpu.memory_space<hbm>>
      %dma_start3A_59 = tpu.memref_squeeze %dma_start3A_58 : memref<1x1x50x100xi32, #tpu.memory_space<hbm>> -> memref<50x100xi32, #tpu.memory_space<hbm>>
      tpu.enqueue_dma source(%dma_start3A_59 : memref<50x100xi32, #tpu.memory_space<hbm>>) target(%arg8 : memref<50x100xi32, #tpu.memory_space<vmem>>) target_semaphore(%run_scoped3A_51 : memref<!tpu.dma_semaphore, #tpu.memory_space<semaphore_mem>>)
      %dma_wait3A_60 = arith.constant 0 : i32
      %dma_wait3A_61 = arith.constant 0 : i32
      %dma_wait3A_62 = tpu.memref_slice %arg4[%add3A, %run_scoped3A_8, %dma_wait3A_60, %dma_wait3A_61] : memref<32x2x50x100xi32, #tpu.memory_space<hbm>> -> memref<1x1x50x100xi32, #tpu.memory_space<hbm>>
      %dma_wait3A_63 = tpu.memref_squeeze %dma_wait3A_62 : memref<1x1x50x100xi32, #tpu.memory_space<hbm>> -> memref<50x100xi32, #tpu.memory_space<hbm>>
      %dma_wait3A_64 = arith.constant 0 : i32
      %dma_wait3A_65 = arith.constant 0 : i32
      %dma_wait3A_66 = tpu.memref_slice %arg4[%add3A, %run_scoped3A_8, %dma_wait3A_64, %dma_wait3A_65] : memref<32x2x50x100xi32, #tpu.memory_space<hbm>> -> memref<1x1x50x100xi32, #tpu.memory_space<hbm>>
      %dma_wait3A_67 = tpu.memref_squeeze %dma_wait3A_66 : memref<1x1x50x100xi32, #tpu.memory_space<hbm>> -> memref<50x100xi32, #tpu.memory_space<hbm>>
      tpu.wait_dma2 semaphore(%run_scoped3A_51 : memref<!tpu.dma_semaphore, #tpu.memory_space<semaphore_mem>>) src(%dma_wait3A_67 : memref<50x100xi32, #tpu.memory_space<hbm>>) dst(%arg8 : memref<50x100xi32, #tpu.memory_space<vmem>>)
      tpu.yield
    }) : () -> ()
    %dma_start3A_9 = arith.constant 0 : i32
    %dma_start3A_10 = arith.constant 0 : i32
    %dma_start3A_11 = tpu.memref_slice %arg7[%dma_start3A_9, %dma_start3A_10] : memref<50x100xi32, #tpu.memory_space<vmem>> -> memref<1x100xi32, #tpu.memory_space<vmem>>
    %dma_start3A_12 = tpu.memref_squeeze %dma_start3A_11 : memref<1x100xi32, #tpu.memory_space<vmem>> -> memref<100xi32, #tpu.memory_space<vmem>>
    %dma_start3A_13 = arith.constant 0 : i32
    %dma_start3A_14 = arith.constant 0 : i32
    %dma_start3A_15 = tpu.memref_slice %arg2[%dma_start3A_13, %dma_start3A_14] : memref<40000x128xf32, #tpu.memory_space<hbm>> -> memref<40000x128xf32, #tpu.memory_space<hbm>>
    tpu.enqueue_indirect_dma source(%dma_start3A_15 : memref<40000x128xf32, #tpu.memory_space<hbm>>) target(%arg9 : memref<100x128xf32, #tpu.memory_space<vmem>>) offsets(%dma_start3A_12 : memref<100xi32, #tpu.memory_space<vmem>>) semaphore(%arg12 : memref<!tpu.dma_semaphore, #tpu.memory_space<semaphore_mem>>)
    %dma_wait3A = arith.constant 0 : i32
    %dma_wait3A_16 = tpu.memref_slice %arg11[%mul3A_4, %dma_wait3A] : memref<10000x128xf32, #tpu.memory_space<vmem_shared>> -> memref<624x128xf32, #tpu.memory_space<vmem_shared>>
    %dma_wait3A_17 = arith.constant 0 : i32
    %dma_wait3A_18 = tpu.memref_slice %arg5[%mul3A_2, %dma_wait3A_17] : memref<10000x128xf32, #tpu.memory_space<hbm>> -> memref<624x128xf32, #tpu.memory_space<hbm>>
    tpu.wait_dma2 semaphore(%arg14 : memref<!tpu.dma_semaphore, #tpu.memory_space<semaphore_mem>>) src(%dma_wait3A_18 : memref<624x128xf32, #tpu.memory_space<hbm>>) dst(%dma_wait3A_16 : memref<624x128xf32, #tpu.memory_space<vmem_shared>>)
    %eq3A = arith.constant 15 : i32
    %eq3A_19 = arith.cmpi eq, %arg1, %eq3A : i32
    %convert_element_type3A = arith.extui %eq3A_19 : i1 to i32
    %cond3A = arith.constant 0 : i32
    %cond3A_20 = arith.cmpi ne, %convert_element_type3A, %cond3A : i32
    scf.if %cond3A_20 {
      "tpu.region"() ({
        %run_scoped3A_51 = tpu.sem_alloc : memref<!tpu.dma_semaphore, #tpu.memory_space<semaphore_mem>>
        %dma_start3A_52 = arith.constant 9984 : i32
        %dma_start3A_53 = arith.constant 0 : i32
        %dma_start3A_54 = tpu.memref_slice %arg11[%dma_start3A_52, %dma_start3A_53] : memref<10000x128xf32, #tpu.memory_space<vmem_shared>> -> memref<16x128xf32, #tpu.memory_space<vmem_shared>>
        %dma_start3A_55 = arith.constant 9984 : i32
        %dma_start3A_56 = arith.constant 0 : i32
        %dma_start3A_57 = tpu.memref_slice %arg5[%dma_start3A_55, %dma_start3A_56] : memref<10000x128xf32, #tpu.memory_space<hbm>> -> memref<16x128xf32, #tpu.memory_space<hbm>>
        tpu.enqueue_dma source(%dma_start3A_57 : memref<16x128xf32, #tpu.memory_space<hbm>>) target(%dma_start3A_54 : memref<16x128xf32, #tpu.memory_space<vmem_shared>>) target_semaphore(%run_scoped3A_51 : memref<!tpu.dma_semaphore, #tpu.memory_space<semaphore_mem>>)
        %dma_wait3A_58 = arith.constant 9984 : i32
        %dma_wait3A_59 = arith.constant 0 : i32
        %dma_wait3A_60 = tpu.memref_slice %arg11[%dma_wait3A_58, %dma_wait3A_59] : memref<10000x128xf32, #tpu.memory_space<vmem_shared>> -> memref<16x128xf32, #tpu.memory_space<vmem_shared>>
        %dma_wait3A_61 = arith.constant 9984 : i32
        %dma_wait3A_62 = arith.constant 0 : i32
        %dma_wait3A_63 = tpu.memref_slice %arg5[%dma_wait3A_61, %dma_wait3A_62] : memref<10000x128xf32, #tpu.memory_space<hbm>> -> memref<16x128xf32, #tpu.memory_space<hbm>>
        tpu.wait_dma2 semaphore(%run_scoped3A_51 : memref<!tpu.dma_semaphore, #tpu.memory_space<semaphore_mem>>) src(%dma_wait3A_63 : memref<16x128xf32, #tpu.memory_space<hbm>>) dst(%dma_wait3A_60 : memref<16x128xf32, #tpu.memory_space<vmem_shared>>)
        tpu.yield
      }) : () -> ()
    } else {
    }
    %barrier3A = arith.constant 0 : index
    tpu.barrier barrier_id(%barrier3A)
    %scan3A = arith.constant 0 : i32
    %scan3A_21 = arith.constant 0 : i32
    %scan3A_22 = arith.constant 25 : i32
    %scan3A_23 = arith.addi %scan3A_21, %scan3A_22 : i32
    %scan3A_24 = arith.constant 1 : i32
    scf.for %scan3A_51 = %scan3A_21 to %scan3A_23 step %scan3A_24  : i32 {
      %mul3A_52 = arith.constant 2 : i32
      %mul3A_53 = arith.muli %mul3A_52, %scan3A_51 : i32
      %add3A_54 = arith.constant 1 : i32
      %add3A_55 = arith.addi %mul3A_53, %add3A_54 : i32
      %dma_start3A_56 = arith.constant 0 : i32
      %dma_start3A_57 = tpu.memref_slice %arg7[%add3A_55, %dma_start3A_56] : memref<50x100xi32, #tpu.memory_space<vmem>> -> memref<1x100xi32, #tpu.memory_space<vmem>>
      %dma_start3A_58 = tpu.memref_squeeze %dma_start3A_57 : memref<1x100xi32, #tpu.memory_space<vmem>> -> memref<100xi32, #tpu.memory_space<vmem>>
      %dma_start3A_59 = arith.constant 0 : i32
      %dma_start3A_60 = arith.constant 0 : i32
      %dma_start3A_61 = tpu.memref_slice %arg2[%dma_start3A_59, %dma_start3A_60] : memref<40000x128xf32, #tpu.memory_space<hbm>> -> memref<40000x128xf32, #tpu.memory_space<hbm>>
      tpu.enqueue_indirect_dma source(%dma_start3A_61 : memref<40000x128xf32, #tpu.memory_space<hbm>>) target(%arg10 : memref<100x128xf32, #tpu.memory_space<vmem>>) offsets(%dma_start3A_58 : memref<100xi32, #tpu.memory_space<vmem>>) semaphore(%arg13 : memref<!tpu.dma_semaphore, #tpu.memory_space<semaphore_mem>>)
      %dma_wait3A_62 = arith.constant 0 : i32
      %dma_wait3A_63 = tpu.memref_slice %arg7[%mul3A_53, %dma_wait3A_62] : memref<50x100xi32, #tpu.memory_space<vmem>> -> memref<1x100xi32, #tpu.memory_space<vmem>>
      %dma_wait3A_64 = tpu.memref_squeeze %dma_wait3A_63 : memref<1x100xi32, #tpu.memory_space<vmem>> -> memref<100xi32, #tpu.memory_space<vmem>>
      %dma_wait3A_65 = arith.constant 0 : i32
      %dma_wait3A_66 = arith.constant 0 : i32
      %dma_wait3A_67 = tpu.memref_slice %arg2[%dma_wait3A_65, %dma_wait3A_66] : memref<40000x128xf32, #tpu.memory_space<hbm>> -> memref<40000x128xf32, #tpu.memory_space<hbm>>
      tpu.wait_indirect_dma semaphore(%arg12 : memref<!tpu.dma_semaphore, #tpu.memory_space<semaphore_mem>>) src(%dma_wait3A_67 : memref<40000x128xf32, #tpu.memory_space<hbm>>) dst(%arg9 : memref<100x128xf32, #tpu.memory_space<vmem>>)
      "tpu.region"() ({
        %run_scoped3A_84 = tpu.sem_alloc : memref<!tpu.dma_semaphore, #tpu.memory_space<semaphore_mem>>
        %dma_start3A_85 = arith.constant 0 : i32
        %dma_start3A_86 = tpu.memref_slice %arg8[%mul3A_53, %dma_start3A_85] : memref<50x100xi32, #tpu.memory_space<vmem>> -> memref<1x100xi32, #tpu.memory_space<vmem>>
        %dma_start3A_87 = tpu.memref_squeeze %dma_start3A_86 : memref<1x100xi32, #tpu.memory_space<vmem>> -> memref<100xi32, #tpu.memory_space<vmem>>
        %dma_start3A_88 = arith.constant 0 : i32
        %dma_start3A_89 = arith.constant 0 : i32
        %dma_start3A_90 = tpu.memref_slice %arg11[%dma_start3A_88, %dma_start3A_89] : memref<10000x128xf32, #tpu.memory_space<vmem_shared>> -> memref<10000x128xf32, #tpu.memory_space<vmem_shared>>
        tpu.enqueue_indirect_dma source(%arg9 : memref<100x128xf32, #tpu.memory_space<vmem>>) target(%dma_start3A_90 : memref<10000x128xf32, #tpu.memory_space<vmem_shared>>) offsets(%dma_start3A_87 : memref<100xi32, #tpu.memory_space<vmem>>) semaphore(%run_scoped3A_84 : memref<!tpu.dma_semaphore, #tpu.memory_space<semaphore_mem>>) {add = true}
        %dma_wait3A_91 = arith.constant 0 : i32
        %dma_wait3A_92 = tpu.memref_slice %arg8[%mul3A_53, %dma_wait3A_91] : memref<50x100xi32, #tpu.memory_space<vmem>> -> memref<1x100xi32, #tpu.memory_space<vmem>>
        %dma_wait3A_93 = tpu.memref_squeeze %dma_wait3A_92 : memref<1x100xi32, #tpu.memory_space<vmem>> -> memref<100xi32, #tpu.memory_space<vmem>>
        %dma_wait3A_94 = arith.constant 0 : i32
        %dma_wait3A_95 = arith.constant 0 : i32
        %dma_wait3A_96 = tpu.memref_slice %arg11[%dma_wait3A_94, %dma_wait3A_95] : memref<10000x128xf32, #tpu.memory_space<vmem_shared>> -> memref<10000x128xf32, #tpu.memory_space<vmem_shared>>
        tpu.wait_indirect_dma semaphore(%run_scoped3A_84 : memref<!tpu.dma_semaphore, #tpu.memory_space<semaphore_mem>>) src(%arg9 : memref<100x128xf32, #tpu.memory_space<vmem>>) dst(%dma_wait3A_96 : memref<10000x128xf32, #tpu.memory_space<vmem_shared>>)
        tpu.yield
      }) : () -> ()
      %add3A_68 = arith.constant 2 : i32
      %add3A_69 = arith.addi %mul3A_53, %add3A_68 : i32
      %lt3A = arith.constant 50 : i32
      %lt3A_70 = arith.cmpi slt, %add3A_69, %lt3A : i32
      %convert_element_type3A_71 = arith.extui %lt3A_70 : i1 to i32
      %cond3A_72 = arith.constant 0 : i32
      %cond3A_73 = arith.cmpi ne, %convert_element_type3A_71, %cond3A_72 : i32
      scf.if %cond3A_73 {
        %add3A_84 = arith.constant 2 : i32
        %add3A_85 = arith.addi %mul3A_53, %add3A_84 : i32
        %dma_start3A_86 = arith.constant 0 : i32
        %dma_start3A_87 = tpu.memref_slice %arg7[%add3A_85, %dma_start3A_86] : memref<50x100xi32, #tpu.memory_space<vmem>> -> memref<1x100xi32, #tpu.memory_space<vmem>>
        %dma_start3A_88 = tpu.memref_squeeze %dma_start3A_87 : memref<1x100xi32, #tpu.memory_space<vmem>> -> memref<100xi32, #tpu.memory_space<vmem>>
        %dma_start3A_89 = arith.constant 0 : i32
        %dma_start3A_90 = arith.constant 0 : i32
        %dma_start3A_91 = tpu.memref_slice %arg2[%dma_start3A_89, %dma_start3A_90] : memref<40000x128xf32, #tpu.memory_space<hbm>> -> memref<40000x128xf32, #tpu.memory_space<hbm>>
        tpu.enqueue_indirect_dma source(%dma_start3A_91 : memref<40000x128xf32, #tpu.memory_space<hbm>>) target(%arg9 : memref<100x128xf32, #tpu.memory_space<vmem>>) offsets(%dma_start3A_88 : memref<100xi32, #tpu.memory_space<vmem>>) semaphore(%arg12 : memref<!tpu.dma_semaphore, #tpu.memory_space<semaphore_mem>>)
      } else {
      }
      %add3A_74 = arith.constant 1 : i32
      %add3A_75 = arith.addi %mul3A_53, %add3A_74 : i32
      %dma_wait3A_76 = arith.constant 0 : i32
      %dma_wait3A_77 = tpu.memref_slice %arg7[%add3A_75, %dma_wait3A_76] : memref<50x100xi32, #tpu.memory_space<vmem>> -> memref<1x100xi32, #tpu.memory_space<vmem>>
      %dma_wait3A_78 = tpu.memref_squeeze %dma_wait3A_77 : memref<1x100xi32, #tpu.memory_space<vmem>> -> memref<100xi32, #tpu.memory_space<vmem>>
      %dma_wait3A_79 = arith.constant 0 : i32
      %dma_wait3A_80 = arith.constant 0 : i32
      %dma_wait3A_81 = tpu.memref_slice %arg2[%dma_wait3A_79, %dma_wait3A_80] : memref<40000x128xf32, #tpu.memory_space<hbm>> -> memref<40000x128xf32, #tpu.memory_space<hbm>>
      tpu.wait_indirect_dma semaphore(%arg13 : memref<!tpu.dma_semaphore, #tpu.memory_space<semaphore_mem>>) src(%dma_wait3A_81 : memref<40000x128xf32, #tpu.memory_space<hbm>>) dst(%arg10 : memref<100x128xf32, #tpu.memory_space<vmem>>)
      %add3A_82 = arith.constant 1 : i32
      %add3A_83 = arith.addi %mul3A_53, %add3A_82 : i32
      "tpu.region"() ({
        %run_scoped3A_84 = tpu.sem_alloc : memref<!tpu.dma_semaphore, #tpu.memory_space<semaphore_mem>>
        %dma_start3A_85 = arith.constant 0 : i32
        %dma_start3A_86 = tpu.memref_slice %arg8[%add3A_83, %dma_start3A_85] : memref<50x100xi32, #tpu.memory_space<vmem>> -> memref<1x100xi32, #tpu.memory_space<vmem>>
        %dma_start3A_87 = tpu.memref_squeeze %dma_start3A_86 : memref<1x100xi32, #tpu.memory_space<vmem>> -> memref<100xi32, #tpu.memory_space<vmem>>
        %dma_start3A_88 = arith.constant 0 : i32
        %dma_start3A_89 = arith.constant 0 : i32
        %dma_start3A_90 = tpu.memref_slice %arg11[%dma_start3A_88, %dma_start3A_89] : memref<10000x128xf32, #tpu.memory_space<vmem_shared>> -> memref<10000x128xf32, #tpu.memory_space<vmem_shared>>
        tpu.enqueue_indirect_dma source(%arg10 : memref<100x128xf32, #tpu.memory_space<vmem>>) target(%dma_start3A_90 : memref<10000x128xf32, #tpu.memory_space<vmem_shared>>) offsets(%dma_start3A_87 : memref<100xi32, #tpu.memory_space<vmem>>) semaphore(%run_scoped3A_84 : memref<!tpu.dma_semaphore, #tpu.memory_space<semaphore_mem>>) {add = true}
        %dma_wait3A_91 = arith.constant 0 : i32
        %dma_wait3A_92 = tpu.memref_slice %arg8[%add3A_83, %dma_wait3A_91] : memref<50x100xi32, #tpu.memory_space<vmem>> -> memref<1x100xi32, #tpu.memory_space<vmem>>
        %dma_wait3A_93 = tpu.memref_squeeze %dma_wait3A_92 : memref<1x100xi32, #tpu.memory_space<vmem>> -> memref<100xi32, #tpu.memory_space<vmem>>
        %dma_wait3A_94 = arith.constant 0 : i32
        %dma_wait3A_95 = arith.constant 0 : i32
        %dma_wait3A_96 = tpu.memref_slice %arg11[%dma_wait3A_94, %dma_wait3A_95] : memref<10000x128xf32, #tpu.memory_space<vmem_shared>> -> memref<10000x128xf32, #tpu.memory_space<vmem_shared>>
        tpu.wait_indirect_dma semaphore(%run_scoped3A_84 : memref<!tpu.dma_semaphore, #tpu.memory_space<semaphore_mem>>) src(%arg10 : memref<100x128xf32, #tpu.memory_space<vmem>>) dst(%dma_wait3A_96 : memref<10000x128xf32, #tpu.memory_space<vmem_shared>>)
        tpu.yield
      }) : () -> ()
    }
    %scan3A_25 = arith.constant 25 : i32
    %run_scoped3A_26 = arith.constant 1 : i32
    "tpu.region"() ({
      %run_scoped3A_51 = tpu.sem_alloc : memref<!tpu.dma_semaphore, #tpu.memory_space<semaphore_mem>>
      %dma_start3A_52 = arith.constant 0 : i32
      %dma_start3A_53 = arith.constant 0 : i32
      %dma_start3A_54 = tpu.memref_slice %arg3[%add3A, %run_scoped3A_26, %dma_start3A_52, %dma_start3A_53] : memref<32x2x50x100xi32, #tpu.memory_space<hbm>> -> memref<1x1x50x100xi32, #tpu.memory_space<hbm>>
      %dma_start3A_55 = tpu.memref_squeeze %dma_start3A_54 : memref<1x1x50x100xi32, #tpu.memory_space<hbm>> -> memref<50x100xi32, #tpu.memory_space<hbm>>
      %dma_start3A_56 = arith.constant 0 : i32
      %dma_start3A_57 = arith.constant 0 : i32
      %dma_start3A_58 = tpu.memref_slice %arg3[%add3A, %run_scoped3A_26, %dma_start3A_56, %dma_start3A_57] : memref<32x2x50x100xi32, #tpu.memory_space<hbm>> -> memref<1x1x50x100xi32, #tpu.memory_space<hbm>>
      %dma_start3A_59 = tpu.memref_squeeze %dma_start3A_58 : memref<1x1x50x100xi32, #tpu.memory_space<hbm>> -> memref<50x100xi32, #tpu.memory_space<hbm>>
      tpu.enqueue_dma source(%dma_start3A_59 : memref<50x100xi32, #tpu.memory_space<hbm>>) target(%arg7 : memref<50x100xi32, #tpu.memory_space<vmem>>) target_semaphore(%run_scoped3A_51 : memref<!tpu.dma_semaphore, #tpu.memory_space<semaphore_mem>>)
      %dma_wait3A_60 = arith.constant 0 : i32
      %dma_wait3A_61 = arith.constant 0 : i32
      %dma_wait3A_62 = tpu.memref_slice %arg3[%add3A, %run_scoped3A_26, %dma_wait3A_60, %dma_wait3A_61] : memref<32x2x50x100xi32, #tpu.memory_space<hbm>> -> memref<1x1x50x100xi32, #tpu.memory_space<hbm>>
      %dma_wait3A_63 = tpu.memref_squeeze %dma_wait3A_62 : memref<1x1x50x100xi32, #tpu.memory_space<hbm>> -> memref<50x100xi32, #tpu.memory_space<hbm>>
      %dma_wait3A_64 = arith.constant 0 : i32
      %dma_wait3A_65 = arith.constant 0 : i32
      %dma_wait3A_66 = tpu.memref_slice %arg3[%add3A, %run_scoped3A_26, %dma_wait3A_64, %dma_wait3A_65] : memref<32x2x50x100xi32, #tpu.memory_space<hbm>> -> memref<1x1x50x100xi32, #tpu.memory_space<hbm>>
      %dma_wait3A_67 = tpu.memref_squeeze %dma_wait3A_66 : memref<1x1x50x100xi32, #tpu.memory_space<hbm>> -> memref<50x100xi32, #tpu.memory_space<hbm>>
      tpu.wait_dma2 semaphore(%run_scoped3A_51 : memref<!tpu.dma_semaphore, #tpu.memory_space<semaphore_mem>>) src(%dma_wait3A_67 : memref<50x100xi32, #tpu.memory_space<hbm>>) dst(%arg7 : memref<50x100xi32, #tpu.memory_space<vmem>>)
      tpu.yield
    }) : () -> ()
    %run_scoped3A_27 = arith.constant 1 : i32
    "tpu.region"() ({
      %run_scoped3A_51 = tpu.sem_alloc : memref<!tpu.dma_semaphore, #tpu.memory_space<semaphore_mem>>
      %dma_start3A_52 = arith.constant 0 : i32
      %dma_start3A_53 = arith.constant 0 : i32
      %dma_start3A_54 = tpu.memref_slice %arg4[%add3A, %run_scoped3A_27, %dma_start3A_52, %dma_start3A_53] : memref<32x2x50x100xi32, #tpu.memory_space<hbm>> -> memref<1x1x50x100xi32, #tpu.memory_space<hbm>>
      %dma_start3A_55 = tpu.memref_squeeze %dma_start3A_54 : memref<1x1x50x100xi32, #tpu.memory_space<hbm>> -> memref<50x100xi32, #tpu.memory_space<hbm>>
      %dma_start3A_56 = arith.constant 0 : i32
      %dma_start3A_57 = arith.constant 0 : i32
      %dma_start3A_58 = tpu.memref_slice %arg4[%add3A, %run_scoped3A_27, %dma_start3A_56, %dma_start3A_57] : memref<32x2x50x100xi32, #tpu.memory_space<hbm>> -> memref<1x1x50x100xi32, #tpu.memory_space<hbm>>
      %dma_start3A_59 = tpu.memref_squeeze %dma_start3A_58 : memref<1x1x50x100xi32, #tpu.memory_space<hbm>> -> memref<50x100xi32, #tpu.memory_space<hbm>>
      tpu.enqueue_dma source(%dma_start3A_59 : memref<50x100xi32, #tpu.memory_space<hbm>>) target(%arg8 : memref<50x100xi32, #tpu.memory_space<vmem>>) target_semaphore(%run_scoped3A_51 : memref<!tpu.dma_semaphore, #tpu.memory_space<semaphore_mem>>)
      %dma_wait3A_60 = arith.constant 0 : i32
      %dma_wait3A_61 = arith.constant 0 : i32
      %dma_wait3A_62 = tpu.memref_slice %arg4[%add3A, %run_scoped3A_27, %dma_wait3A_60, %dma_wait3A_61] : memref<32x2x50x100xi32, #tpu.memory_space<hbm>> -> memref<1x1x50x100xi32, #tpu.memory_space<hbm>>
      %dma_wait3A_63 = tpu.memref_squeeze %dma_wait3A_62 : memref<1x1x50x100xi32, #tpu.memory_space<hbm>> -> memref<50x100xi32, #tpu.memory_space<hbm>>
      %dma_wait3A_64 = arith.constant 0 : i32
      %dma_wait3A_65 = arith.constant 0 : i32
      %dma_wait3A_66 = tpu.memref_slice %arg4[%add3A, %run_scoped3A_27, %dma_wait3A_64, %dma_wait3A_65] : memref<32x2x50x100xi32, #tpu.memory_space<hbm>> -> memref<1x1x50x100xi32, #tpu.memory_space<hbm>>
      %dma_wait3A_67 = tpu.memref_squeeze %dma_wait3A_66 : memref<1x1x50x100xi32, #tpu.memory_space<hbm>> -> memref<50x100xi32, #tpu.memory_space<hbm>>
      tpu.wait_dma2 semaphore(%run_scoped3A_51 : memref<!tpu.dma_semaphore, #tpu.memory_space<semaphore_mem>>) src(%dma_wait3A_67 : memref<50x100xi32, #tpu.memory_space<hbm>>) dst(%arg8 : memref<50x100xi32, #tpu.memory_space<vmem>>)
      tpu.yield
    }) : () -> ()
    %dma_start3A_28 = arith.constant 0 : i32
    %dma_start3A_29 = arith.constant 0 : i32
    %dma_start3A_30 = tpu.memref_slice %arg7[%dma_start3A_28, %dma_start3A_29] : memref<50x100xi32, #tpu.memory_space<vmem>> -> memref<1x100xi32, #tpu.memory_space<vmem>>
    %dma_start3A_31 = tpu.memref_squeeze %dma_start3A_30 : memref<1x100xi32, #tpu.memory_space<vmem>> -> memref<100xi32, #tpu.memory_space<vmem>>
    %dma_start3A_32 = arith.constant 0 : i32
    %dma_start3A_33 = arith.constant 0 : i32
    %dma_start3A_34 = tpu.memref_slice %arg2[%dma_start3A_32, %dma_start3A_33] : memref<40000x128xf32, #tpu.memory_space<hbm>> -> memref<40000x128xf32, #tpu.memory_space<hbm>>
    tpu.enqueue_indirect_dma source(%dma_start3A_34 : memref<40000x128xf32, #tpu.memory_space<hbm>>) target(%arg9 : memref<100x128xf32, #tpu.memory_space<vmem>>) offsets(%dma_start3A_31 : memref<100xi32, #tpu.memory_space<vmem>>) semaphore(%arg12 : memref<!tpu.dma_semaphore, #tpu.memory_space<semaphore_mem>>)
    %scan3A_35 = arith.constant 0 : i32
    %scan3A_36 = arith.constant 0 : i32
    %scan3A_37 = arith.constant 25 : i32
    %scan3A_38 = arith.addi %scan3A_36, %scan3A_37 : i32
    %scan3A_39 = arith.constant 1 : i32
    scf.for %scan3A_51 = %scan3A_36 to %scan3A_38 step %scan3A_39  : i32 {
      %mul3A_52 = arith.constant 2 : i32
      %mul3A_53 = arith.muli %mul3A_52, %scan3A_51 : i32
      %add3A_54 = arith.constant 1 : i32
      %add3A_55 = arith.addi %mul3A_53, %add3A_54 : i32
      %dma_start3A_56 = arith.constant 0 : i32
      %dma_start3A_57 = tpu.memref_slice %arg7[%add3A_55, %dma_start3A_56] : memref<50x100xi32, #tpu.memory_space<vmem>> -> memref<1x100xi32, #tpu.memory_space<vmem>>
      %dma_start3A_58 = tpu.memref_squeeze %dma_start3A_57 : memref<1x100xi32, #tpu.memory_space<vmem>> -> memref<100xi32, #tpu.memory_space<vmem>>
      %dma_start3A_59 = arith.constant 0 : i32
      %dma_start3A_60 = arith.constant 0 : i32
      %dma_start3A_61 = tpu.memref_slice %arg2[%dma_start3A_59, %dma_start3A_60] : memref<40000x128xf32, #tpu.memory_space<hbm>> -> memref<40000x128xf32, #tpu.memory_space<hbm>>
      tpu.enqueue_indirect_dma source(%dma_start3A_61 : memref<40000x128xf32, #tpu.memory_space<hbm>>) target(%arg10 : memref<100x128xf32, #tpu.memory_space<vmem>>) offsets(%dma_start3A_58 : memref<100xi32, #tpu.memory_space<vmem>>) semaphore(%arg13 : memref<!tpu.dma_semaphore, #tpu.memory_space<semaphore_mem>>)
      %dma_wait3A_62 = arith.constant 0 : i32
      %dma_wait3A_63 = tpu.memref_slice %arg7[%mul3A_53, %dma_wait3A_62] : memref<50x100xi32, #tpu.memory_space<vmem>> -> memref<1x100xi32, #tpu.memory_space<vmem>>
      %dma_wait3A_64 = tpu.memref_squeeze %dma_wait3A_63 : memref<1x100xi32, #tpu.memory_space<vmem>> -> memref<100xi32, #tpu.memory_space<vmem>>
      %dma_wait3A_65 = arith.constant 0 : i32
      %dma_wait3A_66 = arith.constant 0 : i32
      %dma_wait3A_67 = tpu.memref_slice %arg2[%dma_wait3A_65, %dma_wait3A_66] : memref<40000x128xf32, #tpu.memory_space<hbm>> -> memref<40000x128xf32, #tpu.memory_space<hbm>>
      tpu.wait_indirect_dma semaphore(%arg12 : memref<!tpu.dma_semaphore, #tpu.memory_space<semaphore_mem>>) src(%dma_wait3A_67 : memref<40000x128xf32, #tpu.memory_space<hbm>>) dst(%arg9 : memref<100x128xf32, #tpu.memory_space<vmem>>)
      "tpu.region"() ({
        %run_scoped3A_84 = tpu.sem_alloc : memref<!tpu.dma_semaphore, #tpu.memory_space<semaphore_mem>>
        %dma_start3A_85 = arith.constant 0 : i32
        %dma_start3A_86 = tpu.memref_slice %arg8[%mul3A_53, %dma_start3A_85] : memref<50x100xi32, #tpu.memory_space<vmem>> -> memref<1x100xi32, #tpu.memory_space<vmem>>
        %dma_start3A_87 = tpu.memref_squeeze %dma_start3A_86 : memref<1x100xi32, #tpu.memory_space<vmem>> -> memref<100xi32, #tpu.memory_space<vmem>>
        %dma_start3A_88 = arith.constant 0 : i32
        %dma_start3A_89 = arith.constant 0 : i32
        %dma_start3A_90 = tpu.memref_slice %arg11[%dma_start3A_88, %dma_start3A_89] : memref<10000x128xf32, #tpu.memory_space<vmem_shared>> -> memref<10000x128xf32, #tpu.memory_space<vmem_shared>>
        tpu.enqueue_indirect_dma source(%arg9 : memref<100x128xf32, #tpu.memory_space<vmem>>) target(%dma_start3A_90 : memref<10000x128xf32, #tpu.memory_space<vmem_shared>>) offsets(%dma_start3A_87 : memref<100xi32, #tpu.memory_space<vmem>>) semaphore(%run_scoped3A_84 : memref<!tpu.dma_semaphore, #tpu.memory_space<semaphore_mem>>) {add = true}
        %dma_wait3A_91 = arith.constant 0 : i32
        %dma_wait3A_92 = tpu.memref_slice %arg8[%mul3A_53, %dma_wait3A_91] : memref<50x100xi32, #tpu.memory_space<vmem>> -> memref<1x100xi32, #tpu.memory_space<vmem>>
        %dma_wait3A_93 = tpu.memref_squeeze %dma_wait3A_92 : memref<1x100xi32, #tpu.memory_space<vmem>> -> memref<100xi32, #tpu.memory_space<vmem>>
        %dma_wait3A_94 = arith.constant 0 : i32
        %dma_wait3A_95 = arith.constant 0 : i32
        %dma_wait3A_96 = tpu.memref_slice %arg11[%dma_wait3A_94, %dma_wait3A_95] : memref<10000x128xf32, #tpu.memory_space<vmem_shared>> -> memref<10000x128xf32, #tpu.memory_space<vmem_shared>>
        tpu.wait_indirect_dma semaphore(%run_scoped3A_84 : memref<!tpu.dma_semaphore, #tpu.memory_space<semaphore_mem>>) src(%arg9 : memref<100x128xf32, #tpu.memory_space<vmem>>) dst(%dma_wait3A_96 : memref<10000x128xf32, #tpu.memory_space<vmem_shared>>)
        tpu.yield
      }) : () -> ()
      %add3A_68 = arith.constant 2 : i32
      %add3A_69 = arith.addi %mul3A_53, %add3A_68 : i32
      %lt3A = arith.constant 50 : i32
      %lt3A_70 = arith.cmpi slt, %add3A_69, %lt3A : i32
      %convert_element_type3A_71 = arith.extui %lt3A_70 : i1 to i32
      %cond3A_72 = arith.constant 0 : i32
      %cond3A_73 = arith.cmpi ne, %convert_element_type3A_71, %cond3A_72 : i32
      scf.if %cond3A_73 {
        %add3A_84 = arith.constant 2 : i32
        %add3A_85 = arith.addi %mul3A_53, %add3A_84 : i32
        %dma_start3A_86 = arith.constant 0 : i32
        %dma_start3A_87 = tpu.memref_slice %arg7[%add3A_85, %dma_start3A_86] : memref<50x100xi32, #tpu.memory_space<vmem>> -> memref<1x100xi32, #tpu.memory_space<vmem>>
        %dma_start3A_88 = tpu.memref_squeeze %dma_start3A_87 : memref<1x100xi32, #tpu.memory_space<vmem>> -> memref<100xi32, #tpu.memory_space<vmem>>
        %dma_start3A_89 = arith.constant 0 : i32
        %dma_start3A_90 = arith.constant 0 : i32
        %dma_start3A_91 = tpu.memref_slice %arg2[%dma_start3A_89, %dma_start3A_90] : memref<40000x128xf32, #tpu.memory_space<hbm>> -> memref<40000x128xf32, #tpu.memory_space<hbm>>
        tpu.enqueue_indirect_dma source(%dma_start3A_91 : memref<40000x128xf32, #tpu.memory_space<hbm>>) target(%arg9 : memref<100x128xf32, #tpu.memory_space<vmem>>) offsets(%dma_start3A_88 : memref<100xi32, #tpu.memory_space<vmem>>) semaphore(%arg12 : memref<!tpu.dma_semaphore, #tpu.memory_space<semaphore_mem>>)
      } else {
      }
      %add3A_74 = arith.constant 1 : i32
      %add3A_75 = arith.addi %mul3A_53, %add3A_74 : i32
      %dma_wait3A_76 = arith.constant 0 : i32
      %dma_wait3A_77 = tpu.memref_slice %arg7[%add3A_75, %dma_wait3A_76] : memref<50x100xi32, #tpu.memory_space<vmem>> -> memref<1x100xi32, #tpu.memory_space<vmem>>
      %dma_wait3A_78 = tpu.memref_squeeze %dma_wait3A_77 : memref<1x100xi32, #tpu.memory_space<vmem>> -> memref<100xi32, #tpu.memory_space<vmem>>
      %dma_wait3A_79 = arith.constant 0 : i32
      %dma_wait3A_80 = arith.constant 0 : i32
      %dma_wait3A_81 = tpu.memref_slice %arg2[%dma_wait3A_79, %dma_wait3A_80] : memref<40000x128xf32, #tpu.memory_space<hbm>> -> memref<40000x128xf32, #tpu.memory_space<hbm>>
      tpu.wait_indirect_dma semaphore(%arg13 : memref<!tpu.dma_semaphore, #tpu.memory_space<semaphore_mem>>) src(%dma_wait3A_81 : memref<40000x128xf32, #tpu.memory_space<hbm>>) dst(%arg10 : memref<100x128xf32, #tpu.memory_space<vmem>>)
      %add3A_82 = arith.constant 1 : i32
      %add3A_83 = arith.addi %mul3A_53, %add3A_82 : i32
      "tpu.region"() ({
        %run_scoped3A_84 = tpu.sem_alloc : memref<!tpu.dma_semaphore, #tpu.memory_space<semaphore_mem>>
        %dma_start3A_85 = arith.constant 0 : i32
        %dma_start3A_86 = tpu.memref_slice %arg8[%add3A_83, %dma_start3A_85] : memref<50x100xi32, #tpu.memory_space<vmem>> -> memref<1x100xi32, #tpu.memory_space<vmem>>
        %dma_start3A_87 = tpu.memref_squeeze %dma_start3A_86 : memref<1x100xi32, #tpu.memory_space<vmem>> -> memref<100xi32, #tpu.memory_space<vmem>>
        %dma_start3A_88 = arith.constant 0 : i32
        %dma_start3A_89 = arith.constant 0 : i32
        %dma_start3A_90 = tpu.memref_slice %arg11[%dma_start3A_88, %dma_start3A_89] : memref<10000x128xf32, #tpu.memory_space<vmem_shared>> -> memref<10000x128xf32, #tpu.memory_space<vmem_shared>>
        tpu.enqueue_indirect_dma source(%arg10 : memref<100x128xf32, #tpu.memory_space<vmem>>) target(%dma_start3A_90 : memref<10000x128xf32, #tpu.memory_space<vmem_shared>>) offsets(%dma_start3A_87 : memref<100xi32, #tpu.memory_space<vmem>>) semaphore(%run_scoped3A_84 : memref<!tpu.dma_semaphore, #tpu.memory_space<semaphore_mem>>) {add = true}
        %dma_wait3A_91 = arith.constant 0 : i32
        %dma_wait3A_92 = tpu.memref_slice %arg8[%add3A_83, %dma_wait3A_91] : memref<50x100xi32, #tpu.memory_space<vmem>> -> memref<1x100xi32, #tpu.memory_space<vmem>>
        %dma_wait3A_93 = tpu.memref_squeeze %dma_wait3A_92 : memref<1x100xi32, #tpu.memory_space<vmem>> -> memref<100xi32, #tpu.memory_space<vmem>>
        %dma_wait3A_94 = arith.constant 0 : i32
        %dma_wait3A_95 = arith.constant 0 : i32
        %dma_wait3A_96 = tpu.memref_slice %arg11[%dma_wait3A_94, %dma_wait3A_95] : memref<10000x128xf32, #tpu.memory_space<vmem_shared>> -> memref<10000x128xf32, #tpu.memory_space<vmem_shared>>
        tpu.wait_indirect_dma semaphore(%run_scoped3A_84 : memref<!tpu.dma_semaphore, #tpu.memory_space<semaphore_mem>>) src(%arg10 : memref<100x128xf32, #tpu.memory_space<vmem>>) dst(%dma_wait3A_96 : memref<10000x128xf32, #tpu.memory_space<vmem_shared>>)
        tpu.yield
      }) : () -> ()
    }
    %scan3A_40 = arith.constant 25 : i32
    %barrier3A_41 = arith.constant 0 : index
    tpu.barrier barrier_id(%barrier3A_41)
    %mul3A_42 = arith.constant 624 : i32
    %mul3A_43 = arith.muli %arg1, %mul3A_42 : i32
    %mul3A_44 = arith.constant 624 : i32
    %mul3A_45 = arith.muli %arg1, %mul3A_44 : i32
    "tpu.region"() ({
      %run_scoped3A_51 = tpu.sem_alloc : memref<!tpu.dma_semaphore, #tpu.memory_space<semaphore_mem>>
      %dma_start3A_52 = arith.constant 0 : i32
      %dma_start3A_53 = tpu.memref_slice %arg6[%arg0, %mul3A_45, %dma_start3A_52] : memref<2x10000x128xf32, #tpu.memory_space<hbm>> -> memref<1x624x128xf32, #tpu.memory_space<hbm>>
      %dma_start3A_54 = tpu.memref_squeeze %dma_start3A_53 : memref<1x624x128xf32, #tpu.memory_space<hbm>> -> memref<624x128xf32, #tpu.memory_space<hbm>>
      %dma_start3A_55 = arith.constant 0 : i32
      %dma_start3A_56 = tpu.memref_slice %arg11[%mul3A_43, %dma_start3A_55] : memref<10000x128xf32, #tpu.memory_space<vmem_shared>> -> memref<624x128xf32, #tpu.memory_space<vmem_shared>>
      tpu.enqueue_dma source(%dma_start3A_56 : memref<624x128xf32, #tpu.memory_space<vmem_shared>>) target(%dma_start3A_54 : memref<624x128xf32, #tpu.memory_space<hbm>>) target_semaphore(%run_scoped3A_51 : memref<!tpu.dma_semaphore, #tpu.memory_space<semaphore_mem>>)
      %dma_wait3A_57 = arith.constant 0 : i32
      %dma_wait3A_58 = tpu.memref_slice %arg6[%arg0, %mul3A_45, %dma_wait3A_57] : memref<2x10000x128xf32, #tpu.memory_space<hbm>> -> memref<1x624x128xf32, #tpu.memory_space<hbm>>
      %dma_wait3A_59 = tpu.memref_squeeze %dma_wait3A_58 : memref<1x624x128xf32, #tpu.memory_space<hbm>> -> memref<624x128xf32, #tpu.memory_space<hbm>>
      %dma_wait3A_60 = arith.constant 0 : i32
      %dma_wait3A_61 = tpu.memref_slice %arg11[%mul3A_43, %dma_wait3A_60] : memref<10000x128xf32, #tpu.memory_space<vmem_shared>> -> memref<624x128xf32, #tpu.memory_space<vmem_shared>>
      tpu.wait_dma2 semaphore(%run_scoped3A_51 : memref<!tpu.dma_semaphore, #tpu.memory_space<semaphore_mem>>) src(%dma_wait3A_61 : memref<624x128xf32, #tpu.memory_space<vmem_shared>>) dst(%dma_wait3A_59 : memref<624x128xf32, #tpu.memory_space<hbm>>)
      tpu.yield
    }) : () -> ()
    %eq3A_46 = arith.constant 15 : i32
    %eq3A_47 = arith.cmpi eq, %arg1, %eq3A_46 : i32
    %convert_element_type3A_48 = arith.extui %eq3A_47 : i1 to i32
    %cond3A_49 = arith.constant 0 : i32
    %cond3A_50 = arith.cmpi ne, %convert_element_type3A_48, %cond3A_49 : i32
    scf.if %cond3A_50 {
      "tpu.region"() ({
        %run_scoped3A_51 = tpu.sem_alloc : memref<!tpu.dma_semaphore, #tpu.memory_space<semaphore_mem>>
        %dma_start3A_52 = arith.constant 9984 : i32
        %dma_start3A_53 = arith.constant 0 : i32
        %dma_start3A_54 = tpu.memref_slice %arg6[%arg0, %dma_start3A_52, %dma_start3A_53] : memref<2x10000x128xf32, #tpu.memory_space<hbm>> -> memref<1x16x128xf32, #tpu.memory_space<hbm>>
        %dma_start3A_55 = tpu.memref_squeeze %dma_start3A_54 : memref<1x16x128xf32, #tpu.memory_space<hbm>> -> memref<16x128xf32, #tpu.memory_space<hbm>>
        %dma_start3A_56 = arith.constant 9984 : i32
        %dma_start3A_57 = arith.constant 0 : i32
        %dma_start3A_58 = tpu.memref_slice %arg11[%dma_start3A_56, %dma_start3A_57] : memref<10000x128xf32, #tpu.memory_space<vmem_shared>> -> memref<16x128xf32, #tpu.memory_space<vmem_shared>>
        tpu.enqueue_dma source(%dma_start3A_58 : memref<16x128xf32, #tpu.memory_space<vmem_shared>>) target(%dma_start3A_55 : memref<16x128xf32, #tpu.memory_space<hbm>>) target_semaphore(%run_scoped3A_51 : memref<!tpu.dma_semaphore, #tpu.memory_space<semaphore_mem>>)
        %dma_wait3A_59 = arith.constant 9984 : i32
        %dma_wait3A_60 = arith.constant 0 : i32
        %dma_wait3A_61 = tpu.memref_slice %arg6[%arg0, %dma_wait3A_59, %dma_wait3A_60] : memref<2x10000x128xf32, #tpu.memory_space<hbm>> -> memref<1x16x128xf32, #tpu.memory_space<hbm>>
        %dma_wait3A_62 = tpu.memref_squeeze %dma_wait3A_61 : memref<1x16x128xf32, #tpu.memory_space<hbm>> -> memref<16x128xf32, #tpu.memory_space<hbm>>
        %dma_wait3A_63 = arith.constant 9984 : i32
        %dma_wait3A_64 = arith.constant 0 : i32
        %dma_wait3A_65 = tpu.memref_slice %arg11[%dma_wait3A_63, %dma_wait3A_64] : memref<10000x128xf32, #tpu.memory_space<vmem_shared>> -> memref<16x128xf32, #tpu.memory_space<vmem_shared>>
        tpu.wait_dma2 semaphore(%run_scoped3A_51 : memref<!tpu.dma_semaphore, #tpu.memory_space<semaphore_mem>>) src(%dma_wait3A_65 : memref<16x128xf32, #tpu.memory_space<vmem_shared>>) dst(%dma_wait3A_62 : memref<16x128xf32, #tpu.memory_space<hbm>>)
        tpu.yield
      }) : () -> ()
    } else {
    }
    return
  }
}

#map = affine_map<(d0, d1) -> (0, 0)>
#map1 = affine_map<(d0, d1) -> (0, 0, 0, 0)>
#map2 = affine_map<(d0, d1) -> (0, 0, 0)>
module attributes {stable_mosaic.version = 14 : i64} {
  func.func @_edge_body(%arg0: i32, %arg1: i32, %arg2: memref<40000x128xf32, #tpu.memory_space<hbm>>, %arg3: memref<32x2x50x100xi32, #tpu.memory_space<hbm>>, %arg4: memref<32x2x50x100xi32, #tpu.memory_space<hbm>>, %arg5: memref<10000x128xf32, #tpu.memory_space<hbm>>, %arg6: memref<2x10000x128xf32, #tpu.memory_space<hbm>>, %arg7: memref<50x100xi32, #tpu.memory_space<vmem>>, %arg8: memref<50x100xi32, #tpu.memory_space<vmem>>, %arg9: memref<100x128xf32, #tpu.memory_space<vmem>>, %arg10: memref<100x128xf32, #tpu.memory_space<vmem>>, %arg11: memref<10000x128xf32, #tpu.memory_space<vmem_shared>>, %arg12: memref<!tpu.dma_semaphore, #tpu.memory_space<semaphore_mem>>, %arg13: memref<!tpu.dma_semaphore, #tpu.memory_space<semaphore_mem>>, %arg14: memref<!tpu.dma_semaphore, #tpu.memory_space<semaphore_mem>>) attributes {dimension_semantics = [#tpu.dimension_semantics<core_parallel>, #tpu.dimension_semantics<subcore_parallel>], iteration_bounds = array<i64: 2, 16>, scalar_prefetch = 0 : i64, scratch_operands = 8 : i64, tpu.core_type = #tpu.core_type<sc_vector_subcore>, window_params = [{transform_indices = #map}, {transform_indices = #map1}, {transform_indices = #map1}, {transform_indices = #map}, {transform_indices = #map2}]} {
    %mul3A = arith.constant 16 : i32
    %mul3A_0 = arith.muli %arg0, %mul3A : i32
    %add3A = arith.addi %mul3A_0, %arg1 : i32
    %mul3A_1 = arith.constant 624 : i32
    %mul3A_2 = arith.muli %arg1, %mul3A_1 : i32
    %mul3A_3 = arith.constant 624 : i32
    %mul3A_4 = arith.muli %arg1, %mul3A_3 : i32
    %dma_start3A = arith.constant 0 : i32
    %dma_start3A_5 = tpu.memref_slice %arg11[%mul3A_4, %dma_start3A] : memref<10000x128xf32, #tpu.memory_space<vmem_shared>> -> memref<624x128xf32, #tpu.memory_space<vmem_shared>>
    %dma_start3A_6 = arith.constant 0 : i32
    %dma_start3A_7 = tpu.memref_slice %arg5[%mul3A_2, %dma_start3A_6] : memref<10000x128xf32, #tpu.memory_space<hbm>> -> memref<624x128xf32, #tpu.memory_space<hbm>>
    tpu.enqueue_dma source(%dma_start3A_7 : memref<624x128xf32, #tpu.memory_space<hbm>>) target(%dma_start3A_5 : memref<624x128xf32, #tpu.memory_space<vmem_shared>>) target_semaphore(%arg14 : memref<!tpu.dma_semaphore, #tpu.memory_space<semaphore_mem>>)
    %run_scoped3A = arith.constant 0 : i32
    "tpu.region"() ({
      %run_scoped3A_51 = tpu.sem_alloc : memref<!tpu.dma_semaphore, #tpu.memory_space<semaphore_mem>>
      %dma_start3A_52 = arith.constant 0 : i32
      %dma_start3A_53 = arith.constant 0 : i32
      %dma_start3A_54 = tpu.memref_slice %arg3[%add3A, %run_scoped3A, %dma_start3A_52, %dma_start3A_53] : memref<32x2x50x100xi32, #tpu.memory_space<hbm>> -> memref<1x1x50x100xi32, #tpu.memory_space<hbm>>
      %dma_start3A_55 = tpu.memref_squeeze %dma_start3A_54 : memref<1x1x50x100xi32, #tpu.memory_space<hbm>> -> memref<50x100xi32, #tpu.memory_space<hbm>>
      %dma_start3A_56 = arith.constant 0 : i32
      %dma_start3A_57 = arith.constant 0 : i32
      %dma_start3A_58 = tpu.memref_slice %arg3[%add3A, %run_scoped3A, %dma_start3A_56, %dma_start3A_57] : memref<32x2x50x100xi32, #tpu.memory_space<hbm>> -> memref<1x1x50x100xi32, #tpu.memory_space<hbm>>
      %dma_start3A_59 = tpu.memref_squeeze %dma_start3A_58 : memref<1x1x50x100xi32, #tpu.memory_space<hbm>> -> memref<50x100xi32, #tpu.memory_space<hbm>>
      tpu.enqueue_dma source(%dma_start3A_59 : memref<50x100xi32, #tpu.memory_space<hbm>>) target(%arg7 : memref<50x100xi32, #tpu.memory_space<vmem>>) target_semaphore(%run_scoped3A_51 : memref<!tpu.dma_semaphore, #tpu.memory_space<semaphore_mem>>)
      %dma_wait3A_60 = arith.constant 0 : i32
      %dma_wait3A_61 = arith.constant 0 : i32
      %dma_wait3A_62 = tpu.memref_slice %arg3[%add3A, %run_scoped3A, %dma_wait3A_60, %dma_wait3A_61] : memref<32x2x50x100xi32, #tpu.memory_space<hbm>> -> memref<1x1x50x100xi32, #tpu.memory_space<hbm>>
      %dma_wait3A_63 = tpu.memref_squeeze %dma_wait3A_62 : memref<1x1x50x100xi32, #tpu.memory_space<hbm>> -> memref<50x100xi32, #tpu.memory_space<hbm>>
      %dma_wait3A_64 = arith.constant 0 : i32
      %dma_wait3A_65 = arith.constant 0 : i32
      %dma_wait3A_66 = tpu.memref_slice %arg3[%add3A, %run_scoped3A, %dma_wait3A_64, %dma_wait3A_65] : memref<32x2x50x100xi32, #tpu.memory_space<hbm>> -> memref<1x1x50x100xi32, #tpu.memory_space<hbm>>
      %dma_wait3A_67 = tpu.memref_squeeze %dma_wait3A_66 : memref<1x1x50x100xi32, #tpu.memory_space<hbm>> -> memref<50x100xi32, #tpu.memory_space<hbm>>
      tpu.wait_dma2 semaphore(%run_scoped3A_51 : memref<!tpu.dma_semaphore, #tpu.memory_space<semaphore_mem>>) src(%dma_wait3A_67 : memref<50x100xi32, #tpu.memory_space<hbm>>) dst(%arg7 : memref<50x100xi32, #tpu.memory_space<vmem>>)
      tpu.yield
    }) : () -> ()
    %run_scoped3A_8 = arith.constant 0 : i32
    "tpu.region"() ({
      %run_scoped3A_51 = tpu.sem_alloc : memref<!tpu.dma_semaphore, #tpu.memory_space<semaphore_mem>>
      %dma_start3A_52 = arith.constant 0 : i32
      %dma_start3A_53 = arith.constant 0 : i32
      %dma_start3A_54 = tpu.memref_slice %arg4[%add3A, %run_scoped3A_8, %dma_start3A_52, %dma_start3A_53] : memref<32x2x50x100xi32, #tpu.memory_space<hbm>> -> memref<1x1x50x100xi32, #tpu.memory_space<hbm>>
      %dma_start3A_55 = tpu.memref_squeeze %dma_start3A_54 : memref<1x1x50x100xi32, #tpu.memory_space<hbm>> -> memref<50x100xi32, #tpu.memory_space<hbm>>
      %dma_start3A_56 = arith.constant 0 : i32
      %dma_start3A_57 = arith.constant 0 : i32
      %dma_start3A_58 = tpu.memref_slice %arg4[%add3A, %run_scoped3A_8, %dma_start3A_56, %dma_start3A_57] : memref<32x2x50x100xi32, #tpu.memory_space<hbm>> -> memref<1x1x50x100xi32, #tpu.memory_space<hbm>>
      %dma_start3A_59 = tpu.memref_squeeze %dma_start3A_58 : memref<1x1x50x100xi32, #tpu.memory_space<hbm>> -> memref<50x100xi32, #tpu.memory_space<hbm>>
      tpu.enqueue_dma source(%dma_start3A_59 : memref<50x100xi32, #tpu.memory_space<hbm>>) target(%arg8 : memref<50x100xi32, #tpu.memory_space<vmem>>) target_semaphore(%run_scoped3A_51 : memref<!tpu.dma_semaphore, #tpu.memory_space<semaphore_mem>>)
      %dma_wait3A_60 = arith.constant 0 : i32
      %dma_wait3A_61 = arith.constant 0 : i32
      %dma_wait3A_62 = tpu.memref_slice %arg4[%add3A, %run_scoped3A_8, %dma_wait3A_60, %dma_wait3A_61] : memref<32x2x50x100xi32, #tpu.memory_space<hbm>> -> memref<1x1x50x100xi32, #tpu.memory_space<hbm>>
      %dma_wait3A_63 = tpu.memref_squeeze %dma_wait3A_62 : memref<1x1x50x100xi32, #tpu.memory_space<hbm>> -> memref<50x100xi32, #tpu.memory_space<hbm>>
      %dma_wait3A_64 = arith.constant 0 : i32
      %dma_wait3A_65 = arith.constant 0 : i32
      %dma_wait3A_66 = tpu.memref_slice %arg4[%add3A, %run_scoped3A_8, %dma_wait3A_64, %dma_wait3A_65] : memref<32x2x50x100xi32, #tpu.memory_space<hbm>> -> memref<1x1x50x100xi32, #tpu.memory_space<hbm>>
      %dma_wait3A_67 = tpu.memref_squeeze %dma_wait3A_66 : memref<1x1x50x100xi32, #tpu.memory_space<hbm>> -> memref<50x100xi32, #tpu.memory_space<hbm>>
      tpu.wait_dma2 semaphore(%run_scoped3A_51 : memref<!tpu.dma_semaphore, #tpu.memory_space<semaphore_mem>>) src(%dma_wait3A_67 : memref<50x100xi32, #tpu.memory_space<hbm>>) dst(%arg8 : memref<50x100xi32, #tpu.memory_space<vmem>>)
      tpu.yield
    }) : () -> ()
    %dma_start3A_9 = arith.constant 0 : i32
    %dma_start3A_10 = arith.constant 0 : i32
    %dma_start3A_11 = tpu.memref_slice %arg7[%dma_start3A_9, %dma_start3A_10] : memref<50x100xi32, #tpu.memory_space<vmem>> -> memref<1x100xi32, #tpu.memory_space<vmem>>
    %dma_start3A_12 = tpu.memref_squeeze %dma_start3A_11 : memref<1x100xi32, #tpu.memory_space<vmem>> -> memref<100xi32, #tpu.memory_space<vmem>>
    %dma_start3A_13 = arith.constant 0 : i32
    %dma_start3A_14 = arith.constant 0 : i32
    %dma_start3A_15 = tpu.memref_slice %arg2[%dma_start3A_13, %dma_start3A_14] : memref<40000x128xf32, #tpu.memory_space<hbm>> -> memref<40000x128xf32, #tpu.memory_space<hbm>>
    tpu.enqueue_indirect_dma source(%dma_start3A_15 : memref<40000x128xf32, #tpu.memory_space<hbm>>) target(%arg9 : memref<100x128xf32, #tpu.memory_space<vmem>>) offsets(%dma_start3A_12 : memref<100xi32, #tpu.memory_space<vmem>>) semaphore(%arg12 : memref<!tpu.dma_semaphore, #tpu.memory_space<semaphore_mem>>)
    %dma_wait3A = arith.constant 0 : i32
    %dma_wait3A_16 = tpu.memref_slice %arg11[%mul3A_4, %dma_wait3A] : memref<10000x128xf32, #tpu.memory_space<vmem_shared>> -> memref<624x128xf32, #tpu.memory_space<vmem_shared>>
    %dma_wait3A_17 = arith.constant 0 : i32
    %dma_wait3A_18 = tpu.memref_slice %arg5[%mul3A_2, %dma_wait3A_17] : memref<10000x128xf32, #tpu.memory_space<hbm>> -> memref<624x128xf32, #tpu.memory_space<hbm>>
    tpu.wait_dma2 semaphore(%arg14 : memref<!tpu.dma_semaphore, #tpu.memory_space<semaphore_mem>>) src(%dma_wait3A_18 : memref<624x128xf32, #tpu.memory_space<hbm>>) dst(%dma_wait3A_16 : memref<624x128xf32, #tpu.memory_space<vmem_shared>>)
    %eq3A = arith.constant 15 : i32
    %eq3A_19 = arith.cmpi eq, %arg1, %eq3A : i32
    %convert_element_type3A = arith.extui %eq3A_19 : i1 to i32
    %cond3A = arith.constant 0 : i32
    %cond3A_20 = arith.cmpi ne, %convert_element_type3A, %cond3A : i32
    scf.if %cond3A_20 {
      "tpu.region"() ({
        %run_scoped3A_51 = tpu.sem_alloc : memref<!tpu.dma_semaphore, #tpu.memory_space<semaphore_mem>>
        %dma_start3A_52 = arith.constant 9984 : i32
        %dma_start3A_53 = arith.constant 0 : i32
        %dma_start3A_54 = tpu.memref_slice %arg11[%dma_start3A_52, %dma_start3A_53] : memref<10000x128xf32, #tpu.memory_space<vmem_shared>> -> memref<16x128xf32, #tpu.memory_space<vmem_shared>>
        %dma_start3A_55 = arith.constant 9984 : i32
        %dma_start3A_56 = arith.constant 0 : i32
        %dma_start3A_57 = tpu.memref_slice %arg5[%dma_start3A_55, %dma_start3A_56] : memref<10000x128xf32, #tpu.memory_space<hbm>> -> memref<16x128xf32, #tpu.memory_space<hbm>>
        tpu.enqueue_dma source(%dma_start3A_57 : memref<16x128xf32, #tpu.memory_space<hbm>>) target(%dma_start3A_54 : memref<16x128xf32, #tpu.memory_space<vmem_shared>>) target_semaphore(%run_scoped3A_51 : memref<!tpu.dma_semaphore, #tpu.memory_space<semaphore_mem>>)
        %dma_wait3A_58 = arith.constant 9984 : i32
        %dma_wait3A_59 = arith.constant 0 : i32
        %dma_wait3A_60 = tpu.memref_slice %arg11[%dma_wait3A_58, %dma_wait3A_59] : memref<10000x128xf32, #tpu.memory_space<vmem_shared>> -> memref<16x128xf32, #tpu.memory_space<vmem_shared>>
        %dma_wait3A_61 = arith.constant 9984 : i32
        %dma_wait3A_62 = arith.constant 0 : i32
        %dma_wait3A_63 = tpu.memref_slice %arg5[%dma_wait3A_61, %dma_wait3A_62] : memref<10000x128xf32, #tpu.memory_space<hbm>> -> memref<16x128xf32, #tpu.memory_space<hbm>>
        tpu.wait_dma2 semaphore(%run_scoped3A_51 : memref<!tpu.dma_semaphore, #tpu.memory_space<semaphore_mem>>) src(%dma_wait3A_63 : memref<16x128xf32, #tpu.memory_space<hbm>>) dst(%dma_wait3A_60 : memref<16x128xf32, #tpu.memory_space<vmem_shared>>)
        tpu.yield
      }) : () -> ()
    } else {
    }
    %barrier3A = arith.constant 0 : index
    tpu.barrier barrier_id(%barrier3A)
    %scan3A = arith.constant 0 : i32
    %scan3A_21 = arith.constant 0 : i32
    %scan3A_22 = arith.constant 25 : i32
    %scan3A_23 = arith.addi %scan3A_21, %scan3A_22 : i32
    %scan3A_24 = arith.constant 1 : i32
    scf.for %scan3A_51 = %scan3A_21 to %scan3A_23 step %scan3A_24  : i32 {
      %mul3A_52 = arith.constant 2 : i32
      %mul3A_53 = arith.muli %mul3A_52, %scan3A_51 : i32
      %add3A_54 = arith.constant 1 : i32
      %add3A_55 = arith.addi %mul3A_53, %add3A_54 : i32
      %dma_start3A_56 = arith.constant 0 : i32
      %dma_start3A_57 = tpu.memref_slice %arg7[%add3A_55, %dma_start3A_56] : memref<50x100xi32, #tpu.memory_space<vmem>> -> memref<1x100xi32, #tpu.memory_space<vmem>>
      %dma_start3A_58 = tpu.memref_squeeze %dma_start3A_57 : memref<1x100xi32, #tpu.memory_space<vmem>> -> memref<100xi32, #tpu.memory_space<vmem>>
      %dma_start3A_59 = arith.constant 0 : i32
      %dma_start3A_60 = arith.constant 0 : i32
      %dma_start3A_61 = tpu.memref_slice %arg2[%dma_start3A_59, %dma_start3A_60] : memref<40000x128xf32, #tpu.memory_space<hbm>> -> memref<40000x128xf32, #tpu.memory_space<hbm>>
      tpu.enqueue_indirect_dma source(%dma_start3A_61 : memref<40000x128xf32, #tpu.memory_space<hbm>>) target(%arg10 : memref<100x128xf32, #tpu.memory_space<vmem>>) offsets(%dma_start3A_58 : memref<100xi32, #tpu.memory_space<vmem>>) semaphore(%arg13 : memref<!tpu.dma_semaphore, #tpu.memory_space<semaphore_mem>>)
      %dma_wait3A_62 = arith.constant 0 : i32
      %dma_wait3A_63 = tpu.memref_slice %arg7[%mul3A_53, %dma_wait3A_62] : memref<50x100xi32, #tpu.memory_space<vmem>> -> memref<1x100xi32, #tpu.memory_space<vmem>>
      %dma_wait3A_64 = tpu.memref_squeeze %dma_wait3A_63 : memref<1x100xi32, #tpu.memory_space<vmem>> -> memref<100xi32, #tpu.memory_space<vmem>>
      %dma_wait3A_65 = arith.constant 0 : i32
      %dma_wait3A_66 = arith.constant 0 : i32
      %dma_wait3A_67 = tpu.memref_slice %arg2[%dma_wait3A_65, %dma_wait3A_66] : memref<40000x128xf32, #tpu.memory_space<hbm>> -> memref<40000x128xf32, #tpu.memory_space<hbm>>
      tpu.wait_indirect_dma semaphore(%arg12 : memref<!tpu.dma_semaphore, #tpu.memory_space<semaphore_mem>>) src(%dma_wait3A_67 : memref<40000x128xf32, #tpu.memory_space<hbm>>) dst(%arg9 : memref<100x128xf32, #tpu.memory_space<vmem>>)
      "tpu.region"() ({
        %run_scoped3A_84 = tpu.sem_alloc : memref<!tpu.dma_semaphore, #tpu.memory_space<semaphore_mem>>
        %dma_start3A_85 = arith.constant 0 : i32
        %dma_start3A_86 = tpu.memref_slice %arg8[%mul3A_53, %dma_start3A_85] : memref<50x100xi32, #tpu.memory_space<vmem>> -> memref<1x100xi32, #tpu.memory_space<vmem>>
        %dma_start3A_87 = tpu.memref_squeeze %dma_start3A_86 : memref<1x100xi32, #tpu.memory_space<vmem>> -> memref<100xi32, #tpu.memory_space<vmem>>
        %dma_start3A_88 = arith.constant 0 : i32
        %dma_start3A_89 = arith.constant 0 : i32
        %dma_start3A_90 = tpu.memref_slice %arg11[%dma_start3A_88, %dma_start3A_89] : memref<10000x128xf32, #tpu.memory_space<vmem_shared>> -> memref<10000x128xf32, #tpu.memory_space<vmem_shared>>
        tpu.enqueue_indirect_dma source(%arg9 : memref<100x128xf32, #tpu.memory_space<vmem>>) target(%dma_start3A_90 : memref<10000x128xf32, #tpu.memory_space<vmem_shared>>) offsets(%dma_start3A_87 : memref<100xi32, #tpu.memory_space<vmem>>) semaphore(%run_scoped3A_84 : memref<!tpu.dma_semaphore, #tpu.memory_space<semaphore_mem>>) {add = true}
        %dma_wait3A_91 = arith.constant 0 : i32
        %dma_wait3A_92 = tpu.memref_slice %arg8[%mul3A_53, %dma_wait3A_91] : memref<50x100xi32, #tpu.memory_space<vmem>> -> memref<1x100xi32, #tpu.memory_space<vmem>>
        %dma_wait3A_93 = tpu.memref_squeeze %dma_wait3A_92 : memref<1x100xi32, #tpu.memory_space<vmem>> -> memref<100xi32, #tpu.memory_space<vmem>>
        %dma_wait3A_94 = arith.constant 0 : i32
        %dma_wait3A_95 = arith.constant 0 : i32
        %dma_wait3A_96 = tpu.memref_slice %arg11[%dma_wait3A_94, %dma_wait3A_95] : memref<10000x128xf32, #tpu.memory_space<vmem_shared>> -> memref<10000x128xf32, #tpu.memory_space<vmem_shared>>
        tpu.wait_indirect_dma semaphore(%run_scoped3A_84 : memref<!tpu.dma_semaphore, #tpu.memory_space<semaphore_mem>>) src(%arg9 : memref<100x128xf32, #tpu.memory_space<vmem>>) dst(%dma_wait3A_96 : memref<10000x128xf32, #tpu.memory_space<vmem_shared>>)
        tpu.yield
      }) : () -> ()
      %add3A_68 = arith.constant 2 : i32
      %add3A_69 = arith.addi %mul3A_53, %add3A_68 : i32
      %lt3A = arith.constant 50 : i32
      %lt3A_70 = arith.cmpi slt, %add3A_69, %lt3A : i32
      %convert_element_type3A_71 = arith.extui %lt3A_70 : i1 to i32
      %cond3A_72 = arith.constant 0 : i32
      %cond3A_73 = arith.cmpi ne, %convert_element_type3A_71, %cond3A_72 : i32
      scf.if %cond3A_73 {
        %add3A_84 = arith.constant 2 : i32
        %add3A_85 = arith.addi %mul3A_53, %add3A_84 : i32
        %dma_start3A_86 = arith.constant 0 : i32
        %dma_start3A_87 = tpu.memref_slice %arg7[%add3A_85, %dma_start3A_86] : memref<50x100xi32, #tpu.memory_space<vmem>> -> memref<1x100xi32, #tpu.memory_space<vmem>>
        %dma_start3A_88 = tpu.memref_squeeze %dma_start3A_87 : memref<1x100xi32, #tpu.memory_space<vmem>> -> memref<100xi32, #tpu.memory_space<vmem>>
        %dma_start3A_89 = arith.constant 0 : i32
        %dma_start3A_90 = arith.constant 0 : i32
        %dma_start3A_91 = tpu.memref_slice %arg2[%dma_start3A_89, %dma_start3A_90] : memref<40000x128xf32, #tpu.memory_space<hbm>> -> memref<40000x128xf32, #tpu.memory_space<hbm>>
        tpu.enqueue_indirect_dma source(%dma_start3A_91 : memref<40000x128xf32, #tpu.memory_space<hbm>>) target(%arg9 : memref<100x128xf32, #tpu.memory_space<vmem>>) offsets(%dma_start3A_88 : memref<100xi32, #tpu.memory_space<vmem>>) semaphore(%arg12 : memref<!tpu.dma_semaphore, #tpu.memory_space<semaphore_mem>>)
      } else {
      }
      %add3A_74 = arith.constant 1 : i32
      %add3A_75 = arith.addi %mul3A_53, %add3A_74 : i32
      %dma_wait3A_76 = arith.constant 0 : i32
      %dma_wait3A_77 = tpu.memref_slice %arg7[%add3A_75, %dma_wait3A_76] : memref<50x100xi32, #tpu.memory_space<vmem>> -> memref<1x100xi32, #tpu.memory_space<vmem>>
      %dma_wait3A_78 = tpu.memref_squeeze %dma_wait3A_77 : memref<1x100xi32, #tpu.memory_space<vmem>> -> memref<100xi32, #tpu.memory_space<vmem>>
      %dma_wait3A_79 = arith.constant 0 : i32
      %dma_wait3A_80 = arith.constant 0 : i32
      %dma_wait3A_81 = tpu.memref_slice %arg2[%dma_wait3A_79, %dma_wait3A_80] : memref<40000x128xf32, #tpu.memory_space<hbm>> -> memref<40000x128xf32, #tpu.memory_space<hbm>>
      tpu.wait_indirect_dma semaphore(%arg13 : memref<!tpu.dma_semaphore, #tpu.memory_space<semaphore_mem>>) src(%dma_wait3A_81 : memref<40000x128xf32, #tpu.memory_space<hbm>>) dst(%arg10 : memref<100x128xf32, #tpu.memory_space<vmem>>)
      %add3A_82 = arith.constant 1 : i32
      %add3A_83 = arith.addi %mul3A_53, %add3A_82 : i32
      "tpu.region"() ({
        %run_scoped3A_84 = tpu.sem_alloc : memref<!tpu.dma_semaphore, #tpu.memory_space<semaphore_mem>>
        %dma_start3A_85 = arith.constant 0 : i32
        %dma_start3A_86 = tpu.memref_slice %arg8[%add3A_83, %dma_start3A_85] : memref<50x100xi32, #tpu.memory_space<vmem>> -> memref<1x100xi32, #tpu.memory_space<vmem>>
        %dma_start3A_87 = tpu.memref_squeeze %dma_start3A_86 : memref<1x100xi32, #tpu.memory_space<vmem>> -> memref<100xi32, #tpu.memory_space<vmem>>
        %dma_start3A_88 = arith.constant 0 : i32
        %dma_start3A_89 = arith.constant 0 : i32
        %dma_start3A_90 = tpu.memref_slice %arg11[%dma_start3A_88, %dma_start3A_89] : memref<10000x128xf32, #tpu.memory_space<vmem_shared>> -> memref<10000x128xf32, #tpu.memory_space<vmem_shared>>
        tpu.enqueue_indirect_dma source(%arg10 : memref<100x128xf32, #tpu.memory_space<vmem>>) target(%dma_start3A_90 : memref<10000x128xf32, #tpu.memory_space<vmem_shared>>) offsets(%dma_start3A_87 : memref<100xi32, #tpu.memory_space<vmem>>) semaphore(%run_scoped3A_84 : memref<!tpu.dma_semaphore, #tpu.memory_space<semaphore_mem>>) {add = true}
        %dma_wait3A_91 = arith.constant 0 : i32
        %dma_wait3A_92 = tpu.memref_slice %arg8[%add3A_83, %dma_wait3A_91] : memref<50x100xi32, #tpu.memory_space<vmem>> -> memref<1x100xi32, #tpu.memory_space<vmem>>
        %dma_wait3A_93 = tpu.memref_squeeze %dma_wait3A_92 : memref<1x100xi32, #tpu.memory_space<vmem>> -> memref<100xi32, #tpu.memory_space<vmem>>
        %dma_wait3A_94 = arith.constant 0 : i32
        %dma_wait3A_95 = arith.constant 0 : i32
        %dma_wait3A_96 = tpu.memref_slice %arg11[%dma_wait3A_94, %dma_wait3A_95] : memref<10000x128xf32, #tpu.memory_space<vmem_shared>> -> memref<10000x128xf32, #tpu.memory_space<vmem_shared>>
        tpu.wait_indirect_dma semaphore(%run_scoped3A_84 : memref<!tpu.dma_semaphore, #tpu.memory_space<semaphore_mem>>) src(%arg10 : memref<100x128xf32, #tpu.memory_space<vmem>>) dst(%dma_wait3A_96 : memref<10000x128xf32, #tpu.memory_space<vmem_shared>>)
        tpu.yield
      }) : () -> ()
    }
    %scan3A_25 = arith.constant 25 : i32
    %run_scoped3A_26 = arith.constant 1 : i32
    "tpu.region"() ({
      %run_scoped3A_51 = tpu.sem_alloc : memref<!tpu.dma_semaphore, #tpu.memory_space<semaphore_mem>>
      %dma_start3A_52 = arith.constant 0 : i32
      %dma_start3A_53 = arith.constant 0 : i32
      %dma_start3A_54 = tpu.memref_slice %arg3[%add3A, %run_scoped3A_26, %dma_start3A_52, %dma_start3A_53] : memref<32x2x50x100xi32, #tpu.memory_space<hbm>> -> memref<1x1x50x100xi32, #tpu.memory_space<hbm>>
      %dma_start3A_55 = tpu.memref_squeeze %dma_start3A_54 : memref<1x1x50x100xi32, #tpu.memory_space<hbm>> -> memref<50x100xi32, #tpu.memory_space<hbm>>
      %dma_start3A_56 = arith.constant 0 : i32
      %dma_start3A_57 = arith.constant 0 : i32
      %dma_start3A_58 = tpu.memref_slice %arg3[%add3A, %run_scoped3A_26, %dma_start3A_56, %dma_start3A_57] : memref<32x2x50x100xi32, #tpu.memory_space<hbm>> -> memref<1x1x50x100xi32, #tpu.memory_space<hbm>>
      %dma_start3A_59 = tpu.memref_squeeze %dma_start3A_58 : memref<1x1x50x100xi32, #tpu.memory_space<hbm>> -> memref<50x100xi32, #tpu.memory_space<hbm>>
      tpu.enqueue_dma source(%dma_start3A_59 : memref<50x100xi32, #tpu.memory_space<hbm>>) target(%arg7 : memref<50x100xi32, #tpu.memory_space<vmem>>) target_semaphore(%run_scoped3A_51 : memref<!tpu.dma_semaphore, #tpu.memory_space<semaphore_mem>>)
      %dma_wait3A_60 = arith.constant 0 : i32
      %dma_wait3A_61 = arith.constant 0 : i32
      %dma_wait3A_62 = tpu.memref_slice %arg3[%add3A, %run_scoped3A_26, %dma_wait3A_60, %dma_wait3A_61] : memref<32x2x50x100xi32, #tpu.memory_space<hbm>> -> memref<1x1x50x100xi32, #tpu.memory_space<hbm>>
      %dma_wait3A_63 = tpu.memref_squeeze %dma_wait3A_62 : memref<1x1x50x100xi32, #tpu.memory_space<hbm>> -> memref<50x100xi32, #tpu.memory_space<hbm>>
      %dma_wait3A_64 = arith.constant 0 : i32
      %dma_wait3A_65 = arith.constant 0 : i32
      %dma_wait3A_66 = tpu.memref_slice %arg3[%add3A, %run_scoped3A_26, %dma_wait3A_64, %dma_wait3A_65] : memref<32x2x50x100xi32, #tpu.memory_space<hbm>> -> memref<1x1x50x100xi32, #tpu.memory_space<hbm>>
      %dma_wait3A_67 = tpu.memref_squeeze %dma_wait3A_66 : memref<1x1x50x100xi32, #tpu.memory_space<hbm>> -> memref<50x100xi32, #tpu.memory_space<hbm>>
      tpu.wait_dma2 semaphore(%run_scoped3A_51 : memref<!tpu.dma_semaphore, #tpu.memory_space<semaphore_mem>>) src(%dma_wait3A_67 : memref<50x100xi32, #tpu.memory_space<hbm>>) dst(%arg7 : memref<50x100xi32, #tpu.memory_space<vmem>>)
      tpu.yield
    }) : () -> ()
    %run_scoped3A_27 = arith.constant 1 : i32
    "tpu.region"() ({
      %run_scoped3A_51 = tpu.sem_alloc : memref<!tpu.dma_semaphore, #tpu.memory_space<semaphore_mem>>
      %dma_start3A_52 = arith.constant 0 : i32
      %dma_start3A_53 = arith.constant 0 : i32
      %dma_start3A_54 = tpu.memref_slice %arg4[%add3A, %run_scoped3A_27, %dma_start3A_52, %dma_start3A_53] : memref<32x2x50x100xi32, #tpu.memory_space<hbm>> -> memref<1x1x50x100xi32, #tpu.memory_space<hbm>>
      %dma_start3A_55 = tpu.memref_squeeze %dma_start3A_54 : memref<1x1x50x100xi32, #tpu.memory_space<hbm>> -> memref<50x100xi32, #tpu.memory_space<hbm>>
      %dma_start3A_56 = arith.constant 0 : i32
      %dma_start3A_57 = arith.constant 0 : i32
      %dma_start3A_58 = tpu.memref_slice %arg4[%add3A, %run_scoped3A_27, %dma_start3A_56, %dma_start3A_57] : memref<32x2x50x100xi32, #tpu.memory_space<hbm>> -> memref<1x1x50x100xi32, #tpu.memory_space<hbm>>
      %dma_start3A_59 = tpu.memref_squeeze %dma_start3A_58 : memref<1x1x50x100xi32, #tpu.memory_space<hbm>> -> memref<50x100xi32, #tpu.memory_space<hbm>>
      tpu.enqueue_dma source(%dma_start3A_59 : memref<50x100xi32, #tpu.memory_space<hbm>>) target(%arg8 : memref<50x100xi32, #tpu.memory_space<vmem>>) target_semaphore(%run_scoped3A_51 : memref<!tpu.dma_semaphore, #tpu.memory_space<semaphore_mem>>)
      %dma_wait3A_60 = arith.constant 0 : i32
      %dma_wait3A_61 = arith.constant 0 : i32
      %dma_wait3A_62 = tpu.memref_slice %arg4[%add3A, %run_scoped3A_27, %dma_wait3A_60, %dma_wait3A_61] : memref<32x2x50x100xi32, #tpu.memory_space<hbm>> -> memref<1x1x50x100xi32, #tpu.memory_space<hbm>>
      %dma_wait3A_63 = tpu.memref_squeeze %dma_wait3A_62 : memref<1x1x50x100xi32, #tpu.memory_space<hbm>> -> memref<50x100xi32, #tpu.memory_space<hbm>>
      %dma_wait3A_64 = arith.constant 0 : i32
      %dma_wait3A_65 = arith.constant 0 : i32
      %dma_wait3A_66 = tpu.memref_slice %arg4[%add3A, %run_scoped3A_27, %dma_wait3A_64, %dma_wait3A_65] : memref<32x2x50x100xi32, #tpu.memory_space<hbm>> -> memref<1x1x50x100xi32, #tpu.memory_space<hbm>>
      %dma_wait3A_67 = tpu.memref_squeeze %dma_wait3A_66 : memref<1x1x50x100xi32, #tpu.memory_space<hbm>> -> memref<50x100xi32, #tpu.memory_space<hbm>>
      tpu.wait_dma2 semaphore(%run_scoped3A_51 : memref<!tpu.dma_semaphore, #tpu.memory_space<semaphore_mem>>) src(%dma_wait3A_67 : memref<50x100xi32, #tpu.memory_space<hbm>>) dst(%arg8 : memref<50x100xi32, #tpu.memory_space<vmem>>)
      tpu.yield
    }) : () -> ()
    %dma_start3A_28 = arith.constant 0 : i32
    %dma_start3A_29 = arith.constant 0 : i32
    %dma_start3A_30 = tpu.memref_slice %arg7[%dma_start3A_28, %dma_start3A_29] : memref<50x100xi32, #tpu.memory_space<vmem>> -> memref<1x100xi32, #tpu.memory_space<vmem>>
    %dma_start3A_31 = tpu.memref_squeeze %dma_start3A_30 : memref<1x100xi32, #tpu.memory_space<vmem>> -> memref<100xi32, #tpu.memory_space<vmem>>
    %dma_start3A_32 = arith.constant 0 : i32
    %dma_start3A_33 = arith.constant 0 : i32
    %dma_start3A_34 = tpu.memref_slice %arg2[%dma_start3A_32, %dma_start3A_33] : memref<40000x128xf32, #tpu.memory_space<hbm>> -> memref<40000x128xf32, #tpu.memory_space<hbm>>
    tpu.enqueue_indirect_dma source(%dma_start3A_34 : memref<40000x128xf32, #tpu.memory_space<hbm>>) target(%arg9 : memref<100x128xf32, #tpu.memory_space<vmem>>) offsets(%dma_start3A_31 : memref<100xi32, #tpu.memory_space<vmem>>) semaphore(%arg12 : memref<!tpu.dma_semaphore, #tpu.memory_space<semaphore_mem>>)
    %scan3A_35 = arith.constant 0 : i32
    %scan3A_36 = arith.constant 0 : i32
    %scan3A_37 = arith.constant 25 : i32
    %scan3A_38 = arith.addi %scan3A_36, %scan3A_37 : i32
    %scan3A_39 = arith.constant 1 : i32
    scf.for %scan3A_51 = %scan3A_36 to %scan3A_38 step %scan3A_39  : i32 {
      %mul3A_52 = arith.constant 2 : i32
      %mul3A_53 = arith.muli %mul3A_52, %scan3A_51 : i32
      %add3A_54 = arith.constant 1 : i32
      %add3A_55 = arith.addi %mul3A_53, %add3A_54 : i32
      %dma_start3A_56 = arith.constant 0 : i32
      %dma_start3A_57 = tpu.memref_slice %arg7[%add3A_55, %dma_start3A_56] : memref<50x100xi32, #tpu.memory_space<vmem>> -> memref<1x100xi32, #tpu.memory_space<vmem>>
      %dma_start3A_58 = tpu.memref_squeeze %dma_start3A_57 : memref<1x100xi32, #tpu.memory_space<vmem>> -> memref<100xi32, #tpu.memory_space<vmem>>
      %dma_start3A_59 = arith.constant 0 : i32
      %dma_start3A_60 = arith.constant 0 : i32
      %dma_start3A_61 = tpu.memref_slice %arg2[%dma_start3A_59, %dma_start3A_60] : memref<40000x128xf32, #tpu.memory_space<hbm>> -> memref<40000x128xf32, #tpu.memory_space<hbm>>
      tpu.enqueue_indirect_dma source(%dma_start3A_61 : memref<40000x128xf32, #tpu.memory_space<hbm>>) target(%arg10 : memref<100x128xf32, #tpu.memory_space<vmem>>) offsets(%dma_start3A_58 : memref<100xi32, #tpu.memory_space<vmem>>) semaphore(%arg13 : memref<!tpu.dma_semaphore, #tpu.memory_space<semaphore_mem>>)
      %dma_wait3A_62 = arith.constant 0 : i32
      %dma_wait3A_63 = tpu.memref_slice %arg7[%mul3A_53, %dma_wait3A_62] : memref<50x100xi32, #tpu.memory_space<vmem>> -> memref<1x100xi32, #tpu.memory_space<vmem>>
      %dma_wait3A_64 = tpu.memref_squeeze %dma_wait3A_63 : memref<1x100xi32, #tpu.memory_space<vmem>> -> memref<100xi32, #tpu.memory_space<vmem>>
      %dma_wait3A_65 = arith.constant 0 : i32
      %dma_wait3A_66 = arith.constant 0 : i32
      %dma_wait3A_67 = tpu.memref_slice %arg2[%dma_wait3A_65, %dma_wait3A_66] : memref<40000x128xf32, #tpu.memory_space<hbm>> -> memref<40000x128xf32, #tpu.memory_space<hbm>>
      tpu.wait_indirect_dma semaphore(%arg12 : memref<!tpu.dma_semaphore, #tpu.memory_space<semaphore_mem>>) src(%dma_wait3A_67 : memref<40000x128xf32, #tpu.memory_space<hbm>>) dst(%arg9 : memref<100x128xf32, #tpu.memory_space<vmem>>)
      "tpu.region"() ({
        %run_scoped3A_84 = tpu.sem_alloc : memref<!tpu.dma_semaphore, #tpu.memory_space<semaphore_mem>>
        %dma_start3A_85 = arith.constant 0 : i32
        %dma_start3A_86 = tpu.memref_slice %arg8[%mul3A_53, %dma_start3A_85] : memref<50x100xi32, #tpu.memory_space<vmem>> -> memref<1x100xi32, #tpu.memory_space<vmem>>
        %dma_start3A_87 = tpu.memref_squeeze %dma_start3A_86 : memref<1x100xi32, #tpu.memory_space<vmem>> -> memref<100xi32, #tpu.memory_space<vmem>>
        %dma_start3A_88 = arith.constant 0 : i32
        %dma_start3A_89 = arith.constant 0 : i32
        %dma_start3A_90 = tpu.memref_slice %arg11[%dma_start3A_88, %dma_start3A_89] : memref<10000x128xf32, #tpu.memory_space<vmem_shared>> -> memref<10000x128xf32, #tpu.memory_space<vmem_shared>>
        tpu.enqueue_indirect_dma source(%arg9 : memref<100x128xf32, #tpu.memory_space<vmem>>) target(%dma_start3A_90 : memref<10000x128xf32, #tpu.memory_space<vmem_shared>>) offsets(%dma_start3A_87 : memref<100xi32, #tpu.memory_space<vmem>>) semaphore(%run_scoped3A_84 : memref<!tpu.dma_semaphore, #tpu.memory_space<semaphore_mem>>) {add = true}
        %dma_wait3A_91 = arith.constant 0 : i32
        %dma_wait3A_92 = tpu.memref_slice %arg8[%mul3A_53, %dma_wait3A_91] : memref<50x100xi32, #tpu.memory_space<vmem>> -> memref<1x100xi32, #tpu.memory_space<vmem>>
        %dma_wait3A_93 = tpu.memref_squeeze %dma_wait3A_92 : memref<1x100xi32, #tpu.memory_space<vmem>> -> memref<100xi32, #tpu.memory_space<vmem>>
        %dma_wait3A_94 = arith.constant 0 : i32
        %dma_wait3A_95 = arith.constant 0 : i32
        %dma_wait3A_96 = tpu.memref_slice %arg11[%dma_wait3A_94, %dma_wait3A_95] : memref<10000x128xf32, #tpu.memory_space<vmem_shared>> -> memref<10000x128xf32, #tpu.memory_space<vmem_shared>>
        tpu.wait_indirect_dma semaphore(%run_scoped3A_84 : memref<!tpu.dma_semaphore, #tpu.memory_space<semaphore_mem>>) src(%arg9 : memref<100x128xf32, #tpu.memory_space<vmem>>) dst(%dma_wait3A_96 : memref<10000x128xf32, #tpu.memory_space<vmem_shared>>)
        tpu.yield
      }) : () -> ()
      %add3A_68 = arith.constant 2 : i32
      %add3A_69 = arith.addi %mul3A_53, %add3A_68 : i32
      %lt3A = arith.constant 50 : i32
      %lt3A_70 = arith.cmpi slt, %add3A_69, %lt3A : i32
      %convert_element_type3A_71 = arith.extui %lt3A_70 : i1 to i32
      %cond3A_72 = arith.constant 0 : i32
      %cond3A_73 = arith.cmpi ne, %convert_element_type3A_71, %cond3A_72 : i32
      scf.if %cond3A_73 {
        %add3A_84 = arith.constant 2 : i32
        %add3A_85 = arith.addi %mul3A_53, %add3A_84 : i32
        %dma_start3A_86 = arith.constant 0 : i32
        %dma_start3A_87 = tpu.memref_slice %arg7[%add3A_85, %dma_start3A_86] : memref<50x100xi32, #tpu.memory_space<vmem>> -> memref<1x100xi32, #tpu.memory_space<vmem>>
        %dma_start3A_88 = tpu.memref_squeeze %dma_start3A_87 : memref<1x100xi32, #tpu.memory_space<vmem>> -> memref<100xi32, #tpu.memory_space<vmem>>
        %dma_start3A_89 = arith.constant 0 : i32
        %dma_start3A_90 = arith.constant 0 : i32
        %dma_start3A_91 = tpu.memref_slice %arg2[%dma_start3A_89, %dma_start3A_90] : memref<40000x128xf32, #tpu.memory_space<hbm>> -> memref<40000x128xf32, #tpu.memory_space<hbm>>
        tpu.enqueue_indirect_dma source(%dma_start3A_91 : memref<40000x128xf32, #tpu.memory_space<hbm>>) target(%arg9 : memref<100x128xf32, #tpu.memory_space<vmem>>) offsets(%dma_start3A_88 : memref<100xi32, #tpu.memory_space<vmem>>) semaphore(%arg12 : memref<!tpu.dma_semaphore, #tpu.memory_space<semaphore_mem>>)
      } else {
      }
      %add3A_74 = arith.constant 1 : i32
      %add3A_75 = arith.addi %mul3A_53, %add3A_74 : i32
      %dma_wait3A_76 = arith.constant 0 : i32
      %dma_wait3A_77 = tpu.memref_slice %arg7[%add3A_75, %dma_wait3A_76] : memref<50x100xi32, #tpu.memory_space<vmem>> -> memref<1x100xi32, #tpu.memory_space<vmem>>
      %dma_wait3A_78 = tpu.memref_squeeze %dma_wait3A_77 : memref<1x100xi32, #tpu.memory_space<vmem>> -> memref<100xi32, #tpu.memory_space<vmem>>
      %dma_wait3A_79 = arith.constant 0 : i32
      %dma_wait3A_80 = arith.constant 0 : i32
      %dma_wait3A_81 = tpu.memref_slice %arg2[%dma_wait3A_79, %dma_wait3A_80] : memref<40000x128xf32, #tpu.memory_space<hbm>> -> memref<40000x128xf32, #tpu.memory_space<hbm>>
      tpu.wait_indirect_dma semaphore(%arg13 : memref<!tpu.dma_semaphore, #tpu.memory_space<semaphore_mem>>) src(%dma_wait3A_81 : memref<40000x128xf32, #tpu.memory_space<hbm>>) dst(%arg10 : memref<100x128xf32, #tpu.memory_space<vmem>>)
      %add3A_82 = arith.constant 1 : i32
      %add3A_83 = arith.addi %mul3A_53, %add3A_82 : i32
      "tpu.region"() ({
        %run_scoped3A_84 = tpu.sem_alloc : memref<!tpu.dma_semaphore, #tpu.memory_space<semaphore_mem>>
        %dma_start3A_85 = arith.constant 0 : i32
        %dma_start3A_86 = tpu.memref_slice %arg8[%add3A_83, %dma_start3A_85] : memref<50x100xi32, #tpu.memory_space<vmem>> -> memref<1x100xi32, #tpu.memory_space<vmem>>
        %dma_start3A_87 = tpu.memref_squeeze %dma_start3A_86 : memref<1x100xi32, #tpu.memory_space<vmem>> -> memref<100xi32, #tpu.memory_space<vmem>>
        %dma_start3A_88 = arith.constant 0 : i32
        %dma_start3A_89 = arith.constant 0 : i32
        %dma_start3A_90 = tpu.memref_slice %arg11[%dma_start3A_88, %dma_start3A_89] : memref<10000x128xf32, #tpu.memory_space<vmem_shared>> -> memref<10000x128xf32, #tpu.memory_space<vmem_shared>>
        tpu.enqueue_indirect_dma source(%arg10 : memref<100x128xf32, #tpu.memory_space<vmem>>) target(%dma_start3A_90 : memref<10000x128xf32, #tpu.memory_space<vmem_shared>>) offsets(%dma_start3A_87 : memref<100xi32, #tpu.memory_space<vmem>>) semaphore(%run_scoped3A_84 : memref<!tpu.dma_semaphore, #tpu.memory_space<semaphore_mem>>) {add = true}
        %dma_wait3A_91 = arith.constant 0 : i32
        %dma_wait3A_92 = tpu.memref_slice %arg8[%add3A_83, %dma_wait3A_91] : memref<50x100xi32, #tpu.memory_space<vmem>> -> memref<1x100xi32, #tpu.memory_space<vmem>>
        %dma_wait3A_93 = tpu.memref_squeeze %dma_wait3A_92 : memref<1x100xi32, #tpu.memory_space<vmem>> -> memref<100xi32, #tpu.memory_space<vmem>>
        %dma_wait3A_94 = arith.constant 0 : i32
        %dma_wait3A_95 = arith.constant 0 : i32
        %dma_wait3A_96 = tpu.memref_slice %arg11[%dma_wait3A_94, %dma_wait3A_95] : memref<10000x128xf32, #tpu.memory_space<vmem_shared>> -> memref<10000x128xf32, #tpu.memory_space<vmem_shared>>
        tpu.wait_indirect_dma semaphore(%run_scoped3A_84 : memref<!tpu.dma_semaphore, #tpu.memory_space<semaphore_mem>>) src(%arg10 : memref<100x128xf32, #tpu.memory_space<vmem>>) dst(%dma_wait3A_96 : memref<10000x128xf32, #tpu.memory_space<vmem_shared>>)
        tpu.yield
      }) : () -> ()
    }
    %scan3A_40 = arith.constant 25 : i32
    %barrier3A_41 = arith.constant 0 : index
    tpu.barrier barrier_id(%barrier3A_41)
    %mul3A_42 = arith.constant 624 : i32
    %mul3A_43 = arith.muli %arg1, %mul3A_42 : i32
    %mul3A_44 = arith.constant 624 : i32
    %mul3A_45 = arith.muli %arg1, %mul3A_44 : i32
    "tpu.region"() ({
      %run_scoped3A_51 = tpu.sem_alloc : memref<!tpu.dma_semaphore, #tpu.memory_space<semaphore_mem>>
      %dma_start3A_52 = arith.constant 0 : i32
      %dma_start3A_53 = tpu.memref_slice %arg6[%arg0, %mul3A_45, %dma_start3A_52] : memref<2x10000x128xf32, #tpu.memory_space<hbm>> -> memref<1x624x128xf32, #tpu.memory_space<hbm>>
      %dma_start3A_54 = tpu.memref_squeeze %dma_start3A_53 : memref<1x624x128xf32, #tpu.memory_space<hbm>> -> memref<624x128xf32, #tpu.memory_space<hbm>>
      %dma_start3A_55 = arith.constant 0 : i32
      %dma_start3A_56 = tpu.memref_slice %arg11[%mul3A_43, %dma_start3A_55] : memref<10000x128xf32, #tpu.memory_space<vmem_shared>> -> memref<624x128xf32, #tpu.memory_space<vmem_shared>>
      tpu.enqueue_dma source(%dma_start3A_56 : memref<624x128xf32, #tpu.memory_space<vmem_shared>>) target(%dma_start3A_54 : memref<624x128xf32, #tpu.memory_space<hbm>>) target_semaphore(%run_scoped3A_51 : memref<!tpu.dma_semaphore, #tpu.memory_space<semaphore_mem>>)
      %dma_wait3A_57 = arith.constant 0 : i32
      %dma_wait3A_58 = tpu.memref_slice %arg6[%arg0, %mul3A_45, %dma_wait3A_57] : memref<2x10000x128xf32, #tpu.memory_space<hbm>> -> memref<1x624x128xf32, #tpu.memory_space<hbm>>
      %dma_wait3A_59 = tpu.memref_squeeze %dma_wait3A_58 : memref<1x624x128xf32, #tpu.memory_space<hbm>> -> memref<624x128xf32, #tpu.memory_space<hbm>>
      %dma_wait3A_60 = arith.constant 0 : i32
      %dma_wait3A_61 = tpu.memref_slice %arg11[%mul3A_43, %dma_wait3A_60] : memref<10000x128xf32, #tpu.memory_space<vmem_shared>> -> memref<624x128xf32, #tpu.memory_space<vmem_shared>>
      tpu.wait_dma2 semaphore(%run_scoped3A_51 : memref<!tpu.dma_semaphore, #tpu.memory_space<semaphore_mem>>) src(%dma_wait3A_61 : memref<624x128xf32, #tpu.memory_space<vmem_shared>>) dst(%dma_wait3A_59 : memref<624x128xf32, #tpu.memory_space<hbm>>)
      tpu.yield
    }) : () -> ()
    %eq3A_46 = arith.constant 15 : i32
    %eq3A_47 = arith.cmpi eq, %arg1, %eq3A_46 : i32
    %convert_element_type3A_48 = arith.extui %eq3A_47 : i1 to i32
    %cond3A_49 = arith.constant 0 : i32
    %cond3A_50 = arith.cmpi ne, %convert_element_type3A_48, %cond3A_49 : i32
    scf.if %cond3A_50 {
      "tpu.region"() ({
        %run_scoped3A_51 = tpu.sem_alloc : memref<!tpu.dma_semaphore, #tpu.memory_space<semaphore_mem>>
        %dma_start3A_52 = arith.constant 9984 : i32
        %dma_start3A_53 = arith.constant 0 : i32
        %dma_start3A_54 = tpu.memref_slice %arg6[%arg0, %dma_start3A_52, %dma_start3A_53] : memref<2x10000x128xf32, #tpu.memory_space<hbm>> -> memref<1x16x128xf32, #tpu.memory_space<hbm>>
        %dma_start3A_55 = tpu.memref_squeeze %dma_start3A_54 : memref<1x16x128xf32, #tpu.memory_space<hbm>> -> memref<16x128xf32, #tpu.memory_space<hbm>>
        %dma_start3A_56 = arith.constant 9984 : i32
        %dma_start3A_57 = arith.constant 0 : i32
        %dma_start3A_58 = tpu.memref_slice %arg11[%dma_start3A_56, %dma_start3A_57] : memref<10000x128xf32, #tpu.memory_space<vmem_shared>> -> memref<16x128xf32, #tpu.memory_space<vmem_shared>>
        tpu.enqueue_dma source(%dma_start3A_58 : memref<16x128xf32, #tpu.memory_space<vmem_shared>>) target(%dma_start3A_55 : memref<16x128xf32, #tpu.memory_space<hbm>>) target_semaphore(%run_scoped3A_51 : memref<!tpu.dma_semaphore, #tpu.memory_space<semaphore_mem>>)
        %dma_wait3A_59 = arith.constant 9984 : i32
        %dma_wait3A_60 = arith.constant 0 : i32
        %dma_wait3A_61 = tpu.memref_slice %arg6[%arg0, %dma_wait3A_59, %dma_wait3A_60] : memref<2x10000x128xf32, #tpu.memory_space<hbm>> -> memref<1x16x128xf32, #tpu.memory_space<hbm>>
        %dma_wait3A_62 = tpu.memref_squeeze %dma_wait3A_61 : memref<1x16x128xf32, #tpu.memory_space<hbm>> -> memref<16x128xf32, #tpu.memory_space<hbm>>
        %dma_wait3A_63 = arith.constant 9984 : i32
        %dma_wait3A_64 = arith.constant 0 : i32
        %dma_wait3A_65 = tpu.memref_slice %arg11[%dma_wait3A_63, %dma_wait3A_64] : memref<10000x128xf32, #tpu.memory_space<vmem_shared>> -> memref<16x128xf32, #tpu.memory_space<vmem_shared>>
        tpu.wait_dma2 semaphore(%run_scoped3A_51 : memref<!tpu.dma_semaphore, #tpu.memory_space<semaphore_mem>>) src(%dma_wait3A_65 : memref<16x128xf32, #tpu.memory_space<vmem_shared>>) dst(%dma_wait3A_62 : memref<16x128xf32, #tpu.memory_space<hbm>>)
        tpu.yield
      }) : () -> ()
    } else {
    }
    return
  }
}

module attributes {stable_mosaic.version = 14 : i64} {
  func.func @_mm_body(%arg0: i32, %arg1: memref<2000x128xf32, #tpu.memory_space<vmem>>, %arg2: memref<4x128x128xf32, #tpu.memory_space<vmem>>, %arg3: memref<4x128xf32, #tpu.memory_space<vmem>>, %arg4: memref<4x2000x128xf32, #tpu.memory_space<vmem>>) attributes {dimension_semantics = [#tpu.dimension_semantics<arbitrary>], iteration_bounds = array<i64: 5>, scalar_prefetch = 0 : i64, scratch_operands = 0 : i64, tpu.core_type = #tpu.core_type<tc>, window_params = [{transform_indices = @transform_0, window_bounds = array<i64: 2000, 128>}, {pipeline_mode = #tpu.pipeline_mode<synchronous>, transform_indices = @transform_1, window_bounds = array<i64: 4, 128, 128>}, {pipeline_mode = #tpu.pipeline_mode<synchronous>, transform_indices = @transform_2, window_bounds = array<i64: 4, 128>}, {transform_indices = @transform_3, window_bounds = array<i64: 4, 2000, 128>}]} {
    %get3A = arith.constant 0 : index
    %get3A_0 = arith.constant 0 : index
    %get3A_1 = vector.load %arg1[%get3A, %get3A_0] : memref<2000x128xf32, #tpu.memory_space<vmem>>, vector<2000x128xf32>
    %get3A_2 = arith.constant 0 : index
    %get3A_3 = arith.constant 0 : index
    %get3A_4 = arith.constant 0 : index
    %get3A_5 = vector.load %arg2[%get3A_2, %get3A_3, %get3A_4] : memref<4x128x128xf32, #tpu.memory_space<vmem>>, vector<1x128x128xf32>
    %get3A_6 = vector.shape_cast %get3A_5 : vector<1x128x128xf32> to vector<128x128xf32>
    %dot_general3A = arith.constant dense<0.000000e+00> : vector<2000x128xf32>
    %dot_general3A_7 = tpu.matmul %get3A_1, %get3A_6, %dot_general3A {dimension_numbers = #tpu.dot_dimension_numbers<[1], [1], [0], [0], [0, 0, 1, 0], [], []>, transpose_lhs_hint = false} : vector<2000x128xf32>, vector<128x128xf32>, vector<2000x128xf32> -> vector<2000x128xf32>
    %get3A_8 = arith.constant 0 : index
    %get3A_9 = arith.constant 0 : index
    %get3A_10 = vector.load %arg3[%get3A_8, %get3A_9] : memref<4x128xf32, #tpu.memory_space<vmem>>, vector<1x128xf32>
    %get3A_11 = vector.shape_cast %get3A_10 : vector<1x128xf32> to vector<128xf32>
    %broadcast_in_dim3A = vector.shape_cast %get3A_11 : vector<128xf32> to vector<1x128xf32>
    %add3A = vector.broadcast %broadcast_in_dim3A : vector<1x128xf32> to vector<2000x128xf32>
    %add3A_12 = arith.addf %dot_general3A_7, %add3A : vector<2000x128xf32>
    %swap3A = arith.constant 0 : index
    %swap3A_13 = arith.constant 0 : index
    %swap3A_14 = arith.constant 0 : index
    %swap3A_15 = vector.load %arg4[%swap3A, %swap3A_13, %swap3A_14] : memref<4x2000x128xf32, #tpu.memory_space<vmem>>, vector<1x2000x128xf32>
    %swap3A_16 = vector.shape_cast %swap3A_15 : vector<1x2000x128xf32> to vector<2000x128xf32>
    %swap3A_17 = vector.shape_cast %add3A_12 : vector<2000x128xf32> to vector<1x2000x128xf32>
    tpu.vector_store %arg4[%swap3A, %swap3A_13, %swap3A_14], %swap3A_17 {strides = array<i32>} : memref<4x2000x128xf32, #tpu.memory_space<vmem>>, vector<1x2000x128xf32>,
    %get3A_18 = arith.constant 1 : index
    %get3A_19 = arith.constant 0 : index
    %get3A_20 = arith.constant 0 : index
    %get3A_21 = vector.load %arg2[%get3A_18, %get3A_19, %get3A_20] : memref<4x128x128xf32, #tpu.memory_space<vmem>>, vector<1x128x128xf32>
    %get3A_22 = vector.shape_cast %get3A_21 : vector<1x128x128xf32> to vector<128x128xf32>
    %dot_general3A_23 = arith.constant dense<0.000000e+00> : vector<2000x128xf32>
    %dot_general3A_24 = tpu.matmul %get3A_1, %get3A_22, %dot_general3A_23 {dimension_numbers = #tpu.dot_dimension_numbers<[1], [1], [0], [0], [0, 0, 1, 0], [], []>, transpose_lhs_hint = false} : vector<2000x128xf32>, vector<128x128xf32>, vector<2000x128xf32> -> vector<2000x128xf32>
    %get3A_25 = arith.constant 1 : index
    %get3A_26 = arith.constant 0 : index
    %get3A_27 = vector.load %arg3[%get3A_25, %get3A_26] : memref<4x128xf32, #tpu.memory_space<vmem>>, vector<1x128xf32>
    %get3A_28 = vector.shape_cast %get3A_27 : vector<1x128xf32> to vector<128xf32>
    %broadcast_in_dim3A_29 = vector.shape_cast %get3A_28 : vector<128xf32> to vector<1x128xf32>
    %add3A_30 = vector.broadcast %broadcast_in_dim3A_29 : vector<1x128xf32> to vector<2000x128xf32>
    %add3A_31 = arith.addf %dot_general3A_24, %add3A_30 : vector<2000x128xf32>
    %swap3A_32 = arith.constant 1 : index
    %swap3A_33 = arith.constant 0 : index
    %swap3A_34 = arith.constant 0 : index
    %swap3A_35 = vector.load %arg4[%swap3A_32, %swap3A_33, %swap3A_34] : memref<4x2000x128xf32, #tpu.memory_space<vmem>>, vector<1x2000x128xf32>
    %swap3A_36 = vector.shape_cast %swap3A_35 : vector<1x2000x128xf32> to vector<2000x128xf32>
    %swap3A_37 = vector.shape_cast %add3A_31 : vector<2000x128xf32> to vector<1x2000x128xf32>
    tpu.vector_store %arg4[%swap3A_32, %swap3A_33, %swap3A_34], %swap3A_37 {strides = array<i32>} : memref<4x2000x128xf32, #tpu.memory_space<vmem>>, vector<1x2000x128xf32>,
    %get3A_38 = arith.constant 2 : index
    %get3A_39 = arith.constant 0 : index
    %get3A_40 = arith.constant 0 : index
    %get3A_41 = vector.load %arg2[%get3A_38, %get3A_39, %get3A_40] : memref<4x128x128xf32, #tpu.memory_space<vmem>>, vector<1x128x128xf32>
    %get3A_42 = vector.shape_cast %get3A_41 : vector<1x128x128xf32> to vector<128x128xf32>
    %dot_general3A_43 = arith.constant dense<0.000000e+00> : vector<2000x128xf32>
    %dot_general3A_44 = tpu.matmul %get3A_1, %get3A_42, %dot_general3A_43 {dimension_numbers = #tpu.dot_dimension_numbers<[1], [1], [0], [0], [0, 0, 1, 0], [], []>, transpose_lhs_hint = false} : vector<2000x128xf32>, vector<128x128xf32>, vector<2000x128xf32> -> vector<2000x128xf32>
    %get3A_45 = arith.constant 2 : index
    %get3A_46 = arith.constant 0 : index
    %get3A_47 = vector.load %arg3[%get3A_45, %get3A_46] : memref<4x128xf32, #tpu.memory_space<vmem>>, vector<1x128xf32>
    %get3A_48 = vector.shape_cast %get3A_47 : vector<1x128xf32> to vector<128xf32>
    %broadcast_in_dim3A_49 = vector.shape_cast %get3A_48 : vector<128xf32> to vector<1x128xf32>
    %add3A_50 = vector.broadcast %broadcast_in_dim3A_49 : vector<1x128xf32> to vector<2000x128xf32>
    %add3A_51 = arith.addf %dot_general3A_44, %add3A_50 : vector<2000x128xf32>
    %swap3A_52 = arith.constant 2 : index
    %swap3A_53 = arith.constant 0 : index
    %swap3A_54 = arith.constant 0 : index
    %swap3A_55 = vector.load %arg4[%swap3A_52, %swap3A_53, %swap3A_54] : memref<4x2000x128xf32, #tpu.memory_space<vmem>>, vector<1x2000x128xf32>
    %swap3A_56 = vector.shape_cast %swap3A_55 : vector<1x2000x128xf32> to vector<2000x128xf32>
    %swap3A_57 = vector.shape_cast %add3A_51 : vector<2000x128xf32> to vector<1x2000x128xf32>
    tpu.vector_store %arg4[%swap3A_52, %swap3A_53, %swap3A_54], %swap3A_57 {strides = array<i32>} : memref<4x2000x128xf32, #tpu.memory_space<vmem>>, vector<1x2000x128xf32>,
    %get3A_58 = arith.constant 3 : index
    %get3A_59 = arith.constant 0 : index
    %get3A_60 = arith.constant 0 : index
    %get3A_61 = vector.load %arg2[%get3A_58, %get3A_59, %get3A_60] : memref<4x128x128xf32, #tpu.memory_space<vmem>>, vector<1x128x128xf32>
    %get3A_62 = vector.shape_cast %get3A_61 : vector<1x128x128xf32> to vector<128x128xf32>
    %dot_general3A_63 = arith.constant dense<0.000000e+00> : vector<2000x128xf32>
    %dot_general3A_64 = tpu.matmul %get3A_1, %get3A_62, %dot_general3A_63 {dimension_numbers = #tpu.dot_dimension_numbers<[1], [1], [0], [0], [0, 0, 1, 0], [], []>, transpose_lhs_hint = false} : vector<2000x128xf32>, vector<128x128xf32>, vector<2000x128xf32> -> vector<2000x128xf32>
    %get3A_65 = arith.constant 3 : index
    %get3A_66 = arith.constant 0 : index
    %get3A_67 = vector.load %arg3[%get3A_65, %get3A_66] : memref<4x128xf32, #tpu.memory_space<vmem>>, vector<1x128xf32>
    %get3A_68 = vector.shape_cast %get3A_67 : vector<1x128xf32> to vector<128xf32>
    %broadcast_in_dim3A_69 = vector.shape_cast %get3A_68 : vector<128xf32> to vector<1x128xf32>
    %add3A_70 = vector.broadcast %broadcast_in_dim3A_69 : vector<1x128xf32> to vector<2000x128xf32>
    %add3A_71 = arith.addf %dot_general3A_64, %add3A_70 : vector<2000x128xf32>
    %swap3A_72 = arith.constant 3 : index
    %swap3A_73 = arith.constant 0 : index
    %swap3A_74 = arith.constant 0 : index
    %swap3A_75 = vector.load %arg4[%swap3A_72, %swap3A_73, %swap3A_74] : memref<4x2000x128xf32, #tpu.memory_space<vmem>>, vector<1x2000x128xf32>
    %swap3A_76 = vector.shape_cast %swap3A_75 : vector<1x2000x128xf32> to vector<2000x128xf32>
    %swap3A_77 = vector.shape_cast %add3A_71 : vector<2000x128xf32> to vector<1x2000x128xf32>
    tpu.vector_store %arg4[%swap3A_72, %swap3A_73, %swap3A_74], %swap3A_77 {strides = array<i32>} : memref<4x2000x128xf32, #tpu.memory_space<vmem>>, vector<1x2000x128xf32>,
    return
  }
  func.func @transform_0(%arg0: i32) -> (i32, i32) {
    %c0_i32 = arith.constant 0 : i32
    %c0_i32_0 = arith.constant 0 : i32
    return %arg0, %c0_i32 : i32, i32
  }
  func.func @transform_1(%arg0: i32) -> (i32, i32, i32) {
    %c0_i32 = arith.constant 0 : i32
    %c0_i32_0 = arith.constant 0 : i32
    %c0_i32_1 = arith.constant 0 : i32
    %c0_i32_2 = arith.constant 0 : i32
    return %c0_i32, %c0_i32_0, %c0_i32_1 : i32, i32, i32
  }
  func.func @transform_2(%arg0: i32) -> (i32, i32) {
    %c0_i32 = arith.constant 0 : i32
    %c0_i32_0 = arith.constant 0 : i32
    %c0_i32_1 = arith.constant 0 : i32
    return %c0_i32, %c0_i32_0 : i32, i32
  }
  func.func @transform_3(%arg0: i32) -> (i32, i32, i32) {
    %c0_i32 = arith.constant 0 : i32
    %c0_i32_0 = arith.constant 0 : i32
    %c0_i32_1 = arith.constant 0 : i32
    return %c0_i32, %arg0, %c0_i32_0 : i32, i32, i32
  }
}

module attributes {stable_mosaic.version = 14 : i64} {
  func.func @body(%arg0: i32, %arg1: memref<2x2000x128xf32, #tpu.memory_space<vmem>>, %arg2: memref<2000x128xf32, #tpu.memory_space<vmem>>, %arg3: memref<384x128xf32, #tpu.memory_space<vmem>>, %arg4: memref<384x128xf32, #tpu.memory_space<vmem>>, %arg5: memref<1x384xf32, #tpu.memory_space<vmem>>, %arg6: memref<1x384xf32, #tpu.memory_space<vmem>>, %arg7: memref<4x128x128xf32, #tpu.memory_space<vmem>>, %arg8: memref<4x128xf32, #tpu.memory_space<vmem>>, %arg9: memref<2000x128xf32, #tpu.memory_space<vmem>>, %arg10: memref<4x2000x128xf32, #tpu.memory_space<vmem>>) attributes {dimension_semantics = [#tpu.dimension_semantics<arbitrary>], iteration_bounds = array<i64: 5>, scalar_prefetch = 0 : i64, scratch_operands = 0 : i64, tpu.core_type = #tpu.core_type<tc>, window_params = [{transform_indices = @transform_0, window_bounds = array<i64: 2, 2000, 128>}, {transform_indices = @transform_1, window_bounds = array<i64: 2000, 128>}, {pipeline_mode = #tpu.pipeline_mode<synchronous>, transform_indices = @transform_2, window_bounds = array<i64: 384, 128>}, {pipeline_mode = #tpu.pipeline_mode<synchronous>, transform_indices = @transform_3, window_bounds = array<i64: 384, 128>}, {pipeline_mode = #tpu.pipeline_mode<synchronous>, transform_indices = @transform_4, window_bounds = array<i64: 1, 384>}, {pipeline_mode = #tpu.pipeline_mode<synchronous>, transform_indices = @transform_5, window_bounds = array<i64: 1, 384>}, {pipeline_mode = #tpu.pipeline_mode<synchronous>, transform_indices = @transform_6, window_bounds = array<i64: 4, 128, 128>}, {pipeline_mode = #tpu.pipeline_mode<synchronous>, transform_indices = @transform_7, window_bounds = array<i64: 4, 128>}, {transform_indices = @transform_8, window_bounds = array<i64: 2000, 128>}, {transform_indices = @transform_9, window_bounds = array<i64: 4, 2000, 128>}]} {
    %get3A = arith.constant 0 : index
    %get3A_0 = arith.constant 0 : index
    %get3A_1 = arith.constant 0 : index
    %get3A_2 = vector.load %arg1[%get3A, %get3A_0, %get3A_1] : memref<2x2000x128xf32, #tpu.memory_space<vmem>>, vector<1x2000x128xf32>
    %get3A_3 = vector.shape_cast %get3A_2 : vector<1x2000x128xf32> to vector<2000x128xf32>
    %get3A_4 = arith.constant 1 : index
    %get3A_5 = arith.constant 0 : index
    %get3A_6 = arith.constant 0 : index
    %get3A_7 = vector.load %arg1[%get3A_4, %get3A_5, %get3A_6] : memref<2x2000x128xf32, #tpu.memory_space<vmem>>, vector<1x2000x128xf32>
    %get3A_8 = vector.shape_cast %get3A_7 : vector<1x2000x128xf32> to vector<2000x128xf32>
    %add3A = arith.addf %get3A_3, %get3A_8 : vector<2000x128xf32>
    %get3A_9 = arith.constant 0 : index
    %get3A_10 = arith.constant 0 : index
    %get3A_11 = vector.load %arg2[%get3A_9, %get3A_10] : memref<2000x128xf32, #tpu.memory_space<vmem>>, vector<2000x128xf32>
    %get3A_12 = arith.constant 0 : index
    %get3A_13 = arith.constant 0 : index
    %get3A_14 = vector.load %arg3[%get3A_12, %get3A_13] : memref<384x128xf32, #tpu.memory_space<vmem>>, vector<384x128xf32>
    %get3A_15 = arith.constant 0 : index
    %get3A_16 = arith.constant 0 : index
    %get3A_17 = vector.load %arg4[%get3A_15, %get3A_16] : memref<384x128xf32, #tpu.memory_space<vmem>>, vector<384x128xf32>
    %get3A_18 = arith.constant 0 : index
    %get3A_19 = arith.constant 0 : index
    %get3A_20 = vector.load %arg5[%get3A_18, %get3A_19] : memref<1x384xf32, #tpu.memory_space<vmem>>, vector<1x384xf32>
    %get3A_21 = arith.constant 0 : index
    %get3A_22 = arith.constant 0 : index
    %get3A_23 = vector.load %arg6[%get3A_21, %get3A_22] : memref<1x384xf32, #tpu.memory_space<vmem>>, vector<1x384xf32>
    %dot_general3A = arith.constant dense<0.000000e+00> : vector<2000x384xf32>
    %dot_general3A_24 = tpu.matmul %add3A, %get3A_14, %dot_general3A {dimension_numbers = #tpu.dot_dimension_numbers<[1], [1], [0], [0], [0, 0, 1, 0], [], []>, transpose_lhs_hint = false} : vector<2000x128xf32>, vector<384x128xf32>, vector<2000x384xf32> -> vector<2000x384xf32>
    %add3A_25 = vector.broadcast %get3A_20 : vector<1x384xf32> to vector<2000x384xf32>
    %add3A_26 = arith.addf %dot_general3A_24, %add3A_25 : vector<2000x384xf32>
    %dot_general3A_27 = arith.constant dense<0.000000e+00> : vector<2000x384xf32>
    %dot_general3A_28 = tpu.matmul %get3A_11, %get3A_17, %dot_general3A_27 {dimension_numbers = #tpu.dot_dimension_numbers<[1], [1], [0], [0], [0, 0, 1, 0], [], []>, transpose_lhs_hint = false} : vector<2000x128xf32>, vector<384x128xf32>, vector<2000x384xf32> -> vector<2000x384xf32>
    %add3A_29 = vector.broadcast %get3A_23 : vector<1x384xf32> to vector<2000x384xf32>
    %add3A_30 = arith.addf %dot_general3A_28, %add3A_29 : vector<2000x384xf32>
    %slice3A = vector.extract_strided_slice %add3A_26 {offsets = [0, 0], sizes = [2000, 128], strides = [1, 1]} : vector<2000x384xf32> to vector<2000x128xf32>
    %slice3A_31 = vector.extract_strided_slice %add3A_30 {offsets = [0, 0], sizes = [2000, 128], strides = [1, 1]} : vector<2000x384xf32> to vector<2000x128xf32>
    %add3A_32 = arith.addf %slice3A, %slice3A_31 : vector<2000x128xf32>
    %logistic3A = arith.negf %add3A_32 : vector<2000x128xf32>
    %logistic3A_33 = math.exp %logistic3A : vector<2000x128xf32>
    %logistic3A_34 = arith.constant 1.000000e+00 : f32
    %logistic3A_35 = vector.broadcast %logistic3A_34 : f32 to vector<2000x128xf32>
    %logistic3A_36 = arith.addf %logistic3A_35, %logistic3A_33 : vector<2000x128xf32>
    %logistic3A_37 = arith.divf %logistic3A_35, %logistic3A_36 : vector<2000x128xf32>
    %slice3A_38 = vector.extract_strided_slice %add3A_26 {offsets = [0, 128], sizes = [2000, 128], strides = [1, 1]} : vector<2000x384xf32> to vector<2000x128xf32>
    %slice3A_39 = vector.extract_strided_slice %add3A_30 {offsets = [0, 128], sizes = [2000, 128], strides = [1, 1]} : vector<2000x384xf32> to vector<2000x128xf32>
    %add3A_40 = arith.addf %slice3A_38, %slice3A_39 : vector<2000x128xf32>
    %logistic3A_41 = arith.negf %add3A_40 : vector<2000x128xf32>
    %logistic3A_42 = math.exp %logistic3A_41 : vector<2000x128xf32>
    %logistic3A_43 = arith.constant 1.000000e+00 : f32
    %logistic3A_44 = vector.broadcast %logistic3A_43 : f32 to vector<2000x128xf32>
    %logistic3A_45 = arith.addf %logistic3A_44, %logistic3A_42 : vector<2000x128xf32>
    %logistic3A_46 = arith.divf %logistic3A_44, %logistic3A_45 : vector<2000x128xf32>
    %slice3A_47 = vector.extract_strided_slice %add3A_26 {offsets = [0, 256], sizes = [2000, 128], strides = [1, 1]} : vector<2000x384xf32> to vector<2000x128xf32>
    %slice3A_48 = vector.extract_strided_slice %add3A_30 {offsets = [0, 256], sizes = [2000, 128], strides = [1, 1]} : vector<2000x384xf32> to vector<2000x128xf32>
    %mul3A = arith.mulf %logistic3A_37, %slice3A_48 : vector<2000x128xf32>
    %add3A_49 = arith.addf %slice3A_47, %mul3A : vector<2000x128xf32>
    %tanh3A = math.tanh %add3A_49 : vector<2000x128xf32>
    %sub3A = arith.constant 1.000000e+00 : f32
    %sub3A_50 = vector.broadcast %sub3A : f32 to vector<2000x128xf32>
    %sub3A_51 = arith.subf %sub3A_50, %logistic3A_46 : vector<2000x128xf32>
    %mul3A_52 = arith.mulf %sub3A_51, %tanh3A : vector<2000x128xf32>
    %mul3A_53 = arith.mulf %logistic3A_46, %get3A_11 : vector<2000x128xf32>
    %add3A_54 = arith.addf %mul3A_52, %mul3A_53 : vector<2000x128xf32>
    %swap3A = arith.constant 0 : index
    %swap3A_55 = arith.constant 0 : index
    %swap3A_56 = vector.load %arg9[%swap3A, %swap3A_55] : memref<2000x128xf32, #tpu.memory_space<vmem>>, vector<2000x128xf32>
    tpu.vector_store %arg9[%swap3A, %swap3A_55], %add3A_54 {strides = array<i32>} : memref<2000x128xf32, #tpu.memory_space<vmem>>, vector<2000x128xf32>,
    %get3A_57 = arith.constant 0 : index
    %get3A_58 = arith.constant 0 : index
    %get3A_59 = arith.constant 0 : index
    %get3A_60 = vector.load %arg7[%get3A_57, %get3A_58, %get3A_59] : memref<4x128x128xf32, #tpu.memory_space<vmem>>, vector<1x128x128xf32>
    %get3A_61 = vector.shape_cast %get3A_60 : vector<1x128x128xf32> to vector<128x128xf32>
    %dot_general3A_62 = arith.constant dense<0.000000e+00> : vector<2000x128xf32>
    %dot_general3A_63 = tpu.matmul %add3A_54, %get3A_61, %dot_general3A_62 {dimension_numbers = #tpu.dot_dimension_numbers<[1], [1], [0], [0], [0, 0, 1, 0], [], []>, transpose_lhs_hint = false} : vector<2000x128xf32>, vector<128x128xf32>, vector<2000x128xf32> -> vector<2000x128xf32>
    %get3A_64 = arith.constant 0 : index
    %get3A_65 = arith.constant 0 : index
    %get3A_66 = vector.load %arg8[%get3A_64, %get3A_65] : memref<4x128xf32, #tpu.memory_space<vmem>>, vector<1x128xf32>
    %get3A_67 = vector.shape_cast %get3A_66 : vector<1x128xf32> to vector<128xf32>
    %broadcast_in_dim3A = vector.shape_cast %get3A_67 : vector<128xf32> to vector<1x128xf32>
    %add3A_68 = vector.broadcast %broadcast_in_dim3A : vector<1x128xf32> to vector<2000x128xf32>
    %add3A_69 = arith.addf %dot_general3A_63, %add3A_68 : vector<2000x128xf32>
    %swap3A_70 = arith.constant 0 : index
    %swap3A_71 = arith.constant 0 : index
    %swap3A_72 = arith.constant 0 : index
    %swap3A_73 = vector.load %arg10[%swap3A_70, %swap3A_71, %swap3A_72] : memref<4x2000x128xf32, #tpu.memory_space<vmem>>, vector<1x2000x128xf32>
    %swap3A_74 = vector.shape_cast %swap3A_73 : vector<1x2000x128xf32> to vector<2000x128xf32>
    %swap3A_75 = vector.shape_cast %add3A_69 : vector<2000x128xf32> to vector<1x2000x128xf32>
    tpu.vector_store %arg10[%swap3A_70, %swap3A_71, %swap3A_72], %swap3A_75 {strides = array<i32>} : memref<4x2000x128xf32, #tpu.memory_space<vmem>>, vector<1x2000x128xf32>,
    %get3A_76 = arith.constant 1 : index
    %get3A_77 = arith.constant 0 : index
    %get3A_78 = arith.constant 0 : index
    %get3A_79 = vector.load %arg7[%get3A_76, %get3A_77, %get3A_78] : memref<4x128x128xf32, #tpu.memory_space<vmem>>, vector<1x128x128xf32>
    %get3A_80 = vector.shape_cast %get3A_79 : vector<1x128x128xf32> to vector<128x128xf32>
    %dot_general3A_81 = arith.constant dense<0.000000e+00> : vector<2000x128xf32>
    %dot_general3A_82 = tpu.matmul %add3A_54, %get3A_80, %dot_general3A_81 {dimension_numbers = #tpu.dot_dimension_numbers<[1], [1], [0], [0], [0, 0, 1, 0], [], []>, transpose_lhs_hint = false} : vector<2000x128xf32>, vector<128x128xf32>, vector<2000x128xf32> -> vector<2000x128xf32>
    %get3A_83 = arith.constant 1 : index
    %get3A_84 = arith.constant 0 : index
    %get3A_85 = vector.load %arg8[%get3A_83, %get3A_84] : memref<4x128xf32, #tpu.memory_space<vmem>>, vector<1x128xf32>
    %get3A_86 = vector.shape_cast %get3A_85 : vector<1x128xf32> to vector<128xf32>
    %broadcast_in_dim3A_87 = vector.shape_cast %get3A_86 : vector<128xf32> to vector<1x128xf32>
    %add3A_88 = vector.broadcast %broadcast_in_dim3A_87 : vector<1x128xf32> to vector<2000x128xf32>
    %add3A_89 = arith.addf %dot_general3A_82, %add3A_88 : vector<2000x128xf32>
    %swap3A_90 = arith.constant 1 : index
    %swap3A_91 = arith.constant 0 : index
    %swap3A_92 = arith.constant 0 : index
    %swap3A_93 = vector.load %arg10[%swap3A_90, %swap3A_91, %swap3A_92] : memref<4x2000x128xf32, #tpu.memory_space<vmem>>, vector<1x2000x128xf32>
    %swap3A_94 = vector.shape_cast %swap3A_93 : vector<1x2000x128xf32> to vector<2000x128xf32>
    %swap3A_95 = vector.shape_cast %add3A_89 : vector<2000x128xf32> to vector<1x2000x128xf32>
    tpu.vector_store %arg10[%swap3A_90, %swap3A_91, %swap3A_92], %swap3A_95 {strides = array<i32>} : memref<4x2000x128xf32, #tpu.memory_space<vmem>>, vector<1x2000x128xf32>,
    %get3A_96 = arith.constant 2 : index
    %get3A_97 = arith.constant 0 : index
    %get3A_98 = arith.constant 0 : index
    %get3A_99 = vector.load %arg7[%get3A_96, %get3A_97, %get3A_98] : memref<4x128x128xf32, #tpu.memory_space<vmem>>, vector<1x128x128xf32>
    %get3A_100 = vector.shape_cast %get3A_99 : vector<1x128x128xf32> to vector<128x128xf32>
    %dot_general3A_101 = arith.constant dense<0.000000e+00> : vector<2000x128xf32>
    %dot_general3A_102 = tpu.matmul %add3A_54, %get3A_100, %dot_general3A_101 {dimension_numbers = #tpu.dot_dimension_numbers<[1], [1], [0], [0], [0, 0, 1, 0], [], []>, transpose_lhs_hint = false} : vector<2000x128xf32>, vector<128x128xf32>, vector<2000x128xf32> -> vector<2000x128xf32>
    %get3A_103 = arith.constant 2 : index
    %get3A_104 = arith.constant 0 : index
    %get3A_105 = vector.load %arg8[%get3A_103, %get3A_104] : memref<4x128xf32, #tpu.memory_space<vmem>>, vector<1x128xf32>
    %get3A_106 = vector.shape_cast %get3A_105 : vector<1x128xf32> to vector<128xf32>
    %broadcast_in_dim3A_107 = vector.shape_cast %get3A_106 : vector<128xf32> to vector<1x128xf32>
    %add3A_108 = vector.broadcast %broadcast_in_dim3A_107 : vector<1x128xf32> to vector<2000x128xf32>
    %add3A_109 = arith.addf %dot_general3A_102, %add3A_108 : vector<2000x128xf32>
    %swap3A_110 = arith.constant 2 : index
    %swap3A_111 = arith.constant 0 : index
    %swap3A_112 = arith.constant 0 : index
    %swap3A_113 = vector.load %arg10[%swap3A_110, %swap3A_111, %swap3A_112] : memref<4x2000x128xf32, #tpu.memory_space<vmem>>, vector<1x2000x128xf32>
    %swap3A_114 = vector.shape_cast %swap3A_113 : vector<1x2000x128xf32> to vector<2000x128xf32>
    %swap3A_115 = vector.shape_cast %add3A_109 : vector<2000x128xf32> to vector<1x2000x128xf32>
    tpu.vector_store %arg10[%swap3A_110, %swap3A_111, %swap3A_112], %swap3A_115 {strides = array<i32>} : memref<4x2000x128xf32, #tpu.memory_space<vmem>>, vector<1x2000x128xf32>,
    %get3A_116 = arith.constant 3 : index
    %get3A_117 = arith.constant 0 : index
    %get3A_118 = arith.constant 0 : index
    %get3A_119 = vector.load %arg7[%get3A_116, %get3A_117, %get3A_118] : memref<4x128x128xf32, #tpu.memory_space<vmem>>, vector<1x128x128xf32>
    %get3A_120 = vector.shape_cast %get3A_119 : vector<1x128x128xf32> to vector<128x128xf32>
    %dot_general3A_121 = arith.constant dense<0.000000e+00> : vector<2000x128xf32>
    %dot_general3A_122 = tpu.matmul %add3A_54, %get3A_120, %dot_general3A_121 {dimension_numbers = #tpu.dot_dimension_numbers<[1], [1], [0], [0], [0, 0, 1, 0], [], []>, transpose_lhs_hint = false} : vector<2000x128xf32>, vector<128x128xf32>, vector<2000x128xf32> -> vector<2000x128xf32>
    %get3A_123 = arith.constant 3 : index
    %get3A_124 = arith.constant 0 : index
    %get3A_125 = vector.load %arg8[%get3A_123, %get3A_124] : memref<4x128xf32, #tpu.memory_space<vmem>>, vector<1x128xf32>
    %get3A_126 = vector.shape_cast %get3A_125 : vector<1x128xf32> to vector<128xf32>
    %broadcast_in_dim3A_127 = vector.shape_cast %get3A_126 : vector<128xf32> to vector<1x128xf32>
    %add3A_128 = vector.broadcast %broadcast_in_dim3A_127 : vector<1x128xf32> to vector<2000x128xf32>
    %add3A_129 = arith.addf %dot_general3A_122, %add3A_128 : vector<2000x128xf32>
    %swap3A_130 = arith.constant 3 : index
    %swap3A_131 = arith.constant 0 : index
    %swap3A_132 = arith.constant 0 : index
    %swap3A_133 = vector.load %arg10[%swap3A_130, %swap3A_131, %swap3A_132] : memref<4x2000x128xf32, #tpu.memory_space<vmem>>, vector<1x2000x128xf32>
    %swap3A_134 = vector.shape_cast %swap3A_133 : vector<1x2000x128xf32> to vector<2000x128xf32>
    %swap3A_135 = vector.shape_cast %add3A_129 : vector<2000x128xf32> to vector<1x2000x128xf32>
    tpu.vector_store %arg10[%swap3A_130, %swap3A_131, %swap3A_132], %swap3A_135 {strides = array<i32>} : memref<4x2000x128xf32, #tpu.memory_space<vmem>>, vector<1x2000x128xf32>,
    return
  }
  func.func @transform_0(%arg0: i32) -> (i32, i32, i32) {
    %c0_i32 = arith.constant 0 : i32
    %c0_i32_0 = arith.constant 0 : i32
    %c0_i32_1 = arith.constant 0 : i32
    return %c0_i32, %arg0, %c0_i32_0 : i32, i32, i32
  }
  func.func @transform_1(%arg0: i32) -> (i32, i32) {
    %c0_i32 = arith.constant 0 : i32
    %c0_i32_0 = arith.constant 0 : i32
    return %arg0, %c0_i32 : i32, i32
  }
  func.func @transform_2(%arg0: i32) -> (i32, i32) {
    %c0_i32 = arith.constant 0 : i32
    %c0_i32_0 = arith.constant 0 : i32
    %c0_i32_1 = arith.constant 0 : i32
    return %c0_i32, %c0_i32_0 : i32, i32
  }
  func.func @transform_3(%arg0: i32) -> (i32, i32) {
    %c0_i32 = arith.constant 0 : i32
    %c0_i32_0 = arith.constant 0 : i32
    %c0_i32_1 = arith.constant 0 : i32
    return %c0_i32, %c0_i32_0 : i32, i32
  }
  func.func @transform_4(%arg0: i32) -> (i32, i32) {
    %c0_i32 = arith.constant 0 : i32
    %c0_i32_0 = arith.constant 0 : i32
    %c0_i32_1 = arith.constant 0 : i32
    return %c0_i32, %c0_i32_0 : i32, i32
  }
  func.func @transform_5(%arg0: i32) -> (i32, i32) {
    %c0_i32 = arith.constant 0 : i32
    %c0_i32_0 = arith.constant 0 : i32
    %c0_i32_1 = arith.constant 0 : i32
    return %c0_i32, %c0_i32_0 : i32, i32
  }
  func.func @transform_6(%arg0: i32) -> (i32, i32, i32) {
    %c0_i32 = arith.constant 0 : i32
    %c0_i32_0 = arith.constant 0 : i32
    %c0_i32_1 = arith.constant 0 : i32
    %c0_i32_2 = arith.constant 0 : i32
    return %c0_i32, %c0_i32_0, %c0_i32_1 : i32, i32, i32
  }
  func.func @transform_7(%arg0: i32) -> (i32, i32) {
    %c0_i32 = arith.constant 0 : i32
    %c0_i32_0 = arith.constant 0 : i32
    %c0_i32_1 = arith.constant 0 : i32
    return %c0_i32, %c0_i32_0 : i32, i32
  }
  func.func @transform_8(%arg0: i32) -> (i32, i32) {
    %c0_i32 = arith.constant 0 : i32
    %c0_i32_0 = arith.constant 0 : i32
    return %arg0, %c0_i32 : i32, i32
  }
  func.func @transform_9(%arg0: i32) -> (i32, i32, i32) {
    %c0_i32 = arith.constant 0 : i32
    %c0_i32_0 = arith.constant 0 : i32
    %c0_i32_1 = arith.constant 0 : i32
    return %c0_i32, %arg0, %c0_i32_0 : i32, i32, i32
  }
}

module attributes {stable_mosaic.version = 14 : i64} {
  func.func @body(%arg0: i32, %arg1: memref<2x2000x128xf32, #tpu.memory_space<vmem>>, %arg2: memref<2000x128xf32, #tpu.memory_space<vmem>>, %arg3: memref<384x128xf32, #tpu.memory_space<vmem>>, %arg4: memref<384x128xf32, #tpu.memory_space<vmem>>, %arg5: memref<1x384xf32, #tpu.memory_space<vmem>>, %arg6: memref<1x384xf32, #tpu.memory_space<vmem>>, %arg7: memref<4x128x128xf32, #tpu.memory_space<vmem>>, %arg8: memref<4x128xf32, #tpu.memory_space<vmem>>, %arg9: memref<2000x128xf32, #tpu.memory_space<vmem>>, %arg10: memref<4x2000x128xf32, #tpu.memory_space<vmem>>) attributes {dimension_semantics = [#tpu.dimension_semantics<arbitrary>], iteration_bounds = array<i64: 5>, scalar_prefetch = 0 : i64, scratch_operands = 0 : i64, tpu.core_type = #tpu.core_type<tc>, window_params = [{transform_indices = @transform_0, window_bounds = array<i64: 2, 2000, 128>}, {transform_indices = @transform_1, window_bounds = array<i64: 2000, 128>}, {pipeline_mode = #tpu.pipeline_mode<synchronous>, transform_indices = @transform_2, window_bounds = array<i64: 384, 128>}, {pipeline_mode = #tpu.pipeline_mode<synchronous>, transform_indices = @transform_3, window_bounds = array<i64: 384, 128>}, {pipeline_mode = #tpu.pipeline_mode<synchronous>, transform_indices = @transform_4, window_bounds = array<i64: 1, 384>}, {pipeline_mode = #tpu.pipeline_mode<synchronous>, transform_indices = @transform_5, window_bounds = array<i64: 1, 384>}, {pipeline_mode = #tpu.pipeline_mode<synchronous>, transform_indices = @transform_6, window_bounds = array<i64: 4, 128, 128>}, {pipeline_mode = #tpu.pipeline_mode<synchronous>, transform_indices = @transform_7, window_bounds = array<i64: 4, 128>}, {transform_indices = @transform_8, window_bounds = array<i64: 2000, 128>}, {transform_indices = @transform_9, window_bounds = array<i64: 4, 2000, 128>}]} {
    %get3A = arith.constant 0 : index
    %get3A_0 = arith.constant 0 : index
    %get3A_1 = arith.constant 0 : index
    %get3A_2 = vector.load %arg1[%get3A, %get3A_0, %get3A_1] : memref<2x2000x128xf32, #tpu.memory_space<vmem>>, vector<1x2000x128xf32>
    %get3A_3 = vector.shape_cast %get3A_2 : vector<1x2000x128xf32> to vector<2000x128xf32>
    %get3A_4 = arith.constant 1 : index
    %get3A_5 = arith.constant 0 : index
    %get3A_6 = arith.constant 0 : index
    %get3A_7 = vector.load %arg1[%get3A_4, %get3A_5, %get3A_6] : memref<2x2000x128xf32, #tpu.memory_space<vmem>>, vector<1x2000x128xf32>
    %get3A_8 = vector.shape_cast %get3A_7 : vector<1x2000x128xf32> to vector<2000x128xf32>
    %add3A = arith.addf %get3A_3, %get3A_8 : vector<2000x128xf32>
    %get3A_9 = arith.constant 0 : index
    %get3A_10 = arith.constant 0 : index
    %get3A_11 = vector.load %arg2[%get3A_9, %get3A_10] : memref<2000x128xf32, #tpu.memory_space<vmem>>, vector<2000x128xf32>
    %get3A_12 = arith.constant 0 : index
    %get3A_13 = arith.constant 0 : index
    %get3A_14 = vector.load %arg3[%get3A_12, %get3A_13] : memref<384x128xf32, #tpu.memory_space<vmem>>, vector<384x128xf32>
    %get3A_15 = arith.constant 0 : index
    %get3A_16 = arith.constant 0 : index
    %get3A_17 = vector.load %arg4[%get3A_15, %get3A_16] : memref<384x128xf32, #tpu.memory_space<vmem>>, vector<384x128xf32>
    %get3A_18 = arith.constant 0 : index
    %get3A_19 = arith.constant 0 : index
    %get3A_20 = vector.load %arg5[%get3A_18, %get3A_19] : memref<1x384xf32, #tpu.memory_space<vmem>>, vector<1x384xf32>
    %get3A_21 = arith.constant 0 : index
    %get3A_22 = arith.constant 0 : index
    %get3A_23 = vector.load %arg6[%get3A_21, %get3A_22] : memref<1x384xf32, #tpu.memory_space<vmem>>, vector<1x384xf32>
    %dot_general3A = arith.constant dense<0.000000e+00> : vector<2000x384xf32>
    %dot_general3A_24 = tpu.matmul %add3A, %get3A_14, %dot_general3A {dimension_numbers = #tpu.dot_dimension_numbers<[1], [1], [0], [0], [0, 0, 1, 0], [], []>, transpose_lhs_hint = false} : vector<2000x128xf32>, vector<384x128xf32>, vector<2000x384xf32> -> vector<2000x384xf32>
    %add3A_25 = vector.broadcast %get3A_20 : vector<1x384xf32> to vector<2000x384xf32>
    %add3A_26 = arith.addf %dot_general3A_24, %add3A_25 : vector<2000x384xf32>
    %dot_general3A_27 = arith.constant dense<0.000000e+00> : vector<2000x384xf32>
    %dot_general3A_28 = tpu.matmul %get3A_11, %get3A_17, %dot_general3A_27 {dimension_numbers = #tpu.dot_dimension_numbers<[1], [1], [0], [0], [0, 0, 1, 0], [], []>, transpose_lhs_hint = false} : vector<2000x128xf32>, vector<384x128xf32>, vector<2000x384xf32> -> vector<2000x384xf32>
    %add3A_29 = vector.broadcast %get3A_23 : vector<1x384xf32> to vector<2000x384xf32>
    %add3A_30 = arith.addf %dot_general3A_28, %add3A_29 : vector<2000x384xf32>
    %slice3A = vector.extract_strided_slice %add3A_26 {offsets = [0, 0], sizes = [2000, 128], strides = [1, 1]} : vector<2000x384xf32> to vector<2000x128xf32>
    %slice3A_31 = vector.extract_strided_slice %add3A_30 {offsets = [0, 0], sizes = [2000, 128], strides = [1, 1]} : vector<2000x384xf32> to vector<2000x128xf32>
    %add3A_32 = arith.addf %slice3A, %slice3A_31 : vector<2000x128xf32>
    %logistic3A = arith.negf %add3A_32 : vector<2000x128xf32>
    %logistic3A_33 = math.exp %logistic3A : vector<2000x128xf32>
    %logistic3A_34 = arith.constant 1.000000e+00 : f32
    %logistic3A_35 = vector.broadcast %logistic3A_34 : f32 to vector<2000x128xf32>
    %logistic3A_36 = arith.addf %logistic3A_35, %logistic3A_33 : vector<2000x128xf32>
    %logistic3A_37 = arith.divf %logistic3A_35, %logistic3A_36 : vector<2000x128xf32>
    %slice3A_38 = vector.extract_strided_slice %add3A_26 {offsets = [0, 128], sizes = [2000, 128], strides = [1, 1]} : vector<2000x384xf32> to vector<2000x128xf32>
    %slice3A_39 = vector.extract_strided_slice %add3A_30 {offsets = [0, 128], sizes = [2000, 128], strides = [1, 1]} : vector<2000x384xf32> to vector<2000x128xf32>
    %add3A_40 = arith.addf %slice3A_38, %slice3A_39 : vector<2000x128xf32>
    %logistic3A_41 = arith.negf %add3A_40 : vector<2000x128xf32>
    %logistic3A_42 = math.exp %logistic3A_41 : vector<2000x128xf32>
    %logistic3A_43 = arith.constant 1.000000e+00 : f32
    %logistic3A_44 = vector.broadcast %logistic3A_43 : f32 to vector<2000x128xf32>
    %logistic3A_45 = arith.addf %logistic3A_44, %logistic3A_42 : vector<2000x128xf32>
    %logistic3A_46 = arith.divf %logistic3A_44, %logistic3A_45 : vector<2000x128xf32>
    %slice3A_47 = vector.extract_strided_slice %add3A_26 {offsets = [0, 256], sizes = [2000, 128], strides = [1, 1]} : vector<2000x384xf32> to vector<2000x128xf32>
    %slice3A_48 = vector.extract_strided_slice %add3A_30 {offsets = [0, 256], sizes = [2000, 128], strides = [1, 1]} : vector<2000x384xf32> to vector<2000x128xf32>
    %mul3A = arith.mulf %logistic3A_37, %slice3A_48 : vector<2000x128xf32>
    %add3A_49 = arith.addf %slice3A_47, %mul3A : vector<2000x128xf32>
    %tanh3A = math.tanh %add3A_49 : vector<2000x128xf32>
    %sub3A = arith.constant 1.000000e+00 : f32
    %sub3A_50 = vector.broadcast %sub3A : f32 to vector<2000x128xf32>
    %sub3A_51 = arith.subf %sub3A_50, %logistic3A_46 : vector<2000x128xf32>
    %mul3A_52 = arith.mulf %sub3A_51, %tanh3A : vector<2000x128xf32>
    %mul3A_53 = arith.mulf %logistic3A_46, %get3A_11 : vector<2000x128xf32>
    %add3A_54 = arith.addf %mul3A_52, %mul3A_53 : vector<2000x128xf32>
    %max3A = arith.constant 0.000000e+00 : f32
    %max3A_55 = vector.broadcast %max3A : f32 to vector<2000x128xf32>
    %max3A_56 = arith.maximumf %add3A_54, %max3A_55 : vector<2000x128xf32>
    %swap3A = arith.constant 0 : index
    %swap3A_57 = arith.constant 0 : index
    %swap3A_58 = vector.load %arg9[%swap3A, %swap3A_57] : memref<2000x128xf32, #tpu.memory_space<vmem>>, vector<2000x128xf32>
    tpu.vector_store %arg9[%swap3A, %swap3A_57], %max3A_56 {strides = array<i32>} : memref<2000x128xf32, #tpu.memory_space<vmem>>, vector<2000x128xf32>,
    %get3A_59 = arith.constant 0 : index
    %get3A_60 = arith.constant 0 : index
    %get3A_61 = arith.constant 0 : index
    %get3A_62 = vector.load %arg7[%get3A_59, %get3A_60, %get3A_61] : memref<4x128x128xf32, #tpu.memory_space<vmem>>, vector<1x128x128xf32>
    %get3A_63 = vector.shape_cast %get3A_62 : vector<1x128x128xf32> to vector<128x128xf32>
    %dot_general3A_64 = arith.constant dense<0.000000e+00> : vector<2000x128xf32>
    %dot_general3A_65 = tpu.matmul %max3A_56, %get3A_63, %dot_general3A_64 {dimension_numbers = #tpu.dot_dimension_numbers<[1], [1], [0], [0], [0, 0, 1, 0], [], []>, transpose_lhs_hint = false} : vector<2000x128xf32>, vector<128x128xf32>, vector<2000x128xf32> -> vector<2000x128xf32>
    %get3A_66 = arith.constant 0 : index
    %get3A_67 = arith.constant 0 : index
    %get3A_68 = vector.load %arg8[%get3A_66, %get3A_67] : memref<4x128xf32, #tpu.memory_space<vmem>>, vector<1x128xf32>
    %get3A_69 = vector.shape_cast %get3A_68 : vector<1x128xf32> to vector<128xf32>
    %broadcast_in_dim3A = vector.shape_cast %get3A_69 : vector<128xf32> to vector<1x128xf32>
    %add3A_70 = vector.broadcast %broadcast_in_dim3A : vector<1x128xf32> to vector<2000x128xf32>
    %add3A_71 = arith.addf %dot_general3A_65, %add3A_70 : vector<2000x128xf32>
    %swap3A_72 = arith.constant 0 : index
    %swap3A_73 = arith.constant 0 : index
    %swap3A_74 = arith.constant 0 : index
    %swap3A_75 = vector.load %arg10[%swap3A_72, %swap3A_73, %swap3A_74] : memref<4x2000x128xf32, #tpu.memory_space<vmem>>, vector<1x2000x128xf32>
    %swap3A_76 = vector.shape_cast %swap3A_75 : vector<1x2000x128xf32> to vector<2000x128xf32>
    %swap3A_77 = vector.shape_cast %add3A_71 : vector<2000x128xf32> to vector<1x2000x128xf32>
    tpu.vector_store %arg10[%swap3A_72, %swap3A_73, %swap3A_74], %swap3A_77 {strides = array<i32>} : memref<4x2000x128xf32, #tpu.memory_space<vmem>>, vector<1x2000x128xf32>,
    %get3A_78 = arith.constant 1 : index
    %get3A_79 = arith.constant 0 : index
    %get3A_80 = arith.constant 0 : index
    %get3A_81 = vector.load %arg7[%get3A_78, %get3A_79, %get3A_80] : memref<4x128x128xf32, #tpu.memory_space<vmem>>, vector<1x128x128xf32>
    %get3A_82 = vector.shape_cast %get3A_81 : vector<1x128x128xf32> to vector<128x128xf32>
    %dot_general3A_83 = arith.constant dense<0.000000e+00> : vector<2000x128xf32>
    %dot_general3A_84 = tpu.matmul %max3A_56, %get3A_82, %dot_general3A_83 {dimension_numbers = #tpu.dot_dimension_numbers<[1], [1], [0], [0], [0, 0, 1, 0], [], []>, transpose_lhs_hint = false} : vector<2000x128xf32>, vector<128x128xf32>, vector<2000x128xf32> -> vector<2000x128xf32>
    %get3A_85 = arith.constant 1 : index
    %get3A_86 = arith.constant 0 : index
    %get3A_87 = vector.load %arg8[%get3A_85, %get3A_86] : memref<4x128xf32, #tpu.memory_space<vmem>>, vector<1x128xf32>
    %get3A_88 = vector.shape_cast %get3A_87 : vector<1x128xf32> to vector<128xf32>
    %broadcast_in_dim3A_89 = vector.shape_cast %get3A_88 : vector<128xf32> to vector<1x128xf32>
    %add3A_90 = vector.broadcast %broadcast_in_dim3A_89 : vector<1x128xf32> to vector<2000x128xf32>
    %add3A_91 = arith.addf %dot_general3A_84, %add3A_90 : vector<2000x128xf32>
    %swap3A_92 = arith.constant 1 : index
    %swap3A_93 = arith.constant 0 : index
    %swap3A_94 = arith.constant 0 : index
    %swap3A_95 = vector.load %arg10[%swap3A_92, %swap3A_93, %swap3A_94] : memref<4x2000x128xf32, #tpu.memory_space<vmem>>, vector<1x2000x128xf32>
    %swap3A_96 = vector.shape_cast %swap3A_95 : vector<1x2000x128xf32> to vector<2000x128xf32>
    %swap3A_97 = vector.shape_cast %add3A_91 : vector<2000x128xf32> to vector<1x2000x128xf32>
    tpu.vector_store %arg10[%swap3A_92, %swap3A_93, %swap3A_94], %swap3A_97 {strides = array<i32>} : memref<4x2000x128xf32, #tpu.memory_space<vmem>>, vector<1x2000x128xf32>,
    %get3A_98 = arith.constant 2 : index
    %get3A_99 = arith.constant 0 : index
    %get3A_100 = arith.constant 0 : index
    %get3A_101 = vector.load %arg7[%get3A_98, %get3A_99, %get3A_100] : memref<4x128x128xf32, #tpu.memory_space<vmem>>, vector<1x128x128xf32>
    %get3A_102 = vector.shape_cast %get3A_101 : vector<1x128x128xf32> to vector<128x128xf32>
    %dot_general3A_103 = arith.constant dense<0.000000e+00> : vector<2000x128xf32>
    %dot_general3A_104 = tpu.matmul %max3A_56, %get3A_102, %dot_general3A_103 {dimension_numbers = #tpu.dot_dimension_numbers<[1], [1], [0], [0], [0, 0, 1, 0], [], []>, transpose_lhs_hint = false} : vector<2000x128xf32>, vector<128x128xf32>, vector<2000x128xf32> -> vector<2000x128xf32>
    %get3A_105 = arith.constant 2 : index
    %get3A_106 = arith.constant 0 : index
    %get3A_107 = vector.load %arg8[%get3A_105, %get3A_106] : memref<4x128xf32, #tpu.memory_space<vmem>>, vector<1x128xf32>
    %get3A_108 = vector.shape_cast %get3A_107 : vector<1x128xf32> to vector<128xf32>
    %broadcast_in_dim3A_109 = vector.shape_cast %get3A_108 : vector<128xf32> to vector<1x128xf32>
    %add3A_110 = vector.broadcast %broadcast_in_dim3A_109 : vector<1x128xf32> to vector<2000x128xf32>
    %add3A_111 = arith.addf %dot_general3A_104, %add3A_110 : vector<2000x128xf32>
    %swap3A_112 = arith.constant 2 : index
    %swap3A_113 = arith.constant 0 : index
    %swap3A_114 = arith.constant 0 : index
    %swap3A_115 = vector.load %arg10[%swap3A_112, %swap3A_113, %swap3A_114] : memref<4x2000x128xf32, #tpu.memory_space<vmem>>, vector<1x2000x128xf32>
    %swap3A_116 = vector.shape_cast %swap3A_115 : vector<1x2000x128xf32> to vector<2000x128xf32>
    %swap3A_117 = vector.shape_cast %add3A_111 : vector<2000x128xf32> to vector<1x2000x128xf32>
    tpu.vector_store %arg10[%swap3A_112, %swap3A_113, %swap3A_114], %swap3A_117 {strides = array<i32>} : memref<4x2000x128xf32, #tpu.memory_space<vmem>>, vector<1x2000x128xf32>,
    %get3A_118 = arith.constant 3 : index
    %get3A_119 = arith.constant 0 : index
    %get3A_120 = arith.constant 0 : index
    %get3A_121 = vector.load %arg7[%get3A_118, %get3A_119, %get3A_120] : memref<4x128x128xf32, #tpu.memory_space<vmem>>, vector<1x128x128xf32>
    %get3A_122 = vector.shape_cast %get3A_121 : vector<1x128x128xf32> to vector<128x128xf32>
    %dot_general3A_123 = arith.constant dense<0.000000e+00> : vector<2000x128xf32>
    %dot_general3A_124 = tpu.matmul %max3A_56, %get3A_122, %dot_general3A_123 {dimension_numbers = #tpu.dot_dimension_numbers<[1], [1], [0], [0], [0, 0, 1, 0], [], []>, transpose_lhs_hint = false} : vector<2000x128xf32>, vector<128x128xf32>, vector<2000x128xf32> -> vector<2000x128xf32>
    %get3A_125 = arith.constant 3 : index
    %get3A_126 = arith.constant 0 : index
    %get3A_127 = vector.load %arg8[%get3A_125, %get3A_126] : memref<4x128xf32, #tpu.memory_space<vmem>>, vector<1x128xf32>
    %get3A_128 = vector.shape_cast %get3A_127 : vector<1x128xf32> to vector<128xf32>
    %broadcast_in_dim3A_129 = vector.shape_cast %get3A_128 : vector<128xf32> to vector<1x128xf32>
    %add3A_130 = vector.broadcast %broadcast_in_dim3A_129 : vector<1x128xf32> to vector<2000x128xf32>
    %add3A_131 = arith.addf %dot_general3A_124, %add3A_130 : vector<2000x128xf32>
    %swap3A_132 = arith.constant 3 : index
    %swap3A_133 = arith.constant 0 : index
    %swap3A_134 = arith.constant 0 : index
    %swap3A_135 = vector.load %arg10[%swap3A_132, %swap3A_133, %swap3A_134] : memref<4x2000x128xf32, #tpu.memory_space<vmem>>, vector<1x2000x128xf32>
    %swap3A_136 = vector.shape_cast %swap3A_135 : vector<1x2000x128xf32> to vector<2000x128xf32>
    %swap3A_137 = vector.shape_cast %add3A_131 : vector<2000x128xf32> to vector<1x2000x128xf32>
    tpu.vector_store %arg10[%swap3A_132, %swap3A_133, %swap3A_134], %swap3A_137 {strides = array<i32>} : memref<4x2000x128xf32, #tpu.memory_space<vmem>>, vector<1x2000x128xf32>,
    return
  }
  func.func @transform_0(%arg0: i32) -> (i32, i32, i32) {
    %c0_i32 = arith.constant 0 : i32
    %c0_i32_0 = arith.constant 0 : i32
    %c0_i32_1 = arith.constant 0 : i32
    return %c0_i32, %arg0, %c0_i32_0 : i32, i32, i32
  }
  func.func @transform_1(%arg0: i32) -> (i32, i32) {
    %c0_i32 = arith.constant 0 : i32
    %c0_i32_0 = arith.constant 0 : i32
    return %arg0, %c0_i32 : i32, i32
  }
  func.func @transform_2(%arg0: i32) -> (i32, i32) {
    %c0_i32 = arith.constant 0 : i32
    %c0_i32_0 = arith.constant 0 : i32
    %c0_i32_1 = arith.constant 0 : i32
    return %c0_i32, %c0_i32_0 : i32, i32
  }
  func.func @transform_3(%arg0: i32) -> (i32, i32) {
    %c0_i32 = arith.constant 0 : i32
    %c0_i32_0 = arith.constant 0 : i32
    %c0_i32_1 = arith.constant 0 : i32
    return %c0_i32, %c0_i32_0 : i32, i32
  }
  func.func @transform_4(%arg0: i32) -> (i32, i32) {
    %c0_i32 = arith.constant 0 : i32
    %c0_i32_0 = arith.constant 0 : i32
    %c0_i32_1 = arith.constant 0 : i32
    return %c0_i32, %c0_i32_0 : i32, i32
  }
  func.func @transform_5(%arg0: i32) -> (i32, i32) {
    %c0_i32 = arith.constant 0 : i32
    %c0_i32_0 = arith.constant 0 : i32
    %c0_i32_1 = arith.constant 0 : i32
    return %c0_i32, %c0_i32_0 : i32, i32
  }
  func.func @transform_6(%arg0: i32) -> (i32, i32, i32) {
    %c0_i32 = arith.constant 0 : i32
    %c0_i32_0 = arith.constant 0 : i32
    %c0_i32_1 = arith.constant 0 : i32
    %c0_i32_2 = arith.constant 0 : i32
    return %c0_i32, %c0_i32_0, %c0_i32_1 : i32, i32, i32
  }
  func.func @transform_7(%arg0: i32) -> (i32, i32) {
    %c0_i32 = arith.constant 0 : i32
    %c0_i32_0 = arith.constant 0 : i32
    %c0_i32_1 = arith.constant 0 : i32
    return %c0_i32, %c0_i32_0 : i32, i32
  }
  func.func @transform_8(%arg0: i32) -> (i32, i32) {
    %c0_i32 = arith.constant 0 : i32
    %c0_i32_0 = arith.constant 0 : i32
    return %arg0, %c0_i32 : i32, i32
  }
  func.func @transform_9(%arg0: i32) -> (i32, i32, i32) {
    %c0_i32 = arith.constant 0 : i32
    %c0_i32_0 = arith.constant 0 : i32
    %c0_i32_1 = arith.constant 0 : i32
    return %c0_i32, %arg0, %c0_i32_0 : i32, i32, i32
  }
}

module attributes {stable_mosaic.version = 14 : i64} {
  func.func @body(%arg0: i32, %arg1: memref<2x2000x128xf32, #tpu.memory_space<vmem>>, %arg2: memref<2000x128xf32, #tpu.memory_space<vmem>>, %arg3: memref<384x128xf32, #tpu.memory_space<vmem>>, %arg4: memref<384x128xf32, #tpu.memory_space<vmem>>, %arg5: memref<1x384xf32, #tpu.memory_space<vmem>>, %arg6: memref<1x384xf32, #tpu.memory_space<vmem>>, %arg7: memref<4x128x128xf32, #tpu.memory_space<vmem>>, %arg8: memref<4x128xf32, #tpu.memory_space<vmem>>, %arg9: memref<2000x128xf32, #tpu.memory_space<vmem>>) attributes {dimension_semantics = [#tpu.dimension_semantics<arbitrary>], iteration_bounds = array<i64: 5>, scalar_prefetch = 0 : i64, scratch_operands = 0 : i64, tpu.core_type = #tpu.core_type<tc>, window_params = [{transform_indices = @transform_0, window_bounds = array<i64: 2, 2000, 128>}, {transform_indices = @transform_1, window_bounds = array<i64: 2000, 128>}, {pipeline_mode = #tpu.pipeline_mode<synchronous>, transform_indices = @transform_2, window_bounds = array<i64: 384, 128>}, {pipeline_mode = #tpu.pipeline_mode<synchronous>, transform_indices = @transform_3, window_bounds = array<i64: 384, 128>}, {pipeline_mode = #tpu.pipeline_mode<synchronous>, transform_indices = @transform_4, window_bounds = array<i64: 1, 384>}, {pipeline_mode = #tpu.pipeline_mode<synchronous>, transform_indices = @transform_5, window_bounds = array<i64: 1, 384>}, {pipeline_mode = #tpu.pipeline_mode<synchronous>, transform_indices = @transform_6, window_bounds = array<i64: 4, 128, 128>}, {pipeline_mode = #tpu.pipeline_mode<synchronous>, transform_indices = @transform_7, window_bounds = array<i64: 4, 128>}, {transform_indices = @transform_8, window_bounds = array<i64: 2000, 128>}]} {
    %get3A = arith.constant 0 : index
    %get3A_0 = arith.constant 0 : index
    %get3A_1 = arith.constant 0 : index
    %get3A_2 = vector.load %arg1[%get3A, %get3A_0, %get3A_1] : memref<2x2000x128xf32, #tpu.memory_space<vmem>>, vector<1x2000x128xf32>
    %get3A_3 = vector.shape_cast %get3A_2 : vector<1x2000x128xf32> to vector<2000x128xf32>
    %get3A_4 = arith.constant 1 : index
    %get3A_5 = arith.constant 0 : index
    %get3A_6 = arith.constant 0 : index
    %get3A_7 = vector.load %arg1[%get3A_4, %get3A_5, %get3A_6] : memref<2x2000x128xf32, #tpu.memory_space<vmem>>, vector<1x2000x128xf32>
    %get3A_8 = vector.shape_cast %get3A_7 : vector<1x2000x128xf32> to vector<2000x128xf32>
    %add3A = arith.addf %get3A_3, %get3A_8 : vector<2000x128xf32>
    %get3A_9 = arith.constant 0 : index
    %get3A_10 = arith.constant 0 : index
    %get3A_11 = vector.load %arg2[%get3A_9, %get3A_10] : memref<2000x128xf32, #tpu.memory_space<vmem>>, vector<2000x128xf32>
    %get3A_12 = arith.constant 0 : index
    %get3A_13 = arith.constant 0 : index
    %get3A_14 = vector.load %arg3[%get3A_12, %get3A_13] : memref<384x128xf32, #tpu.memory_space<vmem>>, vector<384x128xf32>
    %get3A_15 = arith.constant 0 : index
    %get3A_16 = arith.constant 0 : index
    %get3A_17 = vector.load %arg4[%get3A_15, %get3A_16] : memref<384x128xf32, #tpu.memory_space<vmem>>, vector<384x128xf32>
    %get3A_18 = arith.constant 0 : index
    %get3A_19 = arith.constant 0 : index
    %get3A_20 = vector.load %arg5[%get3A_18, %get3A_19] : memref<1x384xf32, #tpu.memory_space<vmem>>, vector<1x384xf32>
    %get3A_21 = arith.constant 0 : index
    %get3A_22 = arith.constant 0 : index
    %get3A_23 = vector.load %arg6[%get3A_21, %get3A_22] : memref<1x384xf32, #tpu.memory_space<vmem>>, vector<1x384xf32>
    %dot_general3A = arith.constant dense<0.000000e+00> : vector<2000x384xf32>
    %dot_general3A_24 = tpu.matmul %add3A, %get3A_14, %dot_general3A {dimension_numbers = #tpu.dot_dimension_numbers<[1], [1], [0], [0], [0, 0, 1, 0], [], []>, transpose_lhs_hint = false} : vector<2000x128xf32>, vector<384x128xf32>, vector<2000x384xf32> -> vector<2000x384xf32>
    %add3A_25 = vector.broadcast %get3A_20 : vector<1x384xf32> to vector<2000x384xf32>
    %add3A_26 = arith.addf %dot_general3A_24, %add3A_25 : vector<2000x384xf32>
    %dot_general3A_27 = arith.constant dense<0.000000e+00> : vector<2000x384xf32>
    %dot_general3A_28 = tpu.matmul %get3A_11, %get3A_17, %dot_general3A_27 {dimension_numbers = #tpu.dot_dimension_numbers<[1], [1], [0], [0], [0, 0, 1, 0], [], []>, transpose_lhs_hint = false} : vector<2000x128xf32>, vector<384x128xf32>, vector<2000x384xf32> -> vector<2000x384xf32>
    %add3A_29 = vector.broadcast %get3A_23 : vector<1x384xf32> to vector<2000x384xf32>
    %add3A_30 = arith.addf %dot_general3A_28, %add3A_29 : vector<2000x384xf32>
    %slice3A = vector.extract_strided_slice %add3A_26 {offsets = [0, 0], sizes = [2000, 128], strides = [1, 1]} : vector<2000x384xf32> to vector<2000x128xf32>
    %slice3A_31 = vector.extract_strided_slice %add3A_30 {offsets = [0, 0], sizes = [2000, 128], strides = [1, 1]} : vector<2000x384xf32> to vector<2000x128xf32>
    %add3A_32 = arith.addf %slice3A, %slice3A_31 : vector<2000x128xf32>
    %logistic3A = arith.negf %add3A_32 : vector<2000x128xf32>
    %logistic3A_33 = math.exp %logistic3A : vector<2000x128xf32>
    %logistic3A_34 = arith.constant 1.000000e+00 : f32
    %logistic3A_35 = vector.broadcast %logistic3A_34 : f32 to vector<2000x128xf32>
    %logistic3A_36 = arith.addf %logistic3A_35, %logistic3A_33 : vector<2000x128xf32>
    %logistic3A_37 = arith.divf %logistic3A_35, %logistic3A_36 : vector<2000x128xf32>
    %slice3A_38 = vector.extract_strided_slice %add3A_26 {offsets = [0, 128], sizes = [2000, 128], strides = [1, 1]} : vector<2000x384xf32> to vector<2000x128xf32>
    %slice3A_39 = vector.extract_strided_slice %add3A_30 {offsets = [0, 128], sizes = [2000, 128], strides = [1, 1]} : vector<2000x384xf32> to vector<2000x128xf32>
    %add3A_40 = arith.addf %slice3A_38, %slice3A_39 : vector<2000x128xf32>
    %logistic3A_41 = arith.negf %add3A_40 : vector<2000x128xf32>
    %logistic3A_42 = math.exp %logistic3A_41 : vector<2000x128xf32>
    %logistic3A_43 = arith.constant 1.000000e+00 : f32
    %logistic3A_44 = vector.broadcast %logistic3A_43 : f32 to vector<2000x128xf32>
    %logistic3A_45 = arith.addf %logistic3A_44, %logistic3A_42 : vector<2000x128xf32>
    %logistic3A_46 = arith.divf %logistic3A_44, %logistic3A_45 : vector<2000x128xf32>
    %slice3A_47 = vector.extract_strided_slice %add3A_26 {offsets = [0, 256], sizes = [2000, 128], strides = [1, 1]} : vector<2000x384xf32> to vector<2000x128xf32>
    %slice3A_48 = vector.extract_strided_slice %add3A_30 {offsets = [0, 256], sizes = [2000, 128], strides = [1, 1]} : vector<2000x384xf32> to vector<2000x128xf32>
    %mul3A = arith.mulf %logistic3A_37, %slice3A_48 : vector<2000x128xf32>
    %add3A_49 = arith.addf %slice3A_47, %mul3A : vector<2000x128xf32>
    %tanh3A = math.tanh %add3A_49 : vector<2000x128xf32>
    %sub3A = arith.constant 1.000000e+00 : f32
    %sub3A_50 = vector.broadcast %sub3A : f32 to vector<2000x128xf32>
    %sub3A_51 = arith.subf %sub3A_50, %logistic3A_46 : vector<2000x128xf32>
    %mul3A_52 = arith.mulf %sub3A_51, %tanh3A : vector<2000x128xf32>
    %mul3A_53 = arith.mulf %logistic3A_46, %get3A_11 : vector<2000x128xf32>
    %add3A_54 = arith.addf %mul3A_52, %mul3A_53 : vector<2000x128xf32>
    %max3A = arith.constant 0.000000e+00 : f32
    %max3A_55 = vector.broadcast %max3A : f32 to vector<2000x128xf32>
    %max3A_56 = arith.maximumf %add3A_54, %max3A_55 : vector<2000x128xf32>
    %swap3A = arith.constant 0 : index
    %swap3A_57 = arith.constant 0 : index
    %swap3A_58 = vector.load %arg9[%swap3A, %swap3A_57] : memref<2000x128xf32, #tpu.memory_space<vmem>>, vector<2000x128xf32>
    tpu.vector_store %arg9[%swap3A, %swap3A_57], %max3A_56 {strides = array<i32>} : memref<2000x128xf32, #tpu.memory_space<vmem>>, vector<2000x128xf32>,
    return
  }
  func.func @transform_0(%arg0: i32) -> (i32, i32, i32) {
    %c0_i32 = arith.constant 0 : i32
    %c0_i32_0 = arith.constant 0 : i32
    %c0_i32_1 = arith.constant 0 : i32
    return %c0_i32, %arg0, %c0_i32_0 : i32, i32, i32
  }
  func.func @transform_1(%arg0: i32) -> (i32, i32) {
    %c0_i32 = arith.constant 0 : i32
    %c0_i32_0 = arith.constant 0 : i32
    return %arg0, %c0_i32 : i32, i32
  }
  func.func @transform_2(%arg0: i32) -> (i32, i32) {
    %c0_i32 = arith.constant 0 : i32
    %c0_i32_0 = arith.constant 0 : i32
    %c0_i32_1 = arith.constant 0 : i32
    return %c0_i32, %c0_i32_0 : i32, i32
  }
  func.func @transform_3(%arg0: i32) -> (i32, i32) {
    %c0_i32 = arith.constant 0 : i32
    %c0_i32_0 = arith.constant 0 : i32
    %c0_i32_1 = arith.constant 0 : i32
    return %c0_i32, %c0_i32_0 : i32, i32
  }
  func.func @transform_4(%arg0: i32) -> (i32, i32) {
    %c0_i32 = arith.constant 0 : i32
    %c0_i32_0 = arith.constant 0 : i32
    %c0_i32_1 = arith.constant 0 : i32
    return %c0_i32, %c0_i32_0 : i32, i32
  }
  func.func @transform_5(%arg0: i32) -> (i32, i32) {
    %c0_i32 = arith.constant 0 : i32
    %c0_i32_0 = arith.constant 0 : i32
    %c0_i32_1 = arith.constant 0 : i32
    return %c0_i32, %c0_i32_0 : i32, i32
  }
  func.func @transform_6(%arg0: i32) -> (i32, i32, i32) {
    %c0_i32 = arith.constant 0 : i32
    %c0_i32_0 = arith.constant 0 : i32
    %c0_i32_1 = arith.constant 0 : i32
    %c0_i32_2 = arith.constant 0 : i32
    return %c0_i32, %c0_i32_0, %c0_i32_1 : i32, i32, i32
  }
  func.func @transform_7(%arg0: i32) -> (i32, i32) {
    %c0_i32 = arith.constant 0 : i32
    %c0_i32_0 = arith.constant 0 : i32
    %c0_i32_1 = arith.constant 0 : i32
    return %c0_i32, %c0_i32_0 : i32, i32
  }
  func.func @transform_8(%arg0: i32) -> (i32, i32) {
    %c0_i32 = arith.constant 0 : i32
    %c0_i32_0 = arith.constant 0 : i32
    return %arg0, %c0_i32 : i32, i32
  }
}

module attributes {stable_mosaic.version = 14 : i64} {
  func.func @_pool_body(%arg0: memref<10000x128xf32, #tpu.memory_space<vmem>>, %arg1: memref<10000x1xi32, #tpu.memory_space<vmem>>, %arg2: memref<1x128xf32, #tpu.memory_space<vmem>>, %arg3: memref<1x1xf32, #tpu.memory_space<vmem>>, %arg4: memref<10x128xf32, #tpu.memory_space<vmem>>, %arg5: memref<1x10xf32, #tpu.memory_space<vmem>>, %arg6: memref<128x10xf32, #tpu.memory_space<vmem>>) attributes {dimension_semantics = [], scalar_prefetch = 0 : i64, scratch_operands = 0 : i64, tpu.core_type = #tpu.core_type<tc>} {
    %get3A = arith.constant 0 : index
    %get3A_0 = arith.constant 0 : index
    %get3A_1 = vector.load %arg0[%get3A, %get3A_0] : memref<10000x128xf32, #tpu.memory_space<vmem>>, vector<10000x128xf32>
    %get3A_2 = arith.constant 0 : index
    %get3A_3 = arith.constant 0 : index
    %get3A_4 = vector.load %arg2[%get3A_2, %get3A_3] : memref<1x128xf32, #tpu.memory_space<vmem>>, vector<1x128xf32>
    %mul3A = vector.broadcast %get3A_4 : vector<1x128xf32> to vector<10000x128xf32>
    %mul3A_5 = arith.mulf %get3A_1, %mul3A : vector<10000x128xf32>
    %reduce_sum3A = arith.constant dense<0.000000e+00> : vector<10000xf32>
    %reduce_sum3A_6 = vector.multi_reduction <add>, %mul3A_5, %reduce_sum3A [1] : vector<10000x128xf32> to vector<10000xf32>
    %broadcast_in_dim3A = vector.shape_cast %reduce_sum3A_6 : vector<10000xf32> to vector<10000x1xf32>
    %get3A_7 = arith.constant 0 : index
    %get3A_8 = arith.constant 0 : index
    %get3A_9 = vector.load %arg3[%get3A_7, %get3A_8] : memref<1x1xf32, #tpu.memory_space<vmem>>, vector<1x1xf32>
    %get3A_10 = vector.extract %get3A_9[0, 0] : f32 from vector<1x1xf32>
    %add3A = vector.broadcast %get3A_10 : f32 to vector<10000x1xf32>
    %add3A_11 = arith.addf %broadcast_in_dim3A, %add3A : vector<10000x1xf32>
    %get3A_12 = arith.constant 0 : index
    %get3A_13 = arith.constant 0 : index
    %get3A_14 = vector.load %arg1[%get3A_12, %get3A_13] : memref<10000x1xi32, #tpu.memory_space<vmem>>, vector<10000x1xi32>
    %iota3A = tpu.iota {dimensions = array<i32: 1>} : vector<1x128xi32>
    %eq3A = vector.broadcast %get3A_14 : vector<10000x1xi32> to vector<10000x128xi32>
    %eq3A_15 = vector.broadcast %iota3A : vector<1x128xi32> to vector<10000x128xi32>
    %eq3A_16 = arith.cmpi eq, %eq3A, %eq3A_15 : vector<10000x128xi32>
    %convert_element_type3A = arith.extui %eq3A_16 : vector<10000x128xi1> to vector<10000x128xi32>
    %convert_element_type3A_17 = arith.sitofp %convert_element_type3A : vector<10000x128xi32> to vector<10000x128xf32>
    %jit3A = arith.constant -1.000000e+30 : f32
    %broadcast_in_dim3A_18 = vector.shape_cast %add3A_11 : vector<10000x1xf32> to vector<10000x1xf32>
    %broadcast_in_dim3A_19 = vector.broadcast %broadcast_in_dim3A_18 : vector<10000x1xf32> to vector<10000x128xf32>
    %broadcast_in_dim3A_20 = vector.broadcast %jit3A : f32 to vector<10000x128xf32>
    %select_n3A = arith.select %eq3A_16, %broadcast_in_dim3A_19, %broadcast_in_dim3A_20 : vector<10000x128xi1>, vector<10000x128xf32>
    %reduce_max3A = arith.constant dense<0xFF800000> : vector<128xf32>
    %reduce_max3A_21 = vector.multi_reduction <maximumf>, %select_n3A, %reduce_max3A [0] : vector<10000x128xf32> to vector<128xf32>
    %broadcast_in_dim3A_22 = vector.shape_cast %reduce_max3A_21 : vector<128xf32> to vector<1x128xf32>
    %mul3A_23 = vector.broadcast %broadcast_in_dim3A_22 : vector<1x128xf32> to vector<10000x128xf32>
    %mul3A_24 = arith.mulf %convert_element_type3A_17, %mul3A_23 : vector<10000x128xf32>
    %reduce_sum3A_25 = arith.constant dense<0.000000e+00> : vector<10000xf32>
    %reduce_sum3A_26 = vector.multi_reduction <add>, %mul3A_24, %reduce_sum3A_25 [1] : vector<10000x128xf32> to vector<10000xf32>
    %broadcast_in_dim3A_27 = vector.shape_cast %reduce_sum3A_26 : vector<10000xf32> to vector<10000x1xf32>
    %sub3A = arith.subf %add3A_11, %broadcast_in_dim3A_27 : vector<10000x1xf32>
    %exp3A = math.exp %sub3A : vector<10000x1xf32>
    %mul3A_28 = vector.broadcast %exp3A : vector<10000x1xf32> to vector<10000x128xf32>
    %mul3A_29 = arith.mulf %convert_element_type3A_17, %mul3A_28 : vector<10000x128xf32>
    %reduce_sum3A_30 = arith.constant dense<0.000000e+00> : vector<128xf32>
    %reduce_sum3A_31 = vector.multi_reduction <add>, %mul3A_29, %reduce_sum3A_30 [0] : vector<10000x128xf32> to vector<128xf32>
    %broadcast_in_dim3A_32 = vector.shape_cast %reduce_sum3A_31 : vector<128xf32> to vector<1x128xf32>
    %mul3A_33 = vector.broadcast %broadcast_in_dim3A_32 : vector<1x128xf32> to vector<10000x128xf32>
    %mul3A_34 = arith.mulf %convert_element_type3A_17, %mul3A_33 : vector<10000x128xf32>
    %reduce_sum3A_35 = arith.constant dense<0.000000e+00> : vector<10000xf32>
    %reduce_sum3A_36 = vector.multi_reduction <add>, %mul3A_34, %reduce_sum3A_35 [1] : vector<10000x128xf32> to vector<10000xf32>
    %broadcast_in_dim3A_37 = vector.shape_cast %reduce_sum3A_36 : vector<10000xf32> to vector<10000x1xf32>
    %max3A = arith.constant 9.99999996E-13 : f32
    %max3A_38 = vector.broadcast %max3A : f32 to vector<10000x1xf32>
    %max3A_39 = arith.maximumf %broadcast_in_dim3A_37, %max3A_38 : vector<10000x1xf32>
    %div3A = arith.divf %exp3A, %max3A_39 : vector<10000x1xf32>
    %mul3A_40 = vector.broadcast %div3A : vector<10000x1xf32> to vector<10000x128xf32>
    %mul3A_41 = arith.mulf %mul3A_40, %get3A_1 : vector<10000x128xf32>
    %dot_general3A = arith.constant dense<0.000000e+00> : vector<128x128xf32>
    %dot_general3A_42 = tpu.matmul %convert_element_type3A_17, %mul3A_41, %dot_general3A {dimension_numbers = #tpu.dot_dimension_numbers<[0], [0], [1], [1], [0, 1, 1, 1], [], []>, transpose_lhs_hint = false} : vector<10000x128xf32>, vector<10000x128xf32>, vector<128x128xf32> -> vector<128x128xf32>
    %get3A_43 = arith.constant 0 : index
    %get3A_44 = arith.constant 0 : index
    %get3A_45 = vector.load %arg4[%get3A_43, %get3A_44] : memref<10x128xf32, #tpu.memory_space<vmem>>, vector<10x128xf32>
    %dot_general3A_46 = arith.constant dense<0.000000e+00> : vector<128x10xf32>
    %dot_general3A_47 = tpu.matmul %dot_general3A_42, %get3A_45, %dot_general3A_46 {dimension_numbers = #tpu.dot_dimension_numbers<[1], [1], [0], [0], [0, 0, 1, 0], [], []>, transpose_lhs_hint = false} : vector<128x128xf32>, vector<10x128xf32>, vector<128x10xf32> -> vector<128x10xf32>
    %get3A_48 = arith.constant 0 : index
    %get3A_49 = arith.constant 0 : index
    %get3A_50 = vector.load %arg5[%get3A_48, %get3A_49] : memref<1x10xf32, #tpu.memory_space<vmem>>, vector<1x10xf32>
    %add3A_51 = vector.broadcast %get3A_50 : vector<1x10xf32> to vector<128x10xf32>
    %add3A_52 = arith.addf %dot_general3A_47, %add3A_51 : vector<128x10xf32>
    %swap3A = arith.constant 0 : index
    %swap3A_53 = arith.constant 0 : index
    %swap3A_54 = vector.load %arg6[%swap3A, %swap3A_53] : memref<128x10xf32, #tpu.memory_space<vmem>>, vector<128x10xf32>
    tpu.vector_store %arg6[%swap3A, %swap3A_53], %add3A_52 {strides = array<i32>} : memref<128x10xf32, #tpu.memory_space<vmem>>, vector<128x10xf32>,
    return
  }
}

</mosaic_0001>

<sc_bundles>
// kernel: kernel.16.cloned.1.call-start
scs
__scs_entry_jumppad:
0x0: {  	(pc) =	sbr.rel $0x88, $3  }
0x1: {  	(tag) =	ssettag $0x0;
	lr =	simm.s32 $0x1  }
0x2: {  	[smem:$0x3F8D] =	sst lr;
	_ =	strace $0xD0000000  }
0x3: {  	_ = 	snop  }
0x4: {  	_ = 	snop  }
0x5: {  	_ = 	snop  }
0x6: {  	_ = 	snop  }
0x7: {  	_ = 	snop  }
__scs_overlays_trampoline_lowered:
0x8: {  	[smem:$0x3F9C] =	sst s0  }
0x9: {  	[smem:$0x3F9D] =	sst s1  }
0xa: {  	[smem:$0x3F9E] =	sst s2  }
0xb: {  	[smem:$0x3F9F] =	sst s3  }
0xc: {  	[smem:$0x3FA0] =	sst s4  }
0xd: {  	[smem:$0x3FA1] =	sst s5  }
0xe: {  	[smem:$0x3FA2] =	sst s6  }
0xf: {  	[smem:$0x3FA3] =	sst s7  }
0x10: {  	[smem:$0x3FA4] =	sst s8  }
0x11: {  	[smem:$0x3FA5] =	sst s9;
	s0 =	simm.s32 @!p0 $0x0  }
0x12: {  	s1 =	sld [smem:$0x3F8B];
	s0 =	simm.s32 @p0 $0x1  }
0x13: {  	[smem:$0x3FA6] =	sst s0;
	s0 =	simm.s32 @!p1 $0x0  }
0x14: {  	s2 =	sld [smem:$0x3F8A];
	s0 =	simm.s32 @p1 $0x1  }
0x15: {  	[smem:$0x3FA7] =	sst s0;
	s0 =	simm.s32 @!p2 $0x0  }
0x16: {  	s3 =	sld [smem:$0x3FDB];
	s0 =	simm.s32 @p2 $0x1  }
0x17: {  	s4 =	simm.s32 $0x1BF5;
	[smem:$0x3FA9] =	sst s0  }
0x18: {  	s0 =	sld [smem:$0x3F8C];
	_ =	swait.ge [sflag:s4], $0x0  }
0x19: {  	s7 =	sld [smem:$0x3F8D]  }
0x1a: {  	s8 =	sadd.s32 $0xFFFFE003, lr  }
0x1b: {  	s9 =	sadd.s32 $0xFFFFFEF7, lr;
	s5 =	simm.s32 $0xFFFFFFFF;
	p2 =	slt.u32 s8, $0xFFFFF086  }
0x1c: {  	p1 =	slt.u32 s9, $0xF7A;
	s5 =	simm.s32 @!p2 $0x0  }
0x1d: {  	s5 =	simm.s32 @p1 $0x1;
	p0 =	seq.s32 s7, s2  }
0x1e: {  	s7 =	smul.u32 @!p0 $0xF7A, s2;
	p2 =	seq.s32 @!p0 s5, $0x0  }
0x1f: {  	s9 =	smul.u32 $0xF7A, s1;
	s8 =	simm.s32 @!p0 $0x1BF5;
	p2 =	por !p2, p0  }
0x20: {  	[sflag:s8] =	ssyncset.s32 @!p0 $0xFFFFF086;
	s6 =	sadd.s32 @!p0 s3, s7;
	s7 =	simm.s32 @!p0 $0x108  }
0x21: {  	s3 =	sadd.s32 s3, s9;
	s6 =	sadd.s32 @!p0 $0x88, s6;
	s7 =	simm.s32 @p2 $0x1082  }
0x22: {  	[simem:s7], [sflag:s8] =	dma.local @!p0 [hbm:s6], $0xF7A  }
0x23: {  	s9 =	sor.u32 $0xD0000000, s2;
	s6 =	simm.s32 $0x108;
	_ =	swait.ge @!p0 [sflag:s8], $0x0  }
0x24: {  	s3 =	sadd.s32 $0x88, s3;
	s6 =	simm.s32 @!p1 $0x1082;
	[sflag:s4] =	ssyncset.s32 $0xFFFFF086  }
0x25: {  	[simem:s6], [sflag:s4] =	dma.local [hbm:s3], $0xF7A  }
0x26: {  	[smem:$0x3F8D] =	sst s1;
	(tag) =	ssettag s2;
	_ =	strace s9  }
0x27: {  	s1 =	sld [smem:$0x3F9D]  }
0x28: {  	s2 =	sld [smem:$0x3F9E]  }
0x29: {  	s4 =	sld [smem:$0x3FA0]  }
0x2a: {  	p0 =	seq.s32 s5, $0x0;
	s5 =	sld [smem:$0x3FA1]  }
0x2b: {  	s6 =	sld [smem:$0x3FA2]  }
0x2c: {  	s7 =	sld [smem:$0x3FA3]  }
0x2d: {  	s3 =	simm.s32 $0x108;
	s8 =	sld [smem:$0x3FA4]  }
0x2e: {  	s3 =	simm.s32 @!p0 $0x1082;
	s9 =	sld [smem:$0x3FA5]  }
0x2f: {  	lr =	sadd.s32 s0, s3;
	s0 =	sld [smem:$0x3F9C]  }
0x30: {  	s3 =	sld [smem:$0x3F9F]  }
0x31: {  	[smem:$0x3FA8] =	sst s10  }
0x32: {  	s10 =	sld [smem:$0x3FA6];
	_ =	sdelay $0x3  }
0x33: {  	p0 =	seq.s32 s10, $0x1;
	s10 =	sld [smem:$0x3FA8];
	_ =	sdelay $0x3  }
0x34: {  	[smem:$0x3FA8] =	sst s10  }
0x35: {  	s10 =	sld [smem:$0x3FA7];
	_ =	sdelay $0x3  }
0x36: {  	p1 =	seq.s32 s10, $0x1;
	s10 =	sld [smem:$0x3FA8];
	_ =	sdelay $0x3  }
0x37: {  	[smem:$0x3FA8] =	sst s10  }
0x38: {  	s10 =	sld [smem:$0x3FA9]  }
0x39: {  	_ = 	snop;
	(pc) =	sbr.ind lr, $3  }
0x3a: {  	_ = 	snop  }
0x3b: {  	_ = 	snop  }
0x3c: {  	p2 =	seq.s32 s10, $0x1;
	s10 =	sld [smem:$0x3FA8]  }
0x3d: {  	_ =	shalt  }
0x3e: {  	_ =	shalt  }
0x3f: {  	_ =	shalt  }
0x40: {  	_ =	shalt  }
0x41: {  	_ =	shalt  }
0x42: {  	_ =	shalt  }
0x43: {  	_ =	shalt  }
0x44: {  	_ =	shalt  }
0x45: {  	_ =	shalt  }
0x46: {  	_ =	shalt  }
0x47: {  	_ =	shalt  }
0x48: {  	_ =	shalt  }
0x49: {  	_ =	shalt  }
0x4a: {  	_ =	shalt  }
0x4b: {  	_ =	shalt  }
0x4c: {  	_ =	shalt  }
0x4d: {  	_ =	shalt  }
0x4e: {  	_ =	shalt  }
0x4f: {  	_ =	shalt  }
0x50: {  	_ =	shalt  }
0x51: {  	_ =	shalt  }
0x52: {  	_ =	shalt  }
0x53: {  	_ =	shalt  }
0x54: {  	_ =	shalt  }
0x55: {  	_ =	shalt  }
0x56: {  	_ =	shalt  }
0x57: {  	_ =	shalt  }
0x58: {  	_ =	shalt  }
0x59: {  	_ =	shalt  }
0x5a: {  	_ =	shalt  }
0x5b: {  	_ =	shalt  }
0x5c: {  	_ =	shalt  }
0x5d: {  	_ =	shalt  }
0x5e: {  	_ =	shalt  }
0x5f: {  	_ =	shalt  }
0x60: {  	_ =	shalt  }
0x61: {  	_ =	shalt  }
0x62: {  	_ =	shalt  }
0x63: {  	_ =	shalt  }
0x64: {  	_ =	shalt  }
0x65: {  	_ =	shalt  }
0x66: {  	_ =	shalt  }
0x67: {  	_ =	shalt  }
0x68: {  	_ =	shalt  }
0x69: {  	_ =	shalt  }
0x6a: {  	_ =	shalt  }
0x6b: {  	_ =	shalt  }
0x6c: {  	_ =	shalt  }
0x6d: {  	_ =	shalt  }
0x6e: {  	_ =	shalt  }
0x6f: {  	_ =	shalt  }
0x70: {  	_ =	shalt  }
0x71: {  	_ =	shalt  }
0x72: {  	_ =	shalt  }
0x73: {  	_ =	shalt  }
0x74: {  	_ =	shalt  }
0x75: {  	_ =	shalt  }
0x76: {  	_ =	shalt  }
0x77: {  	_ =	shalt  }
0x78: {  	_ =	shalt  }
0x79: {  	_ =	shalt  }
0x7a: {  	_ =	shalt  }
0x7b: {  	_ =	shalt  }
0x7c: {  	_ =	shalt  }
0x7d: {  	_ =	shalt  }
0x7e: {  	_ =	shalt  }
0x7f: {  	_ =	shalt  }
0x80: {  	_ =	shalt  }
0x81: {  	_ =	shalt  }
0x82: {  	_ =	shalt  }
0x83: {  	_ =	shalt  }
0x84: {  	_ =	shalt  }
0x85: {  	_ =	shalt  }
0x86: {  	_ =	shalt  }
0x87: {  	_ =	shalt  }
.Lfunc_end0:
.L_simem_size_0:
called_computation_lowered:
.L_overlay_start_0:
0x88: {  	s2 =	sld [smem:$0x3FD9]  }
0x89: {  	s3 =	sld [smem:$0x3FFE];
	_ =	sdelay $0x1  }
0x8a: {  	s1 =	srdreg.scid  }
0x8b: {  	s0 =	sand.u32 $0x1, s1  }
0x8c: {  	s16 =	sshll.u32 s0, $0xA;
	s2 =	sadd.s32 s3, s2  }
0x8d: {  	s2 =	sadd.s32 s2, s16  }
0x8e: {  	[smem:$0x3FB4] =	sst s2  }
0x8f: {  	_ = 	snop  }
0x90: {  	(tm) =	ssettm $0x1  }
0x91: {  	s17 =	sld [smem:$0x3FFB];
	_ =	sdelay $0x3  }
0x92: {  	_ =	strace s17  }
0x93: {  	s2 =	sld [smem:$0x3FFC];
	_ =	sdelay $0x3  }
0x94: {  	_ =	strace s2  }
0x95: {  	s2 =	sld [smem:$0x3FFD];
	_ =	sdelay $0x3  }
0x96: {  	_ =	strace s2  }
0x97: {  	_ =	strace $0x8FFFFFFF  }
0x98: {  	s18 =	sld [smem:$0x3FDB];
	_ =	sdelay $0x1  }
0x99: {  	s19 =	simm.s32 $_scs_section_size  }
0x9a: {  	s4 =	simm.s32 $_size__tile_overlayer_lowered;
	s5 =	simm.s32 $_tile_overlayer_lowered  }
0x9b: {  	s22 =	simm.s32 $0x1BFF;
	s21 =	sshll.u32 s5, $0x1;
	s2 =	sadd.s32 s19, s18  }
0x9c: {  	s6 =	simm.s32 $0x0;
	s20 =	sshll.u32 s4, $0x1;
	s4 =	sadd.s32 s21, s2  }
0x9d: {  	[timem:s6], [sflag:s22] =	dma.local [hbm:s4], s20  }
0x9e: {  	_ =	swait.ge [sflag:s22], s20  }
0x9f: {  	s3 =	ssub.s32 $0x0, s20;
	[sflag:s22] =	ssyncset.done $0x0  }
0xa0: {  	[sflag:s22] =	ssyncadd.s32 s3;
	_ =	sdelay $0x1  }
0xa1: {  	s23 =	simm.s32 $0x1B8B  }
0xa2: {  	_ =	swait.ge [sflag:s23], $0x1  }
0xa3: {  	[sflag:s23] =	ssyncset.done $0x0  }
0xa4: {  	s25 =	simm.s32 $0x1B8E;
	s24 =	sld [smem:$0x3FFE];
	[sflag:s23] =	ssyncadd.s32 $0xFFFFFFFF  }
0xa5: {  	s26 =	simm.s32 $execute0_lowered;
	[smem:$0x3FD2] =	sst s25  }
0xa6: {  	s4 =	sshll.u32 s26, $0x1;
	_ =	strace $0x80000046;
	[dreg:$0x1] =	wrdreg $0xFFFFFFFF  }
0xa7: {  	s28 =	simm.s32 $_size_execute0_lowered;
	s2 =	sadd.s32 s2, s4;
	[dreg:$0x0] =	wrdreg $0x0  }
0xa8: {  	s4 =	sshll.u32 s28, $0x1;
	[dreg:$0x2] =	wrdreg s2  }
0xa9: {  	[dreg:$0x3] =	wrdreg s4  }
0xaa: {  	[dreg:$0x4] =	wrdreg $0xC0  }
0xab: {  	_ =	task [dreg:s6], $0x5FFFF  }
0xac: {  	[dreg:$0x1] =	wrdreg $0xFFFFFFFF  }
0xad: {  	[dreg:$0x0] =	wrdreg $0x60  }
0xae: {  	[dreg:$0x2] =	wrdreg s24  }
0xaf: {  	[dreg:$0x3] =	wrdreg $0xA0000  }
0xb0: {  	[dreg:$0x4] =	wrdreg $0x9  }
0xb1: {  	_ =	task.clear_ibuf [dreg:s6], $0x5FFFF;
	_ =	strace $0x90000046  }
0xb2: {  	s29 =	simm.s32 $0x9;
	_ =	strace $0x80000048  }
0xb3: {  	_ =	swait.ge [sflag:s29], $0x1  }
0xb4: {  	[sflag:s29] =	ssyncadd.s32 $0xFFFFFFFF  }
0xb5: {  	_ =	strace $0x90000048  }
0xb6: {  	_ =	sfence  }
0xb7: {  	s30 =	sld [smem:$0x0];
	_ =	sdelay $0x2  }
0xb8: {  	s31 =	sshll.u32 s1, $0xD;
	s1 =	sshrl.u32 s1, $0x2  }
0xb9: {  	s3 =	sand.u32 $0x4000, s31;
	s1 =	sadd.s32 s1, s30  }
0xba: {  	s0 =	sor.u32 s3, s0;
	s1 =	sshll.u32 s1, $0x11  }
0xbb: {  	s0 =	sor.u32 s1, s0  }
0xbc: {  	s0 =	sadd.s32 $0x8F2B, s0  }
0xbd: {  	[sflag:s0] =	ssyncadd.remote.s32 $0x1  }
0xbe: {  	_ =	sfence.sel $0xFFFF  }
0xbf: {  	[dreg:$0x0] =	wrdreg $0xFFFFFFFF;
	(pc) =	sbr.abs _section_cstart, $3  }
0xc0: {  	[dreg:$0x1] =	wrdreg $0xFFFFFFFF  }
0xc1: {  	_ =	task.clear_ibuf [dreg:s6], $0x2FFFF;
	_ =	strace $0x9FFFFFFF  }
0xc2: {  	(tm) =	ssettm $0x7FFFFFFF  }
0xc3: {  	_ =	shalt  }
tec
execute0_lowered:
.L_overlay_start_1:
0x0: {  	(tag) =	ssettag $0x1  }
0x1: {  	s0 =	rddreg [dreg:$0x0]  }
0x2: {  	s1 =	rddreg [dreg:$0x1];
	s3 =	simm.s32 $0x0  }
0x3: {  	s19 =	stileid.u32;
	s5 =	srdreg.scid;
	s20 =	simm.s32 $0x64  }
0x4: {  	s21 =	simm.s32 $0x3800;
	s22 =	simm.s32 $0x3;
	s28 =	simm.s32 $0x3400  }
0x5: {  	s29 =	simm.s32 $0x3480;
	s30 =	simm.s32 $0x0;
	[smem:$0x7FF] =	sst s3  }
0x6: {  	s4 =	sadd.s32 $0x21000, s0;
	s2 =	smul.u32 $0x13800, s19;
	s12 =	sadd.s32 $0x5000, s0  }
0x7: {  	s13 =	sadd.s32 $0x13000, s0;
	s9 =	sand.u32 $0x1, s5;
	s6 =	smul.u32 $0x4E000, s19  }
0x8: {  	s14 =	sadd.s32 $0xE4600, s0;
	s11 =	sadd.s32 $0xE4400, s0;
	p0 =	sne.s32 s19, $0xF  }
0x9: {  	_ =	strace $0x80000047;
	s7 =	sshll.u32 s9, $0x4;
	s8 =	ssub.s32 $0x2, s9  }
0xa: {  	s18 =	smul.u32 $0x138800, s9;
	s23 =	sshrl.u32 s2, $0x3;
	s7 =	sor.u32 s19, s7  }
0xb: {  	s10 =	sshrl.u32 s8, $0x1;
	s6 =	sshrl.u32 s6, $0x2;
	s5 =	sadd.s32 s23, s0  }
0xc: {  	s7 =	smul.u32 $0x3800, s7;
	s16 =	ssub.s32 s8, s10;
	s17 =	sadd.s32 s6, s1  }
0xd: {  	s6 =	sshll.u32 s19, $0x6;
	s10 =	sadd.s32 $0x138000, s1;
	s2 =	sadd.s32 s2, s18  }
0xe: {  	s31 =	sshrl.u32 s18, $0x3;
	s18 =	simm.s32 $0x4;
	s19 =	simm.s32 $0x1C00  }
0xf: {  	s23 =	simm.s32 $0x6C00;
	s5 =	sadd.s32 $0xBD400, s5;
	s24 =	sor.u32 $0x1C03, s6  }
0x10: {  	s2 =	sshrl.u32 s2, $0x3;
	s16 =	smax.u32 s16, $0x1;
	[dreg:$0x3] =	wrdreg s5  }
0x11: {  	s17 =	sshrl.u32 s17, $0x3;
	s15 =	sshrl.u32 s7, $0x3;
	[dreg:$0x4] =	wrdreg s24  }
0x12: {  	s24 =	simm.s32 $0x1;
	s25 =	sadd.s32 s12, s15;
	s9 =	sadd.s32 s13, s15  }
0x13: {  	s26 =	sadd.s32 $0x380, s15;
	s15 =	sadd.s32 s14, s31;
	s14 =	sadd.s32 s14, s2  }
0x14: {  	[dreg:$0x5] =	wrdreg s25;
	s12 =	sadd.s32 s12, s26;
	s13 =	sadd.s32 s13, s26  }
0x15: {  	s15 =	sadd.s32 $0x27000, s15;
	s25 =	simm.s32 $0x2;
	s26 =	simm.s32 $0x1880  }
.LBB2_1:
0x16: {  	s0 =	rddreg [dreg:$0x3]  }
0x17: {  	s2 =	rddreg [dreg:$0x4]  }
0x18: {  	[spmem:s17], [sflag:s2] =	dma.local [hbm:s0], $0x2700  }
0x19: {  	s0 =	rddreg [dreg:$0x5]  }
0x1a: {  	[tilespmem:s3], [sflag:$0x4] =	stream.linear.gather [hbm4b:s0+s3], $0x1900, $0x38;
	[tilespmem:$0x1D880] =	vst v63  }
0x1b: {  	_ =	swait.ge [sflag:s18], $0x1900  }
0x1c: {  	[sflag:s18] =	ssyncset.done $0x0  }
0x1d: {  	[sflag:s18] =	ssyncadd.s32 $0xFFFFE700  }
0x1e: {  	[tilespmem:s19], [sflag:$0x4] =	stream.linear.gather [hbm4b:s9+s3], $0x1900, $0x38;
	[tilespmem:$0x1D880] =	vst v63  }
0x1f: {  	_ =	swait.ge [sflag:s18], $0x1900  }
0x20: {  	[sflag:s18] =	ssyncset.done $0x0  }
0x21: {  	[sflag:s18] =	ssyncadd.s32 $0xFFFFE700  }
0x22: {  	[tilespmem:s21], [sflag:$0x1] =	stream.indirect.gather [hbm4b:s4+s20], $0x80, s3, s20, $0xb8;
	[tilespmem:$0x1D880] =	vst v63  }
0x23: {  	_ =	swait.ge [sflag:s22], $0x2700  }
0x24: {  	[sflag:s22] =	ssyncset.done $0x0  }
0x25: {  	s31 =	sshrl.u32 @!p0 s10, $0x3;
	s0 =	simm.s32 @!p0 $0x1FC4;
	[sflag:s22] =	ssyncadd.s32 $0xFFFFD900  }
0x26: {  	[spmem:s31], [sflag:s0] =	dma.local @!p0 [hbm:s11], $0x100  }
0x27: {  	s0 =	simm.s32 @!p0 $0x4  }
0x28: {  	_ =	swait.ge @!p0 [sflag:s0], $0x100  }
0x29: {  	[sflag:s0] =	ssyncset.done @!p0 $0x0  }
0x2a: {  	[sflag:s0] =	ssyncadd.s32 @!p0 $0xFFFFFF00  }
0x2b: {  	s2 =	simm.s32 $0x80;
	[bflag:$0x0] =	sbarrier.arrive $0xFFFF  }
0x2c: {  	[tilespmem:s23], [sflag:$0x2] =	stream.indirect.gather [hbm4b:s4+s20], $0x80, s2, s20, $0xb8;
	[tilespmem:$0x1D880] =	vst v63  }
0x2d: {  	_ =	swait.ge [sflag:s24], $0x3200  }
0x2e: {  	[sflag:s24] =	ssyncset.done $0x0  }
0x2f: {  	s5 =	simm.s32 $0x1C00;
	[sflag:s24] =	ssyncadd.s32 $0xFFFFCE00  }
0x30: {  	[spmem:s1] =	stream.indirect.scatter.add.f32 [tilespmem:s21], [sflag:$0x4], $0x80, s5, s20, $0xb8;
	[tilespmem:$0x1D880] =	vst v63  }
0x31: {  	_ =	swait.ge [sflag:s18], $0x3200  }
0x32: {  	[sflag:s18] =	ssyncset.done $0x0  }
0x33: {  	s7 =	simm.s32 $0x100;
	[sflag:s18] =	ssyncadd.s32 $0xFFFFCE00  }
0x34: {  	[tilespmem:s21], [sflag:$0x1] =	stream.indirect.gather [hbm4b:s4+s20], $0x80, s7, s20, $0xb8;
	[tilespmem:$0x1D880] =	vst v63  }
0x35: {  	_ =	swait.ge [sflag:s25], $0x3200  }
0x36: {  	[sflag:s25] =	ssyncset.done $0x0  }
0x37: {  	s8 =	simm.s32 $0x1C80;
	[sflag:s25] =	ssyncadd.s32 $0xFFFFCE00  }
0x38: {  	[spmem:s1] =	stream.indirect.scatter.add.f32 [tilespmem:s23], [sflag:$0x4], $0x80, s8, s20, $0xb8;
	[tilespmem:$0x1D880] =	vst v63  }
0x39: {  	_ =	swait.ge [sflag:s18], $0x3200  }
0x3a: {  	s0 =	simm.s32 $0x100;
	s2 =	simm.s32 $0x800;
	[sflag:s18] =	ssyncset.done $0x0  }
.LBB2_2:
0x3b: {  	s5 =	sadd.s32 $0x80, s0  }
0x3c: {  	[sflag:s18] =	ssyncadd.s32 $0xFFFFCE00;
	s7 =	smov.u32 s2;
	s8 =	sadd.s32 $0x400, s2  }
0x3d: {  	[tilespmem:s23], [sflag:$0x2] =	stream.indirect.gather [hbm4b:s4+s20], $0x80, s5, s20, $0xb8;
	[tilespmem:$0x1D880] =	vst v63  }
0x3e: {  	p1 =	sne.s32 s2, $0x5C00;
	_ =	swait.ge [sflag:s24], $0x3200  }
0x3f: {  	[sflag:s24] =	ssyncset.done $0x0  }
0x40: {  	s2 =	sadd.s32 $0x1C00, s0;
	[sflag:s24] =	ssyncadd.s32 $0xFFFFCE00  }
0x41: {  	[spmem:s1] =	stream.indirect.scatter.add.f32 [tilespmem:s21], [sflag:$0x4], $0x80, s2, s20, $0xb8;
	[tilespmem:$0x1D880] =	vst v63  }
0x42: {  	_ =	swait.ge [sflag:s18], $0x3200  }
0x43: {  	[sflag:s18] =	ssyncset.done $0x0  }
0x44: {  	s2 =	sadd.s32 $0x100, s0;
	[sflag:s18] =	ssyncadd.s32 $0xFFFFCE00  }
0x45: {  	[tilespmem:s21], [sflag:$0x1] =	stream.indirect.gather [hbm4b:s4+s20], $0x80, s2, s20, $0xb8;
	[tilespmem:$0x1D880] =	vst v63  }
0x46: {  	_ =	swait.ge [sflag:s25], $0x3200  }
.Ltmp0:
0x47: {  	[sflag:s25] =	ssyncset.done $0x0;
	(pc) =	sbr.rel @p1 .LBB2_2-.Ltmp0, $4  }
0x48: {  	s0 =	sadd.s32 $0x1C80, s0;
	[sflag:s25] =	ssyncadd.s32 $0xFFFFCE00  }
0x49: {  	[spmem:s1] =	stream.indirect.scatter.add.f32 [tilespmem:s23], [sflag:$0x4], $0x80, s0, s20, $0xb8;
	[tilespmem:$0x1D880] =	vst v63  }
0x4a: {  	_ =	swait.ge [sflag:s18], $0x3200  }
0x4b: {  	s2 =	smov.u32 s8;
	s0 =	sshra.s32 s7, $0x2;
	[sflag:s18] =	ssyncset.done $0x0  }
0x4c: {  	s2 =	sadd.s32 $0x80, s0;
	[sflag:s18] =	ssyncadd.s32 $0xFFFFCE00  }
0x4d: {  	[tilespmem:s23], [sflag:$0x2] =	stream.indirect.gather [hbm4b:s4+s20], $0x80, s2, s20, $0xb8;
	[tilespmem:$0x1D880] =	vst v63  }
0x4e: {  	_ =	swait.ge [sflag:s24], $0x3200  }
0x4f: {  	[sflag:s24] =	ssyncset.done $0x0  }
0x50: {  	s8 =	sadd.s32 $0x1C00, s0;
	[sflag:s24] =	ssyncadd.s32 $0xFFFFCE00  }
0x51: {  	[spmem:s1] =	stream.indirect.scatter.add.f32 [tilespmem:s21], [sflag:$0x4], $0x80, s8, s20, $0xb8;
	[tilespmem:$0x1D880] =	vst v63  }
0x52: {  	_ =	swait.ge [sflag:s18], $0x3200  }
0x53: {  	[sflag:s18] =	ssyncset.done $0x0  }
0x54: {  	s5 =	sadd.s32 $0x100, s0;
	[sflag:s18] =	ssyncadd.s32 $0xFFFFCE00  }
0x55: {  	[tilespmem:s21], [sflag:$0x1] =	stream.indirect.gather [hbm4b:s4+s20], $0x80, s5, s20, $0xb8;
	[tilespmem:$0x1D880] =	vst v63  }
0x56: {  	_ =	swait.ge [sflag:s25], $0x3200  }
0x57: {  	[sflag:s25] =	ssyncset.done $0x0  }
0x58: {  	s7 =	sadd.s32 $0x1C80, s0;
	[sflag:s25] =	ssyncadd.s32 $0xFFFFCE00  }
0x59: {  	[spmem:s1] =	stream.indirect.scatter.add.f32 [tilespmem:s23], [sflag:$0x4], $0x80, s7, s20, $0xb8;
	[tilespmem:$0x1D880] =	vst v63  }
0x5a: {  	_ =	swait.ge [sflag:s18], $0x3200  }
0x5b: {  	[sflag:s18] =	ssyncset.done $0x0  }
0x5c: {  	[sflag:s18] =	ssyncadd.s32 $0xFFFFCE00  }
0x5d: {  	[tilespmem:s23], [sflag:$0x2] =	stream.indirect.gather [hbm4b:s4+s20], $0x80, s26, s20, $0xb8;
	[tilespmem:$0x1D880] =	vst v63  }
0x5e: {  	_ =	swait.ge [sflag:s24], $0x3200  }
0x5f: {  	[sflag:s24] =	ssyncset.done $0x0  }
0x60: {  	[sflag:s24] =	ssyncadd.s32 $0xFFFFCE00  }
0x61: {  	[spmem:s1] =	stream.indirect.scatter.add.f32 [tilespmem:s21], [sflag:$0x4], $0x80, s28, s20, $0xb8;
	[tilespmem:$0x1D880] =	vst v63  }
0x62: {  	_ =	swait.ge [sflag:s18], $0x3200  }
0x63: {  	[sflag:s18] =	ssyncset.done $0x0  }
0x64: {  	[sflag:s18] =	ssyncadd.s32 $0xFFFFCE00  }
0x65: {  	_ =	swait.ge [sflag:s25], $0x3200  }
0x66: {  	[sflag:s25] =	ssyncset.done $0x0  }
0x67: {  	[sflag:s25] =	ssyncadd.s32 $0xFFFFCE00  }
0x68: {  	[spmem:s1] =	stream.indirect.scatter.add.f32 [tilespmem:s23], [sflag:$0x4], $0x80, s29, s20, $0xb8;
	[tilespmem:$0x1D880] =	vst v63  }
0x69: {  	_ =	swait.ge [sflag:s18], $0x3200  }
0x6a: {  	[sflag:s18] =	ssyncset.done $0x0  }
0x6b: {  	s8 =	simm.s32 $0x0;
	[sflag:s18] =	ssyncadd.s32 $0xFFFFCE00  }
0x6c: {  	[tilespmem:s8], [sflag:$0x4] =	stream.linear.gather [hbm4b:s12+s8], $0x1900, $0x38;
	[tilespmem:$0x1D880] =	vst v63  }
0x6d: {  	_ =	swait.ge [sflag:s18], $0x1900  }
0x6e: {  	[sflag:s18] =	ssyncset.done $0x0  }
0x6f: {  	[sflag:s18] =	ssyncadd.s32 $0xFFFFE700  }
0x70: {  	[tilespmem:s19], [sflag:$0x4] =	stream.linear.gather [hbm4b:s13+s8], $0x1900, $0x38;
	[tilespmem:$0x1D880] =	vst v63  }
0x71: {  	_ =	swait.ge [sflag:s18], $0x1900  }
0x72: {  	[sflag:s18] =	ssyncset.done $0x0  }
0x73: {  	[sflag:s18] =	ssyncadd.s32 $0xFFFFE700  }
0x74: {  	[tilespmem:s21], [sflag:$0x1] =	stream.indirect.gather [hbm4b:s4+s20], $0x80, s8, s20, $0xb8;
	[tilespmem:$0x1D880] =	vst v63  }
0x75: {  	s2 =	simm.s32 $0x80  }
0x76: {  	[tilespmem:s23], [sflag:$0x2] =	stream.indirect.gather [hbm4b:s4+s20], $0x80, s2, s20, $0xb8;
	[tilespmem:$0x1D880] =	vst v63  }
0x77: {  	_ =	swait.ge [sflag:s24], $0x3200  }
0x78: {  	[sflag:s24] =	ssyncset.done $0x0  }
0x79: {  	s5 =	simm.s32 $0x1C00;
	[sflag:s24] =	ssyncadd.s32 $0xFFFFCE00  }
0x7a: {  	[spmem:s1] =	stream.indirect.scatter.add.f32 [tilespmem:s21], [sflag:$0x4], $0x80, s5, s20, $0xb8;
	[tilespmem:$0x1D880] =	vst v63  }
0x7b: {  	_ =	swait.ge [sflag:s18], $0x3200  }
0x7c: {  	[sflag:s18] =	ssyncset.done $0x0  }
0x7d: {  	s7 =	simm.s32 $0x100;
	[sflag:s18] =	ssyncadd.s32 $0xFFFFCE00  }
0x7e: {  	[tilespmem:s21], [sflag:$0x1] =	stream.indirect.gather [hbm4b:s4+s20], $0x80, s7, s20, $0xb8;
	[tilespmem:$0x1D880] =	vst v63  }
0x7f: {  	_ =	swait.ge [sflag:s25], $0x3200  }
0x80: {  	[sflag:s25] =	ssyncset.done $0x0  }
0x81: {  	s8 =	simm.s32 $0x1C80;
	[sflag:s25] =	ssyncadd.s32 $0xFFFFCE00  }
0x82: {  	[spmem:s1] =	stream.indirect.scatter.add.f32 [tilespmem:s23], [sflag:$0x4], $0x80, s8, s20, $0xb8;
	[tilespmem:$0x1D880] =	vst v63  }
0x83: {  	_ =	swait.ge [sflag:s18], $0x3200  }
0x84: {  	s0 =	simm.s32 $0x100;
	s2 =	simm.s32 $0x800;
	[sflag:s18] =	ssyncset.done $0x0  }
.LBB2_4:
0x85: {  	s5 =	sadd.s32 $0x80, s0  }
0x86: {  	[sflag:s18] =	ssyncadd.s32 $0xFFFFCE00;
	s7 =	smov.u32 s2;
	s8 =	sadd.s32 $0x400, s2  }
0x87: {  	[tilespmem:s23], [sflag:$0x2] =	stream.indirect.gather [hbm4b:s4+s20], $0x80, s5, s20, $0xb8;
	[tilespmem:$0x1D880] =	vst v63  }
0x88: {  	p1 =	sne.s32 s2, $0x5C00;
	_ =	swait.ge [sflag:s24], $0x3200  }
0x89: {  	[sflag:s24] =	ssyncset.done $0x0  }
0x8a: {  	s2 =	sadd.s32 $0x1C00, s0;
	[sflag:s24] =	ssyncadd.s32 $0xFFFFCE00  }
0x8b: {  	[spmem:s1] =	stream.indirect.scatter.add.f32 [tilespmem:s21], [sflag:$0x4], $0x80, s2, s20, $0xb8;
	[tilespmem:$0x1D880] =	vst v63  }
0x8c: {  	_ =	swait.ge [sflag:s18], $0x3200  }
0x8d: {  	[sflag:s18] =	ssyncset.done $0x0  }
0x8e: {  	s2 =	sadd.s32 $0x100, s0;
	[sflag:s18] =	ssyncadd.s32 $0xFFFFCE00  }
0x8f: {  	[tilespmem:s21], [sflag:$0x1] =	stream.indirect.gather [hbm4b:s4+s20], $0x80, s2, s20, $0xb8;
	[tilespmem:$0x1D880] =	vst v63  }
0x90: {  	_ =	swait.ge [sflag:s25], $0x3200  }
.Ltmp1:
0x91: {  	[sflag:s25] =	ssyncset.done $0x0;
	(pc) =	sbr.rel @p1 .LBB2_4-.Ltmp1, $4  }
0x92: {  	s0 =	sadd.s32 $0x1C80, s0;
	[sflag:s25] =	ssyncadd.s32 $0xFFFFCE00  }
0x93: {  	[spmem:s1] =	stream.indirect.scatter.add.f32 [tilespmem:s23], [sflag:$0x4], $0x80, s0, s20, $0xb8;
	[tilespmem:$0x1D880] =	vst v63  }
0x94: {  	_ =	swait.ge [sflag:s18], $0x3200  }
0x95: {  	s2 =	smov.u32 s8;
	s0 =	sshra.s32 s7, $0x2;
	[sflag:s18] =	ssyncset.done $0x0  }
0x96: {  	s2 =	sadd.s32 $0x80, s0;
	[sflag:s18] =	ssyncadd.s32 $0xFFFFCE00  }
0x97: {  	[tilespmem:s23], [sflag:$0x2] =	stream.indirect.gather [hbm4b:s4+s20], $0x80, s2, s20, $0xb8;
	[tilespmem:$0x1D880] =	vst v63  }
0x98: {  	_ =	swait.ge [sflag:s24], $0x3200  }
0x99: {  	[sflag:s24] =	ssyncset.done $0x0  }
0x9a: {  	s5 =	sadd.s32 $0x1C00, s0;
	[sflag:s24] =	ssyncadd.s32 $0xFFFFCE00  }
0x9b: {  	[spmem:s1] =	stream.indirect.scatter.add.f32 [tilespmem:s21], [sflag:$0x4], $0x80, s5, s20, $0xb8;
	[tilespmem:$0x1D880] =	vst v63  }
0x9c: {  	_ =	swait.ge [sflag:s18], $0x3200  }
0x9d: {  	[sflag:s18] =	ssyncset.done $0x0  }
0x9e: {  	s7 =	sadd.s32 $0x100, s0;
	[sflag:s18] =	ssyncadd.s32 $0xFFFFCE00  }
0x9f: {  	[tilespmem:s21], [sflag:$0x1] =	stream.indirect.gather [hbm4b:s4+s20], $0x80, s7, s20, $0xb8;
	[tilespmem:$0x1D880] =	vst v63  }
0xa0: {  	_ =	swait.ge [sflag:s25], $0x3200  }
0xa1: {  	[sflag:s25] =	ssyncset.done $0x0  }
0xa2: {  	s8 =	sadd.s32 $0x1C80, s0;
	[sflag:s25] =	ssyncadd.s32 $0xFFFFCE00  }
0xa3: {  	[spmem:s1] =	stream.indirect.scatter.add.f32 [tilespmem:s23], [sflag:$0x4], $0x80, s8, s20, $0xb8;
	[tilespmem:$0x1D880] =	vst v63  }
0xa4: {  	_ =	swait.ge [sflag:s18], $0x3200  }
0xa5: {  	[sflag:s18] =	ssyncset.done $0x0  }
0xa6: {  	[sflag:s18] =	ssyncadd.s32 $0xFFFFCE00  }
0xa7: {  	[tilespmem:s23], [sflag:$0x2] =	stream.indirect.gather [hbm4b:s4+s20], $0x80, s26, s20, $0xb8;
	[tilespmem:$0x1D880] =	vst v63  }
0xa8: {  	_ =	swait.ge [sflag:s24], $0x3200  }
0xa9: {  	[sflag:s24] =	ssyncset.done $0x0  }
0xaa: {  	[sflag:s24] =	ssyncadd.s32 $0xFFFFCE00  }
0xab: {  	[spmem:s1] =	stream.indirect.scatter.add.f32 [tilespmem:s21], [sflag:$0x4], $0x80, s28, s20, $0xb8;
	[tilespmem:$0x1D880] =	vst v63  }
0xac: {  	_ =	swait.ge [sflag:s18], $0x3200  }
0xad: {  	[sflag:s18] =	ssyncset.done $0x0  }
0xae: {  	[sflag:s18] =	ssyncadd.s32 $0xFFFFCE00  }
0xaf: {  	_ =	swait.ge [sflag:s25], $0x3200  }
0xb0: {  	[sflag:s25] =	ssyncset.done $0x0  }
0xb1: {  	[sflag:s25] =	ssyncadd.s32 $0xFFFFCE00  }
0xb2: {  	[spmem:s1] =	stream.indirect.scatter.add.f32 [tilespmem:s23], [sflag:$0x4], $0x80, s29, s20, $0xb8;
	[tilespmem:$0x1D880] =	vst v63  }
0xb3: {  	_ =	swait.ge [sflag:s18], $0x3200  }
0xb4: {  	[sflag:s18] =	ssyncset.done $0x0  }
0xb5: {  	[sflag:s18] =	ssyncadd.s32 $0xFFFFCE00  }
0xb6: {  	s0 =	sor.u32 $0x1C04, s6;
	[bflag:$0x0] =	sbarrier.arrive $0xFFFF  }
0xb7: {  	[hbm:s14], [sflag:s0] =	dma.local [spmem:s17], $0x2700  }
0xb8: {  	_ =	swait.ge [sflag:s18], $0x2700  }
0xb9: {  	s30 =	sadd.s32 $0x1, s30;
	[sflag:s18] =	ssyncset.done $0x0  }
0xba: {  	p1 =	sne.s32 s30, s16;
	[sflag:s18] =	ssyncadd.s32 $0xFFFFD900  }
0xbb: {  	[hbm:s15], [sflag:s0] =	dma.local @!p0 [spmem:s31], $0x100  }
.Ltmp2:
0xbc: {  	_ = 	snop;
	(pc) =	sbr.rel @p1 .LBB2_1-.Ltmp2, $4  }
0xbd: {  	s0 =	simm.s32 @!p0 $0x4  }
0xbe: {  	_ =	swait.ge @!p0 [sflag:s0], $0x100  }
0xbf: {  	[sflag:s0] =	ssyncset.done @!p0 $0x0  }
0xc0: {  	[sflag:s0] =	ssyncadd.s32 @!p0 $0xFFFFFF00  }
0xc1: {  	_ =	sfence.sel $0x180000  }
0xc2: {  	[bflag:$0x0] =	sbarrier.arrive $0xFFFF  }
0xc3: {  	_ =	strace $0x90000047  }
0xc4: {  	s0 =	stileid.u32;
	[bflag:$0x2] =	sbarrier.arrive $0xFFFF  }
0xc5: {  	p0 =	sne.s32 s0, $0x0;
	s0 =	rddreg [dreg:$0x2]  }
0xc6: {  	s0 =	sadd.s32 @!p0 $0x100000, s0  }
0xc7: {  	[sflag:s0] =	ssyncadd.tile.s32 @!p0 $0x1;
	_ =	shalt  }
.Lfunc_end2:
_tile_overlayer_lowered:
.L_overlay_start_2:
0xc8: {  	(tag) =	ssettag $0x2  }
0xc9: {  	s0 =	rddreg [dreg:$0x0];
	s2 =	stileid.u32  }
0xca: {  	s1 =	rddreg [dreg:$0x1];
	p0 =	sne.s32 s2, $0x0  }
0xcb: {  	s3 =	rddreg [dreg:$0x2];
	[bflag:$0x3] =	sbarrier.arrive $0xFFFF;
	s2 =	simm.s32 @!p0 $0x1C04  }
0xcc: {  	[timem:s3], [sflag:s2] =	dma.local @!p0 [hbm:s0], s1  }
0xcd: {  	s0 =	simm.s32 @!p0 $0x4  }
0xce: {  	_ =	swait.ge @!p0 [sflag:s0], s1  }
0xcf: {  	s1 =	ssub.s32 @!p0 $0x0, s1;
	[sflag:s0] =	ssyncset.done @!p0 $0x0  }
0xd0: {  	[sflag:s0] =	ssyncadd.s32 @!p0 s1  }
0xd1: {  	[bflag:$0x3] =	sbarrier.arrive $0xFFFF  }
0xd2: {  	_ =	shalt  }

// kernel: kernel.19.cloned.1.call-start
scs
__scs_entry_jumppad:
0x0: {  	(pc) =	sbr.rel $0x88, $3  }
0x1: {  	(tag) =	ssettag $0x0;
	lr =	simm.s32 $0x1  }
0x2: {  	[smem:$0x3F8D] =	sst lr;
	_ =	strace $0xD0000000  }
0x3: {  	_ = 	snop  }
0x4: {  	_ = 	snop  }
0x5: {  	_ = 	snop  }
0x6: {  	_ = 	snop  }
0x7: {  	_ = 	snop  }
__scs_overlays_trampoline_lowered:
0x8: {  	[smem:$0x3F9C] =	sst s0  }
0x9: {  	[smem:$0x3F9D] =	sst s1  }
0xa: {  	[smem:$0x3F9E] =	sst s2  }
0xb: {  	[smem:$0x3F9F] =	sst s3  }
0xc: {  	[smem:$0x3FA0] =	sst s4  }
0xd: {  	[smem:$0x3FA1] =	sst s5  }
0xe: {  	[smem:$0x3FA2] =	sst s6  }
0xf: {  	[smem:$0x3FA3] =	sst s7  }
0x10: {  	[smem:$0x3FA4] =	sst s8  }
0x11: {  	[smem:$0x3FA5] =	sst s9;
	s0 =	simm.s32 @!p0 $0x0  }
0x12: {  	s1 =	sld [smem:$0x3F8B];
	s0 =	simm.s32 @p0 $0x1  }
0x13: {  	[smem:$0x3FA6] =	sst s0;
	s0 =	simm.s32 @!p1 $0x0  }
0x14: {  	s2 =	sld [smem:$0x3F8A];
	s0 =	simm.s32 @p1 $0x1  }
0x15: {  	[smem:$0x3FA7] =	sst s0;
	s0 =	simm.s32 @!p2 $0x0  }
0x16: {  	s3 =	sld [smem:$0x3FDB];
	s0 =	simm.s32 @p2 $0x1  }
0x17: {  	s4 =	simm.s32 $0x1BF5;
	[smem:$0x3FA9] =	sst s0  }
0x18: {  	s0 =	sld [smem:$0x3F8C];
	_ =	swait.ge [sflag:s4], $0x0  }
0x19: {  	s7 =	sld [smem:$0x3F8D]  }
0x1a: {  	s8 =	sadd.s32 $0xFFFFE003, lr  }
0x1b: {  	s9 =	sadd.s32 $0xFFFFFEF7, lr;
	s5 =	simm.s32 $0xFFFFFFFF;
	p2 =	slt.u32 s8, $0xFFFFF086  }
0x1c: {  	p1 =	slt.u32 s9, $0xF7A;
	s5 =	simm.s32 @!p2 $0x0  }
0x1d: {  	s5 =	simm.s32 @p1 $0x1;
	p0 =	seq.s32 s7, s2  }
0x1e: {  	s7 =	smul.u32 @!p0 $0xF7A, s2;
	p2 =	seq.s32 @!p0 s5, $0x0  }
0x1f: {  	s9 =	smul.u32 $0xF7A, s1;
	s8 =	simm.s32 @!p0 $0x1BF5;
	p2 =	por !p2, p0  }
0x20: {  	[sflag:s8] =	ssyncset.s32 @!p0 $0xFFFFF086;
	s6 =	sadd.s32 @!p0 s3, s7;
	s7 =	simm.s32 @!p0 $0x108  }
0x21: {  	s3 =	sadd.s32 s3, s9;
	s6 =	sadd.s32 @!p0 $0x88, s6;
	s7 =	simm.s32 @p2 $0x1082  }
0x22: {  	[simem:s7], [sflag:s8] =	dma.local @!p0 [hbm:s6], $0xF7A  }
0x23: {  	s9 =	sor.u32 $0xD0000000, s2;
	s6 =	simm.s32 $0x108;
	_ =	swait.ge @!p0 [sflag:s8], $0x0  }
0x24: {  	s3 =	sadd.s32 $0x88, s3;
	s6 =	simm.s32 @!p1 $0x1082;
	[sflag:s4] =	ssyncset.s32 $0xFFFFF086  }
0x25: {  	[simem:s6], [sflag:s4] =	dma.local [hbm:s3], $0xF7A  }
0x26: {  	[smem:$0x3F8D] =	sst s1;
	(tag) =	ssettag s2;
	_ =	strace s9  }
0x27: {  	s1 =	sld [smem:$0x3F9D]  }
0x28: {  	s2 =	sld [smem:$0x3F9E]  }
0x29: {  	s4 =	sld [smem:$0x3FA0]  }
0x2a: {  	p0 =	seq.s32 s5, $0x0;
	s5 =	sld [smem:$0x3FA1]  }
0x2b: {  	s6 =	sld [smem:$0x3FA2]  }
0x2c: {  	s7 =	sld [smem:$0x3FA3]  }
0x2d: {  	s3 =	simm.s32 $0x108;
	s8 =	sld [smem:$0x3FA4]  }
0x2e: {  	s3 =	simm.s32 @!p0 $0x1082;
	s9 =	sld [smem:$0x3FA5]  }
0x2f: {  	lr =	sadd.s32 s0, s3;
	s0 =	sld [smem:$0x3F9C]  }
0x30: {  	s3 =	sld [smem:$0x3F9F]  }
0x31: {  	[smem:$0x3FA8] =	sst s10  }
0x32: {  	s10 =	sld [smem:$0x3FA6];
	_ =	sdelay $0x3  }
0x33: {  	p0 =	seq.s32 s10, $0x1;
	s10 =	sld [smem:$0x3FA8];
	_ =	sdelay $0x3  }
0x34: {  	[smem:$0x3FA8] =	sst s10  }
0x35: {  	s10 =	sld [smem:$0x3FA7];
	_ =	sdelay $0x3  }
0x36: {  	p1 =	seq.s32 s10, $0x1;
	s10 =	sld [smem:$0x3FA8];
	_ =	sdelay $0x3  }
0x37: {  	[smem:$0x3FA8] =	sst s10  }
0x38: {  	s10 =	sld [smem:$0x3FA9]  }
0x39: {  	_ = 	snop;
	(pc) =	sbr.ind lr, $3  }
0x3a: {  	_ = 	snop  }
0x3b: {  	_ = 	snop  }
0x3c: {  	p2 =	seq.s32 s10, $0x1;
	s10 =	sld [smem:$0x3FA8]  }
0x3d: {  	_ =	shalt  }
0x3e: {  	_ =	shalt  }
0x3f: {  	_ =	shalt  }
0x40: {  	_ =	shalt  }
0x41: {  	_ =	shalt  }
0x42: {  	_ =	shalt  }
0x43: {  	_ =	shalt  }
0x44: {  	_ =	shalt  }
0x45: {  	_ =	shalt  }
0x46: {  	_ =	shalt  }
0x47: {  	_ =	shalt  }
0x48: {  	_ =	shalt  }
0x49: {  	_ =	shalt  }
0x4a: {  	_ =	shalt  }
0x4b: {  	_ =	shalt  }
0x4c: {  	_ =	shalt  }
0x4d: {  	_ =	shalt  }
0x4e: {  	_ =	shalt  }
0x4f: {  	_ =	shalt  }
0x50: {  	_ =	shalt  }
0x51: {  	_ =	shalt  }
0x52: {  	_ =	shalt  }
0x53: {  	_ =	shalt  }
0x54: {  	_ =	shalt  }
0x55: {  	_ =	shalt  }
0x56: {  	_ =	shalt  }
0x57: {  	_ =	shalt  }
0x58: {  	_ =	shalt  }
0x59: {  	_ =	shalt  }
0x5a: {  	_ =	shalt  }
0x5b: {  	_ =	shalt  }
0x5c: {  	_ =	shalt  }
0x5d: {  	_ =	shalt  }
0x5e: {  	_ =	shalt  }
0x5f: {  	_ =	shalt  }
0x60: {  	_ =	shalt  }
0x61: {  	_ =	shalt  }
0x62: {  	_ =	shalt  }
0x63: {  	_ =	shalt  }
0x64: {  	_ =	shalt  }
0x65: {  	_ =	shalt  }
0x66: {  	_ =	shalt  }
0x67: {  	_ =	shalt  }
0x68: {  	_ =	shalt  }
0x69: {  	_ =	shalt  }
0x6a: {  	_ =	shalt  }
0x6b: {  	_ =	shalt  }
0x6c: {  	_ =	shalt  }
0x6d: {  	_ =	shalt  }
0x6e: {  	_ =	shalt  }
0x6f: {  	_ =	shalt  }
0x70: {  	_ =	shalt  }
0x71: {  	_ =	shalt  }
0x72: {  	_ =	shalt  }
0x73: {  	_ =	shalt  }
0x74: {  	_ =	shalt  }
0x75: {  	_ =	shalt  }
0x76: {  	_ =	shalt  }
0x77: {  	_ =	shalt  }
0x78: {  	_ =	shalt  }
0x79: {  	_ =	shalt  }
0x7a: {  	_ =	shalt  }
0x7b: {  	_ =	shalt  }
0x7c: {  	_ =	shalt  }
0x7d: {  	_ =	shalt  }
0x7e: {  	_ =	shalt  }
0x7f: {  	_ =	shalt  }
0x80: {  	_ =	shalt  }
0x81: {  	_ =	shalt  }
0x82: {  	_ =	shalt  }
0x83: {  	_ =	shalt  }
0x84: {  	_ =	shalt  }
0x85: {  	_ =	shalt  }
0x86: {  	_ =	shalt  }
0x87: {  	_ =	shalt  }
.Lfunc_end0:
.L_simem_size_0:
called_computation.1_lowered:
.L_overlay_start_0:
0x88: {  	s2 =	sld [smem:$0x3FD9]  }
0x89: {  	s3 =	sld [smem:$0x3FFE];
	_ =	sdelay $0x1  }
0x8a: {  	s1 =	srdreg.scid  }
0x8b: {  	s0 =	sand.u32 $0x1, s1  }
0x8c: {  	s16 =	sshll.u32 s0, $0xA;
	s2 =	sadd.s32 s3, s2  }
0x8d: {  	s2 =	sadd.s32 s2, s16  }
0x8e: {  	[smem:$0x3FB4] =	sst s2  }
0x8f: {  	_ = 	snop  }
0x90: {  	(tm) =	ssettm $0x1  }
0x91: {  	s17 =	sld [smem:$0x3FFB];
	_ =	sdelay $0x3  }
0x92: {  	_ =	strace s17  }
0x93: {  	s2 =	sld [smem:$0x3FFC];
	_ =	sdelay $0x3  }
0x94: {  	_ =	strace s2  }
0x95: {  	s2 =	sld [smem:$0x3FFD];
	_ =	sdelay $0x3  }
0x96: {  	_ =	strace s2  }
0x97: {  	_ =	strace $0x8FFFFFFF  }
0x98: {  	s18 =	sld [smem:$0x3FDB];
	_ =	sdelay $0x1  }
0x99: {  	s19 =	simm.s32 $_scs_section_size  }
0x9a: {  	s4 =	simm.s32 $_size__tile_overlayer_lowered;
	s5 =	simm.s32 $_tile_overlayer_lowered  }
0x9b: {  	s22 =	simm.s32 $0x1BFF;
	s21 =	sshll.u32 s5, $0x1;
	s2 =	sadd.s32 s19, s18  }
0x9c: {  	s6 =	simm.s32 $0x0;
	s20 =	sshll.u32 s4, $0x1;
	s4 =	sadd.s32 s21, s2  }
0x9d: {  	[timem:s6], [sflag:s22] =	dma.local [hbm:s4], s20  }
0x9e: {  	_ =	swait.ge [sflag:s22], s20  }
0x9f: {  	s3 =	ssub.s32 $0x0, s20;
	[sflag:s22] =	ssyncset.done $0x0  }
0xa0: {  	[sflag:s22] =	ssyncadd.s32 s3;
	_ =	sdelay $0x1  }
0xa1: {  	s23 =	simm.s32 $0x1B8B  }
0xa2: {  	_ =	swait.ge [sflag:s23], $0x1  }
0xa3: {  	[sflag:s23] =	ssyncset.done $0x0  }
0xa4: {  	s25 =	simm.s32 $0x1B8E;
	s24 =	sld [smem:$0x3FFE];
	[sflag:s23] =	ssyncadd.s32 $0xFFFFFFFF  }
0xa5: {  	s26 =	simm.s32 $execute0_lowered;
	[smem:$0x3FD2] =	sst s25  }
0xa6: {  	s4 =	sshll.u32 s26, $0x1;
	_ =	strace $0x80000049;
	[dreg:$0x1] =	wrdreg $0xFFFFFFFF  }
0xa7: {  	s28 =	simm.s32 $_size_execute0_lowered;
	s2 =	sadd.s32 s2, s4;
	[dreg:$0x0] =	wrdreg $0x0  }
0xa8: {  	s4 =	sshll.u32 s28, $0x1;
	[dreg:$0x2] =	wrdreg s2  }
0xa9: {  	[dreg:$0x3] =	wrdreg s4  }
0xaa: {  	[dreg:$0x4] =	wrdreg $0xC0  }
0xab: {  	_ =	task [dreg:s6], $0x5FFFF  }
0xac: {  	[dreg:$0x1] =	wrdreg $0xFFFFFFFF  }
0xad: {  	[dreg:$0x0] =	wrdreg $0x60  }
0xae: {  	[dreg:$0x2] =	wrdreg s24  }
0xaf: {  	[dreg:$0x3] =	wrdreg $0xA0000  }
0xb0: {  	[dreg:$0x4] =	wrdreg $0x9  }
0xb1: {  	_ =	task.clear_ibuf [dreg:s6], $0x5FFFF;
	_ =	strace $0x90000049  }
0xb2: {  	s29 =	simm.s32 $0x9;
	_ =	strace $0x8000004B  }
0xb3: {  	_ =	swait.ge [sflag:s29], $0x1  }
0xb4: {  	[sflag:s29] =	ssyncadd.s32 $0xFFFFFFFF  }
0xb5: {  	_ =	strace $0x9000004B  }
0xb6: {  	_ =	sfence  }
0xb7: {  	s30 =	sld [smem:$0x0];
	_ =	sdelay $0x2  }
0xb8: {  	s31 =	sshll.u32 s1, $0xD;
	s1 =	sshrl.u32 s1, $0x2  }
0xb9: {  	s3 =	sand.u32 $0x4000, s31;
	s1 =	sadd.s32 s1, s30  }
0xba: {  	s0 =	sor.u32 s3, s0;
	s1 =	sshll.u32 s1, $0x11  }
0xbb: {  	s0 =	sor.u32 s1, s0  }
0xbc: {  	s0 =	sadd.s32 $0x8F2B, s0  }
0xbd: {  	[sflag:s0] =	ssyncadd.remote.s32 $0x1  }
0xbe: {  	_ =	sfence.sel $0xFFFF  }
0xbf: {  	[dreg:$0x0] =	wrdreg $0xFFFFFFFF;
	(pc) =	sbr.abs _section_cstart, $3  }
0xc0: {  	[dreg:$0x1] =	wrdreg $0xFFFFFFFF  }
0xc1: {  	_ =	task.clear_ibuf [dreg:s6], $0x2FFFF;
	_ =	strace $0x9FFFFFFF  }
0xc2: {  	(tm) =	ssettm $0x7FFFFFFF  }
0xc3: {  	_ =	shalt  }
tec
execute0_lowered:
.L_overlay_start_1:
0x0: {  	(tag) =	ssettag $0x1  }
0x1: {  	s0 =	rddreg [dreg:$0x0]  }
0x2: {  	s1 =	rddreg [dreg:$0x1];
	s3 =	simm.s32 $0x0  }
0x3: {  	s19 =	stileid.u32;
	s5 =	srdreg.scid;
	s20 =	simm.s32 $0x64  }
0x4: {  	s21 =	simm.s32 $0x3800;
	s22 =	simm.s32 $0x3;
	s28 =	simm.s32 $0x3400  }
0x5: {  	s29 =	simm.s32 $0x3480;
	s30 =	simm.s32 $0x0;
	[smem:$0x7FF] =	sst s3  }
0x6: {  	s4 =	sadd.s32 $0x21000, s0;
	s2 =	smul.u32 $0x13800, s19;
	s12 =	sadd.s32 $0x5000, s0  }
0x7: {  	s13 =	sadd.s32 $0x13000, s0;
	s9 =	sand.u32 $0x1, s5;
	s6 =	smul.u32 $0x4E000, s19  }
0x8: {  	s14 =	sadd.s32 $0xE4600, s0;
	s11 =	sadd.s32 $0xE4400, s0;
	p0 =	sne.s32 s19, $0xF  }
0x9: {  	_ =	strace $0x8000004A;
	s7 =	sshll.u32 s9, $0x4;
	s8 =	ssub.s32 $0x2, s9  }
0xa: {  	s18 =	smul.u32 $0x138800, s9;
	s23 =	sshrl.u32 s2, $0x3;
	s7 =	sor.u32 s19, s7  }
0xb: {  	s10 =	sshrl.u32 s8, $0x1;
	s6 =	sshrl.u32 s6, $0x2;
	s5 =	sadd.s32 s23, s0  }
0xc: {  	s7 =	smul.u32 $0x3800, s7;
	s16 =	ssub.s32 s8, s10;
	s17 =	sadd.s32 s6, s1  }
0xd: {  	s6 =	sshll.u32 s19, $0x6;
	s10 =	sadd.s32 $0x138000, s1;
	s2 =	sadd.s32 s2, s18  }
0xe: {  	s31 =	sshrl.u32 s18, $0x3;
	s18 =	simm.s32 $0x4;
	s19 =	simm.s32 $0x1C00  }
0xf: {  	s23 =	simm.s32 $0x6C00;
	s5 =	sadd.s32 $0xBD400, s5;
	s24 =	sor.u32 $0x1C03, s6  }
0x10: {  	s2 =	sshrl.u32 s2, $0x3;
	s16 =	smax.u32 s16, $0x1;
	[dreg:$0x3] =	wrdreg s5  }
0x11: {  	s17 =	sshrl.u32 s17, $0x3;
	s15 =	sshrl.u32 s7, $0x3;
	[dreg:$0x4] =	wrdreg s24  }
0x12: {  	s24 =	simm.s32 $0x1;
	s25 =	sadd.s32 s12, s15;
	s9 =	sadd.s32 s13, s15  }
0x13: {  	s26 =	sadd.s32 $0x380, s15;
	s15 =	sadd.s32 s14, s31;
	s14 =	sadd.s32 s14, s2  }
0x14: {  	[dreg:$0x5] =	wrdreg s25;
	s12 =	sadd.s32 s12, s26;
	s13 =	sadd.s32 s13, s26  }
0x15: {  	s15 =	sadd.s32 $0x27000, s15;
	s25 =	simm.s32 $0x2;
	s26 =	simm.s32 $0x1880  }
.LBB2_1:
0x16: {  	s0 =	rddreg [dreg:$0x3]  }
0x17: {  	s2 =	rddreg [dreg:$0x4]  }
0x18: {  	[spmem:s17], [sflag:s2] =	dma.local [hbm:s0], $0x2700  }
0x19: {  	s0 =	rddreg [dreg:$0x5]  }
0x1a: {  	[tilespmem:s3], [sflag:$0x4] =	stream.linear.gather [hbm4b:s0+s3], $0x1900, $0x38;
	[tilespmem:$0x1D880] =	vst v63  }
0x1b: {  	_ =	swait.ge [sflag:s18], $0x1900  }
0x1c: {  	[sflag:s18] =	ssyncset.done $0x0  }
0x1d: {  	[sflag:s18] =	ssyncadd.s32 $0xFFFFE700  }
0x1e: {  	[tilespmem:s19], [sflag:$0x4] =	stream.linear.gather [hbm4b:s9+s3], $0x1900, $0x38;
	[tilespmem:$0x1D880] =	vst v63  }
0x1f: {  	_ =	swait.ge [sflag:s18], $0x1900  }
0x20: {  	[sflag:s18] =	ssyncset.done $0x0  }
0x21: {  	[sflag:s18] =	ssyncadd.s32 $0xFFFFE700  }
0x22: {  	[tilespmem:s21], [sflag:$0x1] =	stream.indirect.gather [hbm4b:s4+s20], $0x80, s3, s20, $0xb8;
	[tilespmem:$0x1D880] =	vst v63  }
0x23: {  	_ =	swait.ge [sflag:s22], $0x2700  }
0x24: {  	[sflag:s22] =	ssyncset.done $0x0  }
0x25: {  	s31 =	sshrl.u32 @!p0 s10, $0x3;
	s0 =	simm.s32 @!p0 $0x1FC4;
	[sflag:s22] =	ssyncadd.s32 $0xFFFFD900  }
0x26: {  	[spmem:s31], [sflag:s0] =	dma.local @!p0 [hbm:s11], $0x100  }
0x27: {  	s0 =	simm.s32 @!p0 $0x4  }
0x28: {  	_ =	swait.ge @!p0 [sflag:s0], $0x100  }
0x29: {  	[sflag:s0] =	ssyncset.done @!p0 $0x0  }
0x2a: {  	[sflag:s0] =	ssyncadd.s32 @!p0 $0xFFFFFF00  }
0x2b: {  	s2 =	simm.s32 $0x80;
	[bflag:$0x0] =	sbarrier.arrive $0xFFFF  }
0x2c: {  	[tilespmem:s23], [sflag:$0x2] =	stream.indirect.gather [hbm4b:s4+s20], $0x80, s2, s20, $0xb8;
	[tilespmem:$0x1D880] =	vst v63  }
0x2d: {  	_ =	swait.ge [sflag:s24], $0x3200  }
0x2e: {  	[sflag:s24] =	ssyncset.done $0x0  }
0x2f: {  	s5 =	simm.s32 $0x1C00;
	[sflag:s24] =	ssyncadd.s32 $0xFFFFCE00  }
0x30: {  	[spmem:s1] =	stream.indirect.scatter.add.f32 [tilespmem:s21], [sflag:$0x4], $0x80, s5, s20, $0xb8;
	[tilespmem:$0x1D880] =	vst v63  }
0x31: {  	_ =	swait.ge [sflag:s18], $0x3200  }
0x32: {  	[sflag:s18] =	ssyncset.done $0x0  }
0x33: {  	s7 =	simm.s32 $0x100;
	[sflag:s18] =	ssyncadd.s32 $0xFFFFCE00  }
0x34: {  	[tilespmem:s21], [sflag:$0x1] =	stream.indirect.gather [hbm4b:s4+s20], $0x80, s7, s20, $0xb8;
	[tilespmem:$0x1D880] =	vst v63  }
0x35: {  	_ =	swait.ge [sflag:s25], $0x3200  }
0x36: {  	[sflag:s25] =	ssyncset.done $0x0  }
0x37: {  	s8 =	simm.s32 $0x1C80;
	[sflag:s25] =	ssyncadd.s32 $0xFFFFCE00  }
0x38: {  	[spmem:s1] =	stream.indirect.scatter.add.f32 [tilespmem:s23], [sflag:$0x4], $0x80, s8, s20, $0xb8;
	[tilespmem:$0x1D880] =	vst v63  }
0x39: {  	_ =	swait.ge [sflag:s18], $0x3200  }
0x3a: {  	s0 =	simm.s32 $0x100;
	s2 =	simm.s32 $0x800;
	[sflag:s18] =	ssyncset.done $0x0  }
.LBB2_2:
0x3b: {  	s5 =	sadd.s32 $0x80, s0  }
0x3c: {  	[sflag:s18] =	ssyncadd.s32 $0xFFFFCE00;
	s7 =	smov.u32 s2;
	s8 =	sadd.s32 $0x400, s2  }
0x3d: {  	[tilespmem:s23], [sflag:$0x2] =	stream.indirect.gather [hbm4b:s4+s20], $0x80, s5, s20, $0xb8;
	[tilespmem:$0x1D880] =	vst v63  }
0x3e: {  	p1 =	sne.s32 s2, $0x5C00;
	_ =	swait.ge [sflag:s24], $0x3200  }
0x3f: {  	[sflag:s24] =	ssyncset.done $0x0  }
0x40: {  	s2 =	sadd.s32 $0x1C00, s0;
	[sflag:s24] =	ssyncadd.s32 $0xFFFFCE00  }
0x41: {  	[spmem:s1] =	stream.indirect.scatter.add.f32 [tilespmem:s21], [sflag:$0x4], $0x80, s2, s20, $0xb8;
	[tilespmem:$0x1D880] =	vst v63  }
0x42: {  	_ =	swait.ge [sflag:s18], $0x3200  }
0x43: {  	[sflag:s18] =	ssyncset.done $0x0  }
0x44: {  	s2 =	sadd.s32 $0x100, s0;
	[sflag:s18] =	ssyncadd.s32 $0xFFFFCE00  }
0x45: {  	[tilespmem:s21], [sflag:$0x1] =	stream.indirect.gather [hbm4b:s4+s20], $0x80, s2, s20, $0xb8;
	[tilespmem:$0x1D880] =	vst v63  }
0x46: {  	_ =	swait.ge [sflag:s25], $0x3200  }
.Ltmp0:
0x47: {  	[sflag:s25] =	ssyncset.done $0x0;
	(pc) =	sbr.rel @p1 .LBB2_2-.Ltmp0, $4  }
0x48: {  	s0 =	sadd.s32 $0x1C80, s0;
	[sflag:s25] =	ssyncadd.s32 $0xFFFFCE00  }
0x49: {  	[spmem:s1] =	stream.indirect.scatter.add.f32 [tilespmem:s23], [sflag:$0x4], $0x80, s0, s20, $0xb8;
	[tilespmem:$0x1D880] =	vst v63  }
0x4a: {  	_ =	swait.ge [sflag:s18], $0x3200  }
0x4b: {  	s2 =	smov.u32 s8;
	s0 =	sshra.s32 s7, $0x2;
	[sflag:s18] =	ssyncset.done $0x0  }
0x4c: {  	s2 =	sadd.s32 $0x80, s0;
	[sflag:s18] =	ssyncadd.s32 $0xFFFFCE00  }
0x4d: {  	[tilespmem:s23], [sflag:$0x2] =	stream.indirect.gather [hbm4b:s4+s20], $0x80, s2, s20, $0xb8;
	[tilespmem:$0x1D880] =	vst v63  }
0x4e: {  	_ =	swait.ge [sflag:s24], $0x3200  }
0x4f: {  	[sflag:s24] =	ssyncset.done $0x0  }
0x50: {  	s8 =	sadd.s32 $0x1C00, s0;
	[sflag:s24] =	ssyncadd.s32 $0xFFFFCE00  }
0x51: {  	[spmem:s1] =	stream.indirect.scatter.add.f32 [tilespmem:s21], [sflag:$0x4], $0x80, s8, s20, $0xb8;
	[tilespmem:$0x1D880] =	vst v63  }
0x52: {  	_ =	swait.ge [sflag:s18], $0x3200  }
0x53: {  	[sflag:s18] =	ssyncset.done $0x0  }
0x54: {  	s5 =	sadd.s32 $0x100, s0;
	[sflag:s18] =	ssyncadd.s32 $0xFFFFCE00  }
0x55: {  	[tilespmem:s21], [sflag:$0x1] =	stream.indirect.gather [hbm4b:s4+s20], $0x80, s5, s20, $0xb8;
	[tilespmem:$0x1D880] =	vst v63  }
0x56: {  	_ =	swait.ge [sflag:s25], $0x3200  }
0x57: {  	[sflag:s25] =	ssyncset.done $0x0  }
0x58: {  	s7 =	sadd.s32 $0x1C80, s0;
	[sflag:s25] =	ssyncadd.s32 $0xFFFFCE00  }
0x59: {  	[spmem:s1] =	stream.indirect.scatter.add.f32 [tilespmem:s23], [sflag:$0x4], $0x80, s7, s20, $0xb8;
	[tilespmem:$0x1D880] =	vst v63  }
0x5a: {  	_ =	swait.ge [sflag:s18], $0x3200  }
0x5b: {  	[sflag:s18] =	ssyncset.done $0x0  }
0x5c: {  	[sflag:s18] =	ssyncadd.s32 $0xFFFFCE00  }
0x5d: {  	[tilespmem:s23], [sflag:$0x2] =	stream.indirect.gather [hbm4b:s4+s20], $0x80, s26, s20, $0xb8;
	[tilespmem:$0x1D880] =	vst v63  }
0x5e: {  	_ =	swait.ge [sflag:s24], $0x3200  }
0x5f: {  	[sflag:s24] =	ssyncset.done $0x0  }
0x60: {  	[sflag:s24] =	ssyncadd.s32 $0xFFFFCE00  }
0x61: {  	[spmem:s1] =	stream.indirect.scatter.add.f32 [tilespmem:s21], [sflag:$0x4], $0x80, s28, s20, $0xb8;
	[tilespmem:$0x1D880] =	vst v63  }
0x62: {  	_ =	swait.ge [sflag:s18], $0x3200  }
0x63: {  	[sflag:s18] =	ssyncset.done $0x0  }
0x64: {  	[sflag:s18] =	ssyncadd.s32 $0xFFFFCE00  }
0x65: {  	_ =	swait.ge [sflag:s25], $0x3200  }
0x66: {  	[sflag:s25] =	ssyncset.done $0x0  }
0x67: {  	[sflag:s25] =	ssyncadd.s32 $0xFFFFCE00  }
0x68: {  	[spmem:s1] =	stream.indirect.scatter.add.f32 [tilespmem:s23], [sflag:$0x4], $0x80, s29, s20, $0xb8;
	[tilespmem:$0x1D880] =	vst v63  }
0x69: {  	_ =	swait.ge [sflag:s18], $0x3200  }
0x6a: {  	[sflag:s18] =	ssyncset.done $0x0  }
0x6b: {  	s8 =	simm.s32 $0x0;
	[sflag:s18] =	ssyncadd.s32 $0xFFFFCE00  }
0x6c: {  	[tilespmem:s8], [sflag:$0x4] =	stream.linear.gather [hbm4b:s12+s8], $0x1900, $0x38;
	[tilespmem:$0x1D880] =	vst v63  }
0x6d: {  	_ =	swait.ge [sflag:s18], $0x1900  }
0x6e: {  	[sflag:s18] =	ssyncset.done $0x0  }
0x6f: {  	[sflag:s18] =	ssyncadd.s32 $0xFFFFE700  }
0x70: {  	[tilespmem:s19], [sflag:$0x4] =	stream.linear.gather [hbm4b:s13+s8], $0x1900, $0x38;
	[tilespmem:$0x1D880] =	vst v63  }
0x71: {  	_ =	swait.ge [sflag:s18], $0x1900  }
0x72: {  	[sflag:s18] =	ssyncset.done $0x0  }
0x73: {  	[sflag:s18] =	ssyncadd.s32 $0xFFFFE700  }
0x74: {  	[tilespmem:s21], [sflag:$0x1] =	stream.indirect.gather [hbm4b:s4+s20], $0x80, s8, s20, $0xb8;
	[tilespmem:$0x1D880] =	vst v63  }
0x75: {  	s2 =	simm.s32 $0x80  }
0x76: {  	[tilespmem:s23], [sflag:$0x2] =	stream.indirect.gather [hbm4b:s4+s20], $0x80, s2, s20, $0xb8;
	[tilespmem:$0x1D880] =	vst v63  }
0x77: {  	_ =	swait.ge [sflag:s24], $0x3200  }
0x78: {  	[sflag:s24] =	ssyncset.done $0x0  }
0x79: {  	s5 =	simm.s32 $0x1C00;
	[sflag:s24] =	ssyncadd.s32 $0xFFFFCE00  }
0x7a: {  	[spmem:s1] =	stream.indirect.scatter.add.f32 [tilespmem:s21], [sflag:$0x4], $0x80, s5, s20, $0xb8;
	[tilespmem:$0x1D880] =	vst v63  }
0x7b: {  	_ =	swait.ge [sflag:s18], $0x3200  }
0x7c: {  	[sflag:s18] =	ssyncset.done $0x0  }
0x7d: {  	s7 =	simm.s32 $0x100;
	[sflag:s18] =	ssyncadd.s32 $0xFFFFCE00  }
0x7e: {  	[tilespmem:s21], [sflag:$0x1] =	stream.indirect.gather [hbm4b:s4+s20], $0x80, s7, s20, $0xb8;
	[tilespmem:$0x1D880] =	vst v63  }
0x7f: {  	_ =	swait.ge [sflag:s25], $0x3200  }
0x80: {  	[sflag:s25] =	ssyncset.done $0x0  }
0x81: {  	s8 =	simm.s32 $0x1C80;
	[sflag:s25] =	ssyncadd.s32 $0xFFFFCE00  }
0x82: {  	[spmem:s1] =	stream.indirect.scatter.add.f32 [tilespmem:s23], [sflag:$0x4], $0x80, s8, s20, $0xb8;
	[tilespmem:$0x1D880] =	vst v63  }
0x83: {  	_ =	swait.ge [sflag:s18], $0x3200  }
0x84: {  	s0 =	simm.s32 $0x100;
	s2 =	simm.s32 $0x800;
	[sflag:s18] =	ssyncset.done $0x0  }
.LBB2_4:
0x85: {  	s5 =	sadd.s32 $0x80, s0  }
0x86: {  	[sflag:s18] =	ssyncadd.s32 $0xFFFFCE00;
	s7 =	smov.u32 s2;
	s8 =	sadd.s32 $0x400, s2  }
0x87: {  	[tilespmem:s23], [sflag:$0x2] =	stream.indirect.gather [hbm4b:s4+s20], $0x80, s5, s20, $0xb8;
	[tilespmem:$0x1D880] =	vst v63  }
0x88: {  	p1 =	sne.s32 s2, $0x5C00;
	_ =	swait.ge [sflag:s24], $0x3200  }
0x89: {  	[sflag:s24] =	ssyncset.done $0x0  }
0x8a: {  	s2 =	sadd.s32 $0x1C00, s0;
	[sflag:s24] =	ssyncadd.s32 $0xFFFFCE00  }
0x8b: {  	[spmem:s1] =	stream.indirect.scatter.add.f32 [tilespmem:s21], [sflag:$0x4], $0x80, s2, s20, $0xb8;
	[tilespmem:$0x1D880] =	vst v63  }
0x8c: {  	_ =	swait.ge [sflag:s18], $0x3200  }
0x8d: {  	[sflag:s18] =	ssyncset.done $0x0  }
0x8e: {  	s2 =	sadd.s32 $0x100, s0;
	[sflag:s18] =	ssyncadd.s32 $0xFFFFCE00  }
0x8f: {  	[tilespmem:s21], [sflag:$0x1] =	stream.indirect.gather [hbm4b:s4+s20], $0x80, s2, s20, $0xb8;
	[tilespmem:$0x1D880] =	vst v63  }
0x90: {  	_ =	swait.ge [sflag:s25], $0x3200  }
.Ltmp1:
0x91: {  	[sflag:s25] =	ssyncset.done $0x0;
	(pc) =	sbr.rel @p1 .LBB2_4-.Ltmp1, $4  }
0x92: {  	s0 =	sadd.s32 $0x1C80, s0;
	[sflag:s25] =	ssyncadd.s32 $0xFFFFCE00  }
0x93: {  	[spmem:s1] =	stream.indirect.scatter.add.f32 [tilespmem:s23], [sflag:$0x4], $0x80, s0, s20, $0xb8;
	[tilespmem:$0x1D880] =	vst v63  }
0x94: {  	_ =	swait.ge [sflag:s18], $0x3200  }
0x95: {  	s2 =	smov.u32 s8;
	s0 =	sshra.s32 s7, $0x2;
	[sflag:s18] =	ssyncset.done $0x0  }
0x96: {  	s2 =	sadd.s32 $0x80, s0;
	[sflag:s18] =	ssyncadd.s32 $0xFFFFCE00  }
0x97: {  	[tilespmem:s23], [sflag:$0x2] =	stream.indirect.gather [hbm4b:s4+s20], $0x80, s2, s20, $0xb8;
	[tilespmem:$0x1D880] =	vst v63  }
0x98: {  	_ =	swait.ge [sflag:s24], $0x3200  }
0x99: {  	[sflag:s24] =	ssyncset.done $0x0  }
0x9a: {  	s5 =	sadd.s32 $0x1C00, s0;
	[sflag:s24] =	ssyncadd.s32 $0xFFFFCE00  }
0x9b: {  	[spmem:s1] =	stream.indirect.scatter.add.f32 [tilespmem:s21], [sflag:$0x4], $0x80, s5, s20, $0xb8;
	[tilespmem:$0x1D880] =	vst v63  }
0x9c: {  	_ =	swait.ge [sflag:s18], $0x3200  }
0x9d: {  	[sflag:s18] =	ssyncset.done $0x0  }
0x9e: {  	s7 =	sadd.s32 $0x100, s0;
	[sflag:s18] =	ssyncadd.s32 $0xFFFFCE00  }
0x9f: {  	[tilespmem:s21], [sflag:$0x1] =	stream.indirect.gather [hbm4b:s4+s20], $0x80, s7, s20, $0xb8;
	[tilespmem:$0x1D880] =	vst v63  }
0xa0: {  	_ =	swait.ge [sflag:s25], $0x3200  }
0xa1: {  	[sflag:s25] =	ssyncset.done $0x0  }
0xa2: {  	s8 =	sadd.s32 $0x1C80, s0;
	[sflag:s25] =	ssyncadd.s32 $0xFFFFCE00  }
0xa3: {  	[spmem:s1] =	stream.indirect.scatter.add.f32 [tilespmem:s23], [sflag:$0x4], $0x80, s8, s20, $0xb8;
	[tilespmem:$0x1D880] =	vst v63  }
0xa4: {  	_ =	swait.ge [sflag:s18], $0x3200  }
0xa5: {  	[sflag:s18] =	ssyncset.done $0x0  }
0xa6: {  	[sflag:s18] =	ssyncadd.s32 $0xFFFFCE00  }
0xa7: {  	[tilespmem:s23], [sflag:$0x2] =	stream.indirect.gather [hbm4b:s4+s20], $0x80, s26, s20, $0xb8;
	[tilespmem:$0x1D880] =	vst v63  }
0xa8: {  	_ =	swait.ge [sflag:s24], $0x3200  }
0xa9: {  	[sflag:s24] =	ssyncset.done $0x0  }
0xaa: {  	[sflag:s24] =	ssyncadd.s32 $0xFFFFCE00  }
0xab: {  	[spmem:s1] =	stream.indirect.scatter.add.f32 [tilespmem:s21], [sflag:$0x4], $0x80, s28, s20, $0xb8;
	[tilespmem:$0x1D880] =	vst v63  }
0xac: {  	_ =	swait.ge [sflag:s18], $0x3200  }
0xad: {  	[sflag:s18] =	ssyncset.done $0x0  }
0xae: {  	[sflag:s18] =	ssyncadd.s32 $0xFFFFCE00  }
0xaf: {  	_ =	swait.ge [sflag:s25], $0x3200  }
0xb0: {  	[sflag:s25] =	ssyncset.done $0x0  }
0xb1: {  	[sflag:s25] =	ssyncadd.s32 $0xFFFFCE00  }
0xb2: {  	[spmem:s1] =	stream.indirect.scatter.add.f32 [tilespmem:s23], [sflag:$0x4], $0x80, s29, s20, $0xb8;
	[tilespmem:$0x1D880] =	vst v63  }
0xb3: {  	_ =	swait.ge [sflag:s18], $0x3200  }
0xb4: {  	[sflag:s18] =	ssyncset.done $0x0  }
0xb5: {  	[sflag:s18] =	ssyncadd.s32 $0xFFFFCE00  }
0xb6: {  	s0 =	sor.u32 $0x1C04, s6;
	[bflag:$0x0] =	sbarrier.arrive $0xFFFF  }
0xb7: {  	[hbm:s14], [sflag:s0] =	dma.local [spmem:s17], $0x2700  }
0xb8: {  	_ =	swait.ge [sflag:s18], $0x2700  }
0xb9: {  	s30 =	sadd.s32 $0x1, s30;
	[sflag:s18] =	ssyncset.done $0x0  }
0xba: {  	p1 =	sne.s32 s30, s16;
	[sflag:s18] =	ssyncadd.s32 $0xFFFFD900  }
0xbb: {  	[hbm:s15], [sflag:s0] =	dma.local @!p0 [spmem:s31], $0x100  }
.Ltmp2:
0xbc: {  	_ = 	snop;
	(pc) =	sbr.rel @p1 .LBB2_1-.Ltmp2, $4  }
0xbd: {  	s0 =	simm.s32 @!p0 $0x4  }
0xbe: {  	_ =	swait.ge @!p0 [sflag:s0], $0x100  }
0xbf: {  	[sflag:s0] =	ssyncset.done @!p0 $0x0  }
0xc0: {  	[sflag:s0] =	ssyncadd.s32 @!p0 $0xFFFFFF00  }
0xc1: {  	_ =	sfence.sel $0x180000  }
0xc2: {  	[bflag:$0x0] =	sbarrier.arrive $0xFFFF  }
0xc3: {  	_ =	strace $0x9000004A  }
0xc4: {  	s0 =	stileid.u32;
	[bflag:$0x2] =	sbarrier.arrive $0xFFFF  }
0xc5: {  	p0 =	sne.s32 s0, $0x0;
	s0 =	rddreg [dreg:$0x2]  }
0xc6: {  	s0 =	sadd.s32 @!p0 $0x100000, s0  }
0xc7: {  	[sflag:s0] =	ssyncadd.tile.s32 @!p0 $0x1;
	_ =	shalt  }
.Lfunc_end2:
_tile_overlayer_lowered:
.L_overlay_start_2:
0xc8: {  	(tag) =	ssettag $0x2  }
0xc9: {  	s0 =	rddreg [dreg:$0x0];
	s2 =	stileid.u32  }
0xca: {  	s1 =	rddreg [dreg:$0x1];
	p0 =	sne.s32 s2, $0x0  }
0xcb: {  	s3 =	rddreg [dreg:$0x2];
	[bflag:$0x3] =	sbarrier.arrive $0xFFFF;
	s2 =	simm.s32 @!p0 $0x1C04  }
0xcc: {  	[timem:s3], [sflag:s2] =	dma.local @!p0 [hbm:s0], s1  }
0xcd: {  	s0 =	simm.s32 @!p0 $0x4  }
0xce: {  	_ =	swait.ge @!p0 [sflag:s0], s1  }
0xcf: {  	s1 =	ssub.s32 @!p0 $0x0, s1;
	[sflag:s0] =	ssyncset.done @!p0 $0x0  }
0xd0: {  	[sflag:s0] =	ssyncadd.s32 @!p0 s1  }
0xd1: {  	[bflag:$0x3] =	sbarrier.arrive $0xFFFF  }
0xd2: {  	_ =	shalt  }

// kernel: kernel.22.cloned.1.call-start
scs
__scs_entry_jumppad:
0x0: {  	(pc) =	sbr.rel $0x88, $3  }
0x1: {  	(tag) =	ssettag $0x0;
	lr =	simm.s32 $0x1  }
0x2: {  	[smem:$0x3F8D] =	sst lr;
	_ =	strace $0xD0000000  }
0x3: {  	_ = 	snop  }
0x4: {  	_ = 	snop  }
0x5: {  	_ = 	snop  }
0x6: {  	_ = 	snop  }
0x7: {  	_ = 	snop  }
__scs_overlays_trampoline_lowered:
0x8: {  	[smem:$0x3F9C] =	sst s0  }
0x9: {  	[smem:$0x3F9D] =	sst s1  }
0xa: {  	[smem:$0x3F9E] =	sst s2  }
0xb: {  	[smem:$0x3F9F] =	sst s3  }
0xc: {  	[smem:$0x3FA0] =	sst s4  }
0xd: {  	[smem:$0x3FA1] =	sst s5  }
0xe: {  	[smem:$0x3FA2] =	sst s6  }
0xf: {  	[smem:$0x3FA3] =	sst s7  }
0x10: {  	[smem:$0x3FA4] =	sst s8  }
0x11: {  	[smem:$0x3FA5] =	sst s9;
	s0 =	simm.s32 @!p0 $0x0  }
0x12: {  	s1 =	sld [smem:$0x3F8B];
	s0 =	simm.s32 @p0 $0x1  }
0x13: {  	[smem:$0x3FA6] =	sst s0;
	s0 =	simm.s32 @!p1 $0x0  }
0x14: {  	s2 =	sld [smem:$0x3F8A];
	s0 =	simm.s32 @p1 $0x1  }
0x15: {  	[smem:$0x3FA7] =	sst s0;
	s0 =	simm.s32 @!p2 $0x0  }
0x16: {  	s3 =	sld [smem:$0x3FDB];
	s0 =	simm.s32 @p2 $0x1  }
0x17: {  	s4 =	simm.s32 $0x1BF5;
	[smem:$0x3FA9] =	sst s0  }
0x18: {  	s0 =	sld [smem:$0x3F8C];
	_ =	swait.ge [sflag:s4], $0x0  }
0x19: {  	s7 =	sld [smem:$0x3F8D]  }
0x1a: {  	s8 =	sadd.s32 $0xFFFFE003, lr  }
0x1b: {  	s9 =	sadd.s32 $0xFFFFFEF7, lr;
	s5 =	simm.s32 $0xFFFFFFFF;
	p2 =	slt.u32 s8, $0xFFFFF086  }
0x1c: {  	p1 =	slt.u32 s9, $0xF7A;
	s5 =	simm.s32 @!p2 $0x0  }
0x1d: {  	s5 =	simm.s32 @p1 $0x1;
	p0 =	seq.s32 s7, s2  }
0x1e: {  	s7 =	smul.u32 @!p0 $0xF7A, s2;
	p2 =	seq.s32 @!p0 s5, $0x0  }
0x1f: {  	s9 =	smul.u32 $0xF7A, s1;
	s8 =	simm.s32 @!p0 $0x1BF5;
	p2 =	por !p2, p0  }
0x20: {  	[sflag:s8] =	ssyncset.s32 @!p0 $0xFFFFF086;
	s6 =	sadd.s32 @!p0 s3, s7;
	s7 =	simm.s32 @!p0 $0x108  }
0x21: {  	s3 =	sadd.s32 s3, s9;
	s6 =	sadd.s32 @!p0 $0x88, s6;
	s7 =	simm.s32 @p2 $0x1082  }
0x22: {  	[simem:s7], [sflag:s8] =	dma.local @!p0 [hbm:s6], $0xF7A  }
0x23: {  	s9 =	sor.u32 $0xD0000000, s2;
	s6 =	simm.s32 $0x108;
	_ =	swait.ge @!p0 [sflag:s8], $0x0  }
0x24: {  	s3 =	sadd.s32 $0x88, s3;
	s6 =	simm.s32 @!p1 $0x1082;
	[sflag:s4] =	ssyncset.s32 $0xFFFFF086  }
0x25: {  	[simem:s6], [sflag:s4] =	dma.local [hbm:s3], $0xF7A  }
0x26: {  	[smem:$0x3F8D] =	sst s1;
	(tag) =	ssettag s2;
	_ =	strace s9  }
0x27: {  	s1 =	sld [smem:$0x3F9D]  }
0x28: {  	s2 =	sld [smem:$0x3F9E]  }
0x29: {  	s4 =	sld [smem:$0x3FA0]  }
0x2a: {  	p0 =	seq.s32 s5, $0x0;
	s5 =	sld [smem:$0x3FA1]  }
0x2b: {  	s6 =	sld [smem:$0x3FA2]  }
0x2c: {  	s7 =	sld [smem:$0x3FA3]  }
0x2d: {  	s3 =	simm.s32 $0x108;
	s8 =	sld [smem:$0x3FA4]  }
0x2e: {  	s3 =	simm.s32 @!p0 $0x1082;
	s9 =	sld [smem:$0x3FA5]  }
0x2f: {  	lr =	sadd.s32 s0, s3;
	s0 =	sld [smem:$0x3F9C]  }
0x30: {  	s3 =	sld [smem:$0x3F9F]  }
0x31: {  	[smem:$0x3FA8] =	sst s10  }
0x32: {  	s10 =	sld [smem:$0x3FA6];
	_ =	sdelay $0x3  }
0x33: {  	p0 =	seq.s32 s10, $0x1;
	s10 =	sld [smem:$0x3FA8];
	_ =	sdelay $0x3  }
0x34: {  	[smem:$0x3FA8] =	sst s10  }
0x35: {  	s10 =	sld [smem:$0x3FA7];
	_ =	sdelay $0x3  }
0x36: {  	p1 =	seq.s32 s10, $0x1;
	s10 =	sld [smem:$0x3FA8];
	_ =	sdelay $0x3  }
0x37: {  	[smem:$0x3FA8] =	sst s10  }
0x38: {  	s10 =	sld [smem:$0x3FA9]  }
0x39: {  	_ = 	snop;
	(pc) =	sbr.ind lr, $3  }
0x3a: {  	_ = 	snop  }
0x3b: {  	_ = 	snop  }
0x3c: {  	p2 =	seq.s32 s10, $0x1;
	s10 =	sld [smem:$0x3FA8]  }
0x3d: {  	_ =	shalt  }
0x3e: {  	_ =	shalt  }
0x3f: {  	_ =	shalt  }
0x40: {  	_ =	shalt  }
0x41: {  	_ =	shalt  }
0x42: {  	_ =	shalt  }
0x43: {  	_ =	shalt  }
0x44: {  	_ =	shalt  }
0x45: {  	_ =	shalt  }
0x46: {  	_ =	shalt  }
0x47: {  	_ =	shalt  }
0x48: {  	_ =	shalt  }
0x49: {  	_ =	shalt  }
0x4a: {  	_ =	shalt  }
0x4b: {  	_ =	shalt  }
0x4c: {  	_ =	shalt  }
0x4d: {  	_ =	shalt  }
0x4e: {  	_ =	shalt  }
0x4f: {  	_ =	shalt  }
0x50: {  	_ =	shalt  }
0x51: {  	_ =	shalt  }
0x52: {  	_ =	shalt  }
0x53: {  	_ =	shalt  }
0x54: {  	_ =	shalt  }
0x55: {  	_ =	shalt  }
0x56: {  	_ =	shalt  }
0x57: {  	_ =	shalt  }
0x58: {  	_ =	shalt  }
0x59: {  	_ =	shalt  }
0x5a: {  	_ =	shalt  }
0x5b: {  	_ =	shalt  }
0x5c: {  	_ =	shalt  }
0x5d: {  	_ =	shalt  }
0x5e: {  	_ =	shalt  }
0x5f: {  	_ =	shalt  }
0x60: {  	_ =	shalt  }
0x61: {  	_ =	shalt  }
0x62: {  	_ =	shalt  }
0x63: {  	_ =	shalt  }
0x64: {  	_ =	shalt  }
0x65: {  	_ =	shalt  }
0x66: {  	_ =	shalt  }
0x67: {  	_ =	shalt  }
0x68: {  	_ =	shalt  }
0x69: {  	_ =	shalt  }
0x6a: {  	_ =	shalt  }
0x6b: {  	_ =	shalt  }
0x6c: {  	_ =	shalt  }
0x6d: {  	_ =	shalt  }
0x6e: {  	_ =	shalt  }
0x6f: {  	_ =	shalt  }
0x70: {  	_ =	shalt  }
0x71: {  	_ =	shalt  }
0x72: {  	_ =	shalt  }
0x73: {  	_ =	shalt  }
0x74: {  	_ =	shalt  }
0x75: {  	_ =	shalt  }
0x76: {  	_ =	shalt  }
0x77: {  	_ =	shalt  }
0x78: {  	_ =	shalt  }
0x79: {  	_ =	shalt  }
0x7a: {  	_ =	shalt  }
0x7b: {  	_ =	shalt  }
0x7c: {  	_ =	shalt  }
0x7d: {  	_ =	shalt  }
0x7e: {  	_ =	shalt  }
0x7f: {  	_ =	shalt  }
0x80: {  	_ =	shalt  }
0x81: {  	_ =	shalt  }
0x82: {  	_ =	shalt  }
0x83: {  	_ =	shalt  }
0x84: {  	_ =	shalt  }
0x85: {  	_ =	shalt  }
0x86: {  	_ =	shalt  }
0x87: {  	_ =	shalt  }
.Lfunc_end0:
.L_simem_size_0:
called_computation.2_lowered:
.L_overlay_start_0:
0x88: {  	s2 =	sld [smem:$0x3FD9]  }
0x89: {  	s3 =	sld [smem:$0x3FFE];
	_ =	sdelay $0x1  }
0x8a: {  	s1 =	srdreg.scid  }
0x8b: {  	s0 =	sand.u32 $0x1, s1  }
0x8c: {  	s16 =	sshll.u32 s0, $0xA;
	s2 =	sadd.s32 s3, s2  }
0x8d: {  	s2 =	sadd.s32 s2, s16  }
0x8e: {  	[smem:$0x3FB4] =	sst s2  }
0x8f: {  	_ = 	snop  }
0x90: {  	(tm) =	ssettm $0x1  }
0x91: {  	s17 =	sld [smem:$0x3FFB];
	_ =	sdelay $0x3  }
0x92: {  	_ =	strace s17  }
0x93: {  	s2 =	sld [smem:$0x3FFC];
	_ =	sdelay $0x3  }
0x94: {  	_ =	strace s2  }
0x95: {  	s2 =	sld [smem:$0x3FFD];
	_ =	sdelay $0x3  }
0x96: {  	_ =	strace s2  }
0x97: {  	_ =	strace $0x8FFFFFFF  }
0x98: {  	s18 =	sld [smem:$0x3FDB];
	_ =	sdelay $0x1  }
0x99: {  	s19 =	simm.s32 $_scs_section_size  }
0x9a: {  	s4 =	simm.s32 $_size__tile_overlayer_lowered;
	s5 =	simm.s32 $_tile_overlayer_lowered  }
0x9b: {  	s22 =	simm.s32 $0x1BFF;
	s21 =	sshll.u32 s5, $0x1;
	s2 =	sadd.s32 s19, s18  }
0x9c: {  	s6 =	simm.s32 $0x0;
	s20 =	sshll.u32 s4, $0x1;
	s4 =	sadd.s32 s21, s2  }
0x9d: {  	[timem:s6], [sflag:s22] =	dma.local [hbm:s4], s20  }
0x9e: {  	_ =	swait.ge [sflag:s22], s20  }
0x9f: {  	s3 =	ssub.s32 $0x0, s20;
	[sflag:s22] =	ssyncset.done $0x0  }
0xa0: {  	[sflag:s22] =	ssyncadd.s32 s3;
	_ =	sdelay $0x1  }
0xa1: {  	s23 =	simm.s32 $0x1B8B  }
0xa2: {  	_ =	swait.ge [sflag:s23], $0x1  }
0xa3: {  	[sflag:s23] =	ssyncset.done $0x0  }
0xa4: {  	s25 =	simm.s32 $0x1B8E;
	s24 =	sld [smem:$0x3FFE];
	[sflag:s23] =	ssyncadd.s32 $0xFFFFFFFF  }
0xa5: {  	s26 =	simm.s32 $execute0_lowered;
	[smem:$0x3FD2] =	sst s25  }
0xa6: {  	s4 =	sshll.u32 s26, $0x1;
	_ =	strace $0x8000004C;
	[dreg:$0x1] =	wrdreg $0xFFFFFFFF  }
0xa7: {  	s28 =	simm.s32 $_size_execute0_lowered;
	s2 =	sadd.s32 s2, s4;
	[dreg:$0x0] =	wrdreg $0x0  }
0xa8: {  	s4 =	sshll.u32 s28, $0x1;
	[dreg:$0x2] =	wrdreg s2  }
0xa9: {  	[dreg:$0x3] =	wrdreg s4  }
0xaa: {  	[dreg:$0x4] =	wrdreg $0xC0  }
0xab: {  	_ =	task [dreg:s6], $0x5FFFF  }
0xac: {  	[dreg:$0x1] =	wrdreg $0xFFFFFFFF  }
0xad: {  	[dreg:$0x0] =	wrdreg $0x60  }
0xae: {  	[dreg:$0x2] =	wrdreg s24  }
0xaf: {  	[dreg:$0x3] =	wrdreg $0xA0000  }
0xb0: {  	[dreg:$0x4] =	wrdreg $0x9  }
0xb1: {  	_ =	task.clear_ibuf [dreg:s6], $0x5FFFF;
	_ =	strace $0x9000004C  }
0xb2: {  	s29 =	simm.s32 $0x9;
	_ =	strace $0x8000004E  }
0xb3: {  	_ =	swait.ge [sflag:s29], $0x1  }
0xb4: {  	[sflag:s29] =	ssyncadd.s32 $0xFFFFFFFF  }
0xb5: {  	_ =	strace $0x9000004E  }
0xb6: {  	_ =	sfence  }
0xb7: {  	s30 =	sld [smem:$0x0];
	_ =	sdelay $0x2  }
0xb8: {  	s31 =	sshll.u32 s1, $0xD;
	s1 =	sshrl.u32 s1, $0x2  }
0xb9: {  	s3 =	sand.u32 $0x4000, s31;
	s1 =	sadd.s32 s1, s30  }
0xba: {  	s0 =	sor.u32 s3, s0;
	s1 =	sshll.u32 s1, $0x11  }
0xbb: {  	s0 =	sor.u32 s1, s0  }
0xbc: {  	s0 =	sadd.s32 $0x8F2B, s0  }
0xbd: {  	[sflag:s0] =	ssyncadd.remote.s32 $0x1  }
0xbe: {  	_ =	sfence.sel $0xFFFF  }
0xbf: {  	[dreg:$0x0] =	wrdreg $0xFFFFFFFF;
	(pc) =	sbr.abs _section_cstart, $3  }
0xc0: {  	[dreg:$0x1] =	wrdreg $0xFFFFFFFF  }
0xc1: {  	_ =	task.clear_ibuf [dreg:s6], $0x2FFFF;
	_ =	strace $0x9FFFFFFF  }
0xc2: {  	(tm) =	ssettm $0x7FFFFFFF  }
0xc3: {  	_ =	shalt  }
tec
execute0_lowered:
.L_overlay_start_1:
0x0: {  	(tag) =	ssettag $0x1  }
0x1: {  	s0 =	rddreg [dreg:$0x0]  }
0x2: {  	s1 =	rddreg [dreg:$0x1];
	s3 =	simm.s32 $0x0  }
0x3: {  	s19 =	stileid.u32;
	s5 =	srdreg.scid;
	s20 =	simm.s32 $0x64  }
0x4: {  	s21 =	simm.s32 $0x3800;
	s22 =	simm.s32 $0x3;
	s28 =	simm.s32 $0x3400  }
0x5: {  	s29 =	simm.s32 $0x3480;
	s30 =	simm.s32 $0x0;
	[smem:$0x7FF] =	sst s3  }
0x6: {  	s4 =	sadd.s32 $0x21000, s0;
	s2 =	smul.u32 $0x13800, s19;
	s12 =	sadd.s32 $0x5000, s0  }
0x7: {  	s13 =	sadd.s32 $0x13000, s0;
	s9 =	sand.u32 $0x1, s5;
	s6 =	smul.u32 $0x4E000, s19  }
0x8: {  	s14 =	sadd.s32 $0xE4600, s0;
	s11 =	sadd.s32 $0xE4400, s0;
	p0 =	sne.s32 s19, $0xF  }
0x9: {  	_ =	strace $0x8000004D;
	s7 =	sshll.u32 s9, $0x4;
	s8 =	ssub.s32 $0x2, s9  }
0xa: {  	s18 =	smul.u32 $0x138800, s9;
	s23 =	sshrl.u32 s2, $0x3;
	s7 =	sor.u32 s19, s7  }
0xb: {  	s10 =	sshrl.u32 s8, $0x1;
	s6 =	sshrl.u32 s6, $0x2;
	s5 =	sadd.s32 s23, s0  }
0xc: {  	s7 =	smul.u32 $0x3800, s7;
	s16 =	ssub.s32 s8, s10;
	s17 =	sadd.s32 s6, s1  }
0xd: {  	s6 =	sshll.u32 s19, $0x6;
	s10 =	sadd.s32 $0x138000, s1;
	s2 =	sadd.s32 s2, s18  }
0xe: {  	s31 =	sshrl.u32 s18, $0x3;
	s18 =	simm.s32 $0x4;
	s19 =	simm.s32 $0x1C00  }
0xf: {  	s23 =	simm.s32 $0x6C00;
	s5 =	sadd.s32 $0xBD400, s5;
	s24 =	sor.u32 $0x1C03, s6  }
0x10: {  	s2 =	sshrl.u32 s2, $0x3;
	s16 =	smax.u32 s16, $0x1;
	[dreg:$0x3] =	wrdreg s5  }
0x11: {  	s17 =	sshrl.u32 s17, $0x3;
	s15 =	sshrl.u32 s7, $0x3;
	[dreg:$0x4] =	wrdreg s24  }
0x12: {  	s24 =	simm.s32 $0x1;
	s25 =	sadd.s32 s12, s15;
	s9 =	sadd.s32 s13, s15  }
0x13: {  	s26 =	sadd.s32 $0x380, s15;
	s15 =	sadd.s32 s14, s31;
	s14 =	sadd.s32 s14, s2  }
0x14: {  	[dreg:$0x5] =	wrdreg s25;
	s12 =	sadd.s32 s12, s26;
	s13 =	sadd.s32 s13, s26  }
0x15: {  	s15 =	sadd.s32 $0x27000, s15;
	s25 =	simm.s32 $0x2;
	s26 =	simm.s32 $0x1880  }
.LBB2_1:
0x16: {  	s0 =	rddreg [dreg:$0x3]  }
0x17: {  	s2 =	rddreg [dreg:$0x4]  }
0x18: {  	[spmem:s17], [sflag:s2] =	dma.local [hbm:s0], $0x2700  }
0x19: {  	s0 =	rddreg [dreg:$0x5]  }
0x1a: {  	[tilespmem:s3], [sflag:$0x4] =	stream.linear.gather [hbm4b:s0+s3], $0x1900, $0x38;
	[tilespmem:$0x1D880] =	vst v63  }
0x1b: {  	_ =	swait.ge [sflag:s18], $0x1900  }
0x1c: {  	[sflag:s18] =	ssyncset.done $0x0  }
0x1d: {  	[sflag:s18] =	ssyncadd.s32 $0xFFFFE700  }
0x1e: {  	[tilespmem:s19], [sflag:$0x4] =	stream.linear.gather [hbm4b:s9+s3], $0x1900, $0x38;
	[tilespmem:$0x1D880] =	vst v63  }
0x1f: {  	_ =	swait.ge [sflag:s18], $0x1900  }
0x20: {  	[sflag:s18] =	ssyncset.done $0x0  }
0x21: {  	[sflag:s18] =	ssyncadd.s32 $0xFFFFE700  }
0x22: {  	[tilespmem:s21], [sflag:$0x1] =	stream.indirect.gather [hbm4b:s4+s20], $0x80, s3, s20, $0xb8;
	[tilespmem:$0x1D880] =	vst v63  }
0x23: {  	_ =	swait.ge [sflag:s22], $0x2700  }
0x24: {  	[sflag:s22] =	ssyncset.done $0x0  }
0x25: {  	s31 =	sshrl.u32 @!p0 s10, $0x3;
	s0 =	simm.s32 @!p0 $0x1FC4;
	[sflag:s22] =	ssyncadd.s32 $0xFFFFD900  }
0x26: {  	[spmem:s31], [sflag:s0] =	dma.local @!p0 [hbm:s11], $0x100  }
0x27: {  	s0 =	simm.s32 @!p0 $0x4  }
0x28: {  	_ =	swait.ge @!p0 [sflag:s0], $0x100  }
0x29: {  	[sflag:s0] =	ssyncset.done @!p0 $0x0  }
0x2a: {  	[sflag:s0] =	ssyncadd.s32 @!p0 $0xFFFFFF00  }
0x2b: {  	s2 =	simm.s32 $0x80;
	[bflag:$0x0] =	sbarrier.arrive $0xFFFF  }
0x2c: {  	[tilespmem:s23], [sflag:$0x2] =	stream.indirect.gather [hbm4b:s4+s20], $0x80, s2, s20, $0xb8;
	[tilespmem:$0x1D880] =	vst v63  }
0x2d: {  	_ =	swait.ge [sflag:s24], $0x3200  }
0x2e: {  	[sflag:s24] =	ssyncset.done $0x0  }
0x2f: {  	s5 =	simm.s32 $0x1C00;
	[sflag:s24] =	ssyncadd.s32 $0xFFFFCE00  }
0x30: {  	[spmem:s1] =	stream.indirect.scatter.add.f32 [tilespmem:s21], [sflag:$0x4], $0x80, s5, s20, $0xb8;
	[tilespmem:$0x1D880] =	vst v63  }
0x31: {  	_ =	swait.ge [sflag:s18], $0x3200  }
0x32: {  	[sflag:s18] =	ssyncset.done $0x0  }
0x33: {  	s7 =	simm.s32 $0x100;
	[sflag:s18] =	ssyncadd.s32 $0xFFFFCE00  }
0x34: {  	[tilespmem:s21], [sflag:$0x1] =	stream.indirect.gather [hbm4b:s4+s20], $0x80, s7, s20, $0xb8;
	[tilespmem:$0x1D880] =	vst v63  }
0x35: {  	_ =	swait.ge [sflag:s25], $0x3200  }
0x36: {  	[sflag:s25] =	ssyncset.done $0x0  }
0x37: {  	s8 =	simm.s32 $0x1C80;
	[sflag:s25] =	ssyncadd.s32 $0xFFFFCE00  }
0x38: {  	[spmem:s1] =	stream.indirect.scatter.add.f32 [tilespmem:s23], [sflag:$0x4], $0x80, s8, s20, $0xb8;
	[tilespmem:$0x1D880] =	vst v63  }
0x39: {  	_ =	swait.ge [sflag:s18], $0x3200  }
0x3a: {  	s0 =	simm.s32 $0x100;
	s2 =	simm.s32 $0x800;
	[sflag:s18] =	ssyncset.done $0x0  }
.LBB2_2:
0x3b: {  	s5 =	sadd.s32 $0x80, s0  }
0x3c: {  	[sflag:s18] =	ssyncadd.s32 $0xFFFFCE00;
	s7 =	smov.u32 s2;
	s8 =	sadd.s32 $0x400, s2  }
0x3d: {  	[tilespmem:s23], [sflag:$0x2] =	stream.indirect.gather [hbm4b:s4+s20], $0x80, s5, s20, $0xb8;
	[tilespmem:$0x1D880] =	vst v63  }
0x3e: {  	p1 =	sne.s32 s2, $0x5C00;
	_ =	swait.ge [sflag:s24], $0x3200  }
0x3f: {  	[sflag:s24] =	ssyncset.done $0x0  }
0x40: {  	s2 =	sadd.s32 $0x1C00, s0;
	[sflag:s24] =	ssyncadd.s32 $0xFFFFCE00  }
0x41: {  	[spmem:s1] =	stream.indirect.scatter.add.f32 [tilespmem:s21], [sflag:$0x4], $0x80, s2, s20, $0xb8;
	[tilespmem:$0x1D880] =	vst v63  }
0x42: {  	_ =	swait.ge [sflag:s18], $0x3200  }
0x43: {  	[sflag:s18] =	ssyncset.done $0x0  }
0x44: {  	s2 =	sadd.s32 $0x100, s0;
	[sflag:s18] =	ssyncadd.s32 $0xFFFFCE00  }
0x45: {  	[tilespmem:s21], [sflag:$0x1] =	stream.indirect.gather [hbm4b:s4+s20], $0x80, s2, s20, $0xb8;
	[tilespmem:$0x1D880] =	vst v63  }
0x46: {  	_ =	swait.ge [sflag:s25], $0x3200  }
.Ltmp0:
0x47: {  	[sflag:s25] =	ssyncset.done $0x0;
	(pc) =	sbr.rel @p1 .LBB2_2-.Ltmp0, $4  }
0x48: {  	s0 =	sadd.s32 $0x1C80, s0;
	[sflag:s25] =	ssyncadd.s32 $0xFFFFCE00  }
0x49: {  	[spmem:s1] =	stream.indirect.scatter.add.f32 [tilespmem:s23], [sflag:$0x4], $0x80, s0, s20, $0xb8;
	[tilespmem:$0x1D880] =	vst v63  }
0x4a: {  	_ =	swait.ge [sflag:s18], $0x3200  }
0x4b: {  	s2 =	smov.u32 s8;
	s0 =	sshra.s32 s7, $0x2;
	[sflag:s18] =	ssyncset.done $0x0  }
0x4c: {  	s2 =	sadd.s32 $0x80, s0;
	[sflag:s18] =	ssyncadd.s32 $0xFFFFCE00  }
0x4d: {  	[tilespmem:s23], [sflag:$0x2] =	stream.indirect.gather [hbm4b:s4+s20], $0x80, s2, s20, $0xb8;
	[tilespmem:$0x1D880] =	vst v63  }
0x4e: {  	_ =	swait.ge [sflag:s24], $0x3200  }
0x4f: {  	[sflag:s24] =	ssyncset.done $0x0  }
0x50: {  	s8 =	sadd.s32 $0x1C00, s0;
	[sflag:s24] =	ssyncadd.s32 $0xFFFFCE00  }
0x51: {  	[spmem:s1] =	stream.indirect.scatter.add.f32 [tilespmem:s21], [sflag:$0x4], $0x80, s8, s20, $0xb8;
	[tilespmem:$0x1D880] =	vst v63  }
0x52: {  	_ =	swait.ge [sflag:s18], $0x3200  }
0x53: {  	[sflag:s18] =	ssyncset.done $0x0  }
0x54: {  	s5 =	sadd.s32 $0x100, s0;
	[sflag:s18] =	ssyncadd.s32 $0xFFFFCE00  }
0x55: {  	[tilespmem:s21], [sflag:$0x1] =	stream.indirect.gather [hbm4b:s4+s20], $0x80, s5, s20, $0xb8;
	[tilespmem:$0x1D880] =	vst v63  }
0x56: {  	_ =	swait.ge [sflag:s25], $0x3200  }
0x57: {  	[sflag:s25] =	ssyncset.done $0x0  }
0x58: {  	s7 =	sadd.s32 $0x1C80, s0;
	[sflag:s25] =	ssyncadd.s32 $0xFFFFCE00  }
0x59: {  	[spmem:s1] =	stream.indirect.scatter.add.f32 [tilespmem:s23], [sflag:$0x4], $0x80, s7, s20, $0xb8;
	[tilespmem:$0x1D880] =	vst v63  }
0x5a: {  	_ =	swait.ge [sflag:s18], $0x3200  }
0x5b: {  	[sflag:s18] =	ssyncset.done $0x0  }
0x5c: {  	[sflag:s18] =	ssyncadd.s32 $0xFFFFCE00  }
0x5d: {  	[tilespmem:s23], [sflag:$0x2] =	stream.indirect.gather [hbm4b:s4+s20], $0x80, s26, s20, $0xb8;
	[tilespmem:$0x1D880] =	vst v63  }
0x5e: {  	_ =	swait.ge [sflag:s24], $0x3200  }
0x5f: {  	[sflag:s24] =	ssyncset.done $0x0  }
0x60: {  	[sflag:s24] =	ssyncadd.s32 $0xFFFFCE00  }
0x61: {  	[spmem:s1] =	stream.indirect.scatter.add.f32 [tilespmem:s21], [sflag:$0x4], $0x80, s28, s20, $0xb8;
	[tilespmem:$0x1D880] =	vst v63  }
0x62: {  	_ =	swait.ge [sflag:s18], $0x3200  }
0x63: {  	[sflag:s18] =	ssyncset.done $0x0  }
0x64: {  	[sflag:s18] =	ssyncadd.s32 $0xFFFFCE00  }
0x65: {  	_ =	swait.ge [sflag:s25], $0x3200  }
0x66: {  	[sflag:s25] =	ssyncset.done $0x0  }
0x67: {  	[sflag:s25] =	ssyncadd.s32 $0xFFFFCE00  }
0x68: {  	[spmem:s1] =	stream.indirect.scatter.add.f32 [tilespmem:s23], [sflag:$0x4], $0x80, s29, s20, $0xb8;
	[tilespmem:$0x1D880] =	vst v63  }
0x69: {  	_ =	swait.ge [sflag:s18], $0x3200  }
0x6a: {  	[sflag:s18] =	ssyncset.done $0x0  }
0x6b: {  	s8 =	simm.s32 $0x0;
	[sflag:s18] =	ssyncadd.s32 $0xFFFFCE00  }
0x6c: {  	[tilespmem:s8], [sflag:$0x4] =	stream.linear.gather [hbm4b:s12+s8], $0x1900, $0x38;
	[tilespmem:$0x1D880] =	vst v63  }
0x6d: {  	_ =	swait.ge [sflag:s18], $0x1900  }
0x6e: {  	[sflag:s18] =	ssyncset.done $0x0  }
0x6f: {  	[sflag:s18] =	ssyncadd.s32 $0xFFFFE700  }
0x70: {  	[tilespmem:s19], [sflag:$0x4] =	stream.linear.gather [hbm4b:s13+s8], $0x1900, $0x38;
	[tilespmem:$0x1D880] =	vst v63  }
0x71: {  	_ =	swait.ge [sflag:s18], $0x1900  }
0x72: {  	[sflag:s18] =	ssyncset.done $0x0  }
0x73: {  	[sflag:s18] =	ssyncadd.s32 $0xFFFFE700  }
0x74: {  	[tilespmem:s21], [sflag:$0x1] =	stream.indirect.gather [hbm4b:s4+s20], $0x80, s8, s20, $0xb8;
	[tilespmem:$0x1D880] =	vst v63  }
0x75: {  	s2 =	simm.s32 $0x80  }
0x76: {  	[tilespmem:s23], [sflag:$0x2] =	stream.indirect.gather [hbm4b:s4+s20], $0x80, s2, s20, $0xb8;
	[tilespmem:$0x1D880] =	vst v63  }
0x77: {  	_ =	swait.ge [sflag:s24], $0x3200  }
0x78: {  	[sflag:s24] =	ssyncset.done $0x0  }
0x79: {  	s5 =	simm.s32 $0x1C00;
	[sflag:s24] =	ssyncadd.s32 $0xFFFFCE00  }
0x7a: {  	[spmem:s1] =	stream.indirect.scatter.add.f32 [tilespmem:s21], [sflag:$0x4], $0x80, s5, s20, $0xb8;
	[tilespmem:$0x1D880] =	vst v63  }
0x7b: {  	_ =	swait.ge [sflag:s18], $0x3200  }
0x7c: {  	[sflag:s18] =	ssyncset.done $0x0  }
0x7d: {  	s7 =	simm.s32 $0x100;
	[sflag:s18] =	ssyncadd.s32 $0xFFFFCE00  }
0x7e: {  	[tilespmem:s21], [sflag:$0x1] =	stream.indirect.gather [hbm4b:s4+s20], $0x80, s7, s20, $0xb8;
	[tilespmem:$0x1D880] =	vst v63  }
0x7f: {  	_ =	swait.ge [sflag:s25], $0x3200  }
0x80: {  	[sflag:s25] =	ssyncset.done $0x0  }
0x81: {  	s8 =	simm.s32 $0x1C80;
	[sflag:s25] =	ssyncadd.s32 $0xFFFFCE00  }
0x82: {  	[spmem:s1] =	stream.indirect.scatter.add.f32 [tilespmem:s23], [sflag:$0x4], $0x80, s8, s20, $0xb8;
	[tilespmem:$0x1D880] =	vst v63  }
0x83: {  	_ =	swait.ge [sflag:s18], $0x3200  }
0x84: {  	s0 =	simm.s32 $0x100;
	s2 =	simm.s32 $0x800;
	[sflag:s18] =	ssyncset.done $0x0  }
.LBB2_4:
0x85: {  	s5 =	sadd.s32 $0x80, s0  }
0x86: {  	[sflag:s18] =	ssyncadd.s32 $0xFFFFCE00;
	s7 =	smov.u32 s2;
	s8 =	sadd.s32 $0x400, s2  }
0x87: {  	[tilespmem:s23], [sflag:$0x2] =	stream.indirect.gather [hbm4b:s4+s20], $0x80, s5, s20, $0xb8;
	[tilespmem:$0x1D880] =	vst v63  }
0x88: {  	p1 =	sne.s32 s2, $0x5C00;
	_ =	swait.ge [sflag:s24], $0x3200  }
0x89: {  	[sflag:s24] =	ssyncset.done $0x0  }
0x8a: {  	s2 =	sadd.s32 $0x1C00, s0;
	[sflag:s24] =	ssyncadd.s32 $0xFFFFCE00  }
0x8b: {  	[spmem:s1] =	stream.indirect.scatter.add.f32 [tilespmem:s21], [sflag:$0x4], $0x80, s2, s20, $0xb8;
	[tilespmem:$0x1D880] =	vst v63  }
0x8c: {  	_ =	swait.ge [sflag:s18], $0x3200  }
0x8d: {  	[sflag:s18] =	ssyncset.done $0x0  }
0x8e: {  	s2 =	sadd.s32 $0x100, s0;
	[sflag:s18] =	ssyncadd.s32 $0xFFFFCE00  }
0x8f: {  	[tilespmem:s21], [sflag:$0x1] =	stream.indirect.gather [hbm4b:s4+s20], $0x80, s2, s20, $0xb8;
	[tilespmem:$0x1D880] =	vst v63  }
0x90: {  	_ =	swait.ge [sflag:s25], $0x3200  }
.Ltmp1:
0x91: {  	[sflag:s25] =	ssyncset.done $0x0;
	(pc) =	sbr.rel @p1 .LBB2_4-.Ltmp1, $4  }
0x92: {  	s0 =	sadd.s32 $0x1C80, s0;
	[sflag:s25] =	ssyncadd.s32 $0xFFFFCE00  }
0x93: {  	[spmem:s1] =	stream.indirect.scatter.add.f32 [tilespmem:s23], [sflag:$0x4], $0x80, s0, s20, $0xb8;
	[tilespmem:$0x1D880] =	vst v63  }
0x94: {  	_ =	swait.ge [sflag:s18], $0x3200  }
0x95: {  	s2 =	smov.u32 s8;
	s0 =	sshra.s32 s7, $0x2;
	[sflag:s18] =	ssyncset.done $0x0  }
0x96: {  	s2 =	sadd.s32 $0x80, s0;
	[sflag:s18] =	ssyncadd.s32 $0xFFFFCE00  }
0x97: {  	[tilespmem:s23], [sflag:$0x2] =	stream.indirect.gather [hbm4b:s4+s20], $0x80, s2, s20, $0xb8;
	[tilespmem:$0x1D880] =	vst v63  }
0x98: {  	_ =	swait.ge [sflag:s24], $0x3200  }
0x99: {  	[sflag:s24] =	ssyncset.done $0x0  }
0x9a: {  	s5 =	sadd.s32 $0x1C00, s0;
	[sflag:s24] =	ssyncadd.s32 $0xFFFFCE00  }
0x9b: {  	[spmem:s1] =	stream.indirect.scatter.add.f32 [tilespmem:s21], [sflag:$0x4], $0x80, s5, s20, $0xb8;
	[tilespmem:$0x1D880] =	vst v63  }
0x9c: {  	_ =	swait.ge [sflag:s18], $0x3200  }
0x9d: {  	[sflag:s18] =	ssyncset.done $0x0  }
0x9e: {  	s7 =	sadd.s32 $0x100, s0;
	[sflag:s18] =	ssyncadd.s32 $0xFFFFCE00  }
0x9f: {  	[tilespmem:s21], [sflag:$0x1] =	stream.indirect.gather [hbm4b:s4+s20], $0x80, s7, s20, $0xb8;
	[tilespmem:$0x1D880] =	vst v63  }
0xa0: {  	_ =	swait.ge [sflag:s25], $0x3200  }
0xa1: {  	[sflag:s25] =	ssyncset.done $0x0  }
0xa2: {  	s8 =	sadd.s32 $0x1C80, s0;
	[sflag:s25] =	ssyncadd.s32 $0xFFFFCE00  }
0xa3: {  	[spmem:s1] =	stream.indirect.scatter.add.f32 [tilespmem:s23], [sflag:$0x4], $0x80, s8, s20, $0xb8;
	[tilespmem:$0x1D880] =	vst v63  }
0xa4: {  	_ =	swait.ge [sflag:s18], $0x3200  }
0xa5: {  	[sflag:s18] =	ssyncset.done $0x0  }
0xa6: {  	[sflag:s18] =	ssyncadd.s32 $0xFFFFCE00  }
0xa7: {  	[tilespmem:s23], [sflag:$0x2] =	stream.indirect.gather [hbm4b:s4+s20], $0x80, s26, s20, $0xb8;
	[tilespmem:$0x1D880] =	vst v63  }
0xa8: {  	_ =	swait.ge [sflag:s24], $0x3200  }
0xa9: {  	[sflag:s24] =	ssyncset.done $0x0  }
0xaa: {  	[sflag:s24] =	ssyncadd.s32 $0xFFFFCE00  }
0xab: {  	[spmem:s1] =	stream.indirect.scatter.add.f32 [tilespmem:s21], [sflag:$0x4], $0x80, s28, s20, $0xb8;
	[tilespmem:$0x1D880] =	vst v63  }
0xac: {  	_ =	swait.ge [sflag:s18], $0x3200  }
0xad: {  	[sflag:s18] =	ssyncset.done $0x0  }
0xae: {  	[sflag:s18] =	ssyncadd.s32 $0xFFFFCE00  }
0xaf: {  	_ =	swait.ge [sflag:s25], $0x3200  }
0xb0: {  	[sflag:s25] =	ssyncset.done $0x0  }
0xb1: {  	[sflag:s25] =	ssyncadd.s32 $0xFFFFCE00  }
0xb2: {  	[spmem:s1] =	stream.indirect.scatter.add.f32 [tilespmem:s23], [sflag:$0x4], $0x80, s29, s20, $0xb8;
	[tilespmem:$0x1D880] =	vst v63  }
0xb3: {  	_ =	swait.ge [sflag:s18], $0x3200  }
0xb4: {  	[sflag:s18] =	ssyncset.done $0x0  }
0xb5: {  	[sflag:s18] =	ssyncadd.s32 $0xFFFFCE00  }
0xb6: {  	s0 =	sor.u32 $0x1C04, s6;
	[bflag:$0x0] =	sbarrier.arrive $0xFFFF  }
0xb7: {  	[hbm:s14], [sflag:s0] =	dma.local [spmem:s17], $0x2700  }
0xb8: {  	_ =	swait.ge [sflag:s18], $0x2700  }
0xb9: {  	s30 =	sadd.s32 $0x1, s30;
	[sflag:s18] =	ssyncset.done $0x0  }
0xba: {  	p1 =	sne.s32 s30, s16;
	[sflag:s18] =	ssyncadd.s32 $0xFFFFD900  }
0xbb: {  	[hbm:s15], [sflag:s0] =	dma.local @!p0 [spmem:s31], $0x100  }
.Ltmp2:
0xbc: {  	_ = 	snop;
	(pc) =	sbr.rel @p1 .LBB2_1-.Ltmp2, $4  }
0xbd: {  	s0 =	simm.s32 @!p0 $0x4  }
0xbe: {  	_ =	swait.ge @!p0 [sflag:s0], $0x100  }
0xbf: {  	[sflag:s0] =	ssyncset.done @!p0 $0x0  }
0xc0: {  	[sflag:s0] =	ssyncadd.s32 @!p0 $0xFFFFFF00  }
0xc1: {  	_ =	sfence.sel $0x180000  }
0xc2: {  	[bflag:$0x0] =	sbarrier.arrive $0xFFFF  }
0xc3: {  	_ =	strace $0x9000004D  }
0xc4: {  	s0 =	stileid.u32;
	[bflag:$0x2] =	sbarrier.arrive $0xFFFF  }
0xc5: {  	p0 =	sne.s32 s0, $0x0;
	s0 =	rddreg [dreg:$0x2]  }
0xc6: {  	s0 =	sadd.s32 @!p0 $0x100000, s0  }
0xc7: {  	[sflag:s0] =	ssyncadd.tile.s32 @!p0 $0x1;
	_ =	shalt  }
.Lfunc_end2:
_tile_overlayer_lowered:
.L_overlay_start_2:
0xc8: {  	(tag) =	ssettag $0x2  }
0xc9: {  	s0 =	rddreg [dreg:$0x0];
	s2 =	stileid.u32  }
0xca: {  	s1 =	rddreg [dreg:$0x1];
	p0 =	sne.s32 s2, $0x0  }
0xcb: {  	s3 =	rddreg [dreg:$0x2];
	[bflag:$0x3] =	sbarrier.arrive $0xFFFF;
	s2 =	simm.s32 @!p0 $0x1C04  }
0xcc: {  	[timem:s3], [sflag:s2] =	dma.local @!p0 [hbm:s0], s1  }
0xcd: {  	s0 =	simm.s32 @!p0 $0x4  }
0xce: {  	_ =	swait.ge @!p0 [sflag:s0], s1  }
0xcf: {  	s1 =	ssub.s32 @!p0 $0x0, s1;
	[sflag:s0] =	ssyncset.done @!p0 $0x0  }
0xd0: {  	[sflag:s0] =	ssyncadd.s32 @!p0 s1  }
0xd1: {  	[bflag:$0x3] =	sbarrier.arrive $0xFFFF  }
0xd2: {  	_ =	shalt  }

// kernel: kernel.25.cloned.1.call-start
scs
__scs_entry_jumppad:
0x0: {  	(pc) =	sbr.rel $0x88, $3  }
0x1: {  	(tag) =	ssettag $0x0;
	lr =	simm.s32 $0x1  }
0x2: {  	[smem:$0x3F8D] =	sst lr;
	_ =	strace $0xD0000000  }
0x3: {  	_ = 	snop  }
0x4: {  	_ = 	snop  }
0x5: {  	_ = 	snop  }
0x6: {  	_ = 	snop  }
0x7: {  	_ = 	snop  }
__scs_overlays_trampoline_lowered:
0x8: {  	[smem:$0x3F9C] =	sst s0  }
0x9: {  	[smem:$0x3F9D] =	sst s1  }
0xa: {  	[smem:$0x3F9E] =	sst s2  }
0xb: {  	[smem:$0x3F9F] =	sst s3  }
0xc: {  	[smem:$0x3FA0] =	sst s4  }
0xd: {  	[smem:$0x3FA1] =	sst s5  }
0xe: {  	[smem:$0x3FA2] =	sst s6  }
0xf: {  	[smem:$0x3FA3] =	sst s7  }
0x10: {  	[smem:$0x3FA4] =	sst s8  }
0x11: {  	[smem:$0x3FA5] =	sst s9;
	s0 =	simm.s32 @!p0 $0x0  }
0x12: {  	s1 =	sld [smem:$0x3F8B];
	s0 =	simm.s32 @p0 $0x1  }
0x13: {  	[smem:$0x3FA6] =	sst s0;
	s0 =	simm.s32 @!p1 $0x0  }
0x14: {  	s2 =	sld [smem:$0x3F8A];
	s0 =	simm.s32 @p1 $0x1  }
0x15: {  	[smem:$0x3FA7] =	sst s0;
	s0 =	simm.s32 @!p2 $0x0  }
0x16: {  	s3 =	sld [smem:$0x3FDB];
	s0 =	simm.s32 @p2 $0x1  }
0x17: {  	s4 =	simm.s32 $0x1BF5;
	[smem:$0x3FA9] =	sst s0  }
0x18: {  	s0 =	sld [smem:$0x3F8C];
	_ =	swait.ge [sflag:s4], $0x0  }
0x19: {  	s7 =	sld [smem:$0x3F8D]  }
0x1a: {  	s8 =	sadd.s32 $0xFFFFE003, lr  }
0x1b: {  	s9 =	sadd.s32 $0xFFFFFEF7, lr;
	s5 =	simm.s32 $0xFFFFFFFF;
	p2 =	slt.u32 s8, $0xFFFFF086  }
0x1c: {  	p1 =	slt.u32 s9, $0xF7A;
	s5 =	simm.s32 @!p2 $0x0  }
0x1d: {  	s5 =	simm.s32 @p1 $0x1;
	p0 =	seq.s32 s7, s2  }
0x1e: {  	s7 =	smul.u32 @!p0 $0xF7A, s2;
	p2 =	seq.s32 @!p0 s5, $0x0  }
0x1f: {  	s9 =	smul.u32 $0xF7A, s1;
	s8 =	simm.s32 @!p0 $0x1BF5;
	p2 =	por !p2, p0  }
0x20: {  	[sflag:s8] =	ssyncset.s32 @!p0 $0xFFFFF086;
	s6 =	sadd.s32 @!p0 s3, s7;
	s7 =	simm.s32 @!p0 $0x108  }
0x21: {  	s3 =	sadd.s32 s3, s9;
	s6 =	sadd.s32 @!p0 $0x88, s6;
	s7 =	simm.s32 @p2 $0x1082  }
0x22: {  	[simem:s7], [sflag:s8] =	dma.local @!p0 [hbm:s6], $0xF7A  }
0x23: {  	s9 =	sor.u32 $0xD0000000, s2;
	s6 =	simm.s32 $0x108;
	_ =	swait.ge @!p0 [sflag:s8], $0x0  }
0x24: {  	s3 =	sadd.s32 $0x88, s3;
	s6 =	simm.s32 @!p1 $0x1082;
	[sflag:s4] =	ssyncset.s32 $0xFFFFF086  }
0x25: {  	[simem:s6], [sflag:s4] =	dma.local [hbm:s3], $0xF7A  }
0x26: {  	[smem:$0x3F8D] =	sst s1;
	(tag) =	ssettag s2;
	_ =	strace s9  }
0x27: {  	s1 =	sld [smem:$0x3F9D]  }
0x28: {  	s2 =	sld [smem:$0x3F9E]  }
0x29: {  	s4 =	sld [smem:$0x3FA0]  }
0x2a: {  	p0 =	seq.s32 s5, $0x0;
	s5 =	sld [smem:$0x3FA1]  }
0x2b: {  	s6 =	sld [smem:$0x3FA2]  }
0x2c: {  	s7 =	sld [smem:$0x3FA3]  }
0x2d: {  	s3 =	simm.s32 $0x108;
	s8 =	sld [smem:$0x3FA4]  }
0x2e: {  	s3 =	simm.s32 @!p0 $0x1082;
	s9 =	sld [smem:$0x3FA5]  }
0x2f: {  	lr =	sadd.s32 s0, s3;
	s0 =	sld [smem:$0x3F9C]  }
0x30: {  	s3 =	sld [smem:$0x3F9F]  }
0x31: {  	[smem:$0x3FA8] =	sst s10  }
0x32: {  	s10 =	sld [smem:$0x3FA6];
	_ =	sdelay $0x3  }
0x33: {  	p0 =	seq.s32 s10, $0x1;
	s10 =	sld [smem:$0x3FA8];
	_ =	sdelay $0x3  }
0x34: {  	[smem:$0x3FA8] =	sst s10  }
0x35: {  	s10 =	sld [smem:$0x3FA7];
	_ =	sdelay $0x3  }
0x36: {  	p1 =	seq.s32 s10, $0x1;
	s10 =	sld [smem:$0x3FA8];
	_ =	sdelay $0x3  }
0x37: {  	[smem:$0x3FA8] =	sst s10  }
0x38: {  	s10 =	sld [smem:$0x3FA9]  }
0x39: {  	_ = 	snop;
	(pc) =	sbr.ind lr, $3  }
0x3a: {  	_ = 	snop  }
0x3b: {  	_ = 	snop  }
0x3c: {  	p2 =	seq.s32 s10, $0x1;
	s10 =	sld [smem:$0x3FA8]  }
0x3d: {  	_ =	shalt  }
0x3e: {  	_ =	shalt  }
0x3f: {  	_ =	shalt  }
0x40: {  	_ =	shalt  }
0x41: {  	_ =	shalt  }
0x42: {  	_ =	shalt  }
0x43: {  	_ =	shalt  }
0x44: {  	_ =	shalt  }
0x45: {  	_ =	shalt  }
0x46: {  	_ =	shalt  }
0x47: {  	_ =	shalt  }
0x48: {  	_ =	shalt  }
0x49: {  	_ =	shalt  }
0x4a: {  	_ =	shalt  }
0x4b: {  	_ =	shalt  }
0x4c: {  	_ =	shalt  }
0x4d: {  	_ =	shalt  }
0x4e: {  	_ =	shalt  }
0x4f: {  	_ =	shalt  }
0x50: {  	_ =	shalt  }
0x51: {  	_ =	shalt  }
0x52: {  	_ =	shalt  }
0x53: {  	_ =	shalt  }
0x54: {  	_ =	shalt  }
0x55: {  	_ =	shalt  }
0x56: {  	_ =	shalt  }
0x57: {  	_ =	shalt  }
0x58: {  	_ =	shalt  }
0x59: {  	_ =	shalt  }
0x5a: {  	_ =	shalt  }
0x5b: {  	_ =	shalt  }
0x5c: {  	_ =	shalt  }
0x5d: {  	_ =	shalt  }
0x5e: {  	_ =	shalt  }
0x5f: {  	_ =	shalt  }
0x60: {  	_ =	shalt  }
0x61: {  	_ =	shalt  }
0x62: {  	_ =	shalt  }
0x63: {  	_ =	shalt  }
0x64: {  	_ =	shalt  }
0x65: {  	_ =	shalt  }
0x66: {  	_ =	shalt  }
0x67: {  	_ =	shalt  }
0x68: {  	_ =	shalt  }
0x69: {  	_ =	shalt  }
0x6a: {  	_ =	shalt  }
0x6b: {  	_ =	shalt  }
0x6c: {  	_ =	shalt  }
0x6d: {  	_ =	shalt  }
0x6e: {  	_ =	shalt  }
0x6f: {  	_ =	shalt  }
0x70: {  	_ =	shalt  }
0x71: {  	_ =	shalt  }
0x72: {  	_ =	shalt  }
0x73: {  	_ =	shalt  }
0x74: {  	_ =	shalt  }
0x75: {  	_ =	shalt  }
0x76: {  	_ =	shalt  }
0x77: {  	_ =	shalt  }
0x78: {  	_ =	shalt  }
0x79: {  	_ =	shalt  }
0x7a: {  	_ =	shalt  }
0x7b: {  	_ =	shalt  }
0x7c: {  	_ =	shalt  }
0x7d: {  	_ =	shalt  }
0x7e: {  	_ =	shalt  }
0x7f: {  	_ =	shalt  }
0x80: {  	_ =	shalt  }
0x81: {  	_ =	shalt  }
0x82: {  	_ =	shalt  }
0x83: {  	_ =	shalt  }
0x84: {  	_ =	shalt  }
0x85: {  	_ =	shalt  }
0x86: {  	_ =	shalt  }
0x87: {  	_ =	shalt  }
.Lfunc_end0:
.L_simem_size_0:
called_computation.3_lowered:
.L_overlay_start_0:
0x88: {  	s2 =	sld [smem:$0x3FD9]  }
0x89: {  	s3 =	sld [smem:$0x3FFE];
	_ =	sdelay $0x1  }
0x8a: {  	s1 =	srdreg.scid  }
0x8b: {  	s0 =	sand.u32 $0x1, s1  }
0x8c: {  	s16 =	sshll.u32 s0, $0xA;
	s2 =	sadd.s32 s3, s2  }
0x8d: {  	s2 =	sadd.s32 s2, s16  }
0x8e: {  	[smem:$0x3FB4] =	sst s2  }
0x8f: {  	_ = 	snop  }
0x90: {  	(tm) =	ssettm $0x1  }
0x91: {  	s17 =	sld [smem:$0x3FFB];
	_ =	sdelay $0x3  }
0x92: {  	_ =	strace s17  }
0x93: {  	s2 =	sld [smem:$0x3FFC];
	_ =	sdelay $0x3  }
0x94: {  	_ =	strace s2  }
0x95: {  	s2 =	sld [smem:$0x3FFD];
	_ =	sdelay $0x3  }
0x96: {  	_ =	strace s2  }
0x97: {  	_ =	strace $0x8FFFFFFF  }
0x98: {  	s18 =	sld [smem:$0x3FDB];
	_ =	sdelay $0x1  }
0x99: {  	s19 =	simm.s32 $_scs_section_size  }
0x9a: {  	s4 =	simm.s32 $_size__tile_overlayer_lowered;
	s5 =	simm.s32 $_tile_overlayer_lowered  }
0x9b: {  	s22 =	simm.s32 $0x1BFF;
	s21 =	sshll.u32 s5, $0x1;
	s2 =	sadd.s32 s19, s18  }
0x9c: {  	s6 =	simm.s32 $0x0;
	s20 =	sshll.u32 s4, $0x1;
	s4 =	sadd.s32 s21, s2  }
0x9d: {  	[timem:s6], [sflag:s22] =	dma.local [hbm:s4], s20  }
0x9e: {  	_ =	swait.ge [sflag:s22], s20  }
0x9f: {  	s3 =	ssub.s32 $0x0, s20;
	[sflag:s22] =	ssyncset.done $0x0  }
0xa0: {  	[sflag:s22] =	ssyncadd.s32 s3;
	_ =	sdelay $0x1  }
0xa1: {  	s23 =	simm.s32 $0x1B8B  }
0xa2: {  	_ =	swait.ge [sflag:s23], $0x1  }
0xa3: {  	[sflag:s23] =	ssyncset.done $0x0  }
0xa4: {  	s25 =	simm.s32 $0x1B8E;
	s24 =	sld [smem:$0x3FFE];
	[sflag:s23] =	ssyncadd.s32 $0xFFFFFFFF  }
0xa5: {  	s26 =	simm.s32 $execute0_lowered;
	[smem:$0x3FD2] =	sst s25  }
0xa6: {  	s4 =	sshll.u32 s26, $0x1;
	_ =	strace $0x8000004F;
	[dreg:$0x1] =	wrdreg $0xFFFFFFFF  }
0xa7: {  	s28 =	simm.s32 $_size_execute0_lowered;
	s2 =	sadd.s32 s2, s4;
	[dreg:$0x0] =	wrdreg $0x0  }
0xa8: {  	s4 =	sshll.u32 s28, $0x1;
	[dreg:$0x2] =	wrdreg s2  }
0xa9: {  	[dreg:$0x3] =	wrdreg s4  }
0xaa: {  	[dreg:$0x4] =	wrdreg $0xC0  }
0xab: {  	_ =	task [dreg:s6], $0x5FFFF  }
0xac: {  	[dreg:$0x1] =	wrdreg $0xFFFFFFFF  }
0xad: {  	[dreg:$0x0] =	wrdreg $0x60  }
0xae: {  	[dreg:$0x2] =	wrdreg s24  }
0xaf: {  	[dreg:$0x3] =	wrdreg $0xA0000  }
0xb0: {  	[dreg:$0x4] =	wrdreg $0x9  }
0xb1: {  	_ =	task.clear_ibuf [dreg:s6], $0x5FFFF;
	_ =	strace $0x9000004F  }
0xb2: {  	s29 =	simm.s32 $0x9;
	_ =	strace $0x80000051  }
0xb3: {  	_ =	swait.ge [sflag:s29], $0x1  }
0xb4: {  	[sflag:s29] =	ssyncadd.s32 $0xFFFFFFFF  }
0xb5: {  	_ =	strace $0x90000051  }
0xb6: {  	_ =	sfence  }
0xb7: {  	s30 =	sld [smem:$0x0];
	_ =	sdelay $0x2  }
0xb8: {  	s31 =	sshll.u32 s1, $0xD;
	s1 =	sshrl.u32 s1, $0x2  }
0xb9: {  	s3 =	sand.u32 $0x4000, s31;
	s1 =	sadd.s32 s1, s30  }
0xba: {  	s0 =	sor.u32 s3, s0;
	s1 =	sshll.u32 s1, $0x11  }
0xbb: {  	s0 =	sor.u32 s1, s0  }
0xbc: {  	s0 =	sadd.s32 $0x8F2B, s0  }
0xbd: {  	[sflag:s0] =	ssyncadd.remote.s32 $0x1  }
0xbe: {  	_ =	sfence.sel $0xFFFF  }
0xbf: {  	[dreg:$0x0] =	wrdreg $0xFFFFFFFF;
	(pc) =	sbr.abs _section_cstart, $3  }
0xc0: {  	[dreg:$0x1] =	wrdreg $0xFFFFFFFF  }
0xc1: {  	_ =	task.clear_ibuf [dreg:s6], $0x2FFFF;
	_ =	strace $0x9FFFFFFF  }
0xc2: {  	(tm) =	ssettm $0x7FFFFFFF  }
0xc3: {  	_ =	shalt  }
tec
execute0_lowered:
.L_overlay_start_1:
0x0: {  	(tag) =	ssettag $0x1  }
0x1: {  	s0 =	rddreg [dreg:$0x0]  }
0x2: {  	s1 =	rddreg [dreg:$0x1];
	s3 =	simm.s32 $0x0  }
0x3: {  	s19 =	stileid.u32;
	s5 =	srdreg.scid;
	s20 =	simm.s32 $0x64  }
0x4: {  	s21 =	simm.s32 $0x3800;
	s22 =	simm.s32 $0x3;
	s28 =	simm.s32 $0x3400  }
0x5: {  	s29 =	simm.s32 $0x3480;
	s30 =	simm.s32 $0x0;
	[smem:$0x7FF] =	sst s3  }
0x6: {  	s4 =	sadd.s32 $0x21000, s0;
	s2 =	smul.u32 $0x13800, s19;
	s12 =	sadd.s32 $0x5000, s0  }
0x7: {  	s13 =	sadd.s32 $0x13000, s0;
	s9 =	sand.u32 $0x1, s5;
	s6 =	smul.u32 $0x4E000, s19  }
0x8: {  	s14 =	sadd.s32 $0xE4600, s0;
	s11 =	sadd.s32 $0xE4400, s0;
	p0 =	sne.s32 s19, $0xF  }
0x9: {  	_ =	strace $0x80000050;
	s7 =	sshll.u32 s9, $0x4;
	s8 =	ssub.s32 $0x2, s9  }
0xa: {  	s18 =	smul.u32 $0x138800, s9;
	s23 =	sshrl.u32 s2, $0x3;
	s7 =	sor.u32 s19, s7  }
0xb: {  	s10 =	sshrl.u32 s8, $0x1;
	s6 =	sshrl.u32 s6, $0x2;
	s5 =	sadd.s32 s23, s0  }
0xc: {  	s7 =	smul.u32 $0x3800, s7;
	s16 =	ssub.s32 s8, s10;
	s17 =	sadd.s32 s6, s1  }
0xd: {  	s6 =	sshll.u32 s19, $0x6;
	s10 =	sadd.s32 $0x138000, s1;
	s2 =	sadd.s32 s2, s18  }
0xe: {  	s31 =	sshrl.u32 s18, $0x3;
	s18 =	simm.s32 $0x4;
	s19 =	simm.s32 $0x1C00  }
0xf: {  	s23 =	simm.s32 $0x6C00;
	s5 =	sadd.s32 $0xBD400, s5;
	s24 =	sor.u32 $0x1C03, s6  }
0x10: {  	s2 =	sshrl.u32 s2, $0x3;
	s16 =	smax.u32 s16, $0x1;
	[dreg:$0x3] =	wrdreg s5  }
0x11: {  	s17 =	sshrl.u32 s17, $0x3;
	s15 =	sshrl.u32 s7, $0x3;
	[dreg:$0x4] =	wrdreg s24  }
0x12: {  	s24 =	simm.s32 $0x1;
	s25 =	sadd.s32 s12, s15;
	s9 =	sadd.s32 s13, s15  }
0x13: {  	s26 =	sadd.s32 $0x380, s15;
	s15 =	sadd.s32 s14, s31;
	s14 =	sadd.s32 s14, s2  }
0x14: {  	[dreg:$0x5] =	wrdreg s25;
	s12 =	sadd.s32 s12, s26;
	s13 =	sadd.s32 s13, s26  }
0x15: {  	s15 =	sadd.s32 $0x27000, s15;
	s25 =	simm.s32 $0x2;
	s26 =	simm.s32 $0x1880  }
.LBB2_1:
0x16: {  	s0 =	rddreg [dreg:$0x3]  }
0x17: {  	s2 =	rddreg [dreg:$0x4]  }
0x18: {  	[spmem:s17], [sflag:s2] =	dma.local [hbm:s0], $0x2700  }
0x19: {  	s0 =	rddreg [dreg:$0x5]  }
0x1a: {  	[tilespmem:s3], [sflag:$0x4] =	stream.linear.gather [hbm4b:s0+s3], $0x1900, $0x38;
	[tilespmem:$0x1D880] =	vst v63  }
0x1b: {  	_ =	swait.ge [sflag:s18], $0x1900  }
0x1c: {  	[sflag:s18] =	ssyncset.done $0x0  }
0x1d: {  	[sflag:s18] =	ssyncadd.s32 $0xFFFFE700  }
0x1e: {  	[tilespmem:s19], [sflag:$0x4] =	stream.linear.gather [hbm4b:s9+s3], $0x1900, $0x38;
	[tilespmem:$0x1D880] =	vst v63  }
0x1f: {  	_ =	swait.ge [sflag:s18], $0x1900  }
0x20: {  	[sflag:s18] =	ssyncset.done $0x0  }
0x21: {  	[sflag:s18] =	ssyncadd.s32 $0xFFFFE700  }
0x22: {  	[tilespmem:s21], [sflag:$0x1] =	stream.indirect.gather [hbm4b:s4+s20], $0x80, s3, s20, $0xb8;
	[tilespmem:$0x1D880] =	vst v63  }
0x23: {  	_ =	swait.ge [sflag:s22], $0x2700  }
0x24: {  	[sflag:s22] =	ssyncset.done $0x0  }
0x25: {  	s31 =	sshrl.u32 @!p0 s10, $0x3;
	s0 =	simm.s32 @!p0 $0x1FC4;
	[sflag:s22] =	ssyncadd.s32 $0xFFFFD900  }
0x26: {  	[spmem:s31], [sflag:s0] =	dma.local @!p0 [hbm:s11], $0x100  }
0x27: {  	s0 =	simm.s32 @!p0 $0x4  }
0x28: {  	_ =	swait.ge @!p0 [sflag:s0], $0x100  }
0x29: {  	[sflag:s0] =	ssyncset.done @!p0 $0x0  }
0x2a: {  	[sflag:s0] =	ssyncadd.s32 @!p0 $0xFFFFFF00  }
0x2b: {  	s2 =	simm.s32 $0x80;
	[bflag:$0x0] =	sbarrier.arrive $0xFFFF  }
0x2c: {  	[tilespmem:s23], [sflag:$0x2] =	stream.indirect.gather [hbm4b:s4+s20], $0x80, s2, s20, $0xb8;
	[tilespmem:$0x1D880] =	vst v63  }
0x2d: {  	_ =	swait.ge [sflag:s24], $0x3200  }
0x2e: {  	[sflag:s24] =	ssyncset.done $0x0  }
0x2f: {  	s5 =	simm.s32 $0x1C00;
	[sflag:s24] =	ssyncadd.s32 $0xFFFFCE00  }
0x30: {  	[spmem:s1] =	stream.indirect.scatter.add.f32 [tilespmem:s21], [sflag:$0x4], $0x80, s5, s20, $0xb8;
	[tilespmem:$0x1D880] =	vst v63  }
0x31: {  	_ =	swait.ge [sflag:s18], $0x3200  }
0x32: {  	[sflag:s18] =	ssyncset.done $0x0  }
0x33: {  	s7 =	simm.s32 $0x100;
	[sflag:s18] =	ssyncadd.s32 $0xFFFFCE00  }
0x34: {  	[tilespmem:s21], [sflag:$0x1] =	stream.indirect.gather [hbm4b:s4+s20], $0x80, s7, s20, $0xb8;
	[tilespmem:$0x1D880] =	vst v63  }
0x35: {  	_ =	swait.ge [sflag:s25], $0x3200  }
0x36: {  	[sflag:s25] =	ssyncset.done $0x0  }
0x37: {  	s8 =	simm.s32 $0x1C80;
	[sflag:s25] =	ssyncadd.s32 $0xFFFFCE00  }
0x38: {  	[spmem:s1] =	stream.indirect.scatter.add.f32 [tilespmem:s23], [sflag:$0x4], $0x80, s8, s20, $0xb8;
	[tilespmem:$0x1D880] =	vst v63  }
0x39: {  	_ =	swait.ge [sflag:s18], $0x3200  }
0x3a: {  	s0 =	simm.s32 $0x100;
	s2 =	simm.s32 $0x800;
	[sflag:s18] =	ssyncset.done $0x0  }
.LBB2_2:
0x3b: {  	s5 =	sadd.s32 $0x80, s0  }
0x3c: {  	[sflag:s18] =	ssyncadd.s32 $0xFFFFCE00;
	s7 =	smov.u32 s2;
	s8 =	sadd.s32 $0x400, s2  }
0x3d: {  	[tilespmem:s23], [sflag:$0x2] =	stream.indirect.gather [hbm4b:s4+s20], $0x80, s5, s20, $0xb8;
	[tilespmem:$0x1D880] =	vst v63  }
0x3e: {  	p1 =	sne.s32 s2, $0x5C00;
	_ =	swait.ge [sflag:s24], $0x3200  }
0x3f: {  	[sflag:s24] =	ssyncset.done $0x0  }
0x40: {  	s2 =	sadd.s32 $0x1C00, s0;
	[sflag:s24] =	ssyncadd.s32 $0xFFFFCE00  }
0x41: {  	[spmem:s1] =	stream.indirect.scatter.add.f32 [tilespmem:s21], [sflag:$0x4], $0x80, s2, s20, $0xb8;
	[tilespmem:$0x1D880] =	vst v63  }
0x42: {  	_ =	swait.ge [sflag:s18], $0x3200  }
0x43: {  	[sflag:s18] =	ssyncset.done $0x0  }
0x44: {  	s2 =	sadd.s32 $0x100, s0;
	[sflag:s18] =	ssyncadd.s32 $0xFFFFCE00  }
0x45: {  	[tilespmem:s21], [sflag:$0x1] =	stream.indirect.gather [hbm4b:s4+s20], $0x80, s2, s20, $0xb8;
	[tilespmem:$0x1D880] =	vst v63  }
0x46: {  	_ =	swait.ge [sflag:s25], $0x3200  }
.Ltmp0:
0x47: {  	[sflag:s25] =	ssyncset.done $0x0;
	(pc) =	sbr.rel @p1 .LBB2_2-.Ltmp0, $4  }
0x48: {  	s0 =	sadd.s32 $0x1C80, s0;
	[sflag:s25] =	ssyncadd.s32 $0xFFFFCE00  }
0x49: {  	[spmem:s1] =	stream.indirect.scatter.add.f32 [tilespmem:s23], [sflag:$0x4], $0x80, s0, s20, $0xb8;
	[tilespmem:$0x1D880] =	vst v63  }
0x4a: {  	_ =	swait.ge [sflag:s18], $0x3200  }
0x4b: {  	s2 =	smov.u32 s8;
	s0 =	sshra.s32 s7, $0x2;
	[sflag:s18] =	ssyncset.done $0x0  }
0x4c: {  	s2 =	sadd.s32 $0x80, s0;
	[sflag:s18] =	ssyncadd.s32 $0xFFFFCE00  }
0x4d: {  	[tilespmem:s23], [sflag:$0x2] =	stream.indirect.gather [hbm4b:s4+s20], $0x80, s2, s20, $0xb8;
	[tilespmem:$0x1D880] =	vst v63  }
0x4e: {  	_ =	swait.ge [sflag:s24], $0x3200  }
0x4f: {  	[sflag:s24] =	ssyncset.done $0x0  }
0x50: {  	s8 =	sadd.s32 $0x1C00, s0;
	[sflag:s24] =	ssyncadd.s32 $0xFFFFCE00  }
0x51: {  	[spmem:s1] =	stream.indirect.scatter.add.f32 [tilespmem:s21], [sflag:$0x4], $0x80, s8, s20, $0xb8;
	[tilespmem:$0x1D880] =	vst v63  }
0x52: {  	_ =	swait.ge [sflag:s18], $0x3200  }
0x53: {  	[sflag:s18] =	ssyncset.done $0x0  }
0x54: {  	s5 =	sadd.s32 $0x100, s0;
	[sflag:s18] =	ssyncadd.s32 $0xFFFFCE00  }
0x55: {  	[tilespmem:s21], [sflag:$0x1] =	stream.indirect.gather [hbm4b:s4+s20], $0x80, s5, s20, $0xb8;
	[tilespmem:$0x1D880] =	vst v63  }
0x56: {  	_ =	swait.ge [sflag:s25], $0x3200  }
0x57: {  	[sflag:s25] =	ssyncset.done $0x0  }
0x58: {  	s7 =	sadd.s32 $0x1C80, s0;
	[sflag:s25] =	ssyncadd.s32 $0xFFFFCE00  }
0x59: {  	[spmem:s1] =	stream.indirect.scatter.add.f32 [tilespmem:s23], [sflag:$0x4], $0x80, s7, s20, $0xb8;
	[tilespmem:$0x1D880] =	vst v63  }
0x5a: {  	_ =	swait.ge [sflag:s18], $0x3200  }
0x5b: {  	[sflag:s18] =	ssyncset.done $0x0  }
0x5c: {  	[sflag:s18] =	ssyncadd.s32 $0xFFFFCE00  }
0x5d: {  	[tilespmem:s23], [sflag:$0x2] =	stream.indirect.gather [hbm4b:s4+s20], $0x80, s26, s20, $0xb8;
	[tilespmem:$0x1D880] =	vst v63  }
0x5e: {  	_ =	swait.ge [sflag:s24], $0x3200  }
0x5f: {  	[sflag:s24] =	ssyncset.done $0x0  }
0x60: {  	[sflag:s24] =	ssyncadd.s32 $0xFFFFCE00  }
0x61: {  	[spmem:s1] =	stream.indirect.scatter.add.f32 [tilespmem:s21], [sflag:$0x4], $0x80, s28, s20, $0xb8;
	[tilespmem:$0x1D880] =	vst v63  }
0x62: {  	_ =	swait.ge [sflag:s18], $0x3200  }
0x63: {  	[sflag:s18] =	ssyncset.done $0x0  }
0x64: {  	[sflag:s18] =	ssyncadd.s32 $0xFFFFCE00  }
0x65: {  	_ =	swait.ge [sflag:s25], $0x3200  }
0x66: {  	[sflag:s25] =	ssyncset.done $0x0  }
0x67: {  	[sflag:s25] =	ssyncadd.s32 $0xFFFFCE00  }
0x68: {  	[spmem:s1] =	stream.indirect.scatter.add.f32 [tilespmem:s23], [sflag:$0x4], $0x80, s29, s20, $0xb8;
	[tilespmem:$0x1D880] =	vst v63  }
0x69: {  	_ =	swait.ge [sflag:s18], $0x3200  }
0x6a: {  	[sflag:s18] =	ssyncset.done $0x0  }
0x6b: {  	s8 =	simm.s32 $0x0;
	[sflag:s18] =	ssyncadd.s32 $0xFFFFCE00  }
0x6c: {  	[tilespmem:s8], [sflag:$0x4] =	stream.linear.gather [hbm4b:s12+s8], $0x1900, $0x38;
	[tilespmem:$0x1D880] =	vst v63  }
0x6d: {  	_ =	swait.ge [sflag:s18], $0x1900  }
0x6e: {  	[sflag:s18] =	ssyncset.done $0x0  }
0x6f: {  	[sflag:s18] =	ssyncadd.s32 $0xFFFFE700  }
0x70: {  	[tilespmem:s19], [sflag:$0x4] =	stream.linear.gather [hbm4b:s13+s8], $0x1900, $0x38;
	[tilespmem:$0x1D880] =	vst v63  }
0x71: {  	_ =	swait.ge [sflag:s18], $0x1900  }
0x72: {  	[sflag:s18] =	ssyncset.done $0x0  }
0x73: {  	[sflag:s18] =	ssyncadd.s32 $0xFFFFE700  }
0x74: {  	[tilespmem:s21], [sflag:$0x1] =	stream.indirect.gather [hbm4b:s4+s20], $0x80, s8, s20, $0xb8;
	[tilespmem:$0x1D880] =	vst v63  }
0x75: {  	s2 =	simm.s32 $0x80  }
0x76: {  	[tilespmem:s23], [sflag:$0x2] =	stream.indirect.gather [hbm4b:s4+s20], $0x80, s2, s20, $0xb8;
	[tilespmem:$0x1D880] =	vst v63  }
0x77: {  	_ =	swait.ge [sflag:s24], $0x3200  }
0x78: {  	[sflag:s24] =	ssyncset.done $0x0  }
0x79: {  	s5 =	simm.s32 $0x1C00;
	[sflag:s24] =	ssyncadd.s32 $0xFFFFCE00  }
0x7a: {  	[spmem:s1] =	stream.indirect.scatter.add.f32 [tilespmem:s21], [sflag:$0x4], $0x80, s5, s20, $0xb8;
	[tilespmem:$0x1D880] =	vst v63  }
0x7b: {  	_ =	swait.ge [sflag:s18], $0x3200  }
0x7c: {  	[sflag:s18] =	ssyncset.done $0x0  }
0x7d: {  	s7 =	simm.s32 $0x100;
	[sflag:s18] =	ssyncadd.s32 $0xFFFFCE00  }
0x7e: {  	[tilespmem:s21], [sflag:$0x1] =	stream.indirect.gather [hbm4b:s4+s20], $0x80, s7, s20, $0xb8;
	[tilespmem:$0x1D880] =	vst v63  }
0x7f: {  	_ =	swait.ge [sflag:s25], $0x3200  }
0x80: {  	[sflag:s25] =	ssyncset.done $0x0  }
0x81: {  	s8 =	simm.s32 $0x1C80;
	[sflag:s25] =	ssyncadd.s32 $0xFFFFCE00  }
0x82: {  	[spmem:s1] =	stream.indirect.scatter.add.f32 [tilespmem:s23], [sflag:$0x4], $0x80, s8, s20, $0xb8;
	[tilespmem:$0x1D880] =	vst v63  }
0x83: {  	_ =	swait.ge [sflag:s18], $0x3200  }
0x84: {  	s0 =	simm.s32 $0x100;
	s2 =	simm.s32 $0x800;
	[sflag:s18] =	ssyncset.done $0x0  }
.LBB2_4:
0x85: {  	s5 =	sadd.s32 $0x80, s0  }
0x86: {  	[sflag:s18] =	ssyncadd.s32 $0xFFFFCE00;
	s7 =	smov.u32 s2;
	s8 =	sadd.s32 $0x400, s2  }
0x87: {  	[tilespmem:s23], [sflag:$0x2] =	stream.indirect.gather [hbm4b:s4+s20], $0x80, s5, s20, $0xb8;
	[tilespmem:$0x1D880] =	vst v63  }
0x88: {  	p1 =	sne.s32 s2, $0x5C00;
	_ =	swait.ge [sflag:s24], $0x3200  }
0x89: {  	[sflag:s24] =	ssyncset.done $0x0  }
0x8a: {  	s2 =	sadd.s32 $0x1C00, s0;
	[sflag:s24] =	ssyncadd.s32 $0xFFFFCE00  }
0x8b: {  	[spmem:s1] =	stream.indirect.scatter.add.f32 [tilespmem:s21], [sflag:$0x4], $0x80, s2, s20, $0xb8;
	[tilespmem:$0x1D880] =	vst v63  }
0x8c: {  	_ =	swait.ge [sflag:s18], $0x3200  }
0x8d: {  	[sflag:s18] =	ssyncset.done $0x0  }
0x8e: {  	s2 =	sadd.s32 $0x100, s0;
	[sflag:s18] =	ssyncadd.s32 $0xFFFFCE00  }
0x8f: {  	[tilespmem:s21], [sflag:$0x1] =	stream.indirect.gather [hbm4b:s4+s20], $0x80, s2, s20, $0xb8;
	[tilespmem:$0x1D880] =	vst v63  }
0x90: {  	_ =	swait.ge [sflag:s25], $0x3200  }
.Ltmp1:
0x91: {  	[sflag:s25] =	ssyncset.done $0x0;
	(pc) =	sbr.rel @p1 .LBB2_4-.Ltmp1, $4  }
0x92: {  	s0 =	sadd.s32 $0x1C80, s0;
	[sflag:s25] =	ssyncadd.s32 $0xFFFFCE00  }
0x93: {  	[spmem:s1] =	stream.indirect.scatter.add.f32 [tilespmem:s23], [sflag:$0x4], $0x80, s0, s20, $0xb8;
	[tilespmem:$0x1D880] =	vst v63  }
0x94: {  	_ =	swait.ge [sflag:s18], $0x3200  }
0x95: {  	s2 =	smov.u32 s8;
	s0 =	sshra.s32 s7, $0x2;
	[sflag:s18] =	ssyncset.done $0x0  }
0x96: {  	s2 =	sadd.s32 $0x80, s0;
	[sflag:s18] =	ssyncadd.s32 $0xFFFFCE00  }
0x97: {  	[tilespmem:s23], [sflag:$0x2] =	stream.indirect.gather [hbm4b:s4+s20], $0x80, s2, s20, $0xb8;
	[tilespmem:$0x1D880] =	vst v63  }
0x98: {  	_ =	swait.ge [sflag:s24], $0x3200  }
0x99: {  	[sflag:s24] =	ssyncset.done $0x0  }
0x9a: {  	s5 =	sadd.s32 $0x1C00, s0;
	[sflag:s24] =	ssyncadd.s32 $0xFFFFCE00  }
0x9b: {  	[spmem:s1] =	stream.indirect.scatter.add.f32 [tilespmem:s21], [sflag:$0x4], $0x80, s5, s20, $0xb8;
	[tilespmem:$0x1D880] =	vst v63  }
0x9c: {  	_ =	swait.ge [sflag:s18], $0x3200  }
0x9d: {  	[sflag:s18] =	ssyncset.done $0x0  }
0x9e: {  	s7 =	sadd.s32 $0x100, s0;
	[sflag:s18] =	ssyncadd.s32 $0xFFFFCE00  }
0x9f: {  	[tilespmem:s21], [sflag:$0x1] =	stream.indirect.gather [hbm4b:s4+s20], $0x80, s7, s20, $0xb8;
	[tilespmem:$0x1D880] =	vst v63  }
0xa0: {  	_ =	swait.ge [sflag:s25], $0x3200  }
0xa1: {  	[sflag:s25] =	ssyncset.done $0x0  }
0xa2: {  	s8 =	sadd.s32 $0x1C80, s0;
	[sflag:s25] =	ssyncadd.s32 $0xFFFFCE00  }
0xa3: {  	[spmem:s1] =	stream.indirect.scatter.add.f32 [tilespmem:s23], [sflag:$0x4], $0x80, s8, s20, $0xb8;
	[tilespmem:$0x1D880] =	vst v63  }
0xa4: {  	_ =	swait.ge [sflag:s18], $0x3200  }
0xa5: {  	[sflag:s18] =	ssyncset.done $0x0  }
0xa6: {  	[sflag:s18] =	ssyncadd.s32 $0xFFFFCE00  }
0xa7: {  	[tilespmem:s23], [sflag:$0x2] =	stream.indirect.gather [hbm4b:s4+s20], $0x80, s26, s20, $0xb8;
	[tilespmem:$0x1D880] =	vst v63  }
0xa8: {  	_ =	swait.ge [sflag:s24], $0x3200  }
0xa9: {  	[sflag:s24] =	ssyncset.done $0x0  }
0xaa: {  	[sflag:s24] =	ssyncadd.s32 $0xFFFFCE00  }
0xab: {  	[spmem:s1] =	stream.indirect.scatter.add.f32 [tilespmem:s21], [sflag:$0x4], $0x80, s28, s20, $0xb8;
	[tilespmem:$0x1D880] =	vst v63  }
0xac: {  	_ =	swait.ge [sflag:s18], $0x3200  }
0xad: {  	[sflag:s18] =	ssyncset.done $0x0  }
0xae: {  	[sflag:s18] =	ssyncadd.s32 $0xFFFFCE00  }
0xaf: {  	_ =	swait.ge [sflag:s25], $0x3200  }
0xb0: {  	[sflag:s25] =	ssyncset.done $0x0  }
0xb1: {  	[sflag:s25] =	ssyncadd.s32 $0xFFFFCE00  }
0xb2: {  	[spmem:s1] =	stream.indirect.scatter.add.f32 [tilespmem:s23], [sflag:$0x4], $0x80, s29, s20, $0xb8;
	[tilespmem:$0x1D880] =	vst v63  }
0xb3: {  	_ =	swait.ge [sflag:s18], $0x3200  }
0xb4: {  	[sflag:s18] =	ssyncset.done $0x0  }
0xb5: {  	[sflag:s18] =	ssyncadd.s32 $0xFFFFCE00  }
0xb6: {  	s0 =	sor.u32 $0x1C04, s6;
	[bflag:$0x0] =	sbarrier.arrive $0xFFFF  }
0xb7: {  	[hbm:s14], [sflag:s0] =	dma.local [spmem:s17], $0x2700  }
0xb8: {  	_ =	swait.ge [sflag:s18], $0x2700  }
0xb9: {  	s30 =	sadd.s32 $0x1, s30;
	[sflag:s18] =	ssyncset.done $0x0  }
0xba: {  	p1 =	sne.s32 s30, s16;
	[sflag:s18] =	ssyncadd.s32 $0xFFFFD900  }
0xbb: {  	[hbm:s15], [sflag:s0] =	dma.local @!p0 [spmem:s31], $0x100  }
.Ltmp2:
0xbc: {  	_ = 	snop;
	(pc) =	sbr.rel @p1 .LBB2_1-.Ltmp2, $4  }
0xbd: {  	s0 =	simm.s32 @!p0 $0x4  }
0xbe: {  	_ =	swait.ge @!p0 [sflag:s0], $0x100  }
0xbf: {  	[sflag:s0] =	ssyncset.done @!p0 $0x0  }
0xc0: {  	[sflag:s0] =	ssyncadd.s32 @!p0 $0xFFFFFF00  }
0xc1: {  	_ =	sfence.sel $0x180000  }
0xc2: {  	[bflag:$0x0] =	sbarrier.arrive $0xFFFF  }
0xc3: {  	_ =	strace $0x90000050  }
0xc4: {  	s0 =	stileid.u32;
	[bflag:$0x2] =	sbarrier.arrive $0xFFFF  }
0xc5: {  	p0 =	sne.s32 s0, $0x0;
	s0 =	rddreg [dreg:$0x2]  }
0xc6: {  	s0 =	sadd.s32 @!p0 $0x100000, s0  }
0xc7: {  	[sflag:s0] =	ssyncadd.tile.s32 @!p0 $0x1;
	_ =	shalt  }
.Lfunc_end2:
_tile_overlayer_lowered:
.L_overlay_start_2:
0xc8: {  	(tag) =	ssettag $0x2  }
0xc9: {  	s0 =	rddreg [dreg:$0x0];
	s2 =	stileid.u32  }
0xca: {  	s1 =	rddreg [dreg:$0x1];
	p0 =	sne.s32 s2, $0x0  }
0xcb: {  	s3 =	rddreg [dreg:$0x2];
	[bflag:$0x3] =	sbarrier.arrive $0xFFFF;
	s2 =	simm.s32 @!p0 $0x1C04  }
0xcc: {  	[timem:s3], [sflag:s2] =	dma.local @!p0 [hbm:s0], s1  }
0xcd: {  	s0 =	simm.s32 @!p0 $0x4  }
0xce: {  	_ =	swait.ge @!p0 [sflag:s0], s1  }
0xcf: {  	s1 =	ssub.s32 @!p0 $0x0, s1;
	[sflag:s0] =	ssyncset.done @!p0 $0x0  }
0xd0: {  	[sflag:s0] =	ssyncadd.s32 @!p0 s1  }
0xd1: {  	[bflag:$0x3] =	sbarrier.arrive $0xFFFF  }
0xd2: {  	_ =	shalt  }

// kernel: kernel.28.cloned.1.call-start
scs
__scs_entry_jumppad:
0x0: {  	(pc) =	sbr.rel $0x88, $3  }
0x1: {  	(tag) =	ssettag $0x0;
	lr =	simm.s32 $0x1  }
0x2: {  	[smem:$0x3F8D] =	sst lr;
	_ =	strace $0xD0000000  }
0x3: {  	_ = 	snop  }
0x4: {  	_ = 	snop  }
0x5: {  	_ = 	snop  }
0x6: {  	_ = 	snop  }
0x7: {  	_ = 	snop  }
__scs_overlays_trampoline_lowered:
0x8: {  	[smem:$0x3F9C] =	sst s0  }
0x9: {  	[smem:$0x3F9D] =	sst s1  }
0xa: {  	[smem:$0x3F9E] =	sst s2  }
0xb: {  	[smem:$0x3F9F] =	sst s3  }
0xc: {  	[smem:$0x3FA0] =	sst s4  }
0xd: {  	[smem:$0x3FA1] =	sst s5  }
0xe: {  	[smem:$0x3FA2] =	sst s6  }
0xf: {  	[smem:$0x3FA3] =	sst s7  }
0x10: {  	[smem:$0x3FA4] =	sst s8  }
0x11: {  	[smem:$0x3FA5] =	sst s9;
	s0 =	simm.s32 @!p0 $0x0  }
0x12: {  	s1 =	sld [smem:$0x3F8B];
	s0 =	simm.s32 @p0 $0x1  }
0x13: {  	[smem:$0x3FA6] =	sst s0;
	s0 =	simm.s32 @!p1 $0x0  }
0x14: {  	s2 =	sld [smem:$0x3F8A];
	s0 =	simm.s32 @p1 $0x1  }
0x15: {  	[smem:$0x3FA7] =	sst s0;
	s0 =	simm.s32 @!p2 $0x0  }
0x16: {  	s3 =	sld [smem:$0x3FDB];
	s0 =	simm.s32 @p2 $0x1  }
0x17: {  	s4 =	simm.s32 $0x1BF5;
	[smem:$0x3FA9] =	sst s0  }
0x18: {  	s0 =	sld [smem:$0x3F8C];
	_ =	swait.ge [sflag:s4], $0x0  }
0x19: {  	s7 =	sld [smem:$0x3F8D]  }
0x1a: {  	s8 =	sadd.s32 $0xFFFFE003, lr  }
0x1b: {  	s9 =	sadd.s32 $0xFFFFFEF7, lr;
	s5 =	simm.s32 $0xFFFFFFFF;
	p2 =	slt.u32 s8, $0xFFFFF086  }
0x1c: {  	p1 =	slt.u32 s9, $0xF7A;
	s5 =	simm.s32 @!p2 $0x0  }
0x1d: {  	s5 =	simm.s32 @p1 $0x1;
	p0 =	seq.s32 s7, s2  }
0x1e: {  	s7 =	smul.u32 @!p0 $0xF7A, s2;
	p2 =	seq.s32 @!p0 s5, $0x0  }
0x1f: {  	s9 =	smul.u32 $0xF7A, s1;
	s8 =	simm.s32 @!p0 $0x1BF5;
	p2 =	por !p2, p0  }
0x20: {  	[sflag:s8] =	ssyncset.s32 @!p0 $0xFFFFF086;
	s6 =	sadd.s32 @!p0 s3, s7;
	s7 =	simm.s32 @!p0 $0x108  }
0x21: {  	s3 =	sadd.s32 s3, s9;
	s6 =	sadd.s32 @!p0 $0x88, s6;
	s7 =	simm.s32 @p2 $0x1082  }
0x22: {  	[simem:s7], [sflag:s8] =	dma.local @!p0 [hbm:s6], $0xF7A  }
0x23: {  	s9 =	sor.u32 $0xD0000000, s2;
	s6 =	simm.s32 $0x108;
	_ =	swait.ge @!p0 [sflag:s8], $0x0  }
0x24: {  	s3 =	sadd.s32 $0x88, s3;
	s6 =	simm.s32 @!p1 $0x1082;
	[sflag:s4] =	ssyncset.s32 $0xFFFFF086  }
0x25: {  	[simem:s6], [sflag:s4] =	dma.local [hbm:s3], $0xF7A  }
0x26: {  	[smem:$0x3F8D] =	sst s1;
	(tag) =	ssettag s2;
	_ =	strace s9  }
0x27: {  	s1 =	sld [smem:$0x3F9D]  }
0x28: {  	s2 =	sld [smem:$0x3F9E]  }
0x29: {  	s4 =	sld [smem:$0x3FA0]  }
0x2a: {  	p0 =	seq.s32 s5, $0x0;
	s5 =	sld [smem:$0x3FA1]  }
0x2b: {  	s6 =	sld [smem:$0x3FA2]  }
0x2c: {  	s7 =	sld [smem:$0x3FA3]  }
0x2d: {  	s3 =	simm.s32 $0x108;
	s8 =	sld [smem:$0x3FA4]  }
0x2e: {  	s3 =	simm.s32 @!p0 $0x1082;
	s9 =	sld [smem:$0x3FA5]  }
0x2f: {  	lr =	sadd.s32 s0, s3;
	s0 =	sld [smem:$0x3F9C]  }
0x30: {  	s3 =	sld [smem:$0x3F9F]  }
0x31: {  	[smem:$0x3FA8] =	sst s10  }
0x32: {  	s10 =	sld [smem:$0x3FA6];
	_ =	sdelay $0x3  }
0x33: {  	p0 =	seq.s32 s10, $0x1;
	s10 =	sld [smem:$0x3FA8];
	_ =	sdelay $0x3  }
0x34: {  	[smem:$0x3FA8] =	sst s10  }
0x35: {  	s10 =	sld [smem:$0x3FA7];
	_ =	sdelay $0x3  }
0x36: {  	p1 =	seq.s32 s10, $0x1;
	s10 =	sld [smem:$0x3FA8];
	_ =	sdelay $0x3  }
0x37: {  	[smem:$0x3FA8] =	sst s10  }
0x38: {  	s10 =	sld [smem:$0x3FA9]  }
0x39: {  	_ = 	snop;
	(pc) =	sbr.ind lr, $3  }
0x3a: {  	_ = 	snop  }
0x3b: {  	_ = 	snop  }
0x3c: {  	p2 =	seq.s32 s10, $0x1;
	s10 =	sld [smem:$0x3FA8]  }
0x3d: {  	_ =	shalt  }
0x3e: {  	_ =	shalt  }
0x3f: {  	_ =	shalt  }
0x40: {  	_ =	shalt  }
0x41: {  	_ =	shalt  }
0x42: {  	_ =	shalt  }
0x43: {  	_ =	shalt  }
0x44: {  	_ =	shalt  }
0x45: {  	_ =	shalt  }
0x46: {  	_ =	shalt  }
0x47: {  	_ =	shalt  }
0x48: {  	_ =	shalt  }
0x49: {  	_ =	shalt  }
0x4a: {  	_ =	shalt  }
0x4b: {  	_ =	shalt  }
0x4c: {  	_ =	shalt  }
0x4d: {  	_ =	shalt  }
0x4e: {  	_ =	shalt  }
0x4f: {  	_ =	shalt  }
0x50: {  	_ =	shalt  }
0x51: {  	_ =	shalt  }
0x52: {  	_ =	shalt  }
0x53: {  	_ =	shalt  }
0x54: {  	_ =	shalt  }
0x55: {  	_ =	shalt  }
0x56: {  	_ =	shalt  }
0x57: {  	_ =	shalt  }
0x58: {  	_ =	shalt  }
0x59: {  	_ =	shalt  }
0x5a: {  	_ =	shalt  }
0x5b: {  	_ =	shalt  }
0x5c: {  	_ =	shalt  }
0x5d: {  	_ =	shalt  }
0x5e: {  	_ =	shalt  }
0x5f: {  	_ =	shalt  }
0x60: {  	_ =	shalt  }
0x61: {  	_ =	shalt  }
0x62: {  	_ =	shalt  }
0x63: {  	_ =	shalt  }
0x64: {  	_ =	shalt  }
0x65: {  	_ =	shalt  }
0x66: {  	_ =	shalt  }
0x67: {  	_ =	shalt  }
0x68: {  	_ =	shalt  }
0x69: {  	_ =	shalt  }
0x6a: {  	_ =	shalt  }
0x6b: {  	_ =	shalt  }
0x6c: {  	_ =	shalt  }
0x6d: {  	_ =	shalt  }
0x6e: {  	_ =	shalt  }
0x6f: {  	_ =	shalt  }
0x70: {  	_ =	shalt  }
0x71: {  	_ =	shalt  }
0x72: {  	_ =	shalt  }
0x73: {  	_ =	shalt  }
0x74: {  	_ =	shalt  }
0x75: {  	_ =	shalt  }
0x76: {  	_ =	shalt  }
0x77: {  	_ =	shalt  }
0x78: {  	_ =	shalt  }
0x79: {  	_ =	shalt  }
0x7a: {  	_ =	shalt  }
0x7b: {  	_ =	shalt  }
0x7c: {  	_ =	shalt  }
0x7d: {  	_ =	shalt  }
0x7e: {  	_ =	shalt  }
0x7f: {  	_ =	shalt  }
0x80: {  	_ =	shalt  }
0x81: {  	_ =	shalt  }
0x82: {  	_ =	shalt  }
0x83: {  	_ =	shalt  }
0x84: {  	_ =	shalt  }
0x85: {  	_ =	shalt  }
0x86: {  	_ =	shalt  }
0x87: {  	_ =	shalt  }
.Lfunc_end0:
.L_simem_size_0:
called_computation.4_lowered:
.L_overlay_start_0:
0x88: {  	s2 =	sld [smem:$0x3FD9]  }
0x89: {  	s3 =	sld [smem:$0x3FFE];
	_ =	sdelay $0x1  }
0x8a: {  	s1 =	srdreg.scid  }
0x8b: {  	s0 =	sand.u32 $0x1, s1  }
0x8c: {  	s16 =	sshll.u32 s0, $0xA;
	s2 =	sadd.s32 s3, s2  }
0x8d: {  	s2 =	sadd.s32 s2, s16  }
0x8e: {  	[smem:$0x3FB4] =	sst s2  }
0x8f: {  	_ = 	snop  }
0x90: {  	(tm) =	ssettm $0x1  }
0x91: {  	s17 =	sld [smem:$0x3FFB];
	_ =	sdelay $0x3  }
0x92: {  	_ =	strace s17  }
0x93: {  	s2 =	sld [smem:$0x3FFC];
	_ =	sdelay $0x3  }
0x94: {  	_ =	strace s2  }
0x95: {  	s2 =	sld [smem:$0x3FFD];
	_ =	sdelay $0x3  }
0x96: {  	_ =	strace s2  }
0x97: {  	_ =	strace $0x8FFFFFFF  }
0x98: {  	s18 =	sld [smem:$0x3FDB];
	_ =	sdelay $0x1  }
0x99: {  	s19 =	simm.s32 $_scs_section_size  }
0x9a: {  	s4 =	simm.s32 $_size__tile_overlayer_lowered;
	s5 =	simm.s32 $_tile_overlayer_lowered  }
0x9b: {  	s22 =	simm.s32 $0x1BFF;
	s21 =	sshll.u32 s5, $0x1;
	s2 =	sadd.s32 s19, s18  }
0x9c: {  	s6 =	simm.s32 $0x0;
	s20 =	sshll.u32 s4, $0x1;
	s4 =	sadd.s32 s21, s2  }
0x9d: {  	[timem:s6], [sflag:s22] =	dma.local [hbm:s4], s20  }
0x9e: {  	_ =	swait.ge [sflag:s22], s20  }
0x9f: {  	s3 =	ssub.s32 $0x0, s20;
	[sflag:s22] =	ssyncset.done $0x0  }
0xa0: {  	[sflag:s22] =	ssyncadd.s32 s3;
	_ =	sdelay $0x1  }
0xa1: {  	s23 =	simm.s32 $0x1B8B  }
0xa2: {  	_ =	swait.ge [sflag:s23], $0x1  }
0xa3: {  	[sflag:s23] =	ssyncset.done $0x0  }
0xa4: {  	s25 =	simm.s32 $0x1B8E;
	s24 =	sld [smem:$0x3FFE];
	[sflag:s23] =	ssyncadd.s32 $0xFFFFFFFF  }
0xa5: {  	s26 =	simm.s32 $execute0_lowered;
	[smem:$0x3FD2] =	sst s25  }
0xa6: {  	s4 =	sshll.u32 s26, $0x1;
	_ =	strace $0x80000052;
	[dreg:$0x1] =	wrdreg $0xFFFFFFFF  }
0xa7: {  	s28 =	simm.s32 $_size_execute0_lowered;
	s2 =	sadd.s32 s2, s4;
	[dreg:$0x0] =	wrdreg $0x0  }
0xa8: {  	s4 =	sshll.u32 s28, $0x1;
	[dreg:$0x2] =	wrdreg s2  }
0xa9: {  	[dreg:$0x3] =	wrdreg s4  }
0xaa: {  	[dreg:$0x4] =	wrdreg $0xC0  }
0xab: {  	_ =	task [dreg:s6], $0x5FFFF  }
0xac: {  	[dreg:$0x1] =	wrdreg $0xFFFFFFFF  }
0xad: {  	[dreg:$0x0] =	wrdreg $0x60  }
0xae: {  	[dreg:$0x2] =	wrdreg s24  }
0xaf: {  	[dreg:$0x3] =	wrdreg $0xA0000  }
0xb0: {  	[dreg:$0x4] =	wrdreg $0x9  }
0xb1: {  	_ =	task.clear_ibuf [dreg:s6], $0x5FFFF;
	_ =	strace $0x90000052  }
0xb2: {  	s29 =	simm.s32 $0x9;
	_ =	strace $0x80000054  }
0xb3: {  	_ =	swait.ge [sflag:s29], $0x1  }
0xb4: {  	[sflag:s29] =	ssyncadd.s32 $0xFFFFFFFF  }
0xb5: {  	_ =	strace $0x90000054  }
0xb6: {  	_ =	sfence  }
0xb7: {  	s30 =	sld [smem:$0x0];
	_ =	sdelay $0x2  }
0xb8: {  	s31 =	sshll.u32 s1, $0xD;
	s1 =	sshrl.u32 s1, $0x2  }
0xb9: {  	s3 =	sand.u32 $0x4000, s31;
	s1 =	sadd.s32 s1, s30  }
0xba: {  	s0 =	sor.u32 s3, s0;
	s1 =	sshll.u32 s1, $0x11  }
0xbb: {  	s0 =	sor.u32 s1, s0  }
0xbc: {  	s0 =	sadd.s32 $0x8F2B, s0  }
0xbd: {  	[sflag:s0] =	ssyncadd.remote.s32 $0x1  }
0xbe: {  	_ =	sfence.sel $0xFFFF  }
0xbf: {  	[dreg:$0x0] =	wrdreg $0xFFFFFFFF;
	(pc) =	sbr.abs _section_cstart, $3  }
0xc0: {  	[dreg:$0x1] =	wrdreg $0xFFFFFFFF  }
0xc1: {  	_ =	task.clear_ibuf [dreg:s6], $0x2FFFF;
	_ =	strace $0x9FFFFFFF  }
0xc2: {  	(tm) =	ssettm $0x7FFFFFFF  }
0xc3: {  	_ =	shalt  }
tec
execute0_lowered:
.L_overlay_start_1:
0x0: {  	(tag) =	ssettag $0x1  }
0x1: {  	s0 =	rddreg [dreg:$0x0]  }
0x2: {  	s1 =	rddreg [dreg:$0x1];
	s3 =	simm.s32 $0x0  }
0x3: {  	s19 =	stileid.u32;
	s5 =	srdreg.scid;
	s20 =	simm.s32 $0x64  }
0x4: {  	s21 =	simm.s32 $0x3800;
	s22 =	simm.s32 $0x3;
	s28 =	simm.s32 $0x3400  }
0x5: {  	s29 =	simm.s32 $0x3480;
	s30 =	simm.s32 $0x0;
	[smem:$0x7FF] =	sst s3  }
0x6: {  	s4 =	sadd.s32 $0x21000, s0;
	s2 =	smul.u32 $0x13800, s19;
	s12 =	sadd.s32 $0x5000, s0  }
0x7: {  	s13 =	sadd.s32 $0x13000, s0;
	s9 =	sand.u32 $0x1, s5;
	s6 =	smul.u32 $0x4E000, s19  }
0x8: {  	s14 =	sadd.s32 $0xE4600, s0;
	s11 =	sadd.s32 $0xE4400, s0;
	p0 =	sne.s32 s19, $0xF  }
0x9: {  	_ =	strace $0x80000053;
	s7 =	sshll.u32 s9, $0x4;
	s8 =	ssub.s32 $0x2, s9  }
0xa: {  	s18 =	smul.u32 $0x138800, s9;
	s23 =	sshrl.u32 s2, $0x3;
	s7 =	sor.u32 s19, s7  }
0xb: {  	s10 =	sshrl.u32 s8, $0x1;
	s6 =	sshrl.u32 s6, $0x2;
	s5 =	sadd.s32 s23, s0  }
0xc: {  	s7 =	smul.u32 $0x3800, s7;
	s16 =	ssub.s32 s8, s10;
	s17 =	sadd.s32 s6, s1  }
0xd: {  	s6 =	sshll.u32 s19, $0x6;
	s10 =	sadd.s32 $0x138000, s1;
	s2 =	sadd.s32 s2, s18  }
0xe: {  	s31 =	sshrl.u32 s18, $0x3;
	s18 =	simm.s32 $0x4;
	s19 =	simm.s32 $0x1C00  }
0xf: {  	s23 =	simm.s32 $0x6C00;
	s5 =	sadd.s32 $0xBD400, s5;
	s24 =	sor.u32 $0x1C03, s6  }
0x10: {  	s2 =	sshrl.u32 s2, $0x3;
	s16 =	smax.u32 s16, $0x1;
	[dreg:$0x3] =	wrdreg s5  }
0x11: {  	s17 =	sshrl.u32 s17, $0x3;
	s15 =	sshrl.u32 s7, $0x3;
	[dreg:$0x4] =	wrdreg s24  }
0x12: {  	s24 =	simm.s32 $0x1;
	s25 =	sadd.s32 s12, s15;
	s9 =	sadd.s32 s13, s15  }
0x13: {  	s26 =	sadd.s32 $0x380, s15;
	s15 =	sadd.s32 s14, s31;
	s14 =	sadd.s32 s14, s2  }
0x14: {  	[dreg:$0x5] =	wrdreg s25;
	s12 =	sadd.s32 s12, s26;
	s13 =	sadd.s32 s13, s26  }
0x15: {  	s15 =	sadd.s32 $0x27000, s15;
	s25 =	simm.s32 $0x2;
	s26 =	simm.s32 $0x1880  }
.LBB2_1:
0x16: {  	s0 =	rddreg [dreg:$0x3]  }
0x17: {  	s2 =	rddreg [dreg:$0x4]  }
0x18: {  	[spmem:s17], [sflag:s2] =	dma.local [hbm:s0], $0x2700  }
0x19: {  	s0 =	rddreg [dreg:$0x5]  }
0x1a: {  	[tilespmem:s3], [sflag:$0x4] =	stream.linear.gather [hbm4b:s0+s3], $0x1900, $0x38;
	[tilespmem:$0x1D880] =	vst v63  }
0x1b: {  	_ =	swait.ge [sflag:s18], $0x1900  }
0x1c: {  	[sflag:s18] =	ssyncset.done $0x0  }
0x1d: {  	[sflag:s18] =	ssyncadd.s32 $0xFFFFE700  }
0x1e: {  	[tilespmem:s19], [sflag:$0x4] =	stream.linear.gather [hbm4b:s9+s3], $0x1900, $0x38;
	[tilespmem:$0x1D880] =	vst v63  }
0x1f: {  	_ =	swait.ge [sflag:s18], $0x1900  }
0x20: {  	[sflag:s18] =	ssyncset.done $0x0  }
0x21: {  	[sflag:s18] =	ssyncadd.s32 $0xFFFFE700  }
0x22: {  	[tilespmem:s21], [sflag:$0x1] =	stream.indirect.gather [hbm4b:s4+s20], $0x80, s3, s20, $0xb8;
	[tilespmem:$0x1D880] =	vst v63  }
0x23: {  	_ =	swait.ge [sflag:s22], $0x2700  }
0x24: {  	[sflag:s22] =	ssyncset.done $0x0  }
0x25: {  	s31 =	sshrl.u32 @!p0 s10, $0x3;
	s0 =	simm.s32 @!p0 $0x1FC4;
	[sflag:s22] =	ssyncadd.s32 $0xFFFFD900  }
0x26: {  	[spmem:s31], [sflag:s0] =	dma.local @!p0 [hbm:s11], $0x100  }
0x27: {  	s0 =	simm.s32 @!p0 $0x4  }
0x28: {  	_ =	swait.ge @!p0 [sflag:s0], $0x100  }
0x29: {  	[sflag:s0] =	ssyncset.done @!p0 $0x0  }
0x2a: {  	[sflag:s0] =	ssyncadd.s32 @!p0 $0xFFFFFF00  }
0x2b: {  	s2 =	simm.s32 $0x80;
	[bflag:$0x0] =	sbarrier.arrive $0xFFFF  }
0x2c: {  	[tilespmem:s23], [sflag:$0x2] =	stream.indirect.gather [hbm4b:s4+s20], $0x80, s2, s20, $0xb8;
	[tilespmem:$0x1D880] =	vst v63  }
0x2d: {  	_ =	swait.ge [sflag:s24], $0x3200  }
0x2e: {  	[sflag:s24] =	ssyncset.done $0x0  }
0x2f: {  	s5 =	simm.s32 $0x1C00;
	[sflag:s24] =	ssyncadd.s32 $0xFFFFCE00  }
0x30: {  	[spmem:s1] =	stream.indirect.scatter.add.f32 [tilespmem:s21], [sflag:$0x4], $0x80, s5, s20, $0xb8;
	[tilespmem:$0x1D880] =	vst v63  }
0x31: {  	_ =	swait.ge [sflag:s18], $0x3200  }
0x32: {  	[sflag:s18] =	ssyncset.done $0x0  }
0x33: {  	s7 =	simm.s32 $0x100;
	[sflag:s18] =	ssyncadd.s32 $0xFFFFCE00  }
0x34: {  	[tilespmem:s21], [sflag:$0x1] =	stream.indirect.gather [hbm4b:s4+s20], $0x80, s7, s20, $0xb8;
	[tilespmem:$0x1D880] =	vst v63  }
0x35: {  	_ =	swait.ge [sflag:s25], $0x3200  }
0x36: {  	[sflag:s25] =	ssyncset.done $0x0  }
0x37: {  	s8 =	simm.s32 $0x1C80;
	[sflag:s25] =	ssyncadd.s32 $0xFFFFCE00  }
0x38: {  	[spmem:s1] =	stream.indirect.scatter.add.f32 [tilespmem:s23], [sflag:$0x4], $0x80, s8, s20, $0xb8;
	[tilespmem:$0x1D880] =	vst v63  }
0x39: {  	_ =	swait.ge [sflag:s18], $0x3200  }
0x3a: {  	s0 =	simm.s32 $0x100;
	s2 =	simm.s32 $0x800;
	[sflag:s18] =	ssyncset.done $0x0  }
.LBB2_2:
0x3b: {  	s5 =	sadd.s32 $0x80, s0  }
0x3c: {  	[sflag:s18] =	ssyncadd.s32 $0xFFFFCE00;
	s7 =	smov.u32 s2;
	s8 =	sadd.s32 $0x400, s2  }
0x3d: {  	[tilespmem:s23], [sflag:$0x2] =	stream.indirect.gather [hbm4b:s4+s20], $0x80, s5, s20, $0xb8;
	[tilespmem:$0x1D880] =	vst v63  }
0x3e: {  	p1 =	sne.s32 s2, $0x5C00;
	_ =	swait.ge [sflag:s24], $0x3200  }
0x3f: {  	[sflag:s24] =	ssyncset.done $0x0  }
0x40: {  	s2 =	sadd.s32 $0x1C00, s0;
	[sflag:s24] =	ssyncadd.s32 $0xFFFFCE00  }
0x41: {  	[spmem:s1] =	stream.indirect.scatter.add.f32 [tilespmem:s21], [sflag:$0x4], $0x80, s2, s20, $0xb8;
	[tilespmem:$0x1D880] =	vst v63  }
0x42: {  	_ =	swait.ge [sflag:s18], $0x3200  }
0x43: {  	[sflag:s18] =	ssyncset.done $0x0  }
0x44: {  	s2 =	sadd.s32 $0x100, s0;
	[sflag:s18] =	ssyncadd.s32 $0xFFFFCE00  }
0x45: {  	[tilespmem:s21], [sflag:$0x1] =	stream.indirect.gather [hbm4b:s4+s20], $0x80, s2, s20, $0xb8;
	[tilespmem:$0x1D880] =	vst v63  }
0x46: {  	_ =	swait.ge [sflag:s25], $0x3200  }
.Ltmp0:
0x47: {  	[sflag:s25] =	ssyncset.done $0x0;
	(pc) =	sbr.rel @p1 .LBB2_2-.Ltmp0, $4  }
0x48: {  	s0 =	sadd.s32 $0x1C80, s0;
	[sflag:s25] =	ssyncadd.s32 $0xFFFFCE00  }
0x49: {  	[spmem:s1] =	stream.indirect.scatter.add.f32 [tilespmem:s23], [sflag:$0x4], $0x80, s0, s20, $0xb8;
	[tilespmem:$0x1D880] =	vst v63  }
0x4a: {  	_ =	swait.ge [sflag:s18], $0x3200  }
0x4b: {  	s2 =	smov.u32 s8;
	s0 =	sshra.s32 s7, $0x2;
	[sflag:s18] =	ssyncset.done $0x0  }
0x4c: {  	s2 =	sadd.s32 $0x80, s0;
	[sflag:s18] =	ssyncadd.s32 $0xFFFFCE00  }
0x4d: {  	[tilespmem:s23], [sflag:$0x2] =	stream.indirect.gather [hbm4b:s4+s20], $0x80, s2, s20, $0xb8;
	[tilespmem:$0x1D880] =	vst v63  }
0x4e: {  	_ =	swait.ge [sflag:s24], $0x3200  }
0x4f: {  	[sflag:s24] =	ssyncset.done $0x0  }
0x50: {  	s8 =	sadd.s32 $0x1C00, s0;
	[sflag:s24] =	ssyncadd.s32 $0xFFFFCE00  }
0x51: {  	[spmem:s1] =	stream.indirect.scatter.add.f32 [tilespmem:s21], [sflag:$0x4], $0x80, s8, s20, $0xb8;
	[tilespmem:$0x1D880] =	vst v63  }
0x52: {  	_ =	swait.ge [sflag:s18], $0x3200  }
0x53: {  	[sflag:s18] =	ssyncset.done $0x0  }
0x54: {  	s5 =	sadd.s32 $0x100, s0;
	[sflag:s18] =	ssyncadd.s32 $0xFFFFCE00  }
0x55: {  	[tilespmem:s21], [sflag:$0x1] =	stream.indirect.gather [hbm4b:s4+s20], $0x80, s5, s20, $0xb8;
	[tilespmem:$0x1D880] =	vst v63  }
0x56: {  	_ =	swait.ge [sflag:s25], $0x3200  }
0x57: {  	[sflag:s25] =	ssyncset.done $0x0  }
0x58: {  	s7 =	sadd.s32 $0x1C80, s0;
	[sflag:s25] =	ssyncadd.s32 $0xFFFFCE00  }
0x59: {  	[spmem:s1] =	stream.indirect.scatter.add.f32 [tilespmem:s23], [sflag:$0x4], $0x80, s7, s20, $0xb8;
	[tilespmem:$0x1D880] =	vst v63  }
0x5a: {  	_ =	swait.ge [sflag:s18], $0x3200  }
0x5b: {  	[sflag:s18] =	ssyncset.done $0x0  }
0x5c: {  	[sflag:s18] =	ssyncadd.s32 $0xFFFFCE00  }
0x5d: {  	[tilespmem:s23], [sflag:$0x2] =	stream.indirect.gather [hbm4b:s4+s20], $0x80, s26, s20, $0xb8;
	[tilespmem:$0x1D880] =	vst v63  }
0x5e: {  	_ =	swait.ge [sflag:s24], $0x3200  }
0x5f: {  	[sflag:s24] =	ssyncset.done $0x0  }
0x60: {  	[sflag:s24] =	ssyncadd.s32 $0xFFFFCE00  }
0x61: {  	[spmem:s1] =	stream.indirect.scatter.add.f32 [tilespmem:s21], [sflag:$0x4], $0x80, s28, s20, $0xb8;
	[tilespmem:$0x1D880] =	vst v63  }
0x62: {  	_ =	swait.ge [sflag:s18], $0x3200  }
0x63: {  	[sflag:s18] =	ssyncset.done $0x0  }
0x64: {  	[sflag:s18] =	ssyncadd.s32 $0xFFFFCE00  }
0x65: {  	_ =	swait.ge [sflag:s25], $0x3200  }
0x66: {  	[sflag:s25] =	ssyncset.done $0x0  }
0x67: {  	[sflag:s25] =	ssyncadd.s32 $0xFFFFCE00  }
0x68: {  	[spmem:s1] =	stream.indirect.scatter.add.f32 [tilespmem:s23], [sflag:$0x4], $0x80, s29, s20, $0xb8;
	[tilespmem:$0x1D880] =	vst v63  }
0x69: {  	_ =	swait.ge [sflag:s18], $0x3200  }
0x6a: {  	[sflag:s18] =	ssyncset.done $0x0  }
0x6b: {  	s8 =	simm.s32 $0x0;
	[sflag:s18] =	ssyncadd.s32 $0xFFFFCE00  }
0x6c: {  	[tilespmem:s8], [sflag:$0x4] =	stream.linear.gather [hbm4b:s12+s8], $0x1900, $0x38;
	[tilespmem:$0x1D880] =	vst v63  }
0x6d: {  	_ =	swait.ge [sflag:s18], $0x1900  }
0x6e: {  	[sflag:s18] =	ssyncset.done $0x0  }
0x6f: {  	[sflag:s18] =	ssyncadd.s32 $0xFFFFE700  }
0x70: {  	[tilespmem:s19], [sflag:$0x4] =	stream.linear.gather [hbm4b:s13+s8], $0x1900, $0x38;
	[tilespmem:$0x1D880] =	vst v63  }
0x71: {  	_ =	swait.ge [sflag:s18], $0x1900  }
0x72: {  	[sflag:s18] =	ssyncset.done $0x0  }
0x73: {  	[sflag:s18] =	ssyncadd.s32 $0xFFFFE700  }
0x74: {  	[tilespmem:s21], [sflag:$0x1] =	stream.indirect.gather [hbm4b:s4+s20], $0x80, s8, s20, $0xb8;
	[tilespmem:$0x1D880] =	vst v63  }
0x75: {  	s2 =	simm.s32 $0x80  }
0x76: {  	[tilespmem:s23], [sflag:$0x2] =	stream.indirect.gather [hbm4b:s4+s20], $0x80, s2, s20, $0xb8;
	[tilespmem:$0x1D880] =	vst v63  }
0x77: {  	_ =	swait.ge [sflag:s24], $0x3200  }
0x78: {  	[sflag:s24] =	ssyncset.done $0x0  }
0x79: {  	s5 =	simm.s32 $0x1C00;
	[sflag:s24] =	ssyncadd.s32 $0xFFFFCE00  }
0x7a: {  	[spmem:s1] =	stream.indirect.scatter.add.f32 [tilespmem:s21], [sflag:$0x4], $0x80, s5, s20, $0xb8;
	[tilespmem:$0x1D880] =	vst v63  }
0x7b: {  	_ =	swait.ge [sflag:s18], $0x3200  }
0x7c: {  	[sflag:s18] =	ssyncset.done $0x0  }
0x7d: {  	s7 =	simm.s32 $0x100;
	[sflag:s18] =	ssyncadd.s32 $0xFFFFCE00  }
0x7e: {  	[tilespmem:s21], [sflag:$0x1] =	stream.indirect.gather [hbm4b:s4+s20], $0x80, s7, s20, $0xb8;
	[tilespmem:$0x1D880] =	vst v63  }
0x7f: {  	_ =	swait.ge [sflag:s25], $0x3200  }
0x80: {  	[sflag:s25] =	ssyncset.done $0x0  }
0x81: {  	s8 =	simm.s32 $0x1C80;
	[sflag:s25] =	ssyncadd.s32 $0xFFFFCE00  }
0x82: {  	[spmem:s1] =	stream.indirect.scatter.add.f32 [tilespmem:s23], [sflag:$0x4], $0x80, s8, s20, $0xb8;
	[tilespmem:$0x1D880] =	vst v63  }
0x83: {  	_ =	swait.ge [sflag:s18], $0x3200  }
0x84: {  	s0 =	simm.s32 $0x100;
	s2 =	simm.s32 $0x800;
	[sflag:s18] =	ssyncset.done $0x0  }
.LBB2_4:
0x85: {  	s5 =	sadd.s32 $0x80, s0  }
0x86: {  	[sflag:s18] =	ssyncadd.s32 $0xFFFFCE00;
	s7 =	smov.u32 s2;
	s8 =	sadd.s32 $0x400, s2  }
0x87: {  	[tilespmem:s23], [sflag:$0x2] =	stream.indirect.gather [hbm4b:s4+s20], $0x80, s5, s20, $0xb8;
	[tilespmem:$0x1D880] =	vst v63  }
0x88: {  	p1 =	sne.s32 s2, $0x5C00;
	_ =	swait.ge [sflag:s24], $0x3200  }
0x89: {  	[sflag:s24] =	ssyncset.done $0x0  }
0x8a: {  	s2 =	sadd.s32 $0x1C00, s0;
	[sflag:s24] =	ssyncadd.s32 $0xFFFFCE00  }
0x8b: {  	[spmem:s1] =	stream.indirect.scatter.add.f32 [tilespmem:s21], [sflag:$0x4], $0x80, s2, s20, $0xb8;
	[tilespmem:$0x1D880] =	vst v63  }
0x8c: {  	_ =	swait.ge [sflag:s18], $0x3200  }
0x8d: {  	[sflag:s18] =	ssyncset.done $0x0  }
0x8e: {  	s2 =	sadd.s32 $0x100, s0;
	[sflag:s18] =	ssyncadd.s32 $0xFFFFCE00  }
0x8f: {  	[tilespmem:s21], [sflag:$0x1] =	stream.indirect.gather [hbm4b:s4+s20], $0x80, s2, s20, $0xb8;
	[tilespmem:$0x1D880] =	vst v63  }
0x90: {  	_ =	swait.ge [sflag:s25], $0x3200  }
.Ltmp1:
0x91: {  	[sflag:s25] =	ssyncset.done $0x0;
	(pc) =	sbr.rel @p1 .LBB2_4-.Ltmp1, $4  }
0x92: {  	s0 =	sadd.s32 $0x1C80, s0;
	[sflag:s25] =	ssyncadd.s32 $0xFFFFCE00  }
0x93: {  	[spmem:s1] =	stream.indirect.scatter.add.f32 [tilespmem:s23], [sflag:$0x4], $0x80, s0, s20, $0xb8;
	[tilespmem:$0x1D880] =	vst v63  }
0x94: {  	_ =	swait.ge [sflag:s18], $0x3200  }
0x95: {  	s2 =	smov.u32 s8;
	s0 =	sshra.s32 s7, $0x2;
	[sflag:s18] =	ssyncset.done $0x0  }
0x96: {  	s2 =	sadd.s32 $0x80, s0;
	[sflag:s18] =	ssyncadd.s32 $0xFFFFCE00  }
0x97: {  	[tilespmem:s23], [sflag:$0x2] =	stream.indirect.gather [hbm4b:s4+s20], $0x80, s2, s20, $0xb8;
	[tilespmem:$0x1D880] =	vst v63  }
0x98: {  	_ =	swait.ge [sflag:s24], $0x3200  }
0x99: {  	[sflag:s24] =	ssyncset.done $0x0  }
0x9a: {  	s5 =	sadd.s32 $0x1C00, s0;
	[sflag:s24] =	ssyncadd.s32 $0xFFFFCE00  }
0x9b: {  	[spmem:s1] =	stream.indirect.scatter.add.f32 [tilespmem:s21], [sflag:$0x4], $0x80, s5, s20, $0xb8;
	[tilespmem:$0x1D880] =	vst v63  }
0x9c: {  	_ =	swait.ge [sflag:s18], $0x3200  }
0x9d: {  	[sflag:s18] =	ssyncset.done $0x0  }
0x9e: {  	s7 =	sadd.s32 $0x100, s0;
	[sflag:s18] =	ssyncadd.s32 $0xFFFFCE00  }
0x9f: {  	[tilespmem:s21], [sflag:$0x1] =	stream.indirect.gather [hbm4b:s4+s20], $0x80, s7, s20, $0xb8;
	[tilespmem:$0x1D880] =	vst v63  }
0xa0: {  	_ =	swait.ge [sflag:s25], $0x3200  }
0xa1: {  	[sflag:s25] =	ssyncset.done $0x0  }
0xa2: {  	s8 =	sadd.s32 $0x1C80, s0;
	[sflag:s25] =	ssyncadd.s32 $0xFFFFCE00  }
0xa3: {  	[spmem:s1] =	stream.indirect.scatter.add.f32 [tilespmem:s23], [sflag:$0x4], $0x80, s8, s20, $0xb8;
	[tilespmem:$0x1D880] =	vst v63  }
0xa4: {  	_ =	swait.ge [sflag:s18], $0x3200  }
0xa5: {  	[sflag:s18] =	ssyncset.done $0x0  }
0xa6: {  	[sflag:s18] =	ssyncadd.s32 $0xFFFFCE00  }
0xa7: {  	[tilespmem:s23], [sflag:$0x2] =	stream.indirect.gather [hbm4b:s4+s20], $0x80, s26, s20, $0xb8;
	[tilespmem:$0x1D880] =	vst v63  }
0xa8: {  	_ =	swait.ge [sflag:s24], $0x3200  }
0xa9: {  	[sflag:s24] =	ssyncset.done $0x0  }
0xaa: {  	[sflag:s24] =	ssyncadd.s32 $0xFFFFCE00  }
0xab: {  	[spmem:s1] =	stream.indirect.scatter.add.f32 [tilespmem:s21], [sflag:$0x4], $0x80, s28, s20, $0xb8;
	[tilespmem:$0x1D880] =	vst v63  }
0xac: {  	_ =	swait.ge [sflag:s18], $0x3200  }
0xad: {  	[sflag:s18] =	ssyncset.done $0x0  }
0xae: {  	[sflag:s18] =	ssyncadd.s32 $0xFFFFCE00  }
0xaf: {  	_ =	swait.ge [sflag:s25], $0x3200  }
0xb0: {  	[sflag:s25] =	ssyncset.done $0x0  }
0xb1: {  	[sflag:s25] =	ssyncadd.s32 $0xFFFFCE00  }
0xb2: {  	[spmem:s1] =	stream.indirect.scatter.add.f32 [tilespmem:s23], [sflag:$0x4], $0x80, s29, s20, $0xb8;
	[tilespmem:$0x1D880] =	vst v63  }
0xb3: {  	_ =	swait.ge [sflag:s18], $0x3200  }
0xb4: {  	[sflag:s18] =	ssyncset.done $0x0  }
0xb5: {  	[sflag:s18] =	ssyncadd.s32 $0xFFFFCE00  }
0xb6: {  	s0 =	sor.u32 $0x1C04, s6;
	[bflag:$0x0] =	sbarrier.arrive $0xFFFF  }
0xb7: {  	[hbm:s14], [sflag:s0] =	dma.local [spmem:s17], $0x2700  }
0xb8: {  	_ =	swait.ge [sflag:s18], $0x2700  }
0xb9: {  	s30 =	sadd.s32 $0x1, s30;
	[sflag:s18] =	ssyncset.done $0x0  }
0xba: {  	p1 =	sne.s32 s30, s16;
	[sflag:s18] =	ssyncadd.s32 $0xFFFFD900  }
0xbb: {  	[hbm:s15], [sflag:s0] =	dma.local @!p0 [spmem:s31], $0x100  }
.Ltmp2:
0xbc: {  	_ = 	snop;
	(pc) =	sbr.rel @p1 .LBB2_1-.Ltmp2, $4  }
0xbd: {  	s0 =	simm.s32 @!p0 $0x4  }
0xbe: {  	_ =	swait.ge @!p0 [sflag:s0], $0x100  }
0xbf: {  	[sflag:s0] =	ssyncset.done @!p0 $0x0  }
0xc0: {  	[sflag:s0] =	ssyncadd.s32 @!p0 $0xFFFFFF00  }
0xc1: {  	_ =	sfence.sel $0x180000  }
0xc2: {  	[bflag:$0x0] =	sbarrier.arrive $0xFFFF  }
0xc3: {  	_ =	strace $0x90000053  }
0xc4: {  	s0 =	stileid.u32;
	[bflag:$0x2] =	sbarrier.arrive $0xFFFF  }
0xc5: {  	p0 =	sne.s32 s0, $0x0;
	s0 =	rddreg [dreg:$0x2]  }
0xc6: {  	s0 =	sadd.s32 @!p0 $0x100000, s0  }
0xc7: {  	[sflag:s0] =	ssyncadd.tile.s32 @!p0 $0x1;
	_ =	shalt  }
.Lfunc_end2:
_tile_overlayer_lowered:
.L_overlay_start_2:
0xc8: {  	(tag) =	ssettag $0x2  }
0xc9: {  	s0 =	rddreg [dreg:$0x0];
	s2 =	stileid.u32  }
0xca: {  	s1 =	rddreg [dreg:$0x1];
	p0 =	sne.s32 s2, $0x0  }
0xcb: {  	s3 =	rddreg [dreg:$0x2];
	[bflag:$0x3] =	sbarrier.arrive $0xFFFF;
	s2 =	simm.s32 @!p0 $0x1C04  }
0xcc: {  	[timem:s3], [sflag:s2] =	dma.local @!p0 [hbm:s0], s1  }
0xcd: {  	s0 =	simm.s32 @!p0 $0x4  }
0xce: {  	_ =	swait.ge @!p0 [sflag:s0], s1  }
0xcf: {  	s1 =	ssub.s32 @!p0 $0x0, s1;
	[sflag:s0] =	ssyncset.done @!p0 $0x0  }
0xd0: {  	[sflag:s0] =	ssyncadd.s32 @!p0 s1  }
0xd1: {  	[bflag:$0x3] =	sbarrier.arrive $0xFFFF  }
0xd2: {  	_ =	shalt  }

// kernel: kernel.31.cloned.1.call-start
scs
__scs_entry_jumppad:
0x0: {  	(pc) =	sbr.rel $0x88, $3  }
0x1: {  	(tag) =	ssettag $0x0;
	lr =	simm.s32 $0x1  }
0x2: {  	[smem:$0x3F8D] =	sst lr;
	_ =	strace $0xD0000000  }
0x3: {  	_ = 	snop  }
0x4: {  	_ = 	snop  }
0x5: {  	_ = 	snop  }
0x6: {  	_ = 	snop  }
0x7: {  	_ = 	snop  }
__scs_overlays_trampoline_lowered:
0x8: {  	[smem:$0x3F9C] =	sst s0  }
0x9: {  	[smem:$0x3F9D] =	sst s1  }
0xa: {  	[smem:$0x3F9E] =	sst s2  }
0xb: {  	[smem:$0x3F9F] =	sst s3  }
0xc: {  	[smem:$0x3FA0] =	sst s4  }
0xd: {  	[smem:$0x3FA1] =	sst s5  }
0xe: {  	[smem:$0x3FA2] =	sst s6  }
0xf: {  	[smem:$0x3FA3] =	sst s7  }
0x10: {  	[smem:$0x3FA4] =	sst s8  }
0x11: {  	[smem:$0x3FA5] =	sst s9;
	s0 =	simm.s32 @!p0 $0x0  }
0x12: {  	s1 =	sld [smem:$0x3F8B];
	s0 =	simm.s32 @p0 $0x1  }
0x13: {  	[smem:$0x3FA6] =	sst s0;
	s0 =	simm.s32 @!p1 $0x0  }
0x14: {  	s2 =	sld [smem:$0x3F8A];
	s0 =	simm.s32 @p1 $0x1  }
0x15: {  	[smem:$0x3FA7] =	sst s0;
	s0 =	simm.s32 @!p2 $0x0  }
0x16: {  	s3 =	sld [smem:$0x3FDB];
	s0 =	simm.s32 @p2 $0x1  }
0x17: {  	s4 =	simm.s32 $0x1BF5;
	[smem:$0x3FA9] =	sst s0  }
0x18: {  	s0 =	sld [smem:$0x3F8C];
	_ =	swait.ge [sflag:s4], $0x0  }
0x19: {  	s7 =	sld [smem:$0x3F8D]  }
0x1a: {  	s8 =	sadd.s32 $0xFFFFE003, lr  }
0x1b: {  	s9 =	sadd.s32 $0xFFFFFEF7, lr;
	s5 =	simm.s32 $0xFFFFFFFF;
	p2 =	slt.u32 s8, $0xFFFFF086  }
0x1c: {  	p1 =	slt.u32 s9, $0xF7A;
	s5 =	simm.s32 @!p2 $0x0  }
0x1d: {  	s5 =	simm.s32 @p1 $0x1;
	p0 =	seq.s32 s7, s2  }
0x1e: {  	s7 =	smul.u32 @!p0 $0xF7A, s2;
	p2 =	seq.s32 @!p0 s5, $0x0  }
0x1f: {  	s9 =	smul.u32 $0xF7A, s1;
	s8 =	simm.s32 @!p0 $0x1BF5;
	p2 =	por !p2, p0  }
0x20: {  	[sflag:s8] =	ssyncset.s32 @!p0 $0xFFFFF086;
	s6 =	sadd.s32 @!p0 s3, s7;
	s7 =	simm.s32 @!p0 $0x108  }
0x21: {  	s3 =	sadd.s32 s3, s9;
	s6 =	sadd.s32 @!p0 $0x88, s6;
	s7 =	simm.s32 @p2 $0x1082  }
0x22: {  	[simem:s7], [sflag:s8] =	dma.local @!p0 [hbm:s6], $0xF7A  }
0x23: {  	s9 =	sor.u32 $0xD0000000, s2;
	s6 =	simm.s32 $0x108;
	_ =	swait.ge @!p0 [sflag:s8], $0x0  }
0x24: {  	s3 =	sadd.s32 $0x88, s3;
	s6 =	simm.s32 @!p1 $0x1082;
	[sflag:s4] =	ssyncset.s32 $0xFFFFF086  }
0x25: {  	[simem:s6], [sflag:s4] =	dma.local [hbm:s3], $0xF7A  }
0x26: {  	[smem:$0x3F8D] =	sst s1;
	(tag) =	ssettag s2;
	_ =	strace s9  }
0x27: {  	s1 =	sld [smem:$0x3F9D]  }
0x28: {  	s2 =	sld [smem:$0x3F9E]  }
0x29: {  	s4 =	sld [smem:$0x3FA0]  }
0x2a: {  	p0 =	seq.s32 s5, $0x0;
	s5 =	sld [smem:$0x3FA1]  }
0x2b: {  	s6 =	sld [smem:$0x3FA2]  }
0x2c: {  	s7 =	sld [smem:$0x3FA3]  }
0x2d: {  	s3 =	simm.s32 $0x108;
	s8 =	sld [smem:$0x3FA4]  }
0x2e: {  	s3 =	simm.s32 @!p0 $0x1082;
	s9 =	sld [smem:$0x3FA5]  }
0x2f: {  	lr =	sadd.s32 s0, s3;
	s0 =	sld [smem:$0x3F9C]  }
0x30: {  	s3 =	sld [smem:$0x3F9F]  }
0x31: {  	[smem:$0x3FA8] =	sst s10  }
0x32: {  	s10 =	sld [smem:$0x3FA6];
	_ =	sdelay $0x3  }
0x33: {  	p0 =	seq.s32 s10, $0x1;
	s10 =	sld [smem:$0x3FA8];
	_ =	sdelay $0x3  }
0x34: {  	[smem:$0x3FA8] =	sst s10  }
0x35: {  	s10 =	sld [smem:$0x3FA7];
	_ =	sdelay $0x3  }
0x36: {  	p1 =	seq.s32 s10, $0x1;
	s10 =	sld [smem:$0x3FA8];
	_ =	sdelay $0x3  }
0x37: {  	[smem:$0x3FA8] =	sst s10  }
0x38: {  	s10 =	sld [smem:$0x3FA9]  }
0x39: {  	_ = 	snop;
	(pc) =	sbr.ind lr, $3  }
0x3a: {  	_ = 	snop  }
0x3b: {  	_ = 	snop  }
0x3c: {  	p2 =	seq.s32 s10, $0x1;
	s10 =	sld [smem:$0x3FA8]  }
0x3d: {  	_ =	shalt  }
0x3e: {  	_ =	shalt  }
0x3f: {  	_ =	shalt  }
0x40: {  	_ =	shalt  }
0x41: {  	_ =	shalt  }
0x42: {  	_ =	shalt  }
0x43: {  	_ =	shalt  }
0x44: {  	_ =	shalt  }
0x45: {  	_ =	shalt  }
0x46: {  	_ =	shalt  }
0x47: {  	_ =	shalt  }
0x48: {  	_ =	shalt  }
0x49: {  	_ =	shalt  }
0x4a: {  	_ =	shalt  }
0x4b: {  	_ =	shalt  }
0x4c: {  	_ =	shalt  }
0x4d: {  	_ =	shalt  }
0x4e: {  	_ =	shalt  }
0x4f: {  	_ =	shalt  }
0x50: {  	_ =	shalt  }
0x51: {  	_ =	shalt  }
0x52: {  	_ =	shalt  }
0x53: {  	_ =	shalt  }
0x54: {  	_ =	shalt  }
0x55: {  	_ =	shalt  }
0x56: {  	_ =	shalt  }
0x57: {  	_ =	shalt  }
0x58: {  	_ =	shalt  }
0x59: {  	_ =	shalt  }
0x5a: {  	_ =	shalt  }
0x5b: {  	_ =	shalt  }
0x5c: {  	_ =	shalt  }
0x5d: {  	_ =	shalt  }
0x5e: {  	_ =	shalt  }
0x5f: {  	_ =	shalt  }
0x60: {  	_ =	shalt  }
0x61: {  	_ =	shalt  }
0x62: {  	_ =	shalt  }
0x63: {  	_ =	shalt  }
0x64: {  	_ =	shalt  }
0x65: {  	_ =	shalt  }
0x66: {  	_ =	shalt  }
0x67: {  	_ =	shalt  }
0x68: {  	_ =	shalt  }
0x69: {  	_ =	shalt  }
0x6a: {  	_ =	shalt  }
0x6b: {  	_ =	shalt  }
0x6c: {  	_ =	shalt  }
0x6d: {  	_ =	shalt  }
0x6e: {  	_ =	shalt  }
0x6f: {  	_ =	shalt  }
0x70: {  	_ =	shalt  }
0x71: {  	_ =	shalt  }
0x72: {  	_ =	shalt  }
0x73: {  	_ =	shalt  }
0x74: {  	_ =	shalt  }
0x75: {  	_ =	shalt  }
0x76: {  	_ =	shalt  }
0x77: {  	_ =	shalt  }
0x78: {  	_ =	shalt  }
0x79: {  	_ =	shalt  }
0x7a: {  	_ =	shalt  }
0x7b: {  	_ =	shalt  }
0x7c: {  	_ =	shalt  }
0x7d: {  	_ =	shalt  }
0x7e: {  	_ =	shalt  }
0x7f: {  	_ =	shalt  }
0x80: {  	_ =	shalt  }
0x81: {  	_ =	shalt  }
0x82: {  	_ =	shalt  }
0x83: {  	_ =	shalt  }
0x84: {  	_ =	shalt  }
0x85: {  	_ =	shalt  }
0x86: {  	_ =	shalt  }
0x87: {  	_ =	shalt  }
.Lfunc_end0:
.L_simem_size_0:
called_computation.5_lowered:
.L_overlay_start_0:
0x88: {  	s2 =	sld [smem:$0x3FD9]  }
0x89: {  	s3 =	sld [smem:$0x3FFE];
	_ =	sdelay $0x1  }
0x8a: {  	s1 =	srdreg.scid  }
0x8b: {  	s0 =	sand.u32 $0x1, s1  }
0x8c: {  	s16 =	sshll.u32 s0, $0xA;
	s2 =	sadd.s32 s3, s2  }
0x8d: {  	s2 =	sadd.s32 s2, s16  }
0x8e: {  	[smem:$0x3FB4] =	sst s2  }
0x8f: {  	_ = 	snop  }
0x90: {  	(tm) =	ssettm $0x1  }
0x91: {  	s17 =	sld [smem:$0x3FFB];
	_ =	sdelay $0x3  }
0x92: {  	_ =	strace s17  }
0x93: {  	s2 =	sld [smem:$0x3FFC];
	_ =	sdelay $0x3  }
0x94: {  	_ =	strace s2  }
0x95: {  	s2 =	sld [smem:$0x3FFD];
	_ =	sdelay $0x3  }
0x96: {  	_ =	strace s2  }
0x97: {  	_ =	strace $0x8FFFFFFF  }
0x98: {  	s18 =	sld [smem:$0x3FDB];
	_ =	sdelay $0x1  }
0x99: {  	s19 =	simm.s32 $_scs_section_size  }
0x9a: {  	s4 =	simm.s32 $_size__tile_overlayer_lowered;
	s5 =	simm.s32 $_tile_overlayer_lowered  }
0x9b: {  	s22 =	simm.s32 $0x1BFF;
	s21 =	sshll.u32 s5, $0x1;
	s2 =	sadd.s32 s19, s18  }
0x9c: {  	s6 =	simm.s32 $0x0;
	s20 =	sshll.u32 s4, $0x1;
	s4 =	sadd.s32 s21, s2  }
0x9d: {  	[timem:s6], [sflag:s22] =	dma.local [hbm:s4], s20  }
0x9e: {  	_ =	swait.ge [sflag:s22], s20  }
0x9f: {  	s3 =	ssub.s32 $0x0, s20;
	[sflag:s22] =	ssyncset.done $0x0  }
0xa0: {  	[sflag:s22] =	ssyncadd.s32 s3;
	_ =	sdelay $0x1  }
0xa1: {  	s23 =	simm.s32 $0x1B8B  }
0xa2: {  	_ =	swait.ge [sflag:s23], $0x1  }
0xa3: {  	[sflag:s23] =	ssyncset.done $0x0  }
0xa4: {  	s25 =	simm.s32 $0x1B8E;
	s24 =	sld [smem:$0x3FFE];
	[sflag:s23] =	ssyncadd.s32 $0xFFFFFFFF  }
0xa5: {  	s26 =	simm.s32 $execute0_lowered;
	[smem:$0x3FD2] =	sst s25  }
0xa6: {  	s4 =	sshll.u32 s26, $0x1;
	_ =	strace $0x80000055;
	[dreg:$0x1] =	wrdreg $0xFFFFFFFF  }
0xa7: {  	s28 =	simm.s32 $_size_execute0_lowered;
	s2 =	sadd.s32 s2, s4;
	[dreg:$0x0] =	wrdreg $0x0  }
0xa8: {  	s4 =	sshll.u32 s28, $0x1;
	[dreg:$0x2] =	wrdreg s2  }
0xa9: {  	[dreg:$0x3] =	wrdreg s4  }
0xaa: {  	[dreg:$0x4] =	wrdreg $0xC0  }
0xab: {  	_ =	task [dreg:s6], $0x5FFFF  }
0xac: {  	[dreg:$0x1] =	wrdreg $0xFFFFFFFF  }
0xad: {  	[dreg:$0x0] =	wrdreg $0x60  }
0xae: {  	[dreg:$0x2] =	wrdreg s24  }
0xaf: {  	[dreg:$0x3] =	wrdreg $0xA0000  }
0xb0: {  	[dreg:$0x4] =	wrdreg $0x9  }
0xb1: {  	_ =	task.clear_ibuf [dreg:s6], $0x5FFFF;
	_ =	strace $0x90000055  }
0xb2: {  	s29 =	simm.s32 $0x9;
	_ =	strace $0x80000057  }
0xb3: {  	_ =	swait.ge [sflag:s29], $0x1  }
0xb4: {  	[sflag:s29] =	ssyncadd.s32 $0xFFFFFFFF  }
0xb5: {  	_ =	strace $0x90000057  }
0xb6: {  	_ =	sfence  }
0xb7: {  	s30 =	sld [smem:$0x0];
	_ =	sdelay $0x2  }
0xb8: {  	s31 =	sshll.u32 s1, $0xD;
	s1 =	sshrl.u32 s1, $0x2  }
0xb9: {  	s3 =	sand.u32 $0x4000, s31;
	s1 =	sadd.s32 s1, s30  }
0xba: {  	s0 =	sor.u32 s3, s0;
	s1 =	sshll.u32 s1, $0x11  }
0xbb: {  	s0 =	sor.u32 s1, s0  }
0xbc: {  	s0 =	sadd.s32 $0x8F2B, s0  }
0xbd: {  	[sflag:s0] =	ssyncadd.remote.s32 $0x1  }
0xbe: {  	_ =	sfence.sel $0xFFFF  }
0xbf: {  	[dreg:$0x0] =	wrdreg $0xFFFFFFFF;
	(pc) =	sbr.abs _section_cstart, $3  }
0xc0: {  	[dreg:$0x1] =	wrdreg $0xFFFFFFFF  }
0xc1: {  	_ =	task.clear_ibuf [dreg:s6], $0x2FFFF;
	_ =	strace $0x9FFFFFFF  }
0xc2: {  	(tm) =	ssettm $0x7FFFFFFF  }
0xc3: {  	_ =	shalt  }
tec
execute0_lowered:
.L_overlay_start_1:
0x0: {  	(tag) =	ssettag $0x1  }
0x1: {  	s0 =	rddreg [dreg:$0x0]  }
0x2: {  	s1 =	rddreg [dreg:$0x1];
	s3 =	simm.s32 $0x0  }
0x3: {  	s19 =	stileid.u32;
	s5 =	srdreg.scid;
	s20 =	simm.s32 $0x64  }
0x4: {  	s21 =	simm.s32 $0x3800;
	s22 =	simm.s32 $0x3;
	s28 =	simm.s32 $0x3400  }
0x5: {  	s29 =	simm.s32 $0x3480;
	s30 =	simm.s32 $0x0;
	[smem:$0x7FF] =	sst s3  }
0x6: {  	s4 =	sadd.s32 $0x21000, s0;
	s2 =	smul.u32 $0x13800, s19;
	s12 =	sadd.s32 $0x5000, s0  }
0x7: {  	s13 =	sadd.s32 $0x13000, s0;
	s9 =	sand.u32 $0x1, s5;
	s6 =	smul.u32 $0x4E000, s19  }
0x8: {  	s14 =	sadd.s32 $0xE4600, s0;
	s11 =	sadd.s32 $0xE4400, s0;
	p0 =	sne.s32 s19, $0xF  }
0x9: {  	_ =	strace $0x80000056;
	s7 =	sshll.u32 s9, $0x4;
	s8 =	ssub.s32 $0x2, s9  }
0xa: {  	s18 =	smul.u32 $0x138800, s9;
	s23 =	sshrl.u32 s2, $0x3;
	s7 =	sor.u32 s19, s7  }
0xb: {  	s10 =	sshrl.u32 s8, $0x1;
	s6 =	sshrl.u32 s6, $0x2;
	s5 =	sadd.s32 s23, s0  }
0xc: {  	s7 =	smul.u32 $0x3800, s7;
	s16 =	ssub.s32 s8, s10;
	s17 =	sadd.s32 s6, s1  }
0xd: {  	s6 =	sshll.u32 s19, $0x6;
	s10 =	sadd.s32 $0x138000, s1;
	s2 =	sadd.s32 s2, s18  }
0xe: {  	s31 =	sshrl.u32 s18, $0x3;
	s18 =	simm.s32 $0x4;
	s19 =	simm.s32 $0x1C00  }
0xf: {  	s23 =	simm.s32 $0x6C00;
	s5 =	sadd.s32 $0xBD400, s5;
	s24 =	sor.u32 $0x1C03, s6  }
0x10: {  	s2 =	sshrl.u32 s2, $0x3;
	s16 =	smax.u32 s16, $0x1;
	[dreg:$0x3] =	wrdreg s5  }
0x11: {  	s17 =	sshrl.u32 s17, $0x3;
	s15 =	sshrl.u32 s7, $0x3;
	[dreg:$0x4] =	wrdreg s24  }
0x12: {  	s24 =	simm.s32 $0x1;
	s25 =	sadd.s32 s12, s15;
	s9 =	sadd.s32 s13, s15  }
0x13: {  	s26 =	sadd.s32 $0x380, s15;
	s15 =	sadd.s32 s14, s31;
	s14 =	sadd.s32 s14, s2  }
0x14: {  	[dreg:$0x5] =	wrdreg s25;
	s12 =	sadd.s32 s12, s26;
	s13 =	sadd.s32 s13, s26  }
0x15: {  	s15 =	sadd.s32 $0x27000, s15;
	s25 =	simm.s32 $0x2;
	s26 =	simm.s32 $0x1880  }
.LBB2_1:
0x16: {  	s0 =	rddreg [dreg:$0x3]  }
0x17: {  	s2 =	rddreg [dreg:$0x4]  }
0x18: {  	[spmem:s17], [sflag:s2] =	dma.local [hbm:s0], $0x2700  }
0x19: {  	s0 =	rddreg [dreg:$0x5]  }
0x1a: {  	[tilespmem:s3], [sflag:$0x4] =	stream.linear.gather [hbm4b:s0+s3], $0x1900, $0x38;
	[tilespmem:$0x1D880] =	vst v63  }
0x1b: {  	_ =	swait.ge [sflag:s18], $0x1900  }
0x1c: {  	[sflag:s18] =	ssyncset.done $0x0  }
0x1d: {  	[sflag:s18] =	ssyncadd.s32 $0xFFFFE700  }
0x1e: {  	[tilespmem:s19], [sflag:$0x4] =	stream.linear.gather [hbm4b:s9+s3], $0x1900, $0x38;
	[tilespmem:$0x1D880] =	vst v63  }
0x1f: {  	_ =	swait.ge [sflag:s18], $0x1900  }
0x20: {  	[sflag:s18] =	ssyncset.done $0x0  }
0x21: {  	[sflag:s18] =	ssyncadd.s32 $0xFFFFE700  }
0x22: {  	[tilespmem:s21], [sflag:$0x1] =	stream.indirect.gather [hbm4b:s4+s20], $0x80, s3, s20, $0xb8;
	[tilespmem:$0x1D880] =	vst v63  }
0x23: {  	_ =	swait.ge [sflag:s22], $0x2700  }
0x24: {  	[sflag:s22] =	ssyncset.done $0x0  }
0x25: {  	s31 =	sshrl.u32 @!p0 s10, $0x3;
	s0 =	simm.s32 @!p0 $0x1FC4;
	[sflag:s22] =	ssyncadd.s32 $0xFFFFD900  }
0x26: {  	[spmem:s31], [sflag:s0] =	dma.local @!p0 [hbm:s11], $0x100  }
0x27: {  	s0 =	simm.s32 @!p0 $0x4  }
0x28: {  	_ =	swait.ge @!p0 [sflag:s0], $0x100  }
0x29: {  	[sflag:s0] =	ssyncset.done @!p0 $0x0  }
0x2a: {  	[sflag:s0] =	ssyncadd.s32 @!p0 $0xFFFFFF00  }
0x2b: {  	s2 =	simm.s32 $0x80;
	[bflag:$0x0] =	sbarrier.arrive $0xFFFF  }
0x2c: {  	[tilespmem:s23], [sflag:$0x2] =	stream.indirect.gather [hbm4b:s4+s20], $0x80, s2, s20, $0xb8;
	[tilespmem:$0x1D880] =	vst v63  }
0x2d: {  	_ =	swait.ge [sflag:s24], $0x3200  }
0x2e: {  	[sflag:s24] =	ssyncset.done $0x0  }
0x2f: {  	s5 =	simm.s32 $0x1C00;
	[sflag:s24] =	ssyncadd.s32 $0xFFFFCE00  }
0x30: {  	[spmem:s1] =	stream.indirect.scatter.add.f32 [tilespmem:s21], [sflag:$0x4], $0x80, s5, s20, $0xb8;
	[tilespmem:$0x1D880] =	vst v63  }
0x31: {  	_ =	swait.ge [sflag:s18], $0x3200  }
0x32: {  	[sflag:s18] =	ssyncset.done $0x0  }
0x33: {  	s7 =	simm.s32 $0x100;
	[sflag:s18] =	ssyncadd.s32 $0xFFFFCE00  }
0x34: {  	[tilespmem:s21], [sflag:$0x1] =	stream.indirect.gather [hbm4b:s4+s20], $0x80, s7, s20, $0xb8;
	[tilespmem:$0x1D880] =	vst v63  }
0x35: {  	_ =	swait.ge [sflag:s25], $0x3200  }
0x36: {  	[sflag:s25] =	ssyncset.done $0x0  }
0x37: {  	s8 =	simm.s32 $0x1C80;
	[sflag:s25] =	ssyncadd.s32 $0xFFFFCE00  }
0x38: {  	[spmem:s1] =	stream.indirect.scatter.add.f32 [tilespmem:s23], [sflag:$0x4], $0x80, s8, s20, $0xb8;
	[tilespmem:$0x1D880] =	vst v63  }
0x39: {  	_ =	swait.ge [sflag:s18], $0x3200  }
0x3a: {  	s0 =	simm.s32 $0x100;
	s2 =	simm.s32 $0x800;
	[sflag:s18] =	ssyncset.done $0x0  }
.LBB2_2:
0x3b: {  	s5 =	sadd.s32 $0x80, s0  }
0x3c: {  	[sflag:s18] =	ssyncadd.s32 $0xFFFFCE00;
	s7 =	smov.u32 s2;
	s8 =	sadd.s32 $0x400, s2  }
0x3d: {  	[tilespmem:s23], [sflag:$0x2] =	stream.indirect.gather [hbm4b:s4+s20], $0x80, s5, s20, $0xb8;
	[tilespmem:$0x1D880] =	vst v63  }
0x3e: {  	p1 =	sne.s32 s2, $0x5C00;
	_ =	swait.ge [sflag:s24], $0x3200  }
0x3f: {  	[sflag:s24] =	ssyncset.done $0x0  }
0x40: {  	s2 =	sadd.s32 $0x1C00, s0;
	[sflag:s24] =	ssyncadd.s32 $0xFFFFCE00  }
0x41: {  	[spmem:s1] =	stream.indirect.scatter.add.f32 [tilespmem:s21], [sflag:$0x4], $0x80, s2, s20, $0xb8;
	[tilespmem:$0x1D880] =	vst v63  }
0x42: {  	_ =	swait.ge [sflag:s18], $0x3200  }
0x43: {  	[sflag:s18] =	ssyncset.done $0x0  }
0x44: {  	s2 =	sadd.s32 $0x100, s0;
	[sflag:s18] =	ssyncadd.s32 $0xFFFFCE00  }
0x45: {  	[tilespmem:s21], [sflag:$0x1] =	stream.indirect.gather [hbm4b:s4+s20], $0x80, s2, s20, $0xb8;
	[tilespmem:$0x1D880] =	vst v63  }
0x46: {  	_ =	swait.ge [sflag:s25], $0x3200  }
.Ltmp0:
0x47: {  	[sflag:s25] =	ssyncset.done $0x0;
	(pc) =	sbr.rel @p1 .LBB2_2-.Ltmp0, $4  }
0x48: {  	s0 =	sadd.s32 $0x1C80, s0;
	[sflag:s25] =	ssyncadd.s32 $0xFFFFCE00  }
0x49: {  	[spmem:s1] =	stream.indirect.scatter.add.f32 [tilespmem:s23], [sflag:$0x4], $0x80, s0, s20, $0xb8;
	[tilespmem:$0x1D880] =	vst v63  }
0x4a: {  	_ =	swait.ge [sflag:s18], $0x3200  }
0x4b: {  	s2 =	smov.u32 s8;
	s0 =	sshra.s32 s7, $0x2;
	[sflag:s18] =	ssyncset.done $0x0  }
0x4c: {  	s2 =	sadd.s32 $0x80, s0;
	[sflag:s18] =	ssyncadd.s32 $0xFFFFCE00  }
0x4d: {  	[tilespmem:s23], [sflag:$0x2] =	stream.indirect.gather [hbm4b:s4+s20], $0x80, s2, s20, $0xb8;
	[tilespmem:$0x1D880] =	vst v63  }
0x4e: {  	_ =	swait.ge [sflag:s24], $0x3200  }
0x4f: {  	[sflag:s24] =	ssyncset.done $0x0  }
0x50: {  	s8 =	sadd.s32 $0x1C00, s0;
	[sflag:s24] =	ssyncadd.s32 $0xFFFFCE00  }
0x51: {  	[spmem:s1] =	stream.indirect.scatter.add.f32 [tilespmem:s21], [sflag:$0x4], $0x80, s8, s20, $0xb8;
	[tilespmem:$0x1D880] =	vst v63  }
0x52: {  	_ =	swait.ge [sflag:s18], $0x3200  }
0x53: {  	[sflag:s18] =	ssyncset.done $0x0  }
0x54: {  	s5 =	sadd.s32 $0x100, s0;
	[sflag:s18] =	ssyncadd.s32 $0xFFFFCE00  }
0x55: {  	[tilespmem:s21], [sflag:$0x1] =	stream.indirect.gather [hbm4b:s4+s20], $0x80, s5, s20, $0xb8;
	[tilespmem:$0x1D880] =	vst v63  }
0x56: {  	_ =	swait.ge [sflag:s25], $0x3200  }
0x57: {  	[sflag:s25] =	ssyncset.done $0x0  }
0x58: {  	s7 =	sadd.s32 $0x1C80, s0;
	[sflag:s25] =	ssyncadd.s32 $0xFFFFCE00  }
0x59: {  	[spmem:s1] =	stream.indirect.scatter.add.f32 [tilespmem:s23], [sflag:$0x4], $0x80, s7, s20, $0xb8;
	[tilespmem:$0x1D880] =	vst v63  }
0x5a: {  	_ =	swait.ge [sflag:s18], $0x3200  }
0x5b: {  	[sflag:s18] =	ssyncset.done $0x0  }
0x5c: {  	[sflag:s18] =	ssyncadd.s32 $0xFFFFCE00  }
0x5d: {  	[tilespmem:s23], [sflag:$0x2] =	stream.indirect.gather [hbm4b:s4+s20], $0x80, s26, s20, $0xb8;
	[tilespmem:$0x1D880] =	vst v63  }
0x5e: {  	_ =	swait.ge [sflag:s24], $0x3200  }
0x5f: {  	[sflag:s24] =	ssyncset.done $0x0  }
0x60: {  	[sflag:s24] =	ssyncadd.s32 $0xFFFFCE00  }
0x61: {  	[spmem:s1] =	stream.indirect.scatter.add.f32 [tilespmem:s21], [sflag:$0x4], $0x80, s28, s20, $0xb8;
	[tilespmem:$0x1D880] =	vst v63  }
0x62: {  	_ =	swait.ge [sflag:s18], $0x3200  }
0x63: {  	[sflag:s18] =	ssyncset.done $0x0  }
0x64: {  	[sflag:s18] =	ssyncadd.s32 $0xFFFFCE00  }
0x65: {  	_ =	swait.ge [sflag:s25], $0x3200  }
0x66: {  	[sflag:s25] =	ssyncset.done $0x0  }
0x67: {  	[sflag:s25] =	ssyncadd.s32 $0xFFFFCE00  }
0x68: {  	[spmem:s1] =	stream.indirect.scatter.add.f32 [tilespmem:s23], [sflag:$0x4], $0x80, s29, s20, $0xb8;
	[tilespmem:$0x1D880] =	vst v63  }
0x69: {  	_ =	swait.ge [sflag:s18], $0x3200  }
0x6a: {  	[sflag:s18] =	ssyncset.done $0x0  }
0x6b: {  	s8 =	simm.s32 $0x0;
	[sflag:s18] =	ssyncadd.s32 $0xFFFFCE00  }
0x6c: {  	[tilespmem:s8], [sflag:$0x4] =	stream.linear.gather [hbm4b:s12+s8], $0x1900, $0x38;
	[tilespmem:$0x1D880] =	vst v63  }
0x6d: {  	_ =	swait.ge [sflag:s18], $0x1900  }
0x6e: {  	[sflag:s18] =	ssyncset.done $0x0  }
0x6f: {  	[sflag:s18] =	ssyncadd.s32 $0xFFFFE700  }
0x70: {  	[tilespmem:s19], [sflag:$0x4] =	stream.linear.gather [hbm4b:s13+s8], $0x1900, $0x38;
	[tilespmem:$0x1D880] =	vst v63  }
0x71: {  	_ =	swait.ge [sflag:s18], $0x1900  }
0x72: {  	[sflag:s18] =	ssyncset.done $0x0  }
0x73: {  	[sflag:s18] =	ssyncadd.s32 $0xFFFFE700  }
0x74: {  	[tilespmem:s21], [sflag:$0x1] =	stream.indirect.gather [hbm4b:s4+s20], $0x80, s8, s20, $0xb8;
	[tilespmem:$0x1D880] =	vst v63  }
0x75: {  	s2 =	simm.s32 $0x80  }
0x76: {  	[tilespmem:s23], [sflag:$0x2] =	stream.indirect.gather [hbm4b:s4+s20], $0x80, s2, s20, $0xb8;
	[tilespmem:$0x1D880] =	vst v63  }
0x77: {  	_ =	swait.ge [sflag:s24], $0x3200  }
0x78: {  	[sflag:s24] =	ssyncset.done $0x0  }
0x79: {  	s5 =	simm.s32 $0x1C00;
	[sflag:s24] =	ssyncadd.s32 $0xFFFFCE00  }
0x7a: {  	[spmem:s1] =	stream.indirect.scatter.add.f32 [tilespmem:s21], [sflag:$0x4], $0x80, s5, s20, $0xb8;
	[tilespmem:$0x1D880] =	vst v63  }
0x7b: {  	_ =	swait.ge [sflag:s18], $0x3200  }
0x7c: {  	[sflag:s18] =	ssyncset.done $0x0  }
0x7d: {  	s7 =	simm.s32 $0x100;
	[sflag:s18] =	ssyncadd.s32 $0xFFFFCE00  }
0x7e: {  	[tilespmem:s21], [sflag:$0x1] =	stream.indirect.gather [hbm4b:s4+s20], $0x80, s7, s20, $0xb8;
	[tilespmem:$0x1D880] =	vst v63  }
0x7f: {  	_ =	swait.ge [sflag:s25], $0x3200  }
0x80: {  	[sflag:s25] =	ssyncset.done $0x0  }
0x81: {  	s8 =	simm.s32 $0x1C80;
	[sflag:s25] =	ssyncadd.s32 $0xFFFFCE00  }
0x82: {  	[spmem:s1] =	stream.indirect.scatter.add.f32 [tilespmem:s23], [sflag:$0x4], $0x80, s8, s20, $0xb8;
	[tilespmem:$0x1D880] =	vst v63  }
0x83: {  	_ =	swait.ge [sflag:s18], $0x3200  }
0x84: {  	s0 =	simm.s32 $0x100;
	s2 =	simm.s32 $0x800;
	[sflag:s18] =	ssyncset.done $0x0  }
.LBB2_4:
0x85: {  	s5 =	sadd.s32 $0x80, s0  }
0x86: {  	[sflag:s18] =	ssyncadd.s32 $0xFFFFCE00;
	s7 =	smov.u32 s2;
	s8 =	sadd.s32 $0x400, s2  }
0x87: {  	[tilespmem:s23], [sflag:$0x2] =	stream.indirect.gather [hbm4b:s4+s20], $0x80, s5, s20, $0xb8;
	[tilespmem:$0x1D880] =	vst v63  }
0x88: {  	p1 =	sne.s32 s2, $0x5C00;
	_ =	swait.ge [sflag:s24], $0x3200  }
0x89: {  	[sflag:s24] =	ssyncset.done $0x0  }
0x8a: {  	s2 =	sadd.s32 $0x1C00, s0;
	[sflag:s24] =	ssyncadd.s32 $0xFFFFCE00  }
0x8b: {  	[spmem:s1] =	stream.indirect.scatter.add.f32 [tilespmem:s21], [sflag:$0x4], $0x80, s2, s20, $0xb8;
	[tilespmem:$0x1D880] =	vst v63  }
0x8c: {  	_ =	swait.ge [sflag:s18], $0x3200  }
0x8d: {  	[sflag:s18] =	ssyncset.done $0x0  }
0x8e: {  	s2 =	sadd.s32 $0x100, s0;
	[sflag:s18] =	ssyncadd.s32 $0xFFFFCE00  }
0x8f: {  	[tilespmem:s21], [sflag:$0x1] =	stream.indirect.gather [hbm4b:s4+s20], $0x80, s2, s20, $0xb8;
	[tilespmem:$0x1D880] =	vst v63  }
0x90: {  	_ =	swait.ge [sflag:s25], $0x3200  }
.Ltmp1:
0x91: {  	[sflag:s25] =	ssyncset.done $0x0;
	(pc) =	sbr.rel @p1 .LBB2_4-.Ltmp1, $4  }
0x92: {  	s0 =	sadd.s32 $0x1C80, s0;
	[sflag:s25] =	ssyncadd.s32 $0xFFFFCE00  }
0x93: {  	[spmem:s1] =	stream.indirect.scatter.add.f32 [tilespmem:s23], [sflag:$0x4], $0x80, s0, s20, $0xb8;
	[tilespmem:$0x1D880] =	vst v63  }
0x94: {  	_ =	swait.ge [sflag:s18], $0x3200  }
0x95: {  	s2 =	smov.u32 s8;
	s0 =	sshra.s32 s7, $0x2;
	[sflag:s18] =	ssyncset.done $0x0  }
0x96: {  	s2 =	sadd.s32 $0x80, s0;
	[sflag:s18] =	ssyncadd.s32 $0xFFFFCE00  }
0x97: {  	[tilespmem:s23], [sflag:$0x2] =	stream.indirect.gather [hbm4b:s4+s20], $0x80, s2, s20, $0xb8;
	[tilespmem:$0x1D880] =	vst v63  }
0x98: {  	_ =	swait.ge [sflag:s24], $0x3200  }
0x99: {  	[sflag:s24] =	ssyncset.done $0x0  }
0x9a: {  	s5 =	sadd.s32 $0x1C00, s0;
	[sflag:s24] =	ssyncadd.s32 $0xFFFFCE00  }
0x9b: {  	[spmem:s1] =	stream.indirect.scatter.add.f32 [tilespmem:s21], [sflag:$0x4], $0x80, s5, s20, $0xb8;
	[tilespmem:$0x1D880] =	vst v63  }
0x9c: {  	_ =	swait.ge [sflag:s18], $0x3200  }
0x9d: {  	[sflag:s18] =	ssyncset.done $0x0  }
0x9e: {  	s7 =	sadd.s32 $0x100, s0;
	[sflag:s18] =	ssyncadd.s32 $0xFFFFCE00  }
0x9f: {  	[tilespmem:s21], [sflag:$0x1] =	stream.indirect.gather [hbm4b:s4+s20], $0x80, s7, s20, $0xb8;
	[tilespmem:$0x1D880] =	vst v63  }
0xa0: {  	_ =	swait.ge [sflag:s25], $0x3200  }
0xa1: {  	[sflag:s25] =	ssyncset.done $0x0  }
0xa2: {  	s8 =	sadd.s32 $0x1C80, s0;
	[sflag:s25] =	ssyncadd.s32 $0xFFFFCE00  }
0xa3: {  	[spmem:s1] =	stream.indirect.scatter.add.f32 [tilespmem:s23], [sflag:$0x4], $0x80, s8, s20, $0xb8;
	[tilespmem:$0x1D880] =	vst v63  }
0xa4: {  	_ =	swait.ge [sflag:s18], $0x3200  }
0xa5: {  	[sflag:s18] =	ssyncset.done $0x0  }
0xa6: {  	[sflag:s18] =	ssyncadd.s32 $0xFFFFCE00  }
0xa7: {  	[tilespmem:s23], [sflag:$0x2] =	stream.indirect.gather [hbm4b:s4+s20], $0x80, s26, s20, $0xb8;
	[tilespmem:$0x1D880] =	vst v63  }
0xa8: {  	_ =	swait.ge [sflag:s24], $0x3200  }
0xa9: {  	[sflag:s24] =	ssyncset.done $0x0  }
0xaa: {  	[sflag:s24] =	ssyncadd.s32 $0xFFFFCE00  }
0xab: {  	[spmem:s1] =	stream.indirect.scatter.add.f32 [tilespmem:s21], [sflag:$0x4], $0x80, s28, s20, $0xb8;
	[tilespmem:$0x1D880] =	vst v63  }
0xac: {  	_ =	swait.ge [sflag:s18], $0x3200  }
0xad: {  	[sflag:s18] =	ssyncset.done $0x0  }
0xae: {  	[sflag:s18] =	ssyncadd.s32 $0xFFFFCE00  }
0xaf: {  	_ =	swait.ge [sflag:s25], $0x3200  }
0xb0: {  	[sflag:s25] =	ssyncset.done $0x0  }
0xb1: {  	[sflag:s25] =	ssyncadd.s32 $0xFFFFCE00  }
0xb2: {  	[spmem:s1] =	stream.indirect.scatter.add.f32 [tilespmem:s23], [sflag:$0x4], $0x80, s29, s20, $0xb8;
	[tilespmem:$0x1D880] =	vst v63  }
0xb3: {  	_ =	swait.ge [sflag:s18], $0x3200  }
0xb4: {  	[sflag:s18] =	ssyncset.done $0x0  }
0xb5: {  	[sflag:s18] =	ssyncadd.s32 $0xFFFFCE00  }
0xb6: {  	s0 =	sor.u32 $0x1C04, s6;
	[bflag:$0x0] =	sbarrier.arrive $0xFFFF  }
0xb7: {  	[hbm:s14], [sflag:s0] =	dma.local [spmem:s17], $0x2700  }
0xb8: {  	_ =	swait.ge [sflag:s18], $0x2700  }
0xb9: {  	s30 =	sadd.s32 $0x1, s30;
	[sflag:s18] =	ssyncset.done $0x0  }
0xba: {  	p1 =	sne.s32 s30, s16;
	[sflag:s18] =	ssyncadd.s32 $0xFFFFD900  }
0xbb: {  	[hbm:s15], [sflag:s0] =	dma.local @!p0 [spmem:s31], $0x100  }
.Ltmp2:
0xbc: {  	_ = 	snop;
	(pc) =	sbr.rel @p1 .LBB2_1-.Ltmp2, $4  }
0xbd: {  	s0 =	simm.s32 @!p0 $0x4  }
0xbe: {  	_ =	swait.ge @!p0 [sflag:s0], $0x100  }
0xbf: {  	[sflag:s0] =	ssyncset.done @!p0 $0x0  }
0xc0: {  	[sflag:s0] =	ssyncadd.s32 @!p0 $0xFFFFFF00  }
0xc1: {  	_ =	sfence.sel $0x180000  }
0xc2: {  	[bflag:$0x0] =	sbarrier.arrive $0xFFFF  }
0xc3: {  	_ =	strace $0x90000056  }
0xc4: {  	s0 =	stileid.u32;
	[bflag:$0x2] =	sbarrier.arrive $0xFFFF  }
0xc5: {  	p0 =	sne.s32 s0, $0x0;
	s0 =	rddreg [dreg:$0x2]  }
0xc6: {  	s0 =	sadd.s32 @!p0 $0x100000, s0  }
0xc7: {  	[sflag:s0] =	ssyncadd.tile.s32 @!p0 $0x1;
	_ =	shalt  }
.Lfunc_end2:
_tile_overlayer_lowered:
.L_overlay_start_2:
0xc8: {  	(tag) =	ssettag $0x2  }
0xc9: {  	s0 =	rddreg [dreg:$0x0];
	s2 =	stileid.u32  }
0xca: {  	s1 =	rddreg [dreg:$0x1];
	p0 =	sne.s32 s2, $0x0  }
0xcb: {  	s3 =	rddreg [dreg:$0x2];
	[bflag:$0x3] =	sbarrier.arrive $0xFFFF;
	s2 =	simm.s32 @!p0 $0x1C04  }
0xcc: {  	[timem:s3], [sflag:s2] =	dma.local @!p0 [hbm:s0], s1  }
0xcd: {  	s0 =	simm.s32 @!p0 $0x4  }
0xce: {  	_ =	swait.ge @!p0 [sflag:s0], s1  }
0xcf: {  	s1 =	ssub.s32 @!p0 $0x0, s1;
	[sflag:s0] =	ssyncset.done @!p0 $0x0  }
0xd0: {  	[sflag:s0] =	ssyncadd.s32 @!p0 s1  }
0xd1: {  	[bflag:$0x3] =	sbarrier.arrive $0xFFFF  }
0xd2: {  	_ =	shalt  }

</sc_bundles>
